<compile_context>
chip_gen: v7x
topology: tpu7x:2x2x1
jax: 0.10.2.dev20260603
libtpu: 0.0.44.dev20260713+nightly
codegen_flags: <defaults>
</compile_context>

<pallas_src>
import jax
import jax.numpy as jnp
from jax import lax
from jax.experimental import pallas as pl
from jax.experimental.pallas import tpu as pltpu
from jax.experimental.pallas import tpu_sc as plsc

_FIELD = 38461
_F = 26
_D = 16
_B = 16384
_NC = 2
_NS = 16
_NW = _NC * _NS
_PER_W = _B // _NW
_R = 32
_NCHUNK = _PER_W // _R
_NBUF = 2

_V = 999987
_RB = 4096
_VP8 = 131072
_TCG = _VP8 // _RB
_NSTRIPE = 8
_VP = _NSTRIPE * _VP8
_VB = _VP // _TCG


_NXS = 4
_XBR = 128
_XSTRIDE = _B // _NXS


def _relayout_body(*refs):
    stripes = refs[:_NSTRIPE]
    lint_ref = refs[_NSTRIPE]
    xrefs = refs[_NSTRIPE + 1:_NSTRIPE + 1 + _NXS]
    emb_out_ref = refs[_NSTRIPE + 1 + _NXS]
    lin_out_ref = refs[_NSTRIPE + 2 + _NXS]
    x_out_ref = refs[_NSTRIPE + 3 + _NXS]
    y = jnp.concatenate([s[...] for s in stripes], axis=0)
    emb_out_ref[...] = y.T
    lin_out_ref[...] = lint_ref[0, :]
    z6 = jnp.zeros((_XBR, 32 - _F), jnp.int32)
    x_out_ref[...] = jnp.concatenate(
        [b for xr in xrefs for b in (xr[...], z6)], axis=1)


def _fm_body(x_hbm, lin_hbm, emb_hbm, bias_hbm, out_hbm,
             xraw, ibuf, ilbuf, ebuf, lbuf, obuf, bbuf, lshared, sem_e, sem_l):
    wid = lax.axis_index("s") * _NC + lax.axis_index("c")
    base = wid * _PER_W

    pltpu.sync_copy(
        x_hbm.at[pl.ds((wid % 8) * _PER_W, _PER_W),
                 pl.ds((wid // 8) * 32, 32)], xraw)
    pltpu.sync_copy(bias_hbm, bbuf)

    sub = lax.axis_index("s")
    lsl = pl.ds(sub * (_VP // _NS), _VP // _NS)
    pltpu.sync_copy(lin_hbm.at[lsl], lshared.at[lsl])

    lane = lax.iota(jnp.int32, _D)

    def prep(c, slot):
        def tr_body(f, carry):
            off = f * _FIELD
            fvec = jnp.full((_D,), f, jnp.int32)
            for g in range(_R // _D):
                rows = c * _R + g * _D + lane
                vals = plsc.load_gather(xraw, [rows, fvec]) + off
                sl = pl.ds(g * _D, _D)
                ilbuf[slot, f, sl] = vals
                ibuf[slot, f, sl] = ((vals & (_VP8 - 1)) << 3) | (vals >> 17)
            return carry

        lax.fori_loop(0, _F, tr_body, 0)

    plsc.subcore_barrier()

    bval = bbuf[...]

    def fire(c, slot):
        def fire_body(f, carry2):
            pltpu.async_copy(
                emb_hbm.at[ibuf.at[slot, f]], ebuf.at[slot, f], sem_e)
            pltpu.async_copy(
                lshared.at[ilbuf.at[slot, f]], lbuf.at[slot, f], sem_l)
            return carry2

        lax.fori_loop(0, _F, fire_body, 0)

    def drain():
        def drain_body(f, carry2):
            pltpu.make_async_copy(
                emb_hbm.at[pl.ds(0, _R)], ebuf.at[0, 0], sem_e).wait()
            pltpu.make_async_copy(
                lin_hbm.at[pl.ds(0, _R)], lbuf.at[0, 0], sem_l).wait()
            return carry2

        lax.fori_loop(0, _F, drain_body, 0)

    def compute(c, slot):
        def grp_body(g, carry2):
            fmvec = jnp.zeros((_D,), jnp.float32)
            for j in range(_D):
                r = g * _D + j
                s = ebuf[slot, 0, r]
                q = s * s
                for f in range(1, _F):
                    v = ebuf[slot, f, r]
                    s = s + v
                    q = q + v * v
                fm = 0.5 * jnp.sum(s * s - q)
                fmvec = jnp.where(lane == j, fm, fmvec)
            sl = pl.ds(g * _D, _D)
            lin = lbuf[slot, 0, sl]
            for f in range(1, _F):
                lin = lin + lbuf[slot, f, sl]
            z = lin + fmvec + bval
            obuf[pl.ds(c * _R + g * _D, _D)] = 1.0 / (1.0 + jnp.exp(-z))
            return carry2

        lax.fori_loop(0, _R // _D, grp_body, 0)

    prep(0, 0)
    fire(0, 0)

    def chunk_body(c, carry):
        nxt = c + 1

        @pl.when(nxt < _NCHUNK)
        def _():
            prep(nxt, nxt % _NBUF)
            fire(nxt, nxt % _NBUF)

        drain()
        compute(c, c % _NBUF)
        return carry

    lax.fori_loop(0, _NCHUNK, chunk_body, 0)

    pltpu.sync_copy(obuf, out_hbm.at[pl.ds(base, _PER_W)])


@jax.jit
def kernel(x, linear_w, emb_w, bias):
    embt = emb_w.T
    lint = linear_w.T
    bias_v = jnp.broadcast_to(bias.reshape(()), (_D,))

    n_eb = _V // _RB
    n_lb = _V // _VB

    x_i32 = x.astype(jnp.int32)
    emb2d, lin1d, x2 = pl.pallas_call(
        _relayout_body,
        grid=(_TCG,),
        in_specs=[
            pl.BlockSpec(
                (_D, _RB),
                lambda g, kk=k: (0, jnp.minimum(g + kk * _TCG, n_eb)))
            for k in range(_NSTRIPE)
        ] + [
            pl.BlockSpec((1, _VB), lambda g: (0, jnp.minimum(g, n_lb))),
        ] + [
            pl.BlockSpec((_XBR, _F), lambda g, kk=k: (g + kk * _TCG, 0))
            for k in range(_NXS)
        ],
        out_specs=[
            pl.BlockSpec((_RB, _NSTRIPE * _D), lambda g: (g, 0)),
            pl.BlockSpec((_VB,), lambda g: (g,)),
            pl.BlockSpec((_XBR, _NXS * 32), lambda g: (g, 0)),
        ],
        out_shape=[
            jax.ShapeDtypeStruct((_VP8, _NSTRIPE * _D), jnp.float32),
            jax.ShapeDtypeStruct((_VP,), jnp.float32),
            jax.ShapeDtypeStruct((_XSTRIDE, _NXS * 32), jnp.int32),
        ],
    )(*([embt] * _NSTRIPE), lint, *([x_i32] * _NXS))
    emb_rm = emb2d.reshape(_VP, _D)

    mesh = plsc.VectorSubcoreMesh(
        core_axis_name="c", subcore_axis_name="s",
        num_cores=_NC, num_subcores=_NS)

    fm = pl.kernel(
        _fm_body,
        out_type=jax.ShapeDtypeStruct((_B,), jnp.float32),
        mesh=mesh,
        scratch_types=[
            pltpu.VMEM((_PER_W, 32), jnp.int32),
            pltpu.VMEM((_NBUF, _F, _R), jnp.int32),
            pltpu.VMEM((_NBUF, _F, _R), jnp.int32),
            pltpu.VMEM((_NBUF, _F, _R, _D), jnp.float32),
            pltpu.VMEM((_NBUF, _F, _R), jnp.float32),
            pltpu.VMEM((_PER_W,), jnp.float32),
            pltpu.VMEM((_D,), jnp.float32),
            pltpu.VMEM_SHARED((_VP,), jnp.float32),
            pltpu.SemaphoreType.DMA,
            pltpu.SemaphoreType.DMA,
        ],
        compiler_params=pltpu.CompilerParams(
            needs_layout_passes=False, use_tc_tiling_on_sc=False),
    )
    return fm(x2, lin1d, emb_rm, bias_v)

# --- scband reference (transcript-rebuilt; emitter-appended) ---
"""Pipeline reference for scband-factorization-machine-82411832476243 (READ-ONLY COPY).

The authoritative reference and input builder live on the scoring server;
editing this copy changes nothing except your own understanding.
"""

import jax, jax.numpy as jnp
import numpy as np

FEATURE_FIELDS = [38461] * 26
EMBED_DIM = 16
BATCH = 16384

def setup_inputs(seed: int = 0) -> dict:
    key = jax.random.key(seed)
    k1, k2, k3 = jax.random.split(key, 3)
    total = sum(FEATURE_FIELDS) + 1
    x = jax.random.randint(k1, (BATCH, len(FEATURE_FIELDS)), 0, 38461, dtype=jnp.int64 if jax.config.jax_enable_x64 else jnp.int32).astype(jnp.int32)
    linear_w = jax.random.normal(k2, (total, 1), dtype=jnp.float32) * 0.01
    # xavier uniform for embedding table
    limit = float(np.sqrt(6.0 / (total + EMBED_DIM)))
    emb_w = jax.random.uniform(k3, (total, EMBED_DIM), dtype=jnp.float32, minval=-limit, maxval=limit)
    bias = jnp.zeros((1,), dtype=jnp.float32)
    return {"x": x, "linear_w": linear_w, "emb_w": emb_w, "bias": bias}

def reference(x, linear_w, emb_w, bias):
    offset = jnp.asarray(np.array((0, *np.cumsum(FEATURE_FIELDS)[:-1]), dtype=np.int64), dtype=x.dtype)
    tmp = x + offset[None, :]
    linear_part = jnp.sum(jnp.take(linear_w, tmp, axis=0), axis=1) + bias
    emb = jnp.take(emb_w, tmp, axis=0)
    square_of_sum = jnp.sum(emb, axis=1) ** 2
    sum_of_square = jnp.sum(emb ** 2, axis=1)
    out = linear_part + 0.5 * jnp.sum(square_of_sum - sum_of_square, axis=1, keepdims=True)
    return jax.nn.sigmoid(jnp.squeeze(out, axis=1))

if __name__ == "__main__":
    import jax
    _d = setup_inputs()
    print(jax.jit(kernel)(*tuple(_d.values())))

</pallas_src>

<mosaic_0001>
#map = affine_map<(d0, d1) -> (0, 0)>
#map1 = affine_map<(d0, d1) -> (0)>
module attributes {stable_mosaic.version = 14 : i64} {
  func.func @_fm_body(%arg0: i32, %arg1: i32, %arg2: memref<4096x128xi32, #tpu.memory_space<hbm>>, %arg3: memref<1048576xf32, #tpu.memory_space<hbm>>, %arg4: memref<1048576x16xf32, #tpu.memory_space<hbm>>, %arg5: memref<16xf32, #tpu.memory_space<hbm>>, %arg6: memref<16384xf32, #tpu.memory_space<hbm>>, %arg7: memref<512x32xi32, #tpu.memory_space<vmem>>, %arg8: memref<2x26x32xi32, #tpu.memory_space<vmem>>, %arg9: memref<2x26x32xi32, #tpu.memory_space<vmem>>, %arg10: memref<2x26x32x16xf32, #tpu.memory_space<vmem>>, %arg11: memref<2x26x32xf32, #tpu.memory_space<vmem>>, %arg12: memref<512xf32, #tpu.memory_space<vmem>>, %arg13: memref<16xf32, #tpu.memory_space<vmem>>, %arg14: memref<1048576xf32, #tpu.memory_space<vmem_shared>>, %arg15: memref<!tpu.dma_semaphore, #tpu.memory_space<semaphore_mem>>, %arg16: memref<!tpu.dma_semaphore, #tpu.memory_space<semaphore_mem>>) attributes {dimension_semantics = [#tpu.dimension_semantics<core_parallel>, #tpu.dimension_semantics<subcore_parallel>], iteration_bounds = array<i64: 2, 16>, scalar_prefetch = 0 : i64, scratch_operands = 10 : i64, tpu.core_type = #tpu.core_type<sc_vector_subcore>, window_params = [{transform_indices = #map}, {transform_indices = #map1}, {transform_indices = #map}, {transform_indices = #map1}, {transform_indices = #map1}]} {
    %mul3A = arith.constant 2 : i32
    %mul3A_0 = arith.muli %arg1, %mul3A : i32
    %add3A = arith.addi %mul3A_0, %arg0 : i32
    %mul3A_1 = arith.constant 512 : i32
    %mul3A_2 = arith.muli %add3A, %mul3A_1 : i32
    %jit3A = arith.constant 8 : i32
    %eq3A = arith.constant 0 : i32
    %eq3A_3 = arith.cmpi eq, %jit3A, %eq3A : i32
    %jit3A_4 = arith.constant 1 : i32
    %select_n3A = arith.select %eq3A_3, %jit3A_4, %jit3A : i32
    %rem3A = arith.remsi %add3A, %select_n3A : i32
    %ne3A = arith.constant 0 : i32
    %ne3A_5 = arith.cmpi ne, %rem3A, %ne3A : i32
    %lt3A = arith.constant 0 : i32
    %lt3A_6 = arith.cmpi slt, %rem3A, %lt3A : i32
    %lt3A_7 = arith.constant 0 : i32
    %lt3A_8 = arith.cmpi slt, %select_n3A, %lt3A_7 : i32
    %ne3A_9 = arith.xori %lt3A_6, %lt3A_8 : i1
    %and3A = arith.andi %ne3A_9, %ne3A_5 : i1
    %add3A_10 = arith.addi %rem3A, %select_n3A : i32
    %select_n3A_11 = arith.select %and3A, %add3A_10, %rem3A : i32
    %mul3A_12 = arith.constant 512 : i32
    %mul3A_13 = arith.muli %select_n3A_11, %mul3A_12 : i32
    %jit3A_14 = arith.constant 8 : i32
    %div3A = arith.divsi %add3A, %jit3A_14 : i32
    %sign3A = arith.constant 0 : i32
    %sign3A_15 = arith.cmpi sgt, %add3A, %sign3A : i32
    %sign3A_16 = arith.extui %sign3A_15 : i1 to i32
    %sign3A_17 = arith.constant 0 : i32
    %sign3A_18 = arith.cmpi slt, %add3A, %sign3A_17 : i32
    %sign3A_19 = arith.extui %sign3A_18 : i1 to i32
    %sign3A_20 = arith.subi %sign3A_16, %sign3A_19 : i32
    %sign3A_21 = arith.constant 0 : i32
    %sign3A_22 = arith.cmpi sgt, %jit3A_14, %sign3A_21 : i32
    %sign3A_23 = arith.extui %sign3A_22 : i1 to i32
    %sign3A_24 = arith.constant 0 : i32
    %sign3A_25 = arith.cmpi slt, %jit3A_14, %sign3A_24 : i32
    %sign3A_26 = arith.extui %sign3A_25 : i1 to i32
    %sign3A_27 = arith.subi %sign3A_23, %sign3A_26 : i32
    %ne3A_28 = arith.cmpi ne, %sign3A_20, %sign3A_27 : i32
    %rem3A_29 = arith.remsi %add3A, %jit3A_14 : i32
    %ne3A_30 = arith.constant 0 : i32
    %ne3A_31 = arith.cmpi ne, %rem3A_29, %ne3A_30 : i32
    %and3A_32 = arith.andi %ne3A_28, %ne3A_31 : i1
    %sub3A = arith.constant 1 : i32
    %sub3A_33 = arith.subi %div3A, %sub3A : i32
    %select_n3A_34 = arith.select %and3A_32, %sub3A_33, %div3A : i32
    %mul3A_35 = arith.constant 32 : i32
    %mul3A_36 = arith.muli %select_n3A_34, %mul3A_35 : i32
    "tpu.region"() ({
      %run_scoped3A = tpu.sem_alloc : memref<!tpu.dma_semaphore, #tpu.memory_space<semaphore_mem>>
      %dma_start3A = tpu.memref_slice %arg2[%mul3A_13, %mul3A_36] : memref<4096x128xi32, #tpu.memory_space<hbm>> -> memref<512x32xi32, #tpu.memory_space<hbm>>
      %dma_start3A_57 = tpu.memref_slice %arg2[%mul3A_13, %mul3A_36] : memref<4096x128xi32, #tpu.memory_space<hbm>> -> memref<512x32xi32, #tpu.memory_space<hbm>>
      tpu.enqueue_dma source(%dma_start3A_57 : memref<512x32xi32, #tpu.memory_space<hbm>>) target(%arg7 : memref<512x32xi32, #tpu.memory_space<vmem>>) target_semaphore(%run_scoped3A : memref<!tpu.dma_semaphore, #tpu.memory_space<semaphore_mem>>)
      %dma_wait3A = tpu.memref_slice %arg2[%mul3A_13, %mul3A_36] : memref<4096x128xi32, #tpu.memory_space<hbm>> -> memref<512x32xi32, #tpu.memory_space<hbm>>
      %dma_wait3A_58 = tpu.memref_slice %arg2[%mul3A_13, %mul3A_36] : memref<4096x128xi32, #tpu.memory_space<hbm>> -> memref<512x32xi32, #tpu.memory_space<hbm>>
      tpu.wait_dma2 semaphore(%run_scoped3A : memref<!tpu.dma_semaphore, #tpu.memory_space<semaphore_mem>>) src(%dma_wait3A_58 : memref<512x32xi32, #tpu.memory_space<hbm>>) dst(%arg7 : memref<512x32xi32, #tpu.memory_space<vmem>>)
      tpu.yield
    }) : () -> ()
    "tpu.region"() ({
      %run_scoped3A = tpu.sem_alloc : memref<!tpu.dma_semaphore, #tpu.memory_space<semaphore_mem>>
      tpu.enqueue_dma source(%arg5 : memref<16xf32, #tpu.memory_space<hbm>>) target(%arg13 : memref<16xf32, #tpu.memory_space<vmem>>) target_semaphore(%run_scoped3A : memref<!tpu.dma_semaphore, #tpu.memory_space<semaphore_mem>>)
      tpu.wait_dma2 semaphore(%run_scoped3A : memref<!tpu.dma_semaphore, #tpu.memory_space<semaphore_mem>>) src(%arg5 : memref<16xf32, #tpu.memory_space<hbm>>) dst(%arg13 : memref<16xf32, #tpu.memory_space<vmem>>)
      tpu.yield
    }) : () -> ()
    %mul3A_37 = arith.constant 65536 : i32
    %mul3A_38 = arith.muli %arg1, %mul3A_37 : i32
    "tpu.region"() ({
      %run_scoped3A = tpu.sem_alloc : memref<!tpu.dma_semaphore, #tpu.memory_space<semaphore_mem>>
      %dma_start3A = tpu.memref_slice %arg14[%mul3A_38] : memref<1048576xf32, #tpu.memory_space<vmem_shared>> -> memref<65536xf32, #tpu.memory_space<vmem_shared>>
      %dma_start3A_57 = tpu.memref_slice %arg3[%mul3A_38] : memref<1048576xf32, #tpu.memory_space<hbm>> -> memref<65536xf32, #tpu.memory_space<hbm>>
      tpu.enqueue_dma source(%dma_start3A_57 : memref<65536xf32, #tpu.memory_space<hbm>>) target(%dma_start3A : memref<65536xf32, #tpu.memory_space<vmem_shared>>) target_semaphore(%run_scoped3A : memref<!tpu.dma_semaphore, #tpu.memory_space<semaphore_mem>>)
      %dma_wait3A = tpu.memref_slice %arg14[%mul3A_38] : memref<1048576xf32, #tpu.memory_space<vmem_shared>> -> memref<65536xf32, #tpu.memory_space<vmem_shared>>
      %dma_wait3A_58 = tpu.memref_slice %arg3[%mul3A_38] : memref<1048576xf32, #tpu.memory_space<hbm>> -> memref<65536xf32, #tpu.memory_space<hbm>>
      tpu.wait_dma2 semaphore(%run_scoped3A : memref<!tpu.dma_semaphore, #tpu.memory_space<semaphore_mem>>) src(%dma_wait3A_58 : memref<65536xf32, #tpu.memory_space<hbm>>) dst(%dma_wait3A : memref<65536xf32, #tpu.memory_space<vmem_shared>>)
      tpu.yield
    }) : () -> ()
    %iota3A = tpu.iota {dimensions = array<i32: 0>} : vector<16xi32>
    %barrier3A = arith.constant 0 : index
    tpu.barrier barrier_id(%barrier3A)
    %get3A = arith.constant 0 : index
    %get3A_39 = tpu.vector_load %arg13[%get3A] {strides = array<i32>} : memref<16xf32, #tpu.memory_space<vmem>>, vector<16xf32>,
    %scan3A = arith.constant 0 : i32
    %scan3A_40 = arith.constant 0 : i32
    %scan3A_41 = arith.constant 26 : i32
    %scan3A_42 = arith.addi %scan3A_40, %scan3A_41 : i32
    %scan3A_43 = arith.constant 1 : i32
    scf.for %scan3A_57 = %scan3A_40 to %scan3A_42 step %scan3A_43  : i32 {
      %mul3A_58 = arith.constant 38461 : i32
      %mul3A_59 = arith.muli %scan3A_57, %mul3A_58 : i32
      %broadcast_in_dim3A = vector.broadcast %scan3A_57 : i32 to vector<16xi32>
      %add3A_60 = arith.constant 0 : i32
      %add3A_61 = vector.broadcast %add3A_60 : i32 to vector<16xi32>
      %add3A_62 = arith.addi %add3A_61, %iota3A : vector<16xi32>
      %gather3A = tpu.vector_load_idx %arg7[%add3A_62, %broadcast_in_dim3A] : memref<512x32xi32, #tpu.memory_space<vmem>>[vector<16xi32>, vector<16xi32>], vector<16xi32>,
      %add3A_63 = vector.broadcast %mul3A_59 : i32 to vector<16xi32>
      %add3A_64 = arith.addi %gather3A, %add3A_63 : vector<16xi32>
      %swap3A = arith.constant 0 : i32
      %swap3A_65 = arith.index_cast %swap3A : i32 to index
      %swap3A_66 = arith.index_cast %scan3A_57 : i32 to index
      %swap3A_67 = arith.constant 0 : index
      %swap3A_68 = tpu.vector_load %arg9[%swap3A_65, %swap3A_66, %swap3A_67] {strides = array<i32>} : memref<2x26x32xi32, #tpu.memory_space<vmem>>, vector<16xi32>,
      tpu.vector_store %arg9[%swap3A_65, %swap3A_66, %swap3A_67], %add3A_64 {strides = array<i32>} : memref<2x26x32xi32, #tpu.memory_space<vmem>>, vector<16xi32>,
      %and3A_69 = arith.constant 131071 : i32
      %and3A_70 = vector.broadcast %and3A_69 : i32 to vector<16xi32>
      %and3A_71 = arith.andi %add3A_64, %and3A_70 : vector<16xi32>
      %shift_left3A = arith.constant 3 : i32
      %shift_left3A_72 = vector.broadcast %shift_left3A : i32 to vector<16xi32>
      %shift_left3A_73 = arith.shli %and3A_71, %shift_left3A_72 : vector<16xi32>
      %shift_right_arithmetic3A = arith.constant 17 : i32
      %shift_right_arithmetic3A_74 = vector.broadcast %shift_right_arithmetic3A : i32 to vector<16xi32>
      %shift_right_arithmetic3A_75 = arith.shrsi %add3A_64, %shift_right_arithmetic3A_74 : vector<16xi32>
      %or3A = arith.ori %shift_left3A_73, %shift_right_arithmetic3A_75 : vector<16xi32>
      %swap3A_76 = arith.constant 0 : i32
      %swap3A_77 = arith.index_cast %swap3A_76 : i32 to index
      %swap3A_78 = arith.index_cast %scan3A_57 : i32 to index
      %swap3A_79 = arith.constant 0 : index
      %swap3A_80 = tpu.vector_load %arg8[%swap3A_77, %swap3A_78, %swap3A_79] {strides = array<i32>} : memref<2x26x32xi32, #tpu.memory_space<vmem>>, vector<16xi32>,
      tpu.vector_store %arg8[%swap3A_77, %swap3A_78, %swap3A_79], %or3A {strides = array<i32>} : memref<2x26x32xi32, #tpu.memory_space<vmem>>, vector<16xi32>,
      %add3A_81 = arith.constant 16 : i32
      %add3A_82 = vector.broadcast %add3A_81 : i32 to vector<16xi32>
      %add3A_83 = arith.addi %add3A_82, %iota3A : vector<16xi32>
      %gather3A_84 = tpu.vector_load_idx %arg7[%add3A_83, %broadcast_in_dim3A] : memref<512x32xi32, #tpu.memory_space<vmem>>[vector<16xi32>, vector<16xi32>], vector<16xi32>,
      %add3A_85 = vector.broadcast %mul3A_59 : i32 to vector<16xi32>
      %add3A_86 = arith.addi %gather3A_84, %add3A_85 : vector<16xi32>
      %swap3A_87 = arith.constant 0 : i32
      %swap3A_88 = arith.index_cast %swap3A_87 : i32 to index
      %swap3A_89 = arith.index_cast %scan3A_57 : i32 to index
      %swap3A_90 = arith.constant 16 : index
      %swap3A_91 = tpu.vector_load %arg9[%swap3A_88, %swap3A_89, %swap3A_90] {strides = array<i32>} : memref<2x26x32xi32, #tpu.memory_space<vmem>>, vector<16xi32>,
      tpu.vector_store %arg9[%swap3A_88, %swap3A_89, %swap3A_90], %add3A_86 {strides = array<i32>} : memref<2x26x32xi32, #tpu.memory_space<vmem>>, vector<16xi32>,
      %and3A_92 = arith.constant 131071 : i32
      %and3A_93 = vector.broadcast %and3A_92 : i32 to vector<16xi32>
      %and3A_94 = arith.andi %add3A_86, %and3A_93 : vector<16xi32>
      %shift_left3A_95 = arith.constant 3 : i32
      %shift_left3A_96 = vector.broadcast %shift_left3A_95 : i32 to vector<16xi32>
      %shift_left3A_97 = arith.shli %and3A_94, %shift_left3A_96 : vector<16xi32>
      %shift_right_arithmetic3A_98 = arith.constant 17 : i32
      %shift_right_arithmetic3A_99 = vector.broadcast %shift_right_arithmetic3A_98 : i32 to vector<16xi32>
      %shift_right_arithmetic3A_100 = arith.shrsi %add3A_86, %shift_right_arithmetic3A_99 : vector<16xi32>
      %or3A_101 = arith.ori %shift_left3A_97, %shift_right_arithmetic3A_100 : vector<16xi32>
      %swap3A_102 = arith.constant 0 : i32
      %swap3A_103 = arith.index_cast %swap3A_102 : i32 to index
      %swap3A_104 = arith.index_cast %scan3A_57 : i32 to index
      %swap3A_105 = arith.constant 16 : index
      %swap3A_106 = tpu.vector_load %arg8[%swap3A_103, %swap3A_104, %swap3A_105] {strides = array<i32>} : memref<2x26x32xi32, #tpu.memory_space<vmem>>, vector<16xi32>,
      tpu.vector_store %arg8[%swap3A_103, %swap3A_104, %swap3A_105], %or3A_101 {strides = array<i32>} : memref<2x26x32xi32, #tpu.memory_space<vmem>>, vector<16xi32>,
    }
    %scan3A_44 = arith.constant 26 : i32
    %scan3A_45 = arith.constant 0 : i32
    %scan3A_46 = arith.constant 0 : i32
    %scan3A_47 = arith.constant 26 : i32
    %scan3A_48 = arith.addi %scan3A_46, %scan3A_47 : i32
    %scan3A_49 = arith.constant 1 : i32
    scf.for %scan3A_57 = %scan3A_46 to %scan3A_48 step %scan3A_49  : i32 {
      %dma_start3A = arith.constant 0 : i32
      %dma_start3A_58 = arith.constant 0 : i32
      %dma_start3A_59 = arith.constant 0 : i32
      %dma_start3A_60 = arith.constant 0 : i32
      %dma_start3A_61 = tpu.memref_slice %arg10[%dma_start3A_58, %scan3A_57, %dma_start3A_59, %dma_start3A_60] : memref<2x26x32x16xf32, #tpu.memory_space<vmem>> -> memref<1x1x32x16xf32, #tpu.memory_space<vmem>>
      %dma_start3A_62 = tpu.memref_squeeze %dma_start3A_61 : memref<1x1x32x16xf32, #tpu.memory_space<vmem>> -> memref<32x16xf32, #tpu.memory_space<vmem>>
      %dma_start3A_63 = arith.constant 0 : i32
      %dma_start3A_64 = tpu.memref_slice %arg8[%dma_start3A, %scan3A_57, %dma_start3A_63] : memref<2x26x32xi32, #tpu.memory_space<vmem>> -> memref<1x1x32xi32, #tpu.memory_space<vmem>>
      %dma_start3A_65 = tpu.memref_squeeze %dma_start3A_64 : memref<1x1x32xi32, #tpu.memory_space<vmem>> -> memref<32xi32, #tpu.memory_space<vmem>>
      %dma_start3A_66 = arith.constant 0 : i32
      %dma_start3A_67 = arith.constant 0 : i32
      %dma_start3A_68 = tpu.memref_slice %arg4[%dma_start3A_66, %dma_start3A_67] : memref<1048576x16xf32, #tpu.memory_space<hbm>> -> memref<1048576x16xf32, #tpu.memory_space<hbm>>
      tpu.enqueue_indirect_dma source(%dma_start3A_68 : memref<1048576x16xf32, #tpu.memory_space<hbm>>) target(%dma_start3A_62 : memref<32x16xf32, #tpu.memory_space<vmem>>) offsets(%dma_start3A_65 : memref<32xi32, #tpu.memory_space<vmem>>) semaphore(%arg15 : memref<!tpu.dma_semaphore, #tpu.memory_space<semaphore_mem>>)
      %dma_start3A_69 = arith.constant 0 : i32
      %dma_start3A_70 = arith.constant 0 : i32
      %dma_start3A_71 = arith.constant 0 : i32
      %dma_start3A_72 = tpu.memref_slice %arg11[%dma_start3A_70, %scan3A_57, %dma_start3A_71] : memref<2x26x32xf32, #tpu.memory_space<vmem>> -> memref<1x1x32xf32, #tpu.memory_space<vmem>>
      %dma_start3A_73 = tpu.memref_squeeze %dma_start3A_72 : memref<1x1x32xf32, #tpu.memory_space<vmem>> -> memref<32xf32, #tpu.memory_space<vmem>>
      %dma_start3A_74 = arith.constant 0 : i32
      %dma_start3A_75 = tpu.memref_slice %arg9[%dma_start3A_69, %scan3A_57, %dma_start3A_74] : memref<2x26x32xi32, #tpu.memory_space<vmem>> -> memref<1x1x32xi32, #tpu.memory_space<vmem>>
      %dma_start3A_76 = tpu.memref_squeeze %dma_start3A_75 : memref<1x1x32xi32, #tpu.memory_space<vmem>> -> memref<32xi32, #tpu.memory_space<vmem>>
      %dma_start3A_77 = arith.constant 0 : i32
      %dma_start3A_78 = tpu.memref_slice %arg14[%dma_start3A_77] : memref<1048576xf32, #tpu.memory_space<vmem_shared>> -> memref<1048576xf32, #tpu.memory_space<vmem_shared>>
      tpu.enqueue_indirect_dma source(%dma_start3A_78 : memref<1048576xf32, #tpu.memory_space<vmem_shared>>) target(%dma_start3A_73 : memref<32xf32, #tpu.memory_space<vmem>>) offsets(%dma_start3A_76 : memref<32xi32, #tpu.memory_space<vmem>>) semaphore(%arg16 : memref<!tpu.dma_semaphore, #tpu.memory_space<semaphore_mem>>)
    }
    %scan3A_50 = arith.constant 26 : i32
    %scan3A_51 = arith.constant 0 : i32
    %scan3A_52 = arith.constant 0 : i32
    %scan3A_53 = arith.constant 16 : i32
    %scan3A_54 = arith.addi %scan3A_52, %scan3A_53 : i32
    %scan3A_55 = arith.constant 1 : i32
    scf.for %scan3A_57 = %scan3A_52 to %scan3A_54 step %scan3A_55  : i32 {
      %add3A_58 = arith.constant 1 : i32
      %add3A_59 = arith.addi %scan3A_57, %add3A_58 : i32
      %lt3A_60 = arith.constant 16 : i32
      %lt3A_61 = arith.cmpi slt, %add3A_59, %lt3A_60 : i32
      %convert_element_type3A = arith.extui %lt3A_61 : i1 to i32
      %cond3A = arith.constant 0 : i32
      %cond3A_62 = arith.cmpi ne, %convert_element_type3A, %cond3A : i32
      scf.if %cond3A_62 {
        %jit3A_91 = arith.constant 2 : i32
        %eq3A_92 = arith.constant 0 : i32
        %eq3A_93 = arith.cmpi eq, %jit3A_91, %eq3A_92 : i32
        %jit3A_94 = arith.constant 1 : i32
        %select_n3A_95 = arith.select %eq3A_93, %jit3A_94, %jit3A_91 : i32
        %rem3A_96 = arith.remsi %add3A_59, %select_n3A_95 : i32
        %ne3A_97 = arith.constant 0 : i32
        %ne3A_98 = arith.cmpi ne, %rem3A_96, %ne3A_97 : i32
        %lt3A_99 = arith.constant 0 : i32
        %lt3A_100 = arith.cmpi slt, %rem3A_96, %lt3A_99 : i32
        %lt3A_101 = arith.constant 0 : i32
        %lt3A_102 = arith.cmpi slt, %select_n3A_95, %lt3A_101 : i32
        %ne3A_103 = arith.xori %lt3A_100, %lt3A_102 : i1
        %and3A_104 = arith.andi %ne3A_103, %ne3A_98 : i1
        %add3A_105 = arith.addi %rem3A_96, %select_n3A_95 : i32
        %select_n3A_106 = arith.select %and3A_104, %add3A_105, %rem3A_96 : i32
        %scan3A_107 = arith.constant 0 : i32
        %scan3A_108 = arith.constant 0 : i32
        %scan3A_109 = arith.constant 26 : i32
        %scan3A_110 = arith.addi %scan3A_108, %scan3A_109 : i32
        %scan3A_111 = arith.constant 1 : i32
        scf.for %scan3A_135 = %scan3A_108 to %scan3A_110 step %scan3A_111  : i32 {
          %mul3A_136 = arith.constant 38461 : i32
          %mul3A_137 = arith.muli %scan3A_135, %mul3A_136 : i32
          %broadcast_in_dim3A = vector.broadcast %scan3A_135 : i32 to vector<16xi32>
          %mul3A_138 = arith.constant 32 : i32
          %mul3A_139 = arith.muli %add3A_59, %mul3A_138 : i32
          %add3A_140 = arith.constant 0 : i32
          %add3A_141 = arith.addi %mul3A_139, %add3A_140 : i32
          %add3A_142 = vector.broadcast %add3A_141 : i32 to vector<16xi32>
          %add3A_143 = arith.addi %add3A_142, %iota3A : vector<16xi32>
          %gather3A = tpu.vector_load_idx %arg7[%add3A_143, %broadcast_in_dim3A] : memref<512x32xi32, #tpu.memory_space<vmem>>[vector<16xi32>, vector<16xi32>], vector<16xi32>,
          %add3A_144 = vector.broadcast %mul3A_137 : i32 to vector<16xi32>
          %add3A_145 = arith.addi %gather3A, %add3A_144 : vector<16xi32>
          %swap3A = arith.index_cast %select_n3A_106 : i32 to index
          %swap3A_146 = arith.index_cast %scan3A_135 : i32 to index
          %swap3A_147 = arith.constant 0 : index
          %swap3A_148 = tpu.vector_load %arg9[%swap3A, %swap3A_146, %swap3A_147] {strides = array<i32>} : memref<2x26x32xi32, #tpu.memory_space<vmem>>, vector<16xi32>,
          tpu.vector_store %arg9[%swap3A, %swap3A_146, %swap3A_147], %add3A_145 {strides = array<i32>} : memref<2x26x32xi32, #tpu.memory_space<vmem>>, vector<16xi32>,
          %and3A_149 = arith.constant 131071 : i32
          %and3A_150 = vector.broadcast %and3A_149 : i32 to vector<16xi32>
          %and3A_151 = arith.andi %add3A_145, %and3A_150 : vector<16xi32>
          %shift_left3A = arith.constant 3 : i32
          %shift_left3A_152 = vector.broadcast %shift_left3A : i32 to vector<16xi32>
          %shift_left3A_153 = arith.shli %and3A_151, %shift_left3A_152 : vector<16xi32>
          %shift_right_arithmetic3A = arith.constant 17 : i32
          %shift_right_arithmetic3A_154 = vector.broadcast %shift_right_arithmetic3A : i32 to vector<16xi32>
          %shift_right_arithmetic3A_155 = arith.shrsi %add3A_145, %shift_right_arithmetic3A_154 : vector<16xi32>
          %or3A = arith.ori %shift_left3A_153, %shift_right_arithmetic3A_155 : vector<16xi32>
          %swap3A_156 = arith.index_cast %select_n3A_106 : i32 to index
          %swap3A_157 = arith.index_cast %scan3A_135 : i32 to index
          %swap3A_158 = arith.constant 0 : index
          %swap3A_159 = tpu.vector_load %arg8[%swap3A_156, %swap3A_157, %swap3A_158] {strides = array<i32>} : memref<2x26x32xi32, #tpu.memory_space<vmem>>, vector<16xi32>,
          tpu.vector_store %arg8[%swap3A_156, %swap3A_157, %swap3A_158], %or3A {strides = array<i32>} : memref<2x26x32xi32, #tpu.memory_space<vmem>>, vector<16xi32>,
          %mul3A_160 = arith.constant 32 : i32
          %mul3A_161 = arith.muli %add3A_59, %mul3A_160 : i32
          %add3A_162 = arith.constant 16 : i32
          %add3A_163 = arith.addi %mul3A_161, %add3A_162 : i32
          %add3A_164 = vector.broadcast %add3A_163 : i32 to vector<16xi32>
          %add3A_165 = arith.addi %add3A_164, %iota3A : vector<16xi32>
          %gather3A_166 = tpu.vector_load_idx %arg7[%add3A_165, %broadcast_in_dim3A] : memref<512x32xi32, #tpu.memory_space<vmem>>[vector<16xi32>, vector<16xi32>], vector<16xi32>,
          %add3A_167 = vector.broadcast %mul3A_137 : i32 to vector<16xi32>
          %add3A_168 = arith.addi %gather3A_166, %add3A_167 : vector<16xi32>
          %swap3A_169 = arith.index_cast %select_n3A_106 : i32 to index
          %swap3A_170 = arith.index_cast %scan3A_135 : i32 to index
          %swap3A_171 = arith.constant 16 : index
          %swap3A_172 = tpu.vector_load %arg9[%swap3A_169, %swap3A_170, %swap3A_171] {strides = array<i32>} : memref<2x26x32xi32, #tpu.memory_space<vmem>>, vector<16xi32>,
          tpu.vector_store %arg9[%swap3A_169, %swap3A_170, %swap3A_171], %add3A_168 {strides = array<i32>} : memref<2x26x32xi32, #tpu.memory_space<vmem>>, vector<16xi32>,
          %and3A_173 = arith.constant 131071 : i32
          %and3A_174 = vector.broadcast %and3A_173 : i32 to vector<16xi32>
          %and3A_175 = arith.andi %add3A_168, %and3A_174 : vector<16xi32>
          %shift_left3A_176 = arith.constant 3 : i32
          %shift_left3A_177 = vector.broadcast %shift_left3A_176 : i32 to vector<16xi32>
          %shift_left3A_178 = arith.shli %and3A_175, %shift_left3A_177 : vector<16xi32>
          %shift_right_arithmetic3A_179 = arith.constant 17 : i32
          %shift_right_arithmetic3A_180 = vector.broadcast %shift_right_arithmetic3A_179 : i32 to vector<16xi32>
          %shift_right_arithmetic3A_181 = arith.shrsi %add3A_168, %shift_right_arithmetic3A_180 : vector<16xi32>
          %or3A_182 = arith.ori %shift_left3A_178, %shift_right_arithmetic3A_181 : vector<16xi32>
          %swap3A_183 = arith.index_cast %select_n3A_106 : i32 to index
          %swap3A_184 = arith.index_cast %scan3A_135 : i32 to index
          %swap3A_185 = arith.constant 16 : index
          %swap3A_186 = tpu.vector_load %arg8[%swap3A_183, %swap3A_184, %swap3A_185] {strides = array<i32>} : memref<2x26x32xi32, #tpu.memory_space<vmem>>, vector<16xi32>,
          tpu.vector_store %arg8[%swap3A_183, %swap3A_184, %swap3A_185], %or3A_182 {strides = array<i32>} : memref<2x26x32xi32, #tpu.memory_space<vmem>>, vector<16xi32>,
        }
        %scan3A_112 = arith.constant 26 : i32
        %jit3A_113 = arith.constant 2 : i32
        %eq3A_114 = arith.constant 0 : i32
        %eq3A_115 = arith.cmpi eq, %jit3A_113, %eq3A_114 : i32
        %jit3A_116 = arith.constant 1 : i32
        %select_n3A_117 = arith.select %eq3A_115, %jit3A_116, %jit3A_113 : i32
        %rem3A_118 = arith.remsi %add3A_59, %select_n3A_117 : i32
        %ne3A_119 = arith.constant 0 : i32
        %ne3A_120 = arith.cmpi ne, %rem3A_118, %ne3A_119 : i32
        %lt3A_121 = arith.constant 0 : i32
        %lt3A_122 = arith.cmpi slt, %rem3A_118, %lt3A_121 : i32
        %lt3A_123 = arith.constant 0 : i32
        %lt3A_124 = arith.cmpi slt, %select_n3A_117, %lt3A_123 : i32
        %ne3A_125 = arith.xori %lt3A_122, %lt3A_124 : i1
        %and3A_126 = arith.andi %ne3A_125, %ne3A_120 : i1
        %add3A_127 = arith.addi %rem3A_118, %select_n3A_117 : i32
        %select_n3A_128 = arith.select %and3A_126, %add3A_127, %rem3A_118 : i32
        %scan3A_129 = arith.constant 0 : i32
        %scan3A_130 = arith.constant 0 : i32
        %scan3A_131 = arith.constant 26 : i32
        %scan3A_132 = arith.addi %scan3A_130, %scan3A_131 : i32
        %scan3A_133 = arith.constant 1 : i32
        scf.for %scan3A_135 = %scan3A_130 to %scan3A_132 step %scan3A_133  : i32 {
          %dma_start3A = arith.constant 0 : i32
          %dma_start3A_136 = arith.constant 0 : i32
          %dma_start3A_137 = tpu.memref_slice %arg10[%select_n3A_128, %scan3A_135, %dma_start3A, %dma_start3A_136] : memref<2x26x32x16xf32, #tpu.memory_space<vmem>> -> memref<1x1x32x16xf32, #tpu.memory_space<vmem>>
          %dma_start3A_138 = tpu.memref_squeeze %dma_start3A_137 : memref<1x1x32x16xf32, #tpu.memory_space<vmem>> -> memref<32x16xf32, #tpu.memory_space<vmem>>
          %dma_start3A_139 = arith.constant 0 : i32
          %dma_start3A_140 = tpu.memref_slice %arg8[%select_n3A_128, %scan3A_135, %dma_start3A_139] : memref<2x26x32xi32, #tpu.memory_space<vmem>> -> memref<1x1x32xi32, #tpu.memory_space<vmem>>
          %dma_start3A_141 = tpu.memref_squeeze %dma_start3A_140 : memref<1x1x32xi32, #tpu.memory_space<vmem>> -> memref<32xi32, #tpu.memory_space<vmem>>
          %dma_start3A_142 = arith.constant 0 : i32
          %dma_start3A_143 = arith.constant 0 : i32
          %dma_start3A_144 = tpu.memref_slice %arg4[%dma_start3A_142, %dma_start3A_143] : memref<1048576x16xf32, #tpu.memory_space<hbm>> -> memref<1048576x16xf32, #tpu.memory_space<hbm>>
          tpu.enqueue_indirect_dma source(%dma_start3A_144 : memref<1048576x16xf32, #tpu.memory_space<hbm>>) target(%dma_start3A_138 : memref<32x16xf32, #tpu.memory_space<vmem>>) offsets(%dma_start3A_141 : memref<32xi32, #tpu.memory_space<vmem>>) semaphore(%arg15 : memref<!tpu.dma_semaphore, #tpu.memory_space<semaphore_mem>>)
          %dma_start3A_145 = arith.constant 0 : i32
          %dma_start3A_146 = tpu.memref_slice %arg11[%select_n3A_128, %scan3A_135, %dma_start3A_145] : memref<2x26x32xf32, #tpu.memory_space<vmem>> -> memref<1x1x32xf32, #tpu.memory_space<vmem>>
          %dma_start3A_147 = tpu.memref_squeeze %dma_start3A_146 : memref<1x1x32xf32, #tpu.memory_space<vmem>> -> memref<32xf32, #tpu.memory_space<vmem>>
          %dma_start3A_148 = arith.constant 0 : i32
          %dma_start3A_149 = tpu.memref_slice %arg9[%select_n3A_128, %scan3A_135, %dma_start3A_148] : memref<2x26x32xi32, #tpu.memory_space<vmem>> -> memref<1x1x32xi32, #tpu.memory_space<vmem>>
          %dma_start3A_150 = tpu.memref_squeeze %dma_start3A_149 : memref<1x1x32xi32, #tpu.memory_space<vmem>> -> memref<32xi32, #tpu.memory_space<vmem>>
          %dma_start3A_151 = arith.constant 0 : i32
          %dma_start3A_152 = tpu.memref_slice %arg14[%dma_start3A_151] : memref<1048576xf32, #tpu.memory_space<vmem_shared>> -> memref<1048576xf32, #tpu.memory_space<vmem_shared>>
          tpu.enqueue_indirect_dma source(%dma_start3A_152 : memref<1048576xf32, #tpu.memory_space<vmem_shared>>) target(%dma_start3A_147 : memref<32xf32, #tpu.memory_space<vmem>>) offsets(%dma_start3A_150 : memref<32xi32, #tpu.memory_space<vmem>>) semaphore(%arg16 : memref<!tpu.dma_semaphore, #tpu.memory_space<semaphore_mem>>)
        }
        %scan3A_134 = arith.constant 26 : i32
      } else {
      }
      %scan3A_63 = arith.constant 0 : i32
      %scan3A_64 = arith.constant 0 : i32
      %scan3A_65 = arith.constant 26 : i32
      %scan3A_66 = arith.addi %scan3A_64, %scan3A_65 : i32
      %scan3A_67 = arith.constant 1 : i32
      scf.for %scan3A_91 = %scan3A_64 to %scan3A_66 step %scan3A_67  : i32 {
        %dma_wait3A = arith.constant 0 : i32
        %dma_wait3A_92 = arith.constant 0 : i32
        %dma_wait3A_93 = arith.constant 0 : i32
        %dma_wait3A_94 = arith.constant 0 : i32
        %dma_wait3A_95 = tpu.memref_slice %arg10[%dma_wait3A, %dma_wait3A_92, %dma_wait3A_93, %dma_wait3A_94] : memref<2x26x32x16xf32, #tpu.memory_space<vmem>> -> memref<1x1x32x16xf32, #tpu.memory_space<vmem>>
        %dma_wait3A_96 = tpu.memref_squeeze %dma_wait3A_95 : memref<1x1x32x16xf32, #tpu.memory_space<vmem>> -> memref<32x16xf32, #tpu.memory_space<vmem>>
        %dma_wait3A_97 = arith.constant 0 : i32
        %dma_wait3A_98 = arith.constant 0 : i32
        %dma_wait3A_99 = tpu.memref_slice %arg4[%dma_wait3A_97, %dma_wait3A_98] : memref<1048576x16xf32, #tpu.memory_space<hbm>> -> memref<32x16xf32, #tpu.memory_space<hbm>>
        %dma_wait3A_100 = arith.constant 0 : i32
        %dma_wait3A_101 = arith.constant 0 : i32
        %dma_wait3A_102 = tpu.memref_slice %arg10[%dma_wait3A, %dma_wait3A_92, %dma_wait3A_100, %dma_wait3A_101] : memref<2x26x32x16xf32, #tpu.memory_space<vmem>> -> memref<1x1x32x16xf32, #tpu.memory_space<vmem>>
        %dma_wait3A_103 = tpu.memref_squeeze %dma_wait3A_102 : memref<1x1x32x16xf32, #tpu.memory_space<vmem>> -> memref<32x16xf32, #tpu.memory_space<vmem>>
        %dma_wait3A_104 = arith.constant 0 : i32
        %dma_wait3A_105 = arith.constant 0 : i32
        %dma_wait3A_106 = tpu.memref_slice %arg4[%dma_wait3A_104, %dma_wait3A_105] : memref<1048576x16xf32, #tpu.memory_space<hbm>> -> memref<32x16xf32, #tpu.memory_space<hbm>>
        tpu.wait_dma2 semaphore(%arg15 : memref<!tpu.dma_semaphore, #tpu.memory_space<semaphore_mem>>) src(%dma_wait3A_106 : memref<32x16xf32, #tpu.memory_space<hbm>>) dst(%dma_wait3A_103 : memref<32x16xf32, #tpu.memory_space<vmem>>)
        %dma_wait3A_107 = arith.constant 0 : i32
        %dma_wait3A_108 = arith.constant 0 : i32
        %dma_wait3A_109 = arith.constant 0 : i32
        %dma_wait3A_110 = tpu.memref_slice %arg11[%dma_wait3A_107, %dma_wait3A_108, %dma_wait3A_109] : memref<2x26x32xf32, #tpu.memory_space<vmem>> -> memref<1x1x32xf32, #tpu.memory_space<vmem>>
        %dma_wait3A_111 = tpu.memref_squeeze %dma_wait3A_110 : memref<1x1x32xf32, #tpu.memory_space<vmem>> -> memref<32xf32, #tpu.memory_space<vmem>>
        %dma_wait3A_112 = arith.constant 0 : i32
        %dma_wait3A_113 = tpu.memref_slice %arg3[%dma_wait3A_112] : memref<1048576xf32, #tpu.memory_space<hbm>> -> memref<32xf32, #tpu.memory_space<hbm>>
        %dma_wait3A_114 = arith.constant 0 : i32
        %dma_wait3A_115 = tpu.memref_slice %arg11[%dma_wait3A_107, %dma_wait3A_108, %dma_wait3A_114] : memref<2x26x32xf32, #tpu.memory_space<vmem>> -> memref<1x1x32xf32, #tpu.memory_space<vmem>>
        %dma_wait3A_116 = tpu.memref_squeeze %dma_wait3A_115 : memref<1x1x32xf32, #tpu.memory_space<vmem>> -> memref<32xf32, #tpu.memory_space<vmem>>
        %dma_wait3A_117 = arith.constant 0 : i32
        %dma_wait3A_118 = tpu.memref_slice %arg3[%dma_wait3A_117] : memref<1048576xf32, #tpu.memory_space<hbm>> -> memref<32xf32, #tpu.memory_space<hbm>>
        tpu.wait_dma2 semaphore(%arg16 : memref<!tpu.dma_semaphore, #tpu.memory_space<semaphore_mem>>) src(%dma_wait3A_118 : memref<32xf32, #tpu.memory_space<hbm>>) dst(%dma_wait3A_116 : memref<32xf32, #tpu.memory_space<vmem>>)
      }
      %scan3A_68 = arith.constant 26 : i32
      %jit3A_69 = arith.constant 2 : i32
      %eq3A_70 = arith.constant 0 : i32
      %eq3A_71 = arith.cmpi eq, %jit3A_69, %eq3A_70 : i32
      %jit3A_72 = arith.constant 1 : i32
      %select_n3A_73 = arith.select %eq3A_71, %jit3A_72, %jit3A_69 : i32
      %rem3A_74 = arith.remsi %scan3A_57, %select_n3A_73 : i32
      %ne3A_75 = arith.constant 0 : i32
      %ne3A_76 = arith.cmpi ne, %rem3A_74, %ne3A_75 : i32
      %lt3A_77 = arith.constant 0 : i32
      %lt3A_78 = arith.cmpi slt, %rem3A_74, %lt3A_77 : i32
      %lt3A_79 = arith.constant 0 : i32
      %lt3A_80 = arith.cmpi slt, %select_n3A_73, %lt3A_79 : i32
      %ne3A_81 = arith.xori %lt3A_78, %lt3A_80 : i1
      %and3A_82 = arith.andi %ne3A_81, %ne3A_76 : i1
      %add3A_83 = arith.addi %rem3A_74, %select_n3A_73 : i32
      %select_n3A_84 = arith.select %and3A_82, %add3A_83, %rem3A_74 : i32
      %scan3A_85 = arith.constant 0 : i32
      %scan3A_86 = arith.constant 0 : i32
      %scan3A_87 = arith.constant 2 : i32
      %scan3A_88 = arith.addi %scan3A_86, %scan3A_87 : i32
      %scan3A_89 = arith.constant 1 : i32
      scf.for %scan3A_91 = %scan3A_86 to %scan3A_88 step %scan3A_89  : i32 {
        %broadcast_in_dim3A = arith.constant 0.000000e+00 : f32
        %broadcast_in_dim3A_92 = vector.broadcast %broadcast_in_dim3A : f32 to vector<16xf32>
        %mul3A_93 = arith.constant 16 : i32
        %mul3A_94 = arith.muli %scan3A_91, %mul3A_93 : i32
        %add3A_95 = arith.constant 0 : i32
        %add3A_96 = arith.addi %mul3A_94, %add3A_95 : i32
        %get3A_97 = arith.constant 0 : i32
        %get3A_98 = arith.index_cast %select_n3A_84 : i32 to index
        %get3A_99 = arith.index_cast %get3A_97 : i32 to index
        %get3A_100 = arith.index_cast %add3A_96 : i32 to index
        %get3A_101 = arith.constant 0 : index
        %get3A_102 = tpu.vector_load %arg10[%get3A_98, %get3A_99, %get3A_100, %get3A_101] {strides = array<i32>} : memref<2x26x32x16xf32, #tpu.memory_space<vmem>>, vector<16xf32>,
        %mul3A_103 = arith.mulf %get3A_102, %get3A_102 : vector<16xf32>
        %get3A_104 = arith.constant 1 : i32
        %get3A_105 = arith.index_cast %select_n3A_84 : i32 to index
        %get3A_106 = arith.index_cast %get3A_104 : i32 to index
        %get3A_107 = arith.index_cast %add3A_96 : i32 to index
        %get3A_108 = arith.constant 0 : index
        %get3A_109 = tpu.vector_load %arg10[%get3A_105, %get3A_106, %get3A_107, %get3A_108] {strides = array<i32>} : memref<2x26x32x16xf32, #tpu.memory_space<vmem>>, vector<16xf32>,
        %add3A_110 = arith.addf %get3A_102, %get3A_109 : vector<16xf32>
        %mul3A_111 = arith.mulf %get3A_109, %get3A_109 : vector<16xf32>
        %add3A_112 = arith.addf %mul3A_103, %mul3A_111 : vector<16xf32>
        %get3A_113 = arith.constant 2 : i32
        %get3A_114 = arith.index_cast %select_n3A_84 : i32 to index
        %get3A_115 = arith.index_cast %get3A_113 : i32 to index
        %get3A_116 = arith.index_cast %add3A_96 : i32 to index
        %get3A_117 = arith.constant 0 : index
        %get3A_118 = tpu.vector_load %arg10[%get3A_114, %get3A_115, %get3A_116, %get3A_117] {strides = array<i32>} : memref<2x26x32x16xf32, #tpu.memory_space<vmem>>, vector<16xf32>,
        %add3A_119 = arith.addf %add3A_110, %get3A_118 : vector<16xf32>
        %mul3A_120 = arith.mulf %get3A_118, %get3A_118 : vector<16xf32>
        %add3A_121 = arith.addf %add3A_112, %mul3A_120 : vector<16xf32>
        %get3A_122 = arith.constant 3 : i32
        %get3A_123 = arith.index_cast %select_n3A_84 : i32 to index
        %get3A_124 = arith.index_cast %get3A_122 : i32 to index
        %get3A_125 = arith.index_cast %add3A_96 : i32 to index
        %get3A_126 = arith.constant 0 : index
        %get3A_127 = tpu.vector_load %arg10[%get3A_123, %get3A_124, %get3A_125, %get3A_126] {strides = array<i32>} : memref<2x26x32x16xf32, #tpu.memory_space<vmem>>, vector<16xf32>,
        %add3A_128 = arith.addf %add3A_119, %get3A_127 : vector<16xf32>
        %mul3A_129 = arith.mulf %get3A_127, %get3A_127 : vector<16xf32>
        %add3A_130 = arith.addf %add3A_121, %mul3A_129 : vector<16xf32>
        %get3A_131 = arith.constant 4 : i32
        %get3A_132 = arith.index_cast %select_n3A_84 : i32 to index
        %get3A_133 = arith.index_cast %get3A_131 : i32 to index
        %get3A_134 = arith.index_cast %add3A_96 : i32 to index
        %get3A_135 = arith.constant 0 : index
        %get3A_136 = tpu.vector_load %arg10[%get3A_132, %get3A_133, %get3A_134, %get3A_135] {strides = array<i32>} : memref<2x26x32x16xf32, #tpu.memory_space<vmem>>, vector<16xf32>,
        %add3A_137 = arith.addf %add3A_128, %get3A_136 : vector<16xf32>
        %mul3A_138 = arith.mulf %get3A_136, %get3A_136 : vector<16xf32>
        %add3A_139 = arith.addf %add3A_130, %mul3A_138 : vector<16xf32>
        %get3A_140 = arith.constant 5 : i32
        %get3A_141 = arith.index_cast %select_n3A_84 : i32 to index
        %get3A_142 = arith.index_cast %get3A_140 : i32 to index
        %get3A_143 = arith.index_cast %add3A_96 : i32 to index
        %get3A_144 = arith.constant 0 : index
        %get3A_145 = tpu.vector_load %arg10[%get3A_141, %get3A_142, %get3A_143, %get3A_144] {strides = array<i32>} : memref<2x26x32x16xf32, #tpu.memory_space<vmem>>, vector<16xf32>,
        %add3A_146 = arith.addf %add3A_137, %get3A_145 : vector<16xf32>
        %mul3A_147 = arith.mulf %get3A_145, %get3A_145 : vector<16xf32>
        %add3A_148 = arith.addf %add3A_139, %mul3A_147 : vector<16xf32>
        %get3A_149 = arith.constant 6 : i32
        %get3A_150 = arith.index_cast %select_n3A_84 : i32 to index
        %get3A_151 = arith.index_cast %get3A_149 : i32 to index
        %get3A_152 = arith.index_cast %add3A_96 : i32 to index
        %get3A_153 = arith.constant 0 : index
        %get3A_154 = tpu.vector_load %arg10[%get3A_150, %get3A_151, %get3A_152, %get3A_153] {strides = array<i32>} : memref<2x26x32x16xf32, #tpu.memory_space<vmem>>, vector<16xf32>,
        %add3A_155 = arith.addf %add3A_146, %get3A_154 : vector<16xf32>
        %mul3A_156 = arith.mulf %get3A_154, %get3A_154 : vector<16xf32>
        %add3A_157 = arith.addf %add3A_148, %mul3A_156 : vector<16xf32>
        %get3A_158 = arith.constant 7 : i32
        %get3A_159 = arith.index_cast %select_n3A_84 : i32 to index
        %get3A_160 = arith.index_cast %get3A_158 : i32 to index
        %get3A_161 = arith.index_cast %add3A_96 : i32 to index
        %get3A_162 = arith.constant 0 : index
        %get3A_163 = tpu.vector_load %arg10[%get3A_159, %get3A_160, %get3A_161, %get3A_162] {strides = array<i32>} : memref<2x26x32x16xf32, #tpu.memory_space<vmem>>, vector<16xf32>,
        %add3A_164 = arith.addf %add3A_155, %get3A_163 : vector<16xf32>
        %mul3A_165 = arith.mulf %get3A_163, %get3A_163 : vector<16xf32>
        %add3A_166 = arith.addf %add3A_157, %mul3A_165 : vector<16xf32>
        %get3A_167 = arith.constant 8 : i32
        %get3A_168 = arith.index_cast %select_n3A_84 : i32 to index
        %get3A_169 = arith.index_cast %get3A_167 : i32 to index
        %get3A_170 = arith.index_cast %add3A_96 : i32 to index
        %get3A_171 = arith.constant 0 : index
        %get3A_172 = tpu.vector_load %arg10[%get3A_168, %get3A_169, %get3A_170, %get3A_171] {strides = array<i32>} : memref<2x26x32x16xf32, #tpu.memory_space<vmem>>, vector<16xf32>,
        %add3A_173 = arith.addf %add3A_164, %get3A_172 : vector<16xf32>
        %mul3A_174 = arith.mulf %get3A_172, %get3A_172 : vector<16xf32>
        %add3A_175 = arith.addf %add3A_166, %mul3A_174 : vector<16xf32>
        %get3A_176 = arith.constant 9 : i32
        %get3A_177 = arith.index_cast %select_n3A_84 : i32 to index
        %get3A_178 = arith.index_cast %get3A_176 : i32 to index
        %get3A_179 = arith.index_cast %add3A_96 : i32 to index
        %get3A_180 = arith.constant 0 : index
        %get3A_181 = tpu.vector_load %arg10[%get3A_177, %get3A_178, %get3A_179, %get3A_180] {strides = array<i32>} : memref<2x26x32x16xf32, #tpu.memory_space<vmem>>, vector<16xf32>,
        %add3A_182 = arith.addf %add3A_173, %get3A_181 : vector<16xf32>
        %mul3A_183 = arith.mulf %get3A_181, %get3A_181 : vector<16xf32>
        %add3A_184 = arith.addf %add3A_175, %mul3A_183 : vector<16xf32>
        %get3A_185 = arith.constant 10 : i32
        %get3A_186 = arith.index_cast %select_n3A_84 : i32 to index
        %get3A_187 = arith.index_cast %get3A_185 : i32 to index
        %get3A_188 = arith.index_cast %add3A_96 : i32 to index
        %get3A_189 = arith.constant 0 : index
        %get3A_190 = tpu.vector_load %arg10[%get3A_186, %get3A_187, %get3A_188, %get3A_189] {strides = array<i32>} : memref<2x26x32x16xf32, #tpu.memory_space<vmem>>, vector<16xf32>,
        %add3A_191 = arith.addf %add3A_182, %get3A_190 : vector<16xf32>
        %mul3A_192 = arith.mulf %get3A_190, %get3A_190 : vector<16xf32>
        %add3A_193 = arith.addf %add3A_184, %mul3A_192 : vector<16xf32>
        %get3A_194 = arith.constant 11 : i32
        %get3A_195 = arith.index_cast %select_n3A_84 : i32 to index
        %get3A_196 = arith.index_cast %get3A_194 : i32 to index
        %get3A_197 = arith.index_cast %add3A_96 : i32 to index
        %get3A_198 = arith.constant 0 : index
        %get3A_199 = tpu.vector_load %arg10[%get3A_195, %get3A_196, %get3A_197, %get3A_198] {strides = array<i32>} : memref<2x26x32x16xf32, #tpu.memory_space<vmem>>, vector<16xf32>,
        %add3A_200 = arith.addf %add3A_191, %get3A_199 : vector<16xf32>
        %mul3A_201 = arith.mulf %get3A_199, %get3A_199 : vector<16xf32>
        %add3A_202 = arith.addf %add3A_193, %mul3A_201 : vector<16xf32>
        %get3A_203 = arith.constant 12 : i32
        %get3A_204 = arith.index_cast %select_n3A_84 : i32 to index
        %get3A_205 = arith.index_cast %get3A_203 : i32 to index
        %get3A_206 = arith.index_cast %add3A_96 : i32 to index
        %get3A_207 = arith.constant 0 : index
        %get3A_208 = tpu.vector_load %arg10[%get3A_204, %get3A_205, %get3A_206, %get3A_207] {strides = array<i32>} : memref<2x26x32x16xf32, #tpu.memory_space<vmem>>, vector<16xf32>,
        %add3A_209 = arith.addf %add3A_200, %get3A_208 : vector<16xf32>
        %mul3A_210 = arith.mulf %get3A_208, %get3A_208 : vector<16xf32>
        %add3A_211 = arith.addf %add3A_202, %mul3A_210 : vector<16xf32>
        %get3A_212 = arith.constant 13 : i32
        %get3A_213 = arith.index_cast %select_n3A_84 : i32 to index
        %get3A_214 = arith.index_cast %get3A_212 : i32 to index
        %get3A_215 = arith.index_cast %add3A_96 : i32 to index
        %get3A_216 = arith.constant 0 : index
        %get3A_217 = tpu.vector_load %arg10[%get3A_213, %get3A_214, %get3A_215, %get3A_216] {strides = array<i32>} : memref<2x26x32x16xf32, #tpu.memory_space<vmem>>, vector<16xf32>,
        %add3A_218 = arith.addf %add3A_209, %get3A_217 : vector<16xf32>
        %mul3A_219 = arith.mulf %get3A_217, %get3A_217 : vector<16xf32>
        %add3A_220 = arith.addf %add3A_211, %mul3A_219 : vector<16xf32>
        %get3A_221 = arith.constant 14 : i32
        %get3A_222 = arith.index_cast %select_n3A_84 : i32 to index
        %get3A_223 = arith.index_cast %get3A_221 : i32 to index
        %get3A_224 = arith.index_cast %add3A_96 : i32 to index
        %get3A_225 = arith.constant 0 : index
        %get3A_226 = tpu.vector_load %arg10[%get3A_222, %get3A_223, %get3A_224, %get3A_225] {strides = array<i32>} : memref<2x26x32x16xf32, #tpu.memory_space<vmem>>, vector<16xf32>,
        %add3A_227 = arith.addf %add3A_218, %get3A_226 : vector<16xf32>
        %mul3A_228 = arith.mulf %get3A_226, %get3A_226 : vector<16xf32>
        %add3A_229 = arith.addf %add3A_220, %mul3A_228 : vector<16xf32>
        %get3A_230 = arith.constant 15 : i32
        %get3A_231 = arith.index_cast %select_n3A_84 : i32 to index
        %get3A_232 = arith.index_cast %get3A_230 : i32 to index
        %get3A_233 = arith.index_cast %add3A_96 : i32 to index
        %get3A_234 = arith.constant 0 : index
        %get3A_235 = tpu.vector_load %arg10[%get3A_231, %get3A_232, %get3A_233, %get3A_234] {strides = array<i32>} : memref<2x26x32x16xf32, #tpu.memory_space<vmem>>, vector<16xf32>,
        %add3A_236 = arith.addf %add3A_227, %get3A_235 : vector<16xf32>
        %mul3A_237 = arith.mulf %get3A_235, %get3A_235 : vector<16xf32>
        %add3A_238 = arith.addf %add3A_229, %mul3A_237 : vector<16xf32>
        %get3A_239 = arith.constant 16 : i32
        %get3A_240 = arith.index_cast %select_n3A_84 : i32 to index
        %get3A_241 = arith.index_cast %get3A_239 : i32 to index
        %get3A_242 = arith.index_cast %add3A_96 : i32 to index
        %get3A_243 = arith.constant 0 : index
        %get3A_244 = tpu.vector_load %arg10[%get3A_240, %get3A_241, %get3A_242, %get3A_243] {strides = array<i32>} : memref<2x26x32x16xf32, #tpu.memory_space<vmem>>, vector<16xf32>,
        %add3A_245 = arith.addf %add3A_236, %get3A_244 : vector<16xf32>
        %mul3A_246 = arith.mulf %get3A_244, %get3A_244 : vector<16xf32>
        %add3A_247 = arith.addf %add3A_238, %mul3A_246 : vector<16xf32>
        %get3A_248 = arith.constant 17 : i32
        %get3A_249 = arith.index_cast %select_n3A_84 : i32 to index
        %get3A_250 = arith.index_cast %get3A_248 : i32 to index
        %get3A_251 = arith.index_cast %add3A_96 : i32 to index
        %get3A_252 = arith.constant 0 : index
        %get3A_253 = tpu.vector_load %arg10[%get3A_249, %get3A_250, %get3A_251, %get3A_252] {strides = array<i32>} : memref<2x26x32x16xf32, #tpu.memory_space<vmem>>, vector<16xf32>,
        %add3A_254 = arith.addf %add3A_245, %get3A_253 : vector<16xf32>
        %mul3A_255 = arith.mulf %get3A_253, %get3A_253 : vector<16xf32>
        %add3A_256 = arith.addf %add3A_247, %mul3A_255 : vector<16xf32>
        %get3A_257 = arith.constant 18 : i32
        %get3A_258 = arith.index_cast %select_n3A_84 : i32 to index
        %get3A_259 = arith.index_cast %get3A_257 : i32 to index
        %get3A_260 = arith.index_cast %add3A_96 : i32 to index
        %get3A_261 = arith.constant 0 : index
        %get3A_262 = tpu.vector_load %arg10[%get3A_258, %get3A_259, %get3A_260, %get3A_261] {strides = array<i32>} : memref<2x26x32x16xf32, #tpu.memory_space<vmem>>, vector<16xf32>,
        %add3A_263 = arith.addf %add3A_254, %get3A_262 : vector<16xf32>
        %mul3A_264 = arith.mulf %get3A_262, %get3A_262 : vector<16xf32>
        %add3A_265 = arith.addf %add3A_256, %mul3A_264 : vector<16xf32>
        %get3A_266 = arith.constant 19 : i32
        %get3A_267 = arith.index_cast %select_n3A_84 : i32 to index
        %get3A_268 = arith.index_cast %get3A_266 : i32 to index
        %get3A_269 = arith.index_cast %add3A_96 : i32 to index
        %get3A_270 = arith.constant 0 : index
        %get3A_271 = tpu.vector_load %arg10[%get3A_267, %get3A_268, %get3A_269, %get3A_270] {strides = array<i32>} : memref<2x26x32x16xf32, #tpu.memory_space<vmem>>, vector<16xf32>,
        %add3A_272 = arith.addf %add3A_263, %get3A_271 : vector<16xf32>
        %mul3A_273 = arith.mulf %get3A_271, %get3A_271 : vector<16xf32>
        %add3A_274 = arith.addf %add3A_265, %mul3A_273 : vector<16xf32>
        %get3A_275 = arith.constant 20 : i32
        %get3A_276 = arith.index_cast %select_n3A_84 : i32 to index
        %get3A_277 = arith.index_cast %get3A_275 : i32 to index
        %get3A_278 = arith.index_cast %add3A_96 : i32 to index
        %get3A_279 = arith.constant 0 : index
        %get3A_280 = tpu.vector_load %arg10[%get3A_276, %get3A_277, %get3A_278, %get3A_279] {strides = array<i32>} : memref<2x26x32x16xf32, #tpu.memory_space<vmem>>, vector<16xf32>,
        %add3A_281 = arith.addf %add3A_272, %get3A_280 : vector<16xf32>
        %mul3A_282 = arith.mulf %get3A_280, %get3A_280 : vector<16xf32>
        %add3A_283 = arith.addf %add3A_274, %mul3A_282 : vector<16xf32>
        %get3A_284 = arith.constant 21 : i32
        %get3A_285 = arith.index_cast %select_n3A_84 : i32 to index
        %get3A_286 = arith.index_cast %get3A_284 : i32 to index
        %get3A_287 = arith.index_cast %add3A_96 : i32 to index
        %get3A_288 = arith.constant 0 : index
        %get3A_289 = tpu.vector_load %arg10[%get3A_285, %get3A_286, %get3A_287, %get3A_288] {strides = array<i32>} : memref<2x26x32x16xf32, #tpu.memory_space<vmem>>, vector<16xf32>,
        %add3A_290 = arith.addf %add3A_281, %get3A_289 : vector<16xf32>
        %mul3A_291 = arith.mulf %get3A_289, %get3A_289 : vector<16xf32>
        %add3A_292 = arith.addf %add3A_283, %mul3A_291 : vector<16xf32>
        %get3A_293 = arith.constant 22 : i32
        %get3A_294 = arith.index_cast %select_n3A_84 : i32 to index
        %get3A_295 = arith.index_cast %get3A_293 : i32 to index
        %get3A_296 = arith.index_cast %add3A_96 : i32 to index
        %get3A_297 = arith.constant 0 : index
        %get3A_298 = tpu.vector_load %arg10[%get3A_294, %get3A_295, %get3A_296, %get3A_297] {strides = array<i32>} : memref<2x26x32x16xf32, #tpu.memory_space<vmem>>, vector<16xf32>,
        %add3A_299 = arith.addf %add3A_290, %get3A_298 : vector<16xf32>
        %mul3A_300 = arith.mulf %get3A_298, %get3A_298 : vector<16xf32>
        %add3A_301 = arith.addf %add3A_292, %mul3A_300 : vector<16xf32>
        %get3A_302 = arith.constant 23 : i32
        %get3A_303 = arith.index_cast %select_n3A_84 : i32 to index
        %get3A_304 = arith.index_cast %get3A_302 : i32 to index
        %get3A_305 = arith.index_cast %add3A_96 : i32 to index
        %get3A_306 = arith.constant 0 : index
        %get3A_307 = tpu.vector_load %arg10[%get3A_303, %get3A_304, %get3A_305, %get3A_306] {strides = array<i32>} : memref<2x26x32x16xf32, #tpu.memory_space<vmem>>, vector<16xf32>,
        %add3A_308 = arith.addf %add3A_299, %get3A_307 : vector<16xf32>
        %mul3A_309 = arith.mulf %get3A_307, %get3A_307 : vector<16xf32>
        %add3A_310 = arith.addf %add3A_301, %mul3A_309 : vector<16xf32>
        %get3A_311 = arith.constant 24 : i32
        %get3A_312 = arith.index_cast %select_n3A_84 : i32 to index
        %get3A_313 = arith.index_cast %get3A_311 : i32 to index
        %get3A_314 = arith.index_cast %add3A_96 : i32 to index
        %get3A_315 = arith.constant 0 : index
        %get3A_316 = tpu.vector_load %arg10[%get3A_312, %get3A_313, %get3A_314, %get3A_315] {strides = array<i32>} : memref<2x26x32x16xf32, #tpu.memory_space<vmem>>, vector<16xf32>,
        %add3A_317 = arith.addf %add3A_308, %get3A_316 : vector<16xf32>
        %mul3A_318 = arith.mulf %get3A_316, %get3A_316 : vector<16xf32>
        %add3A_319 = arith.addf %add3A_310, %mul3A_318 : vector<16xf32>
        %get3A_320 = arith.constant 25 : i32
        %get3A_321 = arith.index_cast %select_n3A_84 : i32 to index
        %get3A_322 = arith.index_cast %get3A_320 : i32 to index
        %get3A_323 = arith.index_cast %add3A_96 : i32 to index
        %get3A_324 = arith.constant 0 : index
        %get3A_325 = tpu.vector_load %arg10[%get3A_321, %get3A_322, %get3A_323, %get3A_324] {strides = array<i32>} : memref<2x26x32x16xf32, #tpu.memory_space<vmem>>, vector<16xf32>,
        %add3A_326 = arith.addf %add3A_317, %get3A_325 : vector<16xf32>
        %mul3A_327 = arith.mulf %get3A_325, %get3A_325 : vector<16xf32>
        %add3A_328 = arith.addf %add3A_319, %mul3A_327 : vector<16xf32>
        %mul3A_329 = arith.mulf %add3A_326, %add3A_326 : vector<16xf32>
        %sub3A_330 = arith.subf %mul3A_329, %add3A_328 : vector<16xf32>
        %reduce_sum3A = arith.constant true
        %reduce_sum3A_331 = vector.broadcast %reduce_sum3A : i1 to vector<16xi1>
        %reduce_sum3A_332 = tpu.scan <sum>, %sub3A_330 masked %reduce_sum3A_331 : vector<16xf32>, vector<16xi1> -> vector<16xf32>
        %reduce_sum3A_333 = vector.extract %reduce_sum3A_332[15] : f32 from vector<16xf32>
        %mul3A_334 = arith.constant 5.000000e-01 : f32
        %mul3A_335 = arith.mulf %mul3A_334, %reduce_sum3A_333 : f32
        %eq3A_336 = arith.constant 0 : i32
        %eq3A_337 = vector.broadcast %eq3A_336 : i32 to vector<16xi32>
        %eq3A_338 = arith.cmpi eq, %iota3A, %eq3A_337 : vector<16xi32>
        %broadcast_in_dim3A_339 = vector.broadcast %mul3A_335 : f32 to vector<16xf32>
        %select_n3A_340 = arith.select %eq3A_338, %broadcast_in_dim3A_339, %broadcast_in_dim3A_92 : vector<16xi1>, vector<16xf32>
        %mul3A_341 = arith.constant 16 : i32
        %mul3A_342 = arith.muli %scan3A_91, %mul3A_341 : i32
        %add3A_343 = arith.constant 1 : i32
        %add3A_344 = arith.addi %mul3A_342, %add3A_343 : i32
        %get3A_345 = arith.constant 0 : i32
        %get3A_346 = arith.index_cast %select_n3A_84 : i32 to index
        %get3A_347 = arith.index_cast %get3A_345 : i32 to index
        %get3A_348 = arith.index_cast %add3A_344 : i32 to index
        %get3A_349 = arith.constant 0 : index
        %get3A_350 = tpu.vector_load %arg10[%get3A_346, %get3A_347, %get3A_348, %get3A_349] {strides = array<i32>} : memref<2x26x32x16xf32, #tpu.memory_space<vmem>>, vector<16xf32>,
        %mul3A_351 = arith.mulf %get3A_350, %get3A_350 : vector<16xf32>
        %get3A_352 = arith.constant 1 : i32
        %get3A_353 = arith.index_cast %select_n3A_84 : i32 to index
        %get3A_354 = arith.index_cast %get3A_352 : i32 to index
        %get3A_355 = arith.index_cast %add3A_344 : i32 to index
        %get3A_356 = arith.constant 0 : index
        %get3A_357 = tpu.vector_load %arg10[%get3A_353, %get3A_354, %get3A_355, %get3A_356] {strides = array<i32>} : memref<2x26x32x16xf32, #tpu.memory_space<vmem>>, vector<16xf32>,
        %add3A_358 = arith.addf %get3A_350, %get3A_357 : vector<16xf32>
        %mul3A_359 = arith.mulf %get3A_357, %get3A_357 : vector<16xf32>
        %add3A_360 = arith.addf %mul3A_351, %mul3A_359 : vector<16xf32>
        %get3A_361 = arith.constant 2 : i32
        %get3A_362 = arith.index_cast %select_n3A_84 : i32 to index
        %get3A_363 = arith.index_cast %get3A_361 : i32 to index
        %get3A_364 = arith.index_cast %add3A_344 : i32 to index
        %get3A_365 = arith.constant 0 : index
        %get3A_366 = tpu.vector_load %arg10[%get3A_362, %get3A_363, %get3A_364, %get3A_365] {strides = array<i32>} : memref<2x26x32x16xf32, #tpu.memory_space<vmem>>, vector<16xf32>,
        %add3A_367 = arith.addf %add3A_358, %get3A_366 : vector<16xf32>
        %mul3A_368 = arith.mulf %get3A_366, %get3A_366 : vector<16xf32>
        %add3A_369 = arith.addf %add3A_360, %mul3A_368 : vector<16xf32>
        %get3A_370 = arith.constant 3 : i32
        %get3A_371 = arith.index_cast %select_n3A_84 : i32 to index
        %get3A_372 = arith.index_cast %get3A_370 : i32 to index
        %get3A_373 = arith.index_cast %add3A_344 : i32 to index
        %get3A_374 = arith.constant 0 : index
        %get3A_375 = tpu.vector_load %arg10[%get3A_371, %get3A_372, %get3A_373, %get3A_374] {strides = array<i32>} : memref<2x26x32x16xf32, #tpu.memory_space<vmem>>, vector<16xf32>,
        %add3A_376 = arith.addf %add3A_367, %get3A_375 : vector<16xf32>
        %mul3A_377 = arith.mulf %get3A_375, %get3A_375 : vector<16xf32>
        %add3A_378 = arith.addf %add3A_369, %mul3A_377 : vector<16xf32>
        %get3A_379 = arith.constant 4 : i32
        %get3A_380 = arith.index_cast %select_n3A_84 : i32 to index
        %get3A_381 = arith.index_cast %get3A_379 : i32 to index
        %get3A_382 = arith.index_cast %add3A_344 : i32 to index
        %get3A_383 = arith.constant 0 : index
        %get3A_384 = tpu.vector_load %arg10[%get3A_380, %get3A_381, %get3A_382, %get3A_383] {strides = array<i32>} : memref<2x26x32x16xf32, #tpu.memory_space<vmem>>, vector<16xf32>,
        %add3A_385 = arith.addf %add3A_376, %get3A_384 : vector<16xf32>
        %mul3A_386 = arith.mulf %get3A_384, %get3A_384 : vector<16xf32>
        %add3A_387 = arith.addf %add3A_378, %mul3A_386 : vector<16xf32>
        %get3A_388 = arith.constant 5 : i32
        %get3A_389 = arith.index_cast %select_n3A_84 : i32 to index
        %get3A_390 = arith.index_cast %get3A_388 : i32 to index
        %get3A_391 = arith.index_cast %add3A_344 : i32 to index
        %get3A_392 = arith.constant 0 : index
        %get3A_393 = tpu.vector_load %arg10[%get3A_389, %get3A_390, %get3A_391, %get3A_392] {strides = array<i32>} : memref<2x26x32x16xf32, #tpu.memory_space<vmem>>, vector<16xf32>,
        %add3A_394 = arith.addf %add3A_385, %get3A_393 : vector<16xf32>
        %mul3A_395 = arith.mulf %get3A_393, %get3A_393 : vector<16xf32>
        %add3A_396 = arith.addf %add3A_387, %mul3A_395 : vector<16xf32>
        %get3A_397 = arith.constant 6 : i32
        %get3A_398 = arith.index_cast %select_n3A_84 : i32 to index
        %get3A_399 = arith.index_cast %get3A_397 : i32 to index
        %get3A_400 = arith.index_cast %add3A_344 : i32 to index
        %get3A_401 = arith.constant 0 : index
        %get3A_402 = tpu.vector_load %arg10[%get3A_398, %get3A_399, %get3A_400, %get3A_401] {strides = array<i32>} : memref<2x26x32x16xf32, #tpu.memory_space<vmem>>, vector<16xf32>,
        %add3A_403 = arith.addf %add3A_394, %get3A_402 : vector<16xf32>
        %mul3A_404 = arith.mulf %get3A_402, %get3A_402 : vector<16xf32>
        %add3A_405 = arith.addf %add3A_396, %mul3A_404 : vector<16xf32>
        %get3A_406 = arith.constant 7 : i32
        %get3A_407 = arith.index_cast %select_n3A_84 : i32 to index
        %get3A_408 = arith.index_cast %get3A_406 : i32 to index
        %get3A_409 = arith.index_cast %add3A_344 : i32 to index
        %get3A_410 = arith.constant 0 : index
        %get3A_411 = tpu.vector_load %arg10[%get3A_407, %get3A_408, %get3A_409, %get3A_410] {strides = array<i32>} : memref<2x26x32x16xf32, #tpu.memory_space<vmem>>, vector<16xf32>,
        %add3A_412 = arith.addf %add3A_403, %get3A_411 : vector<16xf32>
        %mul3A_413 = arith.mulf %get3A_411, %get3A_411 : vector<16xf32>
        %add3A_414 = arith.addf %add3A_405, %mul3A_413 : vector<16xf32>
        %get3A_415 = arith.constant 8 : i32
        %get3A_416 = arith.index_cast %select_n3A_84 : i32 to index
        %get3A_417 = arith.index_cast %get3A_415 : i32 to index
        %get3A_418 = arith.index_cast %add3A_344 : i32 to index
        %get3A_419 = arith.constant 0 : index
        %get3A_420 = tpu.vector_load %arg10[%get3A_416, %get3A_417, %get3A_418, %get3A_419] {strides = array<i32>} : memref<2x26x32x16xf32, #tpu.memory_space<vmem>>, vector<16xf32>,
        %add3A_421 = arith.addf %add3A_412, %get3A_420 : vector<16xf32>
        %mul3A_422 = arith.mulf %get3A_420, %get3A_420 : vector<16xf32>
        %add3A_423 = arith.addf %add3A_414, %mul3A_422 : vector<16xf32>
        %get3A_424 = arith.constant 9 : i32
        %get3A_425 = arith.index_cast %select_n3A_84 : i32 to index
        %get3A_426 = arith.index_cast %get3A_424 : i32 to index
        %get3A_427 = arith.index_cast %add3A_344 : i32 to index
        %get3A_428 = arith.constant 0 : index
        %get3A_429 = tpu.vector_load %arg10[%get3A_425, %get3A_426, %get3A_427, %get3A_428] {strides = array<i32>} : memref<2x26x32x16xf32, #tpu.memory_space<vmem>>, vector<16xf32>,
        %add3A_430 = arith.addf %add3A_421, %get3A_429 : vector<16xf32>
        %mul3A_431 = arith.mulf %get3A_429, %get3A_429 : vector<16xf32>
        %add3A_432 = arith.addf %add3A_423, %mul3A_431 : vector<16xf32>
        %get3A_433 = arith.constant 10 : i32
        %get3A_434 = arith.index_cast %select_n3A_84 : i32 to index
        %get3A_435 = arith.index_cast %get3A_433 : i32 to index
        %get3A_436 = arith.index_cast %add3A_344 : i32 to index
        %get3A_437 = arith.constant 0 : index
        %get3A_438 = tpu.vector_load %arg10[%get3A_434, %get3A_435, %get3A_436, %get3A_437] {strides = array<i32>} : memref<2x26x32x16xf32, #tpu.memory_space<vmem>>, vector<16xf32>,
        %add3A_439 = arith.addf %add3A_430, %get3A_438 : vector<16xf32>
        %mul3A_440 = arith.mulf %get3A_438, %get3A_438 : vector<16xf32>
        %add3A_441 = arith.addf %add3A_432, %mul3A_440 : vector<16xf32>
        %get3A_442 = arith.constant 11 : i32
        %get3A_443 = arith.index_cast %select_n3A_84 : i32 to index
        %get3A_444 = arith.index_cast %get3A_442 : i32 to index
        %get3A_445 = arith.index_cast %add3A_344 : i32 to index
        %get3A_446 = arith.constant 0 : index
        %get3A_447 = tpu.vector_load %arg10[%get3A_443, %get3A_444, %get3A_445, %get3A_446] {strides = array<i32>} : memref<2x26x32x16xf32, #tpu.memory_space<vmem>>, vector<16xf32>,
        %add3A_448 = arith.addf %add3A_439, %get3A_447 : vector<16xf32>
        %mul3A_449 = arith.mulf %get3A_447, %get3A_447 : vector<16xf32>
        %add3A_450 = arith.addf %add3A_441, %mul3A_449 : vector<16xf32>
        %get3A_451 = arith.constant 12 : i32
        %get3A_452 = arith.index_cast %select_n3A_84 : i32 to index
        %get3A_453 = arith.index_cast %get3A_451 : i32 to index
        %get3A_454 = arith.index_cast %add3A_344 : i32 to index
        %get3A_455 = arith.constant 0 : index
        %get3A_456 = tpu.vector_load %arg10[%get3A_452, %get3A_453, %get3A_454, %get3A_455] {strides = array<i32>} : memref<2x26x32x16xf32, #tpu.memory_space<vmem>>, vector<16xf32>,
        %add3A_457 = arith.addf %add3A_448, %get3A_456 : vector<16xf32>
        %mul3A_458 = arith.mulf %get3A_456, %get3A_456 : vector<16xf32>
        %add3A_459 = arith.addf %add3A_450, %mul3A_458 : vector<16xf32>
        %get3A_460 = arith.constant 13 : i32
        %get3A_461 = arith.index_cast %select_n3A_84 : i32 to index
        %get3A_462 = arith.index_cast %get3A_460 : i32 to index
        %get3A_463 = arith.index_cast %add3A_344 : i32 to index
        %get3A_464 = arith.constant 0 : index
        %get3A_465 = tpu.vector_load %arg10[%get3A_461, %get3A_462, %get3A_463, %get3A_464] {strides = array<i32>} : memref<2x26x32x16xf32, #tpu.memory_space<vmem>>, vector<16xf32>,
        %add3A_466 = arith.addf %add3A_457, %get3A_465 : vector<16xf32>
        %mul3A_467 = arith.mulf %get3A_465, %get3A_465 : vector<16xf32>
        %add3A_468 = arith.addf %add3A_459, %mul3A_467 : vector<16xf32>
        %get3A_469 = arith.constant 14 : i32
        %get3A_470 = arith.index_cast %select_n3A_84 : i32 to index
        %get3A_471 = arith.index_cast %get3A_469 : i32 to index
        %get3A_472 = arith.index_cast %add3A_344 : i32 to index
        %get3A_473 = arith.constant 0 : index
        %get3A_474 = tpu.vector_load %arg10[%get3A_470, %get3A_471, %get3A_472, %get3A_473] {strides = array<i32>} : memref<2x26x32x16xf32, #tpu.memory_space<vmem>>, vector<16xf32>,
        %add3A_475 = arith.addf %add3A_466, %get3A_474 : vector<16xf32>
        %mul3A_476 = arith.mulf %get3A_474, %get3A_474 : vector<16xf32>
        %add3A_477 = arith.addf %add3A_468, %mul3A_476 : vector<16xf32>
        %get3A_478 = arith.constant 15 : i32
        %get3A_479 = arith.index_cast %select_n3A_84 : i32 to index
        %get3A_480 = arith.index_cast %get3A_478 : i32 to index
        %get3A_481 = arith.index_cast %add3A_344 : i32 to index
        %get3A_482 = arith.constant 0 : index
        %get3A_483 = tpu.vector_load %arg10[%get3A_479, %get3A_480, %get3A_481, %get3A_482] {strides = array<i32>} : memref<2x26x32x16xf32, #tpu.memory_space<vmem>>, vector<16xf32>,
        %add3A_484 = arith.addf %add3A_475, %get3A_483 : vector<16xf32>
        %mul3A_485 = arith.mulf %get3A_483, %get3A_483 : vector<16xf32>
        %add3A_486 = arith.addf %add3A_477, %mul3A_485 : vector<16xf32>
        %get3A_487 = arith.constant 16 : i32
        %get3A_488 = arith.index_cast %select_n3A_84 : i32 to index
        %get3A_489 = arith.index_cast %get3A_487 : i32 to index
        %get3A_490 = arith.index_cast %add3A_344 : i32 to index
        %get3A_491 = arith.constant 0 : index
        %get3A_492 = tpu.vector_load %arg10[%get3A_488, %get3A_489, %get3A_490, %get3A_491] {strides = array<i32>} : memref<2x26x32x16xf32, #tpu.memory_space<vmem>>, vector<16xf32>,
        %add3A_493 = arith.addf %add3A_484, %get3A_492 : vector<16xf32>
        %mul3A_494 = arith.mulf %get3A_492, %get3A_492 : vector<16xf32>
        %add3A_495 = arith.addf %add3A_486, %mul3A_494 : vector<16xf32>
        %get3A_496 = arith.constant 17 : i32
        %get3A_497 = arith.index_cast %select_n3A_84 : i32 to index
        %get3A_498 = arith.index_cast %get3A_496 : i32 to index
        %get3A_499 = arith.index_cast %add3A_344 : i32 to index
        %get3A_500 = arith.constant 0 : index
        %get3A_501 = tpu.vector_load %arg10[%get3A_497, %get3A_498, %get3A_499, %get3A_500] {strides = array<i32>} : memref<2x26x32x16xf32, #tpu.memory_space<vmem>>, vector<16xf32>,
        %add3A_502 = arith.addf %add3A_493, %get3A_501 : vector<16xf32>
        %mul3A_503 = arith.mulf %get3A_501, %get3A_501 : vector<16xf32>
        %add3A_504 = arith.addf %add3A_495, %mul3A_503 : vector<16xf32>
        %get3A_505 = arith.constant 18 : i32
        %get3A_506 = arith.index_cast %select_n3A_84 : i32 to index
        %get3A_507 = arith.index_cast %get3A_505 : i32 to index
        %get3A_508 = arith.index_cast %add3A_344 : i32 to index
        %get3A_509 = arith.constant 0 : index
        %get3A_510 = tpu.vector_load %arg10[%get3A_506, %get3A_507, %get3A_508, %get3A_509] {strides = array<i32>} : memref<2x26x32x16xf32, #tpu.memory_space<vmem>>, vector<16xf32>,
        %add3A_511 = arith.addf %add3A_502, %get3A_510 : vector<16xf32>
        %mul3A_512 = arith.mulf %get3A_510, %get3A_510 : vector<16xf32>
        %add3A_513 = arith.addf %add3A_504, %mul3A_512 : vector<16xf32>
        %get3A_514 = arith.constant 19 : i32
        %get3A_515 = arith.index_cast %select_n3A_84 : i32 to index
        %get3A_516 = arith.index_cast %get3A_514 : i32 to index
        %get3A_517 = arith.index_cast %add3A_344 : i32 to index
        %get3A_518 = arith.constant 0 : index
        %get3A_519 = tpu.vector_load %arg10[%get3A_515, %get3A_516, %get3A_517, %get3A_518] {strides = array<i32>} : memref<2x26x32x16xf32, #tpu.memory_space<vmem>>, vector<16xf32>,
        %add3A_520 = arith.addf %add3A_511, %get3A_519 : vector<16xf32>
        %mul3A_521 = arith.mulf %get3A_519, %get3A_519 : vector<16xf32>
        %add3A_522 = arith.addf %add3A_513, %mul3A_521 : vector<16xf32>
        %get3A_523 = arith.constant 20 : i32
        %get3A_524 = arith.index_cast %select_n3A_84 : i32 to index
        %get3A_525 = arith.index_cast %get3A_523 : i32 to index
        %get3A_526 = arith.index_cast %add3A_344 : i32 to index
        %get3A_527 = arith.constant 0 : index
        %get3A_528 = tpu.vector_load %arg10[%get3A_524, %get3A_525, %get3A_526, %get3A_527] {strides = array<i32>} : memref<2x26x32x16xf32, #tpu.memory_space<vmem>>, vector<16xf32>,
        %add3A_529 = arith.addf %add3A_520, %get3A_528 : vector<16xf32>
        %mul3A_530 = arith.mulf %get3A_528, %get3A_528 : vector<16xf32>
        %add3A_531 = arith.addf %add3A_522, %mul3A_530 : vector<16xf32>
        %get3A_532 = arith.constant 21 : i32
        %get3A_533 = arith.index_cast %select_n3A_84 : i32 to index
        %get3A_534 = arith.index_cast %get3A_532 : i32 to index
        %get3A_535 = arith.index_cast %add3A_344 : i32 to index
        %get3A_536 = arith.constant 0 : index
        %get3A_537 = tpu.vector_load %arg10[%get3A_533, %get3A_534, %get3A_535, %get3A_536] {strides = array<i32>} : memref<2x26x32x16xf32, #tpu.memory_space<vmem>>, vector<16xf32>,
        %add3A_538 = arith.addf %add3A_529, %get3A_537 : vector<16xf32>
        %mul3A_539 = arith.mulf %get3A_537, %get3A_537 : vector<16xf32>
        %add3A_540 = arith.addf %add3A_531, %mul3A_539 : vector<16xf32>
        %get3A_541 = arith.constant 22 : i32
        %get3A_542 = arith.index_cast %select_n3A_84 : i32 to index
        %get3A_543 = arith.index_cast %get3A_541 : i32 to index
        %get3A_544 = arith.index_cast %add3A_344 : i32 to index
        %get3A_545 = arith.constant 0 : index
        %get3A_546 = tpu.vector_load %arg10[%get3A_542, %get3A_543, %get3A_544, %get3A_545] {strides = array<i32>} : memref<2x26x32x16xf32, #tpu.memory_space<vmem>>, vector<16xf32>,
        %add3A_547 = arith.addf %add3A_538, %get3A_546 : vector<16xf32>
        %mul3A_548 = arith.mulf %get3A_546, %get3A_546 : vector<16xf32>
        %add3A_549 = arith.addf %add3A_540, %mul3A_548 : vector<16xf32>
        %get3A_550 = arith.constant 23 : i32
        %get3A_551 = arith.index_cast %select_n3A_84 : i32 to index
        %get3A_552 = arith.index_cast %get3A_550 : i32 to index
        %get3A_553 = arith.index_cast %add3A_344 : i32 to index
        %get3A_554 = arith.constant 0 : index
        %get3A_555 = tpu.vector_load %arg10[%get3A_551, %get3A_552, %get3A_553, %get3A_554] {strides = array<i32>} : memref<2x26x32x16xf32, #tpu.memory_space<vmem>>, vector<16xf32>,
        %add3A_556 = arith.addf %add3A_547, %get3A_555 : vector<16xf32>
        %mul3A_557 = arith.mulf %get3A_555, %get3A_555 : vector<16xf32>
        %add3A_558 = arith.addf %add3A_549, %mul3A_557 : vector<16xf32>
        %get3A_559 = arith.constant 24 : i32
        %get3A_560 = arith.index_cast %select_n3A_84 : i32 to index
        %get3A_561 = arith.index_cast %get3A_559 : i32 to index
        %get3A_562 = arith.index_cast %add3A_344 : i32 to index
        %get3A_563 = arith.constant 0 : index
        %get3A_564 = tpu.vector_load %arg10[%get3A_560, %get3A_561, %get3A_562, %get3A_563] {strides = array<i32>} : memref<2x26x32x16xf32, #tpu.memory_space<vmem>>, vector<16xf32>,
        %add3A_565 = arith.addf %add3A_556, %get3A_564 : vector<16xf32>
        %mul3A_566 = arith.mulf %get3A_564, %get3A_564 : vector<16xf32>
        %add3A_567 = arith.addf %add3A_558, %mul3A_566 : vector<16xf32>
        %get3A_568 = arith.constant 25 : i32
        %get3A_569 = arith.index_cast %select_n3A_84 : i32 to index
        %get3A_570 = arith.index_cast %get3A_568 : i32 to index
        %get3A_571 = arith.index_cast %add3A_344 : i32 to index
        %get3A_572 = arith.constant 0 : index
        %get3A_573 = tpu.vector_load %arg10[%get3A_569, %get3A_570, %get3A_571, %get3A_572] {strides = array<i32>} : memref<2x26x32x16xf32, #tpu.memory_space<vmem>>, vector<16xf32>,
        %add3A_574 = arith.addf %add3A_565, %get3A_573 : vector<16xf32>
        %mul3A_575 = arith.mulf %get3A_573, %get3A_573 : vector<16xf32>
        %add3A_576 = arith.addf %add3A_567, %mul3A_575 : vector<16xf32>
        %mul3A_577 = arith.mulf %add3A_574, %add3A_574 : vector<16xf32>
        %sub3A_578 = arith.subf %mul3A_577, %add3A_576 : vector<16xf32>
        %reduce_sum3A_579 = arith.constant true
        %reduce_sum3A_580 = vector.broadcast %reduce_sum3A_579 : i1 to vector<16xi1>
        %reduce_sum3A_581 = tpu.scan <sum>, %sub3A_578 masked %reduce_sum3A_580 : vector<16xf32>, vector<16xi1> -> vector<16xf32>
        %reduce_sum3A_582 = vector.extract %reduce_sum3A_581[15] : f32 from vector<16xf32>
        %mul3A_583 = arith.constant 5.000000e-01 : f32
        %mul3A_584 = arith.mulf %mul3A_583, %reduce_sum3A_582 : f32
        %eq3A_585 = arith.constant 1 : i32
        %eq3A_586 = vector.broadcast %eq3A_585 : i32 to vector<16xi32>
        %eq3A_587 = arith.cmpi eq, %iota3A, %eq3A_586 : vector<16xi32>
        %broadcast_in_dim3A_588 = vector.broadcast %mul3A_584 : f32 to vector<16xf32>
        %select_n3A_589 = arith.select %eq3A_587, %broadcast_in_dim3A_588, %select_n3A_340 : vector<16xi1>, vector<16xf32>
        %mul3A_590 = arith.constant 16 : i32
        %mul3A_591 = arith.muli %scan3A_91, %mul3A_590 : i32
        %add3A_592 = arith.constant 2 : i32
        %add3A_593 = arith.addi %mul3A_591, %add3A_592 : i32
        %get3A_594 = arith.constant 0 : i32
        %get3A_595 = arith.index_cast %select_n3A_84 : i32 to index
        %get3A_596 = arith.index_cast %get3A_594 : i32 to index
        %get3A_597 = arith.index_cast %add3A_593 : i32 to index
        %get3A_598 = arith.constant 0 : index
        %get3A_599 = tpu.vector_load %arg10[%get3A_595, %get3A_596, %get3A_597, %get3A_598] {strides = array<i32>} : memref<2x26x32x16xf32, #tpu.memory_space<vmem>>, vector<16xf32>,
        %mul3A_600 = arith.mulf %get3A_599, %get3A_599 : vector<16xf32>
        %get3A_601 = arith.constant 1 : i32
        %get3A_602 = arith.index_cast %select_n3A_84 : i32 to index
        %get3A_603 = arith.index_cast %get3A_601 : i32 to index
        %get3A_604 = arith.index_cast %add3A_593 : i32 to index
        %get3A_605 = arith.constant 0 : index
        %get3A_606 = tpu.vector_load %arg10[%get3A_602, %get3A_603, %get3A_604, %get3A_605] {strides = array<i32>} : memref<2x26x32x16xf32, #tpu.memory_space<vmem>>, vector<16xf32>,
        %add3A_607 = arith.addf %get3A_599, %get3A_606 : vector<16xf32>
        %mul3A_608 = arith.mulf %get3A_606, %get3A_606 : vector<16xf32>
        %add3A_609 = arith.addf %mul3A_600, %mul3A_608 : vector<16xf32>
        %get3A_610 = arith.constant 2 : i32
        %get3A_611 = arith.index_cast %select_n3A_84 : i32 to index
        %get3A_612 = arith.index_cast %get3A_610 : i32 to index
        %get3A_613 = arith.index_cast %add3A_593 : i32 to index
        %get3A_614 = arith.constant 0 : index
        %get3A_615 = tpu.vector_load %arg10[%get3A_611, %get3A_612, %get3A_613, %get3A_614] {strides = array<i32>} : memref<2x26x32x16xf32, #tpu.memory_space<vmem>>, vector<16xf32>,
        %add3A_616 = arith.addf %add3A_607, %get3A_615 : vector<16xf32>
        %mul3A_617 = arith.mulf %get3A_615, %get3A_615 : vector<16xf32>
        %add3A_618 = arith.addf %add3A_609, %mul3A_617 : vector<16xf32>
        %get3A_619 = arith.constant 3 : i32
        %get3A_620 = arith.index_cast %select_n3A_84 : i32 to index
        %get3A_621 = arith.index_cast %get3A_619 : i32 to index
        %get3A_622 = arith.index_cast %add3A_593 : i32 to index
        %get3A_623 = arith.constant 0 : index
        %get3A_624 = tpu.vector_load %arg10[%get3A_620, %get3A_621, %get3A_622, %get3A_623] {strides = array<i32>} : memref<2x26x32x16xf32, #tpu.memory_space<vmem>>, vector<16xf32>,
        %add3A_625 = arith.addf %add3A_616, %get3A_624 : vector<16xf32>
        %mul3A_626 = arith.mulf %get3A_624, %get3A_624 : vector<16xf32>
        %add3A_627 = arith.addf %add3A_618, %mul3A_626 : vector<16xf32>
        %get3A_628 = arith.constant 4 : i32
        %get3A_629 = arith.index_cast %select_n3A_84 : i32 to index
        %get3A_630 = arith.index_cast %get3A_628 : i32 to index
        %get3A_631 = arith.index_cast %add3A_593 : i32 to index
        %get3A_632 = arith.constant 0 : index
        %get3A_633 = tpu.vector_load %arg10[%get3A_629, %get3A_630, %get3A_631, %get3A_632] {strides = array<i32>} : memref<2x26x32x16xf32, #tpu.memory_space<vmem>>, vector<16xf32>,
        %add3A_634 = arith.addf %add3A_625, %get3A_633 : vector<16xf32>
        %mul3A_635 = arith.mulf %get3A_633, %get3A_633 : vector<16xf32>
        %add3A_636 = arith.addf %add3A_627, %mul3A_635 : vector<16xf32>
        %get3A_637 = arith.constant 5 : i32
        %get3A_638 = arith.index_cast %select_n3A_84 : i32 to index
        %get3A_639 = arith.index_cast %get3A_637 : i32 to index
        %get3A_640 = arith.index_cast %add3A_593 : i32 to index
        %get3A_641 = arith.constant 0 : index
        %get3A_642 = tpu.vector_load %arg10[%get3A_638, %get3A_639, %get3A_640, %get3A_641] {strides = array<i32>} : memref<2x26x32x16xf32, #tpu.memory_space<vmem>>, vector<16xf32>,
        %add3A_643 = arith.addf %add3A_634, %get3A_642 : vector<16xf32>
        %mul3A_644 = arith.mulf %get3A_642, %get3A_642 : vector<16xf32>
        %add3A_645 = arith.addf %add3A_636, %mul3A_644 : vector<16xf32>
        %get3A_646 = arith.constant 6 : i32
        %get3A_647 = arith.index_cast %select_n3A_84 : i32 to index
        %get3A_648 = arith.index_cast %get3A_646 : i32 to index
        %get3A_649 = arith.index_cast %add3A_593 : i32 to index
        %get3A_650 = arith.constant 0 : index
        %get3A_651 = tpu.vector_load %arg10[%get3A_647, %get3A_648, %get3A_649, %get3A_650] {strides = array<i32>} : memref<2x26x32x16xf32, #tpu.memory_space<vmem>>, vector<16xf32>,
        %add3A_652 = arith.addf %add3A_643, %get3A_651 : vector<16xf32>
        %mul3A_653 = arith.mulf %get3A_651, %get3A_651 : vector<16xf32>
        %add3A_654 = arith.addf %add3A_645, %mul3A_653 : vector<16xf32>
        %get3A_655 = arith.constant 7 : i32
        %get3A_656 = arith.index_cast %select_n3A_84 : i32 to index
        %get3A_657 = arith.index_cast %get3A_655 : i32 to index
        %get3A_658 = arith.index_cast %add3A_593 : i32 to index
        %get3A_659 = arith.constant 0 : index
        %get3A_660 = tpu.vector_load %arg10[%get3A_656, %get3A_657, %get3A_658, %get3A_659] {strides = array<i32>} : memref<2x26x32x16xf32, #tpu.memory_space<vmem>>, vector<16xf32>,
        %add3A_661 = arith.addf %add3A_652, %get3A_660 : vector<16xf32>
        %mul3A_662 = arith.mulf %get3A_660, %get3A_660 : vector<16xf32>
        %add3A_663 = arith.addf %add3A_654, %mul3A_662 : vector<16xf32>
        %get3A_664 = arith.constant 8 : i32
        %get3A_665 = arith.index_cast %select_n3A_84 : i32 to index
        %get3A_666 = arith.index_cast %get3A_664 : i32 to index
        %get3A_667 = arith.index_cast %add3A_593 : i32 to index
        %get3A_668 = arith.constant 0 : index
        %get3A_669 = tpu.vector_load %arg10[%get3A_665, %get3A_666, %get3A_667, %get3A_668] {strides = array<i32>} : memref<2x26x32x16xf32, #tpu.memory_space<vmem>>, vector<16xf32>,
        %add3A_670 = arith.addf %add3A_661, %get3A_669 : vector<16xf32>
        %mul3A_671 = arith.mulf %get3A_669, %get3A_669 : vector<16xf32>
        %add3A_672 = arith.addf %add3A_663, %mul3A_671 : vector<16xf32>
        %get3A_673 = arith.constant 9 : i32
        %get3A_674 = arith.index_cast %select_n3A_84 : i32 to index
        %get3A_675 = arith.index_cast %get3A_673 : i32 to index
        %get3A_676 = arith.index_cast %add3A_593 : i32 to index
        %get3A_677 = arith.constant 0 : index
        %get3A_678 = tpu.vector_load %arg10[%get3A_674, %get3A_675, %get3A_676, %get3A_677] {strides = array<i32>} : memref<2x26x32x16xf32, #tpu.memory_space<vmem>>, vector<16xf32>,
        %add3A_679 = arith.addf %add3A_670, %get3A_678 : vector<16xf32>
        %mul3A_680 = arith.mulf %get3A_678, %get3A_678 : vector<16xf32>
        %add3A_681 = arith.addf %add3A_672, %mul3A_680 : vector<16xf32>
        %get3A_682 = arith.constant 10 : i32
        %get3A_683 = arith.index_cast %select_n3A_84 : i32 to index
        %get3A_684 = arith.index_cast %get3A_682 : i32 to index
        %get3A_685 = arith.index_cast %add3A_593 : i32 to index
        %get3A_686 = arith.constant 0 : index
        %get3A_687 = tpu.vector_load %arg10[%get3A_683, %get3A_684, %get3A_685, %get3A_686] {strides = array<i32>} : memref<2x26x32x16xf32, #tpu.memory_space<vmem>>, vector<16xf32>,
        %add3A_688 = arith.addf %add3A_679, %get3A_687 : vector<16xf32>
        %mul3A_689 = arith.mulf %get3A_687, %get3A_687 : vector<16xf32>
        %add3A_690 = arith.addf %add3A_681, %mul3A_689 : vector<16xf32>
        %get3A_691 = arith.constant 11 : i32
        %get3A_692 = arith.index_cast %select_n3A_84 : i32 to index
        %get3A_693 = arith.index_cast %get3A_691 : i32 to index
        %get3A_694 = arith.index_cast %add3A_593 : i32 to index
        %get3A_695 = arith.constant 0 : index
        %get3A_696 = tpu.vector_load %arg10[%get3A_692, %get3A_693, %get3A_694, %get3A_695] {strides = array<i32>} : memref<2x26x32x16xf32, #tpu.memory_space<vmem>>, vector<16xf32>,
        %add3A_697 = arith.addf %add3A_688, %get3A_696 : vector<16xf32>
        %mul3A_698 = arith.mulf %get3A_696, %get3A_696 : vector<16xf32>
        %add3A_699 = arith.addf %add3A_690, %mul3A_698 : vector<16xf32>
        %get3A_700 = arith.constant 12 : i32
        %get3A_701 = arith.index_cast %select_n3A_84 : i32 to index
        %get3A_702 = arith.index_cast %get3A_700 : i32 to index
        %get3A_703 = arith.index_cast %add3A_593 : i32 to index
        %get3A_704 = arith.constant 0 : index
        %get3A_705 = tpu.vector_load %arg10[%get3A_701, %get3A_702, %get3A_703, %get3A_704] {strides = array<i32>} : memref<2x26x32x16xf32, #tpu.memory_space<vmem>>, vector<16xf32>,
        %add3A_706 = arith.addf %add3A_697, %get3A_705 : vector<16xf32>
        %mul3A_707 = arith.mulf %get3A_705, %get3A_705 : vector<16xf32>
        %add3A_708 = arith.addf %add3A_699, %mul3A_707 : vector<16xf32>
        %get3A_709 = arith.constant 13 : i32
        %get3A_710 = arith.index_cast %select_n3A_84 : i32 to index
        %get3A_711 = arith.index_cast %get3A_709 : i32 to index
        %get3A_712 = arith.index_cast %add3A_593 : i32 to index
        %get3A_713 = arith.constant 0 : index
        %get3A_714 = tpu.vector_load %arg10[%get3A_710, %get3A_711, %get3A_712, %get3A_713] {strides = array<i32>} : memref<2x26x32x16xf32, #tpu.memory_space<vmem>>, vector<16xf32>,
        %add3A_715 = arith.addf %add3A_706, %get3A_714 : vector<16xf32>
        %mul3A_716 = arith.mulf %get3A_714, %get3A_714 : vector<16xf32>
        %add3A_717 = arith.addf %add3A_708, %mul3A_716 : vector<16xf32>
        %get3A_718 = arith.constant 14 : i32
        %get3A_719 = arith.index_cast %select_n3A_84 : i32 to index
        %get3A_720 = arith.index_cast %get3A_718 : i32 to index
        %get3A_721 = arith.index_cast %add3A_593 : i32 to index
        %get3A_722 = arith.constant 0 : index
        %get3A_723 = tpu.vector_load %arg10[%get3A_719, %get3A_720, %get3A_721, %get3A_722] {strides = array<i32>} : memref<2x26x32x16xf32, #tpu.memory_space<vmem>>, vector<16xf32>,
        %add3A_724 = arith.addf %add3A_715, %get3A_723 : vector<16xf32>
        %mul3A_725 = arith.mulf %get3A_723, %get3A_723 : vector<16xf32>
        %add3A_726 = arith.addf %add3A_717, %mul3A_725 : vector<16xf32>
        %get3A_727 = arith.constant 15 : i32
        %get3A_728 = arith.index_cast %select_n3A_84 : i32 to index
        %get3A_729 = arith.index_cast %get3A_727 : i32 to index
        %get3A_730 = arith.index_cast %add3A_593 : i32 to index
        %get3A_731 = arith.constant 0 : index
        %get3A_732 = tpu.vector_load %arg10[%get3A_728, %get3A_729, %get3A_730, %get3A_731] {strides = array<i32>} : memref<2x26x32x16xf32, #tpu.memory_space<vmem>>, vector<16xf32>,
        %add3A_733 = arith.addf %add3A_724, %get3A_732 : vector<16xf32>
        %mul3A_734 = arith.mulf %get3A_732, %get3A_732 : vector<16xf32>
        %add3A_735 = arith.addf %add3A_726, %mul3A_734 : vector<16xf32>
        %get3A_736 = arith.constant 16 : i32
        %get3A_737 = arith.index_cast %select_n3A_84 : i32 to index
        %get3A_738 = arith.index_cast %get3A_736 : i32 to index
        %get3A_739 = arith.index_cast %add3A_593 : i32 to index
        %get3A_740 = arith.constant 0 : index
        %get3A_741 = tpu.vector_load %arg10[%get3A_737, %get3A_738, %get3A_739, %get3A_740] {strides = array<i32>} : memref<2x26x32x16xf32, #tpu.memory_space<vmem>>, vector<16xf32>,
        %add3A_742 = arith.addf %add3A_733, %get3A_741 : vector<16xf32>
        %mul3A_743 = arith.mulf %get3A_741, %get3A_741 : vector<16xf32>
        %add3A_744 = arith.addf %add3A_735, %mul3A_743 : vector<16xf32>
        %get3A_745 = arith.constant 17 : i32
        %get3A_746 = arith.index_cast %select_n3A_84 : i32 to index
        %get3A_747 = arith.index_cast %get3A_745 : i32 to index
        %get3A_748 = arith.index_cast %add3A_593 : i32 to index
        %get3A_749 = arith.constant 0 : index
        %get3A_750 = tpu.vector_load %arg10[%get3A_746, %get3A_747, %get3A_748, %get3A_749] {strides = array<i32>} : memref<2x26x32x16xf32, #tpu.memory_space<vmem>>, vector<16xf32>,
        %add3A_751 = arith.addf %add3A_742, %get3A_750 : vector<16xf32>
        %mul3A_752 = arith.mulf %get3A_750, %get3A_750 : vector<16xf32>
        %add3A_753 = arith.addf %add3A_744, %mul3A_752 : vector<16xf32>
        %get3A_754 = arith.constant 18 : i32
        %get3A_755 = arith.index_cast %select_n3A_84 : i32 to index
        %get3A_756 = arith.index_cast %get3A_754 : i32 to index
        %get3A_757 = arith.index_cast %add3A_593 : i32 to index
        %get3A_758 = arith.constant 0 : index
        %get3A_759 = tpu.vector_load %arg10[%get3A_755, %get3A_756, %get3A_757, %get3A_758] {strides = array<i32>} : memref<2x26x32x16xf32, #tpu.memory_space<vmem>>, vector<16xf32>,
        %add3A_760 = arith.addf %add3A_751, %get3A_759 : vector<16xf32>
        %mul3A_761 = arith.mulf %get3A_759, %get3A_759 : vector<16xf32>
        %add3A_762 = arith.addf %add3A_753, %mul3A_761 : vector<16xf32>
        %get3A_763 = arith.constant 19 : i32
        %get3A_764 = arith.index_cast %select_n3A_84 : i32 to index
        %get3A_765 = arith.index_cast %get3A_763 : i32 to index
        %get3A_766 = arith.index_cast %add3A_593 : i32 to index
        %get3A_767 = arith.constant 0 : index
        %get3A_768 = tpu.vector_load %arg10[%get3A_764, %get3A_765, %get3A_766, %get3A_767] {strides = array<i32>} : memref<2x26x32x16xf32, #tpu.memory_space<vmem>>, vector<16xf32>,
        %add3A_769 = arith.addf %add3A_760, %get3A_768 : vector<16xf32>
        %mul3A_770 = arith.mulf %get3A_768, %get3A_768 : vector<16xf32>
        %add3A_771 = arith.addf %add3A_762, %mul3A_770 : vector<16xf32>
        %get3A_772 = arith.constant 20 : i32
        %get3A_773 = arith.index_cast %select_n3A_84 : i32 to index
        %get3A_774 = arith.index_cast %get3A_772 : i32 to index
        %get3A_775 = arith.index_cast %add3A_593 : i32 to index
        %get3A_776 = arith.constant 0 : index
        %get3A_777 = tpu.vector_load %arg10[%get3A_773, %get3A_774, %get3A_775, %get3A_776] {strides = array<i32>} : memref<2x26x32x16xf32, #tpu.memory_space<vmem>>, vector<16xf32>,
        %add3A_778 = arith.addf %add3A_769, %get3A_777 : vector<16xf32>
        %mul3A_779 = arith.mulf %get3A_777, %get3A_777 : vector<16xf32>
        %add3A_780 = arith.addf %add3A_771, %mul3A_779 : vector<16xf32>
        %get3A_781 = arith.constant 21 : i32
        %get3A_782 = arith.index_cast %select_n3A_84 : i32 to index
        %get3A_783 = arith.index_cast %get3A_781 : i32 to index
        %get3A_784 = arith.index_cast %add3A_593 : i32 to index
        %get3A_785 = arith.constant 0 : index
        %get3A_786 = tpu.vector_load %arg10[%get3A_782, %get3A_783, %get3A_784, %get3A_785] {strides = array<i32>} : memref<2x26x32x16xf32, #tpu.memory_space<vmem>>, vector<16xf32>,
        %add3A_787 = arith.addf %add3A_778, %get3A_786 : vector<16xf32>
        %mul3A_788 = arith.mulf %get3A_786, %get3A_786 : vector<16xf32>
        %add3A_789 = arith.addf %add3A_780, %mul3A_788 : vector<16xf32>
        %get3A_790 = arith.constant 22 : i32
        %get3A_791 = arith.index_cast %select_n3A_84 : i32 to index
        %get3A_792 = arith.index_cast %get3A_790 : i32 to index
        %get3A_793 = arith.index_cast %add3A_593 : i32 to index
        %get3A_794 = arith.constant 0 : index
        %get3A_795 = tpu.vector_load %arg10[%get3A_791, %get3A_792, %get3A_793, %get3A_794] {strides = array<i32>} : memref<2x26x32x16xf32, #tpu.memory_space<vmem>>, vector<16xf32>,
        %add3A_796 = arith.addf %add3A_787, %get3A_795 : vector<16xf32>
        %mul3A_797 = arith.mulf %get3A_795, %get3A_795 : vector<16xf32>
        %add3A_798 = arith.addf %add3A_789, %mul3A_797 : vector<16xf32>
        %get3A_799 = arith.constant 23 : i32
        %get3A_800 = arith.index_cast %select_n3A_84 : i32 to index
        %get3A_801 = arith.index_cast %get3A_799 : i32 to index
        %get3A_802 = arith.index_cast %add3A_593 : i32 to index
        %get3A_803 = arith.constant 0 : index
        %get3A_804 = tpu.vector_load %arg10[%get3A_800, %get3A_801, %get3A_802, %get3A_803] {strides = array<i32>} : memref<2x26x32x16xf32, #tpu.memory_space<vmem>>, vector<16xf32>,
        %add3A_805 = arith.addf %add3A_796, %get3A_804 : vector<16xf32>
        %mul3A_806 = arith.mulf %get3A_804, %get3A_804 : vector<16xf32>
        %add3A_807 = arith.addf %add3A_798, %mul3A_806 : vector<16xf32>
        %get3A_808 = arith.constant 24 : i32
        %get3A_809 = arith.index_cast %select_n3A_84 : i32 to index
        %get3A_810 = arith.index_cast %get3A_808 : i32 to index
        %get3A_811 = arith.index_cast %add3A_593 : i32 to index
        %get3A_812 = arith.constant 0 : index
        %get3A_813 = tpu.vector_load %arg10[%get3A_809, %get3A_810, %get3A_811, %get3A_812] {strides = array<i32>} : memref<2x26x32x16xf32, #tpu.memory_space<vmem>>, vector<16xf32>,
        %add3A_814 = arith.addf %add3A_805, %get3A_813 : vector<16xf32>
        %mul3A_815 = arith.mulf %get3A_813, %get3A_813 : vector<16xf32>
        %add3A_816 = arith.addf %add3A_807, %mul3A_815 : vector<16xf32>
        %get3A_817 = arith.constant 25 : i32
        %get3A_818 = arith.index_cast %select_n3A_84 : i32 to index
        %get3A_819 = arith.index_cast %get3A_817 : i32 to index
        %get3A_820 = arith.index_cast %add3A_593 : i32 to index
        %get3A_821 = arith.constant 0 : index
        %get3A_822 = tpu.vector_load %arg10[%get3A_818, %get3A_819, %get3A_820, %get3A_821] {strides = array<i32>} : memref<2x26x32x16xf32, #tpu.memory_space<vmem>>, vector<16xf32>,
        %add3A_823 = arith.addf %add3A_814, %get3A_822 : vector<16xf32>
        %mul3A_824 = arith.mulf %get3A_822, %get3A_822 : vector<16xf32>
        %add3A_825 = arith.addf %add3A_816, %mul3A_824 : vector<16xf32>
        %mul3A_826 = arith.mulf %add3A_823, %add3A_823 : vector<16xf32>
        %sub3A_827 = arith.subf %mul3A_826, %add3A_825 : vector<16xf32>
        %reduce_sum3A_828 = arith.constant true
        %reduce_sum3A_829 = vector.broadcast %reduce_sum3A_828 : i1 to vector<16xi1>
        %reduce_sum3A_830 = tpu.scan <sum>, %sub3A_827 masked %reduce_sum3A_829 : vector<16xf32>, vector<16xi1> -> vector<16xf32>
        %reduce_sum3A_831 = vector.extract %reduce_sum3A_830[15] : f32 from vector<16xf32>
        %mul3A_832 = arith.constant 5.000000e-01 : f32
        %mul3A_833 = arith.mulf %mul3A_832, %reduce_sum3A_831 : f32
        %eq3A_834 = arith.constant 2 : i32
        %eq3A_835 = vector.broadcast %eq3A_834 : i32 to vector<16xi32>
        %eq3A_836 = arith.cmpi eq, %iota3A, %eq3A_835 : vector<16xi32>
        %broadcast_in_dim3A_837 = vector.broadcast %mul3A_833 : f32 to vector<16xf32>
        %select_n3A_838 = arith.select %eq3A_836, %broadcast_in_dim3A_837, %select_n3A_589 : vector<16xi1>, vector<16xf32>
        %mul3A_839 = arith.constant 16 : i32
        %mul3A_840 = arith.muli %scan3A_91, %mul3A_839 : i32
        %add3A_841 = arith.constant 3 : i32
        %add3A_842 = arith.addi %mul3A_840, %add3A_841 : i32
        %get3A_843 = arith.constant 0 : i32
        %get3A_844 = arith.index_cast %select_n3A_84 : i32 to index
        %get3A_845 = arith.index_cast %get3A_843 : i32 to index
        %get3A_846 = arith.index_cast %add3A_842 : i32 to index
        %get3A_847 = arith.constant 0 : index
        %get3A_848 = tpu.vector_load %arg10[%get3A_844, %get3A_845, %get3A_846, %get3A_847] {strides = array<i32>} : memref<2x26x32x16xf32, #tpu.memory_space<vmem>>, vector<16xf32>,
        %mul3A_849 = arith.mulf %get3A_848, %get3A_848 : vector<16xf32>
        %get3A_850 = arith.constant 1 : i32
        %get3A_851 = arith.index_cast %select_n3A_84 : i32 to index
        %get3A_852 = arith.index_cast %get3A_850 : i32 to index
        %get3A_853 = arith.index_cast %add3A_842 : i32 to index
        %get3A_854 = arith.constant 0 : index
        %get3A_855 = tpu.vector_load %arg10[%get3A_851, %get3A_852, %get3A_853, %get3A_854] {strides = array<i32>} : memref<2x26x32x16xf32, #tpu.memory_space<vmem>>, vector<16xf32>,
        %add3A_856 = arith.addf %get3A_848, %get3A_855 : vector<16xf32>
        %mul3A_857 = arith.mulf %get3A_855, %get3A_855 : vector<16xf32>
        %add3A_858 = arith.addf %mul3A_849, %mul3A_857 : vector<16xf32>
        %get3A_859 = arith.constant 2 : i32
        %get3A_860 = arith.index_cast %select_n3A_84 : i32 to index
        %get3A_861 = arith.index_cast %get3A_859 : i32 to index
        %get3A_862 = arith.index_cast %add3A_842 : i32 to index
        %get3A_863 = arith.constant 0 : index
        %get3A_864 = tpu.vector_load %arg10[%get3A_860, %get3A_861, %get3A_862, %get3A_863] {strides = array<i32>} : memref<2x26x32x16xf32, #tpu.memory_space<vmem>>, vector<16xf32>,
        %add3A_865 = arith.addf %add3A_856, %get3A_864 : vector<16xf32>
        %mul3A_866 = arith.mulf %get3A_864, %get3A_864 : vector<16xf32>
        %add3A_867 = arith.addf %add3A_858, %mul3A_866 : vector<16xf32>
        %get3A_868 = arith.constant 3 : i32
        %get3A_869 = arith.index_cast %select_n3A_84 : i32 to index
        %get3A_870 = arith.index_cast %get3A_868 : i32 to index
        %get3A_871 = arith.index_cast %add3A_842 : i32 to index
        %get3A_872 = arith.constant 0 : index
        %get3A_873 = tpu.vector_load %arg10[%get3A_869, %get3A_870, %get3A_871, %get3A_872] {strides = array<i32>} : memref<2x26x32x16xf32, #tpu.memory_space<vmem>>, vector<16xf32>,
        %add3A_874 = arith.addf %add3A_865, %get3A_873 : vector<16xf32>
        %mul3A_875 = arith.mulf %get3A_873, %get3A_873 : vector<16xf32>
        %add3A_876 = arith.addf %add3A_867, %mul3A_875 : vector<16xf32>
        %get3A_877 = arith.constant 4 : i32
        %get3A_878 = arith.index_cast %select_n3A_84 : i32 to index
        %get3A_879 = arith.index_cast %get3A_877 : i32 to index
        %get3A_880 = arith.index_cast %add3A_842 : i32 to index
        %get3A_881 = arith.constant 0 : index
        %get3A_882 = tpu.vector_load %arg10[%get3A_878, %get3A_879, %get3A_880, %get3A_881] {strides = array<i32>} : memref<2x26x32x16xf32, #tpu.memory_space<vmem>>, vector<16xf32>,
        %add3A_883 = arith.addf %add3A_874, %get3A_882 : vector<16xf32>
        %mul3A_884 = arith.mulf %get3A_882, %get3A_882 : vector<16xf32>
        %add3A_885 = arith.addf %add3A_876, %mul3A_884 : vector<16xf32>
        %get3A_886 = arith.constant 5 : i32
        %get3A_887 = arith.index_cast %select_n3A_84 : i32 to index
        %get3A_888 = arith.index_cast %get3A_886 : i32 to index
        %get3A_889 = arith.index_cast %add3A_842 : i32 to index
        %get3A_890 = arith.constant 0 : index
        %get3A_891 = tpu.vector_load %arg10[%get3A_887, %get3A_888, %get3A_889, %get3A_890] {strides = array<i32>} : memref<2x26x32x16xf32, #tpu.memory_space<vmem>>, vector<16xf32>,
        %add3A_892 = arith.addf %add3A_883, %get3A_891 : vector<16xf32>
        %mul3A_893 = arith.mulf %get3A_891, %get3A_891 : vector<16xf32>
        %add3A_894 = arith.addf %add3A_885, %mul3A_893 : vector<16xf32>
        %get3A_895 = arith.constant 6 : i32
        %get3A_896 = arith.index_cast %select_n3A_84 : i32 to index
        %get3A_897 = arith.index_cast %get3A_895 : i32 to index
        %get3A_898 = arith.index_cast %add3A_842 : i32 to index
        %get3A_899 = arith.constant 0 : index
        %get3A_900 = tpu.vector_load %arg10[%get3A_896, %get3A_897, %get3A_898, %get3A_899] {strides = array<i32>} : memref<2x26x32x16xf32, #tpu.memory_space<vmem>>, vector<16xf32>,
        %add3A_901 = arith.addf %add3A_892, %get3A_900 : vector<16xf32>
        %mul3A_902 = arith.mulf %get3A_900, %get3A_900 : vector<16xf32>
        %add3A_903 = arith.addf %add3A_894, %mul3A_902 : vector<16xf32>
        %get3A_904 = arith.constant 7 : i32
        %get3A_905 = arith.index_cast %select_n3A_84 : i32 to index
        %get3A_906 = arith.index_cast %get3A_904 : i32 to index
        %get3A_907 = arith.index_cast %add3A_842 : i32 to index
        %get3A_908 = arith.constant 0 : index
        %get3A_909 = tpu.vector_load %arg10[%get3A_905, %get3A_906, %get3A_907, %get3A_908] {strides = array<i32>} : memref<2x26x32x16xf32, #tpu.memory_space<vmem>>, vector<16xf32>,
        %add3A_910 = arith.addf %add3A_901, %get3A_909 : vector<16xf32>
        %mul3A_911 = arith.mulf %get3A_909, %get3A_909 : vector<16xf32>
        %add3A_912 = arith.addf %add3A_903, %mul3A_911 : vector<16xf32>
        %get3A_913 = arith.constant 8 : i32
        %get3A_914 = arith.index_cast %select_n3A_84 : i32 to index
        %get3A_915 = arith.index_cast %get3A_913 : i32 to index
        %get3A_916 = arith.index_cast %add3A_842 : i32 to index
        %get3A_917 = arith.constant 0 : index
        %get3A_918 = tpu.vector_load %arg10[%get3A_914, %get3A_915, %get3A_916, %get3A_917] {strides = array<i32>} : memref<2x26x32x16xf32, #tpu.memory_space<vmem>>, vector<16xf32>,
        %add3A_919 = arith.addf %add3A_910, %get3A_918 : vector<16xf32>
        %mul3A_920 = arith.mulf %get3A_918, %get3A_918 : vector<16xf32>
        %add3A_921 = arith.addf %add3A_912, %mul3A_920 : vector<16xf32>
        %get3A_922 = arith.constant 9 : i32
        %get3A_923 = arith.index_cast %select_n3A_84 : i32 to index
        %get3A_924 = arith.index_cast %get3A_922 : i32 to index
        %get3A_925 = arith.index_cast %add3A_842 : i32 to index
        %get3A_926 = arith.constant 0 : index
        %get3A_927 = tpu.vector_load %arg10[%get3A_923, %get3A_924, %get3A_925, %get3A_926] {strides = array<i32>} : memref<2x26x32x16xf32, #tpu.memory_space<vmem>>, vector<16xf32>,
        %add3A_928 = arith.addf %add3A_919, %get3A_927 : vector<16xf32>
        %mul3A_929 = arith.mulf %get3A_927, %get3A_927 : vector<16xf32>
        %add3A_930 = arith.addf %add3A_921, %mul3A_929 : vector<16xf32>
        %get3A_931 = arith.constant 10 : i32
        %get3A_932 = arith.index_cast %select_n3A_84 : i32 to index
        %get3A_933 = arith.index_cast %get3A_931 : i32 to index
        %get3A_934 = arith.index_cast %add3A_842 : i32 to index
        %get3A_935 = arith.constant 0 : index
        %get3A_936 = tpu.vector_load %arg10[%get3A_932, %get3A_933, %get3A_934, %get3A_935] {strides = array<i32>} : memref<2x26x32x16xf32, #tpu.memory_space<vmem>>, vector<16xf32>,
        %add3A_937 = arith.addf %add3A_928, %get3A_936 : vector<16xf32>
        %mul3A_938 = arith.mulf %get3A_936, %get3A_936 : vector<16xf32>
        %add3A_939 = arith.addf %add3A_930, %mul3A_938 : vector<16xf32>
        %get3A_940 = arith.constant 11 : i32
        %get3A_941 = arith.index_cast %select_n3A_84 : i32 to index
        %get3A_942 = arith.index_cast %get3A_940 : i32 to index
        %get3A_943 = arith.index_cast %add3A_842 : i32 to index
        %get3A_944 = arith.constant 0 : index
        %get3A_945 = tpu.vector_load %arg10[%get3A_941, %get3A_942, %get3A_943, %get3A_944] {strides = array<i32>} : memref<2x26x32x16xf32, #tpu.memory_space<vmem>>, vector<16xf32>,
        %add3A_946 = arith.addf %add3A_937, %get3A_945 : vector<16xf32>
        %mul3A_947 = arith.mulf %get3A_945, %get3A_945 : vector<16xf32>
        %add3A_948 = arith.addf %add3A_939, %mul3A_947 : vector<16xf32>
        %get3A_949 = arith.constant 12 : i32
        %get3A_950 = arith.index_cast %select_n3A_84 : i32 to index
        %get3A_951 = arith.index_cast %get3A_949 : i32 to index
        %get3A_952 = arith.index_cast %add3A_842 : i32 to index
        %get3A_953 = arith.constant 0 : index
        %get3A_954 = tpu.vector_load %arg10[%get3A_950, %get3A_951, %get3A_952, %get3A_953] {strides = array<i32>} : memref<2x26x32x16xf32, #tpu.memory_space<vmem>>, vector<16xf32>,
        %add3A_955 = arith.addf %add3A_946, %get3A_954 : vector<16xf32>
        %mul3A_956 = arith.mulf %get3A_954, %get3A_954 : vector<16xf32>
        %add3A_957 = arith.addf %add3A_948, %mul3A_956 : vector<16xf32>
        %get3A_958 = arith.constant 13 : i32
        %get3A_959 = arith.index_cast %select_n3A_84 : i32 to index
        %get3A_960 = arith.index_cast %get3A_958 : i32 to index
        %get3A_961 = arith.index_cast %add3A_842 : i32 to index
        %get3A_962 = arith.constant 0 : index
        %get3A_963 = tpu.vector_load %arg10[%get3A_959, %get3A_960, %get3A_961, %get3A_962] {strides = array<i32>} : memref<2x26x32x16xf32, #tpu.memory_space<vmem>>, vector<16xf32>,
        %add3A_964 = arith.addf %add3A_955, %get3A_963 : vector<16xf32>
        %mul3A_965 = arith.mulf %get3A_963, %get3A_963 : vector<16xf32>
        %add3A_966 = arith.addf %add3A_957, %mul3A_965 : vector<16xf32>
        %get3A_967 = arith.constant 14 : i32
        %get3A_968 = arith.index_cast %select_n3A_84 : i32 to index
        %get3A_969 = arith.index_cast %get3A_967 : i32 to index
        %get3A_970 = arith.index_cast %add3A_842 : i32 to index
        %get3A_971 = arith.constant 0 : index
        %get3A_972 = tpu.vector_load %arg10[%get3A_968, %get3A_969, %get3A_970, %get3A_971] {strides = array<i32>} : memref<2x26x32x16xf32, #tpu.memory_space<vmem>>, vector<16xf32>,
        %add3A_973 = arith.addf %add3A_964, %get3A_972 : vector<16xf32>
        %mul3A_974 = arith.mulf %get3A_972, %get3A_972 : vector<16xf32>
        %add3A_975 = arith.addf %add3A_966, %mul3A_974 : vector<16xf32>
        %get3A_976 = arith.constant 15 : i32
        %get3A_977 = arith.index_cast %select_n3A_84 : i32 to index
        %get3A_978 = arith.index_cast %get3A_976 : i32 to index
        %get3A_979 = arith.index_cast %add3A_842 : i32 to index
        %get3A_980 = arith.constant 0 : index
        %get3A_981 = tpu.vector_load %arg10[%get3A_977, %get3A_978, %get3A_979, %get3A_980] {strides = array<i32>} : memref<2x26x32x16xf32, #tpu.memory_space<vmem>>, vector<16xf32>,
        %add3A_982 = arith.addf %add3A_973, %get3A_981 : vector<16xf32>
        %mul3A_983 = arith.mulf %get3A_981, %get3A_981 : vector<16xf32>
        %add3A_984 = arith.addf %add3A_975, %mul3A_983 : vector<16xf32>
        %get3A_985 = arith.constant 16 : i32
        %get3A_986 = arith.index_cast %select_n3A_84 : i32 to index
        %get3A_987 = arith.index_cast %get3A_985 : i32 to index
        %get3A_988 = arith.index_cast %add3A_842 : i32 to index
        %get3A_989 = arith.constant 0 : index
        %get3A_990 = tpu.vector_load %arg10[%get3A_986, %get3A_987, %get3A_988, %get3A_989] {strides = array<i32>} : memref<2x26x32x16xf32, #tpu.memory_space<vmem>>, vector<16xf32>,
        %add3A_991 = arith.addf %add3A_982, %get3A_990 : vector<16xf32>
        %mul3A_992 = arith.mulf %get3A_990, %get3A_990 : vector<16xf32>
        %add3A_993 = arith.addf %add3A_984, %mul3A_992 : vector<16xf32>
        %get3A_994 = arith.constant 17 : i32
        %get3A_995 = arith.index_cast %select_n3A_84 : i32 to index
        %get3A_996 = arith.index_cast %get3A_994 : i32 to index
        %get3A_997 = arith.index_cast %add3A_842 : i32 to index
        %get3A_998 = arith.constant 0 : index
        %get3A_999 = tpu.vector_load %arg10[%get3A_995, %get3A_996, %get3A_997, %get3A_998] {strides = array<i32>} : memref<2x26x32x16xf32, #tpu.memory_space<vmem>>, vector<16xf32>,
        %add3A_1000 = arith.addf %add3A_991, %get3A_999 : vector<16xf32>
        %mul3A_1001 = arith.mulf %get3A_999, %get3A_999 : vector<16xf32>
        %add3A_1002 = arith.addf %add3A_993, %mul3A_1001 : vector<16xf32>
        %get3A_1003 = arith.constant 18 : i32
        %get3A_1004 = arith.index_cast %select_n3A_84 : i32 to index
        %get3A_1005 = arith.index_cast %get3A_1003 : i32 to index
        %get3A_1006 = arith.index_cast %add3A_842 : i32 to index
        %get3A_1007 = arith.constant 0 : index
        %get3A_1008 = tpu.vector_load %arg10[%get3A_1004, %get3A_1005, %get3A_1006, %get3A_1007] {strides = array<i32>} : memref<2x26x32x16xf32, #tpu.memory_space<vmem>>, vector<16xf32>,
        %add3A_1009 = arith.addf %add3A_1000, %get3A_1008 : vector<16xf32>
        %mul3A_1010 = arith.mulf %get3A_1008, %get3A_1008 : vector<16xf32>
        %add3A_1011 = arith.addf %add3A_1002, %mul3A_1010 : vector<16xf32>
        %get3A_1012 = arith.constant 19 : i32
        %get3A_1013 = arith.index_cast %select_n3A_84 : i32 to index
        %get3A_1014 = arith.index_cast %get3A_1012 : i32 to index
        %get3A_1015 = arith.index_cast %add3A_842 : i32 to index
        %get3A_1016 = arith.constant 0 : index
        %get3A_1017 = tpu.vector_load %arg10[%get3A_1013, %get3A_1014, %get3A_1015, %get3A_1016] {strides = array<i32>} : memref<2x26x32x16xf32, #tpu.memory_space<vmem>>, vector<16xf32>,
        %add3A_1018 = arith.addf %add3A_1009, %get3A_1017 : vector<16xf32>
        %mul3A_1019 = arith.mulf %get3A_1017, %get3A_1017 : vector<16xf32>
        %add3A_1020 = arith.addf %add3A_1011, %mul3A_1019 : vector<16xf32>
        %get3A_1021 = arith.constant 20 : i32
        %get3A_1022 = arith.index_cast %select_n3A_84 : i32 to index
        %get3A_1023 = arith.index_cast %get3A_1021 : i32 to index
        %get3A_1024 = arith.index_cast %add3A_842 : i32 to index
        %get3A_1025 = arith.constant 0 : index
        %get3A_1026 = tpu.vector_load %arg10[%get3A_1022, %get3A_1023, %get3A_1024, %get3A_1025] {strides = array<i32>} : memref<2x26x32x16xf32, #tpu.memory_space<vmem>>, vector<16xf32>,
        %add3A_1027 = arith.addf %add3A_1018, %get3A_1026 : vector<16xf32>
        %mul3A_1028 = arith.mulf %get3A_1026, %get3A_1026 : vector<16xf32>
        %add3A_1029 = arith.addf %add3A_1020, %mul3A_1028 : vector<16xf32>
        %get3A_1030 = arith.constant 21 : i32
        %get3A_1031 = arith.index_cast %select_n3A_84 : i32 to index
        %get3A_1032 = arith.index_cast %get3A_1030 : i32 to index
        %get3A_1033 = arith.index_cast %add3A_842 : i32 to index
        %get3A_1034 = arith.constant 0 : index
        %get3A_1035 = tpu.vector_load %arg10[%get3A_1031, %get3A_1032, %get3A_1033, %get3A_1034] {strides = array<i32>} : memref<2x26x32x16xf32, #tpu.memory_space<vmem>>, vector<16xf32>,
        %add3A_1036 = arith.addf %add3A_1027, %get3A_1035 : vector<16xf32>
        %mul3A_1037 = arith.mulf %get3A_1035, %get3A_1035 : vector<16xf32>
        %add3A_1038 = arith.addf %add3A_1029, %mul3A_1037 : vector<16xf32>
        %get3A_1039 = arith.constant 22 : i32
        %get3A_1040 = arith.index_cast %select_n3A_84 : i32 to index
        %get3A_1041 = arith.index_cast %get3A_1039 : i32 to index
        %get3A_1042 = arith.index_cast %add3A_842 : i32 to index
        %get3A_1043 = arith.constant 0 : index
        %get3A_1044 = tpu.vector_load %arg10[%get3A_1040, %get3A_1041, %get3A_1042, %get3A_1043] {strides = array<i32>} : memref<2x26x32x16xf32, #tpu.memory_space<vmem>>, vector<16xf32>,
        %add3A_1045 = arith.addf %add3A_1036, %get3A_1044 : vector<16xf32>
        %mul3A_1046 = arith.mulf %get3A_1044, %get3A_1044 : vector<16xf32>
        %add3A_1047 = arith.addf %add3A_1038, %mul3A_1046 : vector<16xf32>
        %get3A_1048 = arith.constant 23 : i32
        %get3A_1049 = arith.index_cast %select_n3A_84 : i32 to index
        %get3A_1050 = arith.index_cast %get3A_1048 : i32 to index
        %get3A_1051 = arith.index_cast %add3A_842 : i32 to index
        %get3A_1052 = arith.constant 0 : index
        %get3A_1053 = tpu.vector_load %arg10[%get3A_1049, %get3A_1050, %get3A_1051, %get3A_1052] {strides = array<i32>} : memref<2x26x32x16xf32, #tpu.memory_space<vmem>>, vector<16xf32>,
        %add3A_1054 = arith.addf %add3A_1045, %get3A_1053 : vector<16xf32>
        %mul3A_1055 = arith.mulf %get3A_1053, %get3A_1053 : vector<16xf32>
        %add3A_1056 = arith.addf %add3A_1047, %mul3A_1055 : vector<16xf32>
        %get3A_1057 = arith.constant 24 : i32
        %get3A_1058 = arith.index_cast %select_n3A_84 : i32 to index
        %get3A_1059 = arith.index_cast %get3A_1057 : i32 to index
        %get3A_1060 = arith.index_cast %add3A_842 : i32 to index
        %get3A_1061 = arith.constant 0 : index
        %get3A_1062 = tpu.vector_load %arg10[%get3A_1058, %get3A_1059, %get3A_1060, %get3A_1061] {strides = array<i32>} : memref<2x26x32x16xf32, #tpu.memory_space<vmem>>, vector<16xf32>,
        %add3A_1063 = arith.addf %add3A_1054, %get3A_1062 : vector<16xf32>
        %mul3A_1064 = arith.mulf %get3A_1062, %get3A_1062 : vector<16xf32>
        %add3A_1065 = arith.addf %add3A_1056, %mul3A_1064 : vector<16xf32>
        %get3A_1066 = arith.constant 25 : i32
        %get3A_1067 = arith.index_cast %select_n3A_84 : i32 to index
        %get3A_1068 = arith.index_cast %get3A_1066 : i32 to index
        %get3A_1069 = arith.index_cast %add3A_842 : i32 to index
        %get3A_1070 = arith.constant 0 : index
        %get3A_1071 = tpu.vector_load %arg10[%get3A_1067, %get3A_1068, %get3A_1069, %get3A_1070] {strides = array<i32>} : memref<2x26x32x16xf32, #tpu.memory_space<vmem>>, vector<16xf32>,
        %add3A_1072 = arith.addf %add3A_1063, %get3A_1071 : vector<16xf32>
        %mul3A_1073 = arith.mulf %get3A_1071, %get3A_1071 : vector<16xf32>
        %add3A_1074 = arith.addf %add3A_1065, %mul3A_1073 : vector<16xf32>
        %mul3A_1075 = arith.mulf %add3A_1072, %add3A_1072 : vector<16xf32>
        %sub3A_1076 = arith.subf %mul3A_1075, %add3A_1074 : vector<16xf32>
        %reduce_sum3A_1077 = arith.constant true
        %reduce_sum3A_1078 = vector.broadcast %reduce_sum3A_1077 : i1 to vector<16xi1>
        %reduce_sum3A_1079 = tpu.scan <sum>, %sub3A_1076 masked %reduce_sum3A_1078 : vector<16xf32>, vector<16xi1> -> vector<16xf32>
        %reduce_sum3A_1080 = vector.extract %reduce_sum3A_1079[15] : f32 from vector<16xf32>
        %mul3A_1081 = arith.constant 5.000000e-01 : f32
        %mul3A_1082 = arith.mulf %mul3A_1081, %reduce_sum3A_1080 : f32
        %eq3A_1083 = arith.constant 3 : i32
        %eq3A_1084 = vector.broadcast %eq3A_1083 : i32 to vector<16xi32>
        %eq3A_1085 = arith.cmpi eq, %iota3A, %eq3A_1084 : vector<16xi32>
        %broadcast_in_dim3A_1086 = vector.broadcast %mul3A_1082 : f32 to vector<16xf32>
        %select_n3A_1087 = arith.select %eq3A_1085, %broadcast_in_dim3A_1086, %select_n3A_838 : vector<16xi1>, vector<16xf32>
        %mul3A_1088 = arith.constant 16 : i32
        %mul3A_1089 = arith.muli %scan3A_91, %mul3A_1088 : i32
        %add3A_1090 = arith.constant 4 : i32
        %add3A_1091 = arith.addi %mul3A_1089, %add3A_1090 : i32
        %get3A_1092 = arith.constant 0 : i32
        %get3A_1093 = arith.index_cast %select_n3A_84 : i32 to index
        %get3A_1094 = arith.index_cast %get3A_1092 : i32 to index
        %get3A_1095 = arith.index_cast %add3A_1091 : i32 to index
        %get3A_1096 = arith.constant 0 : index
        %get3A_1097 = tpu.vector_load %arg10[%get3A_1093, %get3A_1094, %get3A_1095, %get3A_1096] {strides = array<i32>} : memref<2x26x32x16xf32, #tpu.memory_space<vmem>>, vector<16xf32>,
        %mul3A_1098 = arith.mulf %get3A_1097, %get3A_1097 : vector<16xf32>
        %get3A_1099 = arith.constant 1 : i32
        %get3A_1100 = arith.index_cast %select_n3A_84 : i32 to index
        %get3A_1101 = arith.index_cast %get3A_1099 : i32 to index
        %get3A_1102 = arith.index_cast %add3A_1091 : i32 to index
        %get3A_1103 = arith.constant 0 : index
        %get3A_1104 = tpu.vector_load %arg10[%get3A_1100, %get3A_1101, %get3A_1102, %get3A_1103] {strides = array<i32>} : memref<2x26x32x16xf32, #tpu.memory_space<vmem>>, vector<16xf32>,
        %add3A_1105 = arith.addf %get3A_1097, %get3A_1104 : vector<16xf32>
        %mul3A_1106 = arith.mulf %get3A_1104, %get3A_1104 : vector<16xf32>
        %add3A_1107 = arith.addf %mul3A_1098, %mul3A_1106 : vector<16xf32>
        %get3A_1108 = arith.constant 2 : i32
        %get3A_1109 = arith.index_cast %select_n3A_84 : i32 to index
        %get3A_1110 = arith.index_cast %get3A_1108 : i32 to index
        %get3A_1111 = arith.index_cast %add3A_1091 : i32 to index
        %get3A_1112 = arith.constant 0 : index
        %get3A_1113 = tpu.vector_load %arg10[%get3A_1109, %get3A_1110, %get3A_1111, %get3A_1112] {strides = array<i32>} : memref<2x26x32x16xf32, #tpu.memory_space<vmem>>, vector<16xf32>,
        %add3A_1114 = arith.addf %add3A_1105, %get3A_1113 : vector<16xf32>
        %mul3A_1115 = arith.mulf %get3A_1113, %get3A_1113 : vector<16xf32>
        %add3A_1116 = arith.addf %add3A_1107, %mul3A_1115 : vector<16xf32>
        %get3A_1117 = arith.constant 3 : i32
        %get3A_1118 = arith.index_cast %select_n3A_84 : i32 to index
        %get3A_1119 = arith.index_cast %get3A_1117 : i32 to index
        %get3A_1120 = arith.index_cast %add3A_1091 : i32 to index
        %get3A_1121 = arith.constant 0 : index
        %get3A_1122 = tpu.vector_load %arg10[%get3A_1118, %get3A_1119, %get3A_1120, %get3A_1121] {strides = array<i32>} : memref<2x26x32x16xf32, #tpu.memory_space<vmem>>, vector<16xf32>,
        %add3A_1123 = arith.addf %add3A_1114, %get3A_1122 : vector<16xf32>
        %mul3A_1124 = arith.mulf %get3A_1122, %get3A_1122 : vector<16xf32>
        %add3A_1125 = arith.addf %add3A_1116, %mul3A_1124 : vector<16xf32>
        %get3A_1126 = arith.constant 4 : i32
        %get3A_1127 = arith.index_cast %select_n3A_84 : i32 to index
        %get3A_1128 = arith.index_cast %get3A_1126 : i32 to index
        %get3A_1129 = arith.index_cast %add3A_1091 : i32 to index
        %get3A_1130 = arith.constant 0 : index
        %get3A_1131 = tpu.vector_load %arg10[%get3A_1127, %get3A_1128, %get3A_1129, %get3A_1130] {strides = array<i32>} : memref<2x26x32x16xf32, #tpu.memory_space<vmem>>, vector<16xf32>,
        %add3A_1132 = arith.addf %add3A_1123, %get3A_1131 : vector<16xf32>
        %mul3A_1133 = arith.mulf %get3A_1131, %get3A_1131 : vector<16xf32>
        %add3A_1134 = arith.addf %add3A_1125, %mul3A_1133 : vector<16xf32>
        %get3A_1135 = arith.constant 5 : i32
        %get3A_1136 = arith.index_cast %select_n3A_84 : i32 to index
        %get3A_1137 = arith.index_cast %get3A_1135 : i32 to index
        %get3A_1138 = arith.index_cast %add3A_1091 : i32 to index
        %get3A_1139 = arith.constant 0 : index
        %get3A_1140 = tpu.vector_load %arg10[%get3A_1136, %get3A_1137, %get3A_1138, %get3A_1139] {strides = array<i32>} : memref<2x26x32x16xf32, #tpu.memory_space<vmem>>, vector<16xf32>,
        %add3A_1141 = arith.addf %add3A_1132, %get3A_1140 : vector<16xf32>
        %mul3A_1142 = arith.mulf %get3A_1140, %get3A_1140 : vector<16xf32>
        %add3A_1143 = arith.addf %add3A_1134, %mul3A_1142 : vector<16xf32>
        %get3A_1144 = arith.constant 6 : i32
        %get3A_1145 = arith.index_cast %select_n3A_84 : i32 to index
        %get3A_1146 = arith.index_cast %get3A_1144 : i32 to index
        %get3A_1147 = arith.index_cast %add3A_1091 : i32 to index
        %get3A_1148 = arith.constant 0 : index
        %get3A_1149 = tpu.vector_load %arg10[%get3A_1145, %get3A_1146, %get3A_1147, %get3A_1148] {strides = array<i32>} : memref<2x26x32x16xf32, #tpu.memory_space<vmem>>, vector<16xf32>,
        %add3A_1150 = arith.addf %add3A_1141, %get3A_1149 : vector<16xf32>
        %mul3A_1151 = arith.mulf %get3A_1149, %get3A_1149 : vector<16xf32>
        %add3A_1152 = arith.addf %add3A_1143, %mul3A_1151 : vector<16xf32>
        %get3A_1153 = arith.constant 7 : i32
        %get3A_1154 = arith.index_cast %select_n3A_84 : i32 to index
        %get3A_1155 = arith.index_cast %get3A_1153 : i32 to index
        %get3A_1156 = arith.index_cast %add3A_1091 : i32 to index
        %get3A_1157 = arith.constant 0 : index
        %get3A_1158 = tpu.vector_load %arg10[%get3A_1154, %get3A_1155, %get3A_1156, %get3A_1157] {strides = array<i32>} : memref<2x26x32x16xf32, #tpu.memory_space<vmem>>, vector<16xf32>,
        %add3A_1159 = arith.addf %add3A_1150, %get3A_1158 : vector<16xf32>
        %mul3A_1160 = arith.mulf %get3A_1158, %get3A_1158 : vector<16xf32>
        %add3A_1161 = arith.addf %add3A_1152, %mul3A_1160 : vector<16xf32>
        %get3A_1162 = arith.constant 8 : i32
        %get3A_1163 = arith.index_cast %select_n3A_84 : i32 to index
        %get3A_1164 = arith.index_cast %get3A_1162 : i32 to index
        %get3A_1165 = arith.index_cast %add3A_1091 : i32 to index
        %get3A_1166 = arith.constant 0 : index
        %get3A_1167 = tpu.vector_load %arg10[%get3A_1163, %get3A_1164, %get3A_1165, %get3A_1166] {strides = array<i32>} : memref<2x26x32x16xf32, #tpu.memory_space<vmem>>, vector<16xf32>,
        %add3A_1168 = arith.addf %add3A_1159, %get3A_1167 : vector<16xf32>
        %mul3A_1169 = arith.mulf %get3A_1167, %get3A_1167 : vector<16xf32>
        %add3A_1170 = arith.addf %add3A_1161, %mul3A_1169 : vector<16xf32>
        %get3A_1171 = arith.constant 9 : i32
        %get3A_1172 = arith.index_cast %select_n3A_84 : i32 to index
        %get3A_1173 = arith.index_cast %get3A_1171 : i32 to index
        %get3A_1174 = arith.index_cast %add3A_1091 : i32 to index
        %get3A_1175 = arith.constant 0 : index
        %get3A_1176 = tpu.vector_load %arg10[%get3A_1172, %get3A_1173, %get3A_1174, %get3A_1175] {strides = array<i32>} : memref<2x26x32x16xf32, #tpu.memory_space<vmem>>, vector<16xf32>,
        %add3A_1177 = arith.addf %add3A_1168, %get3A_1176 : vector<16xf32>
        %mul3A_1178 = arith.mulf %get3A_1176, %get3A_1176 : vector<16xf32>
        %add3A_1179 = arith.addf %add3A_1170, %mul3A_1178 : vector<16xf32>
        %get3A_1180 = arith.constant 10 : i32
        %get3A_1181 = arith.index_cast %select_n3A_84 : i32 to index
        %get3A_1182 = arith.index_cast %get3A_1180 : i32 to index
        %get3A_1183 = arith.index_cast %add3A_1091 : i32 to index
        %get3A_1184 = arith.constant 0 : index
        %get3A_1185 = tpu.vector_load %arg10[%get3A_1181, %get3A_1182, %get3A_1183, %get3A_1184] {strides = array<i32>} : memref<2x26x32x16xf32, #tpu.memory_space<vmem>>, vector<16xf32>,
        %add3A_1186 = arith.addf %add3A_1177, %get3A_1185 : vector<16xf32>
        %mul3A_1187 = arith.mulf %get3A_1185, %get3A_1185 : vector<16xf32>
        %add3A_1188 = arith.addf %add3A_1179, %mul3A_1187 : vector<16xf32>
        %get3A_1189 = arith.constant 11 : i32
        %get3A_1190 = arith.index_cast %select_n3A_84 : i32 to index
        %get3A_1191 = arith.index_cast %get3A_1189 : i32 to index
        %get3A_1192 = arith.index_cast %add3A_1091 : i32 to index
        %get3A_1193 = arith.constant 0 : index
        %get3A_1194 = tpu.vector_load %arg10[%get3A_1190, %get3A_1191, %get3A_1192, %get3A_1193] {strides = array<i32>} : memref<2x26x32x16xf32, #tpu.memory_space<vmem>>, vector<16xf32>,
        %add3A_1195 = arith.addf %add3A_1186, %get3A_1194 : vector<16xf32>
        %mul3A_1196 = arith.mulf %get3A_1194, %get3A_1194 : vector<16xf32>
        %add3A_1197 = arith.addf %add3A_1188, %mul3A_1196 : vector<16xf32>
        %get3A_1198 = arith.constant 12 : i32
        %get3A_1199 = arith.index_cast %select_n3A_84 : i32 to index
        %get3A_1200 = arith.index_cast %get3A_1198 : i32 to index
        %get3A_1201 = arith.index_cast %add3A_1091 : i32 to index
        %get3A_1202 = arith.constant 0 : index
        %get3A_1203 = tpu.vector_load %arg10[%get3A_1199, %get3A_1200, %get3A_1201, %get3A_1202] {strides = array<i32>} : memref<2x26x32x16xf32, #tpu.memory_space<vmem>>, vector<16xf32>,
        %add3A_1204 = arith.addf %add3A_1195, %get3A_1203 : vector<16xf32>
        %mul3A_1205 = arith.mulf %get3A_1203, %get3A_1203 : vector<16xf32>
        %add3A_1206 = arith.addf %add3A_1197, %mul3A_1205 : vector<16xf32>
        %get3A_1207 = arith.constant 13 : i32
        %get3A_1208 = arith.index_cast %select_n3A_84 : i32 to index
        %get3A_1209 = arith.index_cast %get3A_1207 : i32 to index
        %get3A_1210 = arith.index_cast %add3A_1091 : i32 to index
        %get3A_1211 = arith.constant 0 : index
        %get3A_1212 = tpu.vector_load %arg10[%get3A_1208, %get3A_1209, %get3A_1210, %get3A_1211] {strides = array<i32>} : memref<2x26x32x16xf32, #tpu.memory_space<vmem>>, vector<16xf32>,
        %add3A_1213 = arith.addf %add3A_1204, %get3A_1212 : vector<16xf32>
        %mul3A_1214 = arith.mulf %get3A_1212, %get3A_1212 : vector<16xf32>
        %add3A_1215 = arith.addf %add3A_1206, %mul3A_1214 : vector<16xf32>
        %get3A_1216 = arith.constant 14 : i32
        %get3A_1217 = arith.index_cast %select_n3A_84 : i32 to index
        %get3A_1218 = arith.index_cast %get3A_1216 : i32 to index
        %get3A_1219 = arith.index_cast %add3A_1091 : i32 to index
        %get3A_1220 = arith.constant 0 : index
        %get3A_1221 = tpu.vector_load %arg10[%get3A_1217, %get3A_1218, %get3A_1219, %get3A_1220] {strides = array<i32>} : memref<2x26x32x16xf32, #tpu.memory_space<vmem>>, vector<16xf32>,
        %add3A_1222 = arith.addf %add3A_1213, %get3A_1221 : vector<16xf32>
        %mul3A_1223 = arith.mulf %get3A_1221, %get3A_1221 : vector<16xf32>
        %add3A_1224 = arith.addf %add3A_1215, %mul3A_1223 : vector<16xf32>
        %get3A_1225 = arith.constant 15 : i32
        %get3A_1226 = arith.index_cast %select_n3A_84 : i32 to index
        %get3A_1227 = arith.index_cast %get3A_1225 : i32 to index
        %get3A_1228 = arith.index_cast %add3A_1091 : i32 to index
        %get3A_1229 = arith.constant 0 : index
        %get3A_1230 = tpu.vector_load %arg10[%get3A_1226, %get3A_1227, %get3A_1228, %get3A_1229] {strides = array<i32>} : memref<2x26x32x16xf32, #tpu.memory_space<vmem>>, vector<16xf32>,
        %add3A_1231 = arith.addf %add3A_1222, %get3A_1230 : vector<16xf32>
        %mul3A_1232 = arith.mulf %get3A_1230, %get3A_1230 : vector<16xf32>
        %add3A_1233 = arith.addf %add3A_1224, %mul3A_1232 : vector<16xf32>
        %get3A_1234 = arith.constant 16 : i32
        %get3A_1235 = arith.index_cast %select_n3A_84 : i32 to index
        %get3A_1236 = arith.index_cast %get3A_1234 : i32 to index
        %get3A_1237 = arith.index_cast %add3A_1091 : i32 to index
        %get3A_1238 = arith.constant 0 : index
        %get3A_1239 = tpu.vector_load %arg10[%get3A_1235, %get3A_1236, %get3A_1237, %get3A_1238] {strides = array<i32>} : memref<2x26x32x16xf32, #tpu.memory_space<vmem>>, vector<16xf32>,
        %add3A_1240 = arith.addf %add3A_1231, %get3A_1239 : vector<16xf32>
        %mul3A_1241 = arith.mulf %get3A_1239, %get3A_1239 : vector<16xf32>
        %add3A_1242 = arith.addf %add3A_1233, %mul3A_1241 : vector<16xf32>
        %get3A_1243 = arith.constant 17 : i32
        %get3A_1244 = arith.index_cast %select_n3A_84 : i32 to index
        %get3A_1245 = arith.index_cast %get3A_1243 : i32 to index
        %get3A_1246 = arith.index_cast %add3A_1091 : i32 to index
        %get3A_1247 = arith.constant 0 : index
        %get3A_1248 = tpu.vector_load %arg10[%get3A_1244, %get3A_1245, %get3A_1246, %get3A_1247] {strides = array<i32>} : memref<2x26x32x16xf32, #tpu.memory_space<vmem>>, vector<16xf32>,
        %add3A_1249 = arith.addf %add3A_1240, %get3A_1248 : vector<16xf32>
        %mul3A_1250 = arith.mulf %get3A_1248, %get3A_1248 : vector<16xf32>
        %add3A_1251 = arith.addf %add3A_1242, %mul3A_1250 : vector<16xf32>
        %get3A_1252 = arith.constant 18 : i32
        %get3A_1253 = arith.index_cast %select_n3A_84 : i32 to index
        %get3A_1254 = arith.index_cast %get3A_1252 : i32 to index
        %get3A_1255 = arith.index_cast %add3A_1091 : i32 to index
        %get3A_1256 = arith.constant 0 : index
        %get3A_1257 = tpu.vector_load %arg10[%get3A_1253, %get3A_1254, %get3A_1255, %get3A_1256] {strides = array<i32>} : memref<2x26x32x16xf32, #tpu.memory_space<vmem>>, vector<16xf32>,
        %add3A_1258 = arith.addf %add3A_1249, %get3A_1257 : vector<16xf32>
        %mul3A_1259 = arith.mulf %get3A_1257, %get3A_1257 : vector<16xf32>
        %add3A_1260 = arith.addf %add3A_1251, %mul3A_1259 : vector<16xf32>
        %get3A_1261 = arith.constant 19 : i32
        %get3A_1262 = arith.index_cast %select_n3A_84 : i32 to index
        %get3A_1263 = arith.index_cast %get3A_1261 : i32 to index
        %get3A_1264 = arith.index_cast %add3A_1091 : i32 to index
        %get3A_1265 = arith.constant 0 : index
        %get3A_1266 = tpu.vector_load %arg10[%get3A_1262, %get3A_1263, %get3A_1264, %get3A_1265] {strides = array<i32>} : memref<2x26x32x16xf32, #tpu.memory_space<vmem>>, vector<16xf32>,
        %add3A_1267 = arith.addf %add3A_1258, %get3A_1266 : vector<16xf32>
        %mul3A_1268 = arith.mulf %get3A_1266, %get3A_1266 : vector<16xf32>
        %add3A_1269 = arith.addf %add3A_1260, %mul3A_1268 : vector<16xf32>
        %get3A_1270 = arith.constant 20 : i32
        %get3A_1271 = arith.index_cast %select_n3A_84 : i32 to index
        %get3A_1272 = arith.index_cast %get3A_1270 : i32 to index
        %get3A_1273 = arith.index_cast %add3A_1091 : i32 to index
        %get3A_1274 = arith.constant 0 : index
        %get3A_1275 = tpu.vector_load %arg10[%get3A_1271, %get3A_1272, %get3A_1273, %get3A_1274] {strides = array<i32>} : memref<2x26x32x16xf32, #tpu.memory_space<vmem>>, vector<16xf32>,
        %add3A_1276 = arith.addf %add3A_1267, %get3A_1275 : vector<16xf32>
        %mul3A_1277 = arith.mulf %get3A_1275, %get3A_1275 : vector<16xf32>
        %add3A_1278 = arith.addf %add3A_1269, %mul3A_1277 : vector<16xf32>
        %get3A_1279 = arith.constant 21 : i32
        %get3A_1280 = arith.index_cast %select_n3A_84 : i32 to index
        %get3A_1281 = arith.index_cast %get3A_1279 : i32 to index
        %get3A_1282 = arith.index_cast %add3A_1091 : i32 to index
        %get3A_1283 = arith.constant 0 : index
        %get3A_1284 = tpu.vector_load %arg10[%get3A_1280, %get3A_1281, %get3A_1282, %get3A_1283] {strides = array<i32>} : memref<2x26x32x16xf32, #tpu.memory_space<vmem>>, vector<16xf32>,
        %add3A_1285 = arith.addf %add3A_1276, %get3A_1284 : vector<16xf32>
        %mul3A_1286 = arith.mulf %get3A_1284, %get3A_1284 : vector<16xf32>
        %add3A_1287 = arith.addf %add3A_1278, %mul3A_1286 : vector<16xf32>
        %get3A_1288 = arith.constant 22 : i32
        %get3A_1289 = arith.index_cast %select_n3A_84 : i32 to index
        %get3A_1290 = arith.index_cast %get3A_1288 : i32 to index
        %get3A_1291 = arith.index_cast %add3A_1091 : i32 to index
        %get3A_1292 = arith.constant 0 : index
        %get3A_1293 = tpu.vector_load %arg10[%get3A_1289, %get3A_1290, %get3A_1291, %get3A_1292] {strides = array<i32>} : memref<2x26x32x16xf32, #tpu.memory_space<vmem>>, vector<16xf32>,
        %add3A_1294 = arith.addf %add3A_1285, %get3A_1293 : vector<16xf32>
        %mul3A_1295 = arith.mulf %get3A_1293, %get3A_1293 : vector<16xf32>
        %add3A_1296 = arith.addf %add3A_1287, %mul3A_1295 : vector<16xf32>
        %get3A_1297 = arith.constant 23 : i32
        %get3A_1298 = arith.index_cast %select_n3A_84 : i32 to index
        %get3A_1299 = arith.index_cast %get3A_1297 : i32 to index
        %get3A_1300 = arith.index_cast %add3A_1091 : i32 to index
        %get3A_1301 = arith.constant 0 : index
        %get3A_1302 = tpu.vector_load %arg10[%get3A_1298, %get3A_1299, %get3A_1300, %get3A_1301] {strides = array<i32>} : memref<2x26x32x16xf32, #tpu.memory_space<vmem>>, vector<16xf32>,
        %add3A_1303 = arith.addf %add3A_1294, %get3A_1302 : vector<16xf32>
        %mul3A_1304 = arith.mulf %get3A_1302, %get3A_1302 : vector<16xf32>
        %add3A_1305 = arith.addf %add3A_1296, %mul3A_1304 : vector<16xf32>
        %get3A_1306 = arith.constant 24 : i32
        %get3A_1307 = arith.index_cast %select_n3A_84 : i32 to index
        %get3A_1308 = arith.index_cast %get3A_1306 : i32 to index
        %get3A_1309 = arith.index_cast %add3A_1091 : i32 to index
        %get3A_1310 = arith.constant 0 : index
        %get3A_1311 = tpu.vector_load %arg10[%get3A_1307, %get3A_1308, %get3A_1309, %get3A_1310] {strides = array<i32>} : memref<2x26x32x16xf32, #tpu.memory_space<vmem>>, vector<16xf32>,
        %add3A_1312 = arith.addf %add3A_1303, %get3A_1311 : vector<16xf32>
        %mul3A_1313 = arith.mulf %get3A_1311, %get3A_1311 : vector<16xf32>
        %add3A_1314 = arith.addf %add3A_1305, %mul3A_1313 : vector<16xf32>
        %get3A_1315 = arith.constant 25 : i32
        %get3A_1316 = arith.index_cast %select_n3A_84 : i32 to index
        %get3A_1317 = arith.index_cast %get3A_1315 : i32 to index
        %get3A_1318 = arith.index_cast %add3A_1091 : i32 to index
        %get3A_1319 = arith.constant 0 : index
        %get3A_1320 = tpu.vector_load %arg10[%get3A_1316, %get3A_1317, %get3A_1318, %get3A_1319] {strides = array<i32>} : memref<2x26x32x16xf32, #tpu.memory_space<vmem>>, vector<16xf32>,
        %add3A_1321 = arith.addf %add3A_1312, %get3A_1320 : vector<16xf32>
        %mul3A_1322 = arith.mulf %get3A_1320, %get3A_1320 : vector<16xf32>
        %add3A_1323 = arith.addf %add3A_1314, %mul3A_1322 : vector<16xf32>
        %mul3A_1324 = arith.mulf %add3A_1321, %add3A_1321 : vector<16xf32>
        %sub3A_1325 = arith.subf %mul3A_1324, %add3A_1323 : vector<16xf32>
        %reduce_sum3A_1326 = arith.constant true
        %reduce_sum3A_1327 = vector.broadcast %reduce_sum3A_1326 : i1 to vector<16xi1>
        %reduce_sum3A_1328 = tpu.scan <sum>, %sub3A_1325 masked %reduce_sum3A_1327 : vector<16xf32>, vector<16xi1> -> vector<16xf32>
        %reduce_sum3A_1329 = vector.extract %reduce_sum3A_1328[15] : f32 from vector<16xf32>
        %mul3A_1330 = arith.constant 5.000000e-01 : f32
        %mul3A_1331 = arith.mulf %mul3A_1330, %reduce_sum3A_1329 : f32
        %eq3A_1332 = arith.constant 4 : i32
        %eq3A_1333 = vector.broadcast %eq3A_1332 : i32 to vector<16xi32>
        %eq3A_1334 = arith.cmpi eq, %iota3A, %eq3A_1333 : vector<16xi32>
        %broadcast_in_dim3A_1335 = vector.broadcast %mul3A_1331 : f32 to vector<16xf32>
        %select_n3A_1336 = arith.select %eq3A_1334, %broadcast_in_dim3A_1335, %select_n3A_1087 : vector<16xi1>, vector<16xf32>
        %mul3A_1337 = arith.constant 16 : i32
        %mul3A_1338 = arith.muli %scan3A_91, %mul3A_1337 : i32
        %add3A_1339 = arith.constant 5 : i32
        %add3A_1340 = arith.addi %mul3A_1338, %add3A_1339 : i32
        %get3A_1341 = arith.constant 0 : i32
        %get3A_1342 = arith.index_cast %select_n3A_84 : i32 to index
        %get3A_1343 = arith.index_cast %get3A_1341 : i32 to index
        %get3A_1344 = arith.index_cast %add3A_1340 : i32 to index
        %get3A_1345 = arith.constant 0 : index
        %get3A_1346 = tpu.vector_load %arg10[%get3A_1342, %get3A_1343, %get3A_1344, %get3A_1345] {strides = array<i32>} : memref<2x26x32x16xf32, #tpu.memory_space<vmem>>, vector<16xf32>,
        %mul3A_1347 = arith.mulf %get3A_1346, %get3A_1346 : vector<16xf32>
        %get3A_1348 = arith.constant 1 : i32
        %get3A_1349 = arith.index_cast %select_n3A_84 : i32 to index
        %get3A_1350 = arith.index_cast %get3A_1348 : i32 to index
        %get3A_1351 = arith.index_cast %add3A_1340 : i32 to index
        %get3A_1352 = arith.constant 0 : index
        %get3A_1353 = tpu.vector_load %arg10[%get3A_1349, %get3A_1350, %get3A_1351, %get3A_1352] {strides = array<i32>} : memref<2x26x32x16xf32, #tpu.memory_space<vmem>>, vector<16xf32>,
        %add3A_1354 = arith.addf %get3A_1346, %get3A_1353 : vector<16xf32>
        %mul3A_1355 = arith.mulf %get3A_1353, %get3A_1353 : vector<16xf32>
        %add3A_1356 = arith.addf %mul3A_1347, %mul3A_1355 : vector<16xf32>
        %get3A_1357 = arith.constant 2 : i32
        %get3A_1358 = arith.index_cast %select_n3A_84 : i32 to index
        %get3A_1359 = arith.index_cast %get3A_1357 : i32 to index
        %get3A_1360 = arith.index_cast %add3A_1340 : i32 to index
        %get3A_1361 = arith.constant 0 : index
        %get3A_1362 = tpu.vector_load %arg10[%get3A_1358, %get3A_1359, %get3A_1360, %get3A_1361] {strides = array<i32>} : memref<2x26x32x16xf32, #tpu.memory_space<vmem>>, vector<16xf32>,
        %add3A_1363 = arith.addf %add3A_1354, %get3A_1362 : vector<16xf32>
        %mul3A_1364 = arith.mulf %get3A_1362, %get3A_1362 : vector<16xf32>
        %add3A_1365 = arith.addf %add3A_1356, %mul3A_1364 : vector<16xf32>
        %get3A_1366 = arith.constant 3 : i32
        %get3A_1367 = arith.index_cast %select_n3A_84 : i32 to index
        %get3A_1368 = arith.index_cast %get3A_1366 : i32 to index
        %get3A_1369 = arith.index_cast %add3A_1340 : i32 to index
        %get3A_1370 = arith.constant 0 : index
        %get3A_1371 = tpu.vector_load %arg10[%get3A_1367, %get3A_1368, %get3A_1369, %get3A_1370] {strides = array<i32>} : memref<2x26x32x16xf32, #tpu.memory_space<vmem>>, vector<16xf32>,
        %add3A_1372 = arith.addf %add3A_1363, %get3A_1371 : vector<16xf32>
        %mul3A_1373 = arith.mulf %get3A_1371, %get3A_1371 : vector<16xf32>
        %add3A_1374 = arith.addf %add3A_1365, %mul3A_1373 : vector<16xf32>
        %get3A_1375 = arith.constant 4 : i32
        %get3A_1376 = arith.index_cast %select_n3A_84 : i32 to index
        %get3A_1377 = arith.index_cast %get3A_1375 : i32 to index
        %get3A_1378 = arith.index_cast %add3A_1340 : i32 to index
        %get3A_1379 = arith.constant 0 : index
        %get3A_1380 = tpu.vector_load %arg10[%get3A_1376, %get3A_1377, %get3A_1378, %get3A_1379] {strides = array<i32>} : memref<2x26x32x16xf32, #tpu.memory_space<vmem>>, vector<16xf32>,
        %add3A_1381 = arith.addf %add3A_1372, %get3A_1380 : vector<16xf32>
        %mul3A_1382 = arith.mulf %get3A_1380, %get3A_1380 : vector<16xf32>
        %add3A_1383 = arith.addf %add3A_1374, %mul3A_1382 : vector<16xf32>
        %get3A_1384 = arith.constant 5 : i32
        %get3A_1385 = arith.index_cast %select_n3A_84 : i32 to index
        %get3A_1386 = arith.index_cast %get3A_1384 : i32 to index
        %get3A_1387 = arith.index_cast %add3A_1340 : i32 to index
        %get3A_1388 = arith.constant 0 : index
        %get3A_1389 = tpu.vector_load %arg10[%get3A_1385, %get3A_1386, %get3A_1387, %get3A_1388] {strides = array<i32>} : memref<2x26x32x16xf32, #tpu.memory_space<vmem>>, vector<16xf32>,
        %add3A_1390 = arith.addf %add3A_1381, %get3A_1389 : vector<16xf32>
        %mul3A_1391 = arith.mulf %get3A_1389, %get3A_1389 : vector<16xf32>
        %add3A_1392 = arith.addf %add3A_1383, %mul3A_1391 : vector<16xf32>
        %get3A_1393 = arith.constant 6 : i32
        %get3A_1394 = arith.index_cast %select_n3A_84 : i32 to index
        %get3A_1395 = arith.index_cast %get3A_1393 : i32 to index
        %get3A_1396 = arith.index_cast %add3A_1340 : i32 to index
        %get3A_1397 = arith.constant 0 : index
        %get3A_1398 = tpu.vector_load %arg10[%get3A_1394, %get3A_1395, %get3A_1396, %get3A_1397] {strides = array<i32>} : memref<2x26x32x16xf32, #tpu.memory_space<vmem>>, vector<16xf32>,
        %add3A_1399 = arith.addf %add3A_1390, %get3A_1398 : vector<16xf32>
        %mul3A_1400 = arith.mulf %get3A_1398, %get3A_1398 : vector<16xf32>
        %add3A_1401 = arith.addf %add3A_1392, %mul3A_1400 : vector<16xf32>
        %get3A_1402 = arith.constant 7 : i32
        %get3A_1403 = arith.index_cast %select_n3A_84 : i32 to index
        %get3A_1404 = arith.index_cast %get3A_1402 : i32 to index
        %get3A_1405 = arith.index_cast %add3A_1340 : i32 to index
        %get3A_1406 = arith.constant 0 : index
        %get3A_1407 = tpu.vector_load %arg10[%get3A_1403, %get3A_1404, %get3A_1405, %get3A_1406] {strides = array<i32>} : memref<2x26x32x16xf32, #tpu.memory_space<vmem>>, vector<16xf32>,
        %add3A_1408 = arith.addf %add3A_1399, %get3A_1407 : vector<16xf32>
        %mul3A_1409 = arith.mulf %get3A_1407, %get3A_1407 : vector<16xf32>
        %add3A_1410 = arith.addf %add3A_1401, %mul3A_1409 : vector<16xf32>
        %get3A_1411 = arith.constant 8 : i32
        %get3A_1412 = arith.index_cast %select_n3A_84 : i32 to index
        %get3A_1413 = arith.index_cast %get3A_1411 : i32 to index
        %get3A_1414 = arith.index_cast %add3A_1340 : i32 to index
        %get3A_1415 = arith.constant 0 : index
        %get3A_1416 = tpu.vector_load %arg10[%get3A_1412, %get3A_1413, %get3A_1414, %get3A_1415] {strides = array<i32>} : memref<2x26x32x16xf32, #tpu.memory_space<vmem>>, vector<16xf32>,
        %add3A_1417 = arith.addf %add3A_1408, %get3A_1416 : vector<16xf32>
        %mul3A_1418 = arith.mulf %get3A_1416, %get3A_1416 : vector<16xf32>
        %add3A_1419 = arith.addf %add3A_1410, %mul3A_1418 : vector<16xf32>
        %get3A_1420 = arith.constant 9 : i32
        %get3A_1421 = arith.index_cast %select_n3A_84 : i32 to index
        %get3A_1422 = arith.index_cast %get3A_1420 : i32 to index
        %get3A_1423 = arith.index_cast %add3A_1340 : i32 to index
        %get3A_1424 = arith.constant 0 : index
        %get3A_1425 = tpu.vector_load %arg10[%get3A_1421, %get3A_1422, %get3A_1423, %get3A_1424] {strides = array<i32>} : memref<2x26x32x16xf32, #tpu.memory_space<vmem>>, vector<16xf32>,
        %add3A_1426 = arith.addf %add3A_1417, %get3A_1425 : vector<16xf32>
        %mul3A_1427 = arith.mulf %get3A_1425, %get3A_1425 : vector<16xf32>
        %add3A_1428 = arith.addf %add3A_1419, %mul3A_1427 : vector<16xf32>
        %get3A_1429 = arith.constant 10 : i32
        %get3A_1430 = arith.index_cast %select_n3A_84 : i32 to index
        %get3A_1431 = arith.index_cast %get3A_1429 : i32 to index
        %get3A_1432 = arith.index_cast %add3A_1340 : i32 to index
        %get3A_1433 = arith.constant 0 : index
        %get3A_1434 = tpu.vector_load %arg10[%get3A_1430, %get3A_1431, %get3A_1432, %get3A_1433] {strides = array<i32>} : memref<2x26x32x16xf32, #tpu.memory_space<vmem>>, vector<16xf32>,
        %add3A_1435 = arith.addf %add3A_1426, %get3A_1434 : vector<16xf32>
        %mul3A_1436 = arith.mulf %get3A_1434, %get3A_1434 : vector<16xf32>
        %add3A_1437 = arith.addf %add3A_1428, %mul3A_1436 : vector<16xf32>
        %get3A_1438 = arith.constant 11 : i32
        %get3A_1439 = arith.index_cast %select_n3A_84 : i32 to index
        %get3A_1440 = arith.index_cast %get3A_1438 : i32 to index
        %get3A_1441 = arith.index_cast %add3A_1340 : i32 to index
        %get3A_1442 = arith.constant 0 : index
        %get3A_1443 = tpu.vector_load %arg10[%get3A_1439, %get3A_1440, %get3A_1441, %get3A_1442] {strides = array<i32>} : memref<2x26x32x16xf32, #tpu.memory_space<vmem>>, vector<16xf32>,
        %add3A_1444 = arith.addf %add3A_1435, %get3A_1443 : vector<16xf32>
        %mul3A_1445 = arith.mulf %get3A_1443, %get3A_1443 : vector<16xf32>
        %add3A_1446 = arith.addf %add3A_1437, %mul3A_1445 : vector<16xf32>
        %get3A_1447 = arith.constant 12 : i32
        %get3A_1448 = arith.index_cast %select_n3A_84 : i32 to index
        %get3A_1449 = arith.index_cast %get3A_1447 : i32 to index
        %get3A_1450 = arith.index_cast %add3A_1340 : i32 to index
        %get3A_1451 = arith.constant 0 : index
        %get3A_1452 = tpu.vector_load %arg10[%get3A_1448, %get3A_1449, %get3A_1450, %get3A_1451] {strides = array<i32>} : memref<2x26x32x16xf32, #tpu.memory_space<vmem>>, vector<16xf32>,
        %add3A_1453 = arith.addf %add3A_1444, %get3A_1452 : vector<16xf32>
        %mul3A_1454 = arith.mulf %get3A_1452, %get3A_1452 : vector<16xf32>
        %add3A_1455 = arith.addf %add3A_1446, %mul3A_1454 : vector<16xf32>
        %get3A_1456 = arith.constant 13 : i32
        %get3A_1457 = arith.index_cast %select_n3A_84 : i32 to index
        %get3A_1458 = arith.index_cast %get3A_1456 : i32 to index
        %get3A_1459 = arith.index_cast %add3A_1340 : i32 to index
        %get3A_1460 = arith.constant 0 : index
        %get3A_1461 = tpu.vector_load %arg10[%get3A_1457, %get3A_1458, %get3A_1459, %get3A_1460] {strides = array<i32>} : memref<2x26x32x16xf32, #tpu.memory_space<vmem>>, vector<16xf32>,
        %add3A_1462 = arith.addf %add3A_1453, %get3A_1461 : vector<16xf32>
        %mul3A_1463 = arith.mulf %get3A_1461, %get3A_1461 : vector<16xf32>
        %add3A_1464 = arith.addf %add3A_1455, %mul3A_1463 : vector<16xf32>
        %get3A_1465 = arith.constant 14 : i32
        %get3A_1466 = arith.index_cast %select_n3A_84 : i32 to index
        %get3A_1467 = arith.index_cast %get3A_1465 : i32 to index
        %get3A_1468 = arith.index_cast %add3A_1340 : i32 to index
        %get3A_1469 = arith.constant 0 : index
        %get3A_1470 = tpu.vector_load %arg10[%get3A_1466, %get3A_1467, %get3A_1468, %get3A_1469] {strides = array<i32>} : memref<2x26x32x16xf32, #tpu.memory_space<vmem>>, vector<16xf32>,
        %add3A_1471 = arith.addf %add3A_1462, %get3A_1470 : vector<16xf32>
        %mul3A_1472 = arith.mulf %get3A_1470, %get3A_1470 : vector<16xf32>
        %add3A_1473 = arith.addf %add3A_1464, %mul3A_1472 : vector<16xf32>
        %get3A_1474 = arith.constant 15 : i32
        %get3A_1475 = arith.index_cast %select_n3A_84 : i32 to index
        %get3A_1476 = arith.index_cast %get3A_1474 : i32 to index
        %get3A_1477 = arith.index_cast %add3A_1340 : i32 to index
        %get3A_1478 = arith.constant 0 : index
        %get3A_1479 = tpu.vector_load %arg10[%get3A_1475, %get3A_1476, %get3A_1477, %get3A_1478] {strides = array<i32>} : memref<2x26x32x16xf32, #tpu.memory_space<vmem>>, vector<16xf32>,
        %add3A_1480 = arith.addf %add3A_1471, %get3A_1479 : vector<16xf32>
        %mul3A_1481 = arith.mulf %get3A_1479, %get3A_1479 : vector<16xf32>
        %add3A_1482 = arith.addf %add3A_1473, %mul3A_1481 : vector<16xf32>
        %get3A_1483 = arith.constant 16 : i32
        %get3A_1484 = arith.index_cast %select_n3A_84 : i32 to index
        %get3A_1485 = arith.index_cast %get3A_1483 : i32 to index
        %get3A_1486 = arith.index_cast %add3A_1340 : i32 to index
        %get3A_1487 = arith.constant 0 : index
        %get3A_1488 = tpu.vector_load %arg10[%get3A_1484, %get3A_1485, %get3A_1486, %get3A_1487] {strides = array<i32>} : memref<2x26x32x16xf32, #tpu.memory_space<vmem>>, vector<16xf32>,
        %add3A_1489 = arith.addf %add3A_1480, %get3A_1488 : vector<16xf32>
        %mul3A_1490 = arith.mulf %get3A_1488, %get3A_1488 : vector<16xf32>
        %add3A_1491 = arith.addf %add3A_1482, %mul3A_1490 : vector<16xf32>
        %get3A_1492 = arith.constant 17 : i32
        %get3A_1493 = arith.index_cast %select_n3A_84 : i32 to index
        %get3A_1494 = arith.index_cast %get3A_1492 : i32 to index
        %get3A_1495 = arith.index_cast %add3A_1340 : i32 to index
        %get3A_1496 = arith.constant 0 : index
        %get3A_1497 = tpu.vector_load %arg10[%get3A_1493, %get3A_1494, %get3A_1495, %get3A_1496] {strides = array<i32>} : memref<2x26x32x16xf32, #tpu.memory_space<vmem>>, vector<16xf32>,
        %add3A_1498 = arith.addf %add3A_1489, %get3A_1497 : vector<16xf32>
        %mul3A_1499 = arith.mulf %get3A_1497, %get3A_1497 : vector<16xf32>
        %add3A_1500 = arith.addf %add3A_1491, %mul3A_1499 : vector<16xf32>
        %get3A_1501 = arith.constant 18 : i32
        %get3A_1502 = arith.index_cast %select_n3A_84 : i32 to index
        %get3A_1503 = arith.index_cast %get3A_1501 : i32 to index
        %get3A_1504 = arith.index_cast %add3A_1340 : i32 to index
        %get3A_1505 = arith.constant 0 : index
        %get3A_1506 = tpu.vector_load %arg10[%get3A_1502, %get3A_1503, %get3A_1504, %get3A_1505] {strides = array<i32>} : memref<2x26x32x16xf32, #tpu.memory_space<vmem>>, vector<16xf32>,
        %add3A_1507 = arith.addf %add3A_1498, %get3A_1506 : vector<16xf32>
        %mul3A_1508 = arith.mulf %get3A_1506, %get3A_1506 : vector<16xf32>
        %add3A_1509 = arith.addf %add3A_1500, %mul3A_1508 : vector<16xf32>
        %get3A_1510 = arith.constant 19 : i32
        %get3A_1511 = arith.index_cast %select_n3A_84 : i32 to index
        %get3A_1512 = arith.index_cast %get3A_1510 : i32 to index
        %get3A_1513 = arith.index_cast %add3A_1340 : i32 to index
        %get3A_1514 = arith.constant 0 : index
        %get3A_1515 = tpu.vector_load %arg10[%get3A_1511, %get3A_1512, %get3A_1513, %get3A_1514] {strides = array<i32>} : memref<2x26x32x16xf32, #tpu.memory_space<vmem>>, vector<16xf32>,
        %add3A_1516 = arith.addf %add3A_1507, %get3A_1515 : vector<16xf32>
        %mul3A_1517 = arith.mulf %get3A_1515, %get3A_1515 : vector<16xf32>
        %add3A_1518 = arith.addf %add3A_1509, %mul3A_1517 : vector<16xf32>
        %get3A_1519 = arith.constant 20 : i32
        %get3A_1520 = arith.index_cast %select_n3A_84 : i32 to index
        %get3A_1521 = arith.index_cast %get3A_1519 : i32 to index
        %get3A_1522 = arith.index_cast %add3A_1340 : i32 to index
        %get3A_1523 = arith.constant 0 : index
        %get3A_1524 = tpu.vector_load %arg10[%get3A_1520, %get3A_1521, %get3A_1522, %get3A_1523] {strides = array<i32>} : memref<2x26x32x16xf32, #tpu.memory_space<vmem>>, vector<16xf32>,
        %add3A_1525 = arith.addf %add3A_1516, %get3A_1524 : vector<16xf32>
        %mul3A_1526 = arith.mulf %get3A_1524, %get3A_1524 : vector<16xf32>
        %add3A_1527 = arith.addf %add3A_1518, %mul3A_1526 : vector<16xf32>
        %get3A_1528 = arith.constant 21 : i32
        %get3A_1529 = arith.index_cast %select_n3A_84 : i32 to index
        %get3A_1530 = arith.index_cast %get3A_1528 : i32 to index
        %get3A_1531 = arith.index_cast %add3A_1340 : i32 to index
        %get3A_1532 = arith.constant 0 : index
        %get3A_1533 = tpu.vector_load %arg10[%get3A_1529, %get3A_1530, %get3A_1531, %get3A_1532] {strides = array<i32>} : memref<2x26x32x16xf32, #tpu.memory_space<vmem>>, vector<16xf32>,
        %add3A_1534 = arith.addf %add3A_1525, %get3A_1533 : vector<16xf32>
        %mul3A_1535 = arith.mulf %get3A_1533, %get3A_1533 : vector<16xf32>
        %add3A_1536 = arith.addf %add3A_1527, %mul3A_1535 : vector<16xf32>
        %get3A_1537 = arith.constant 22 : i32
        %get3A_1538 = arith.index_cast %select_n3A_84 : i32 to index
        %get3A_1539 = arith.index_cast %get3A_1537 : i32 to index
        %get3A_1540 = arith.index_cast %add3A_1340 : i32 to index
        %get3A_1541 = arith.constant 0 : index
        %get3A_1542 = tpu.vector_load %arg10[%get3A_1538, %get3A_1539, %get3A_1540, %get3A_1541] {strides = array<i32>} : memref<2x26x32x16xf32, #tpu.memory_space<vmem>>, vector<16xf32>,
        %add3A_1543 = arith.addf %add3A_1534, %get3A_1542 : vector<16xf32>
        %mul3A_1544 = arith.mulf %get3A_1542, %get3A_1542 : vector<16xf32>
        %add3A_1545 = arith.addf %add3A_1536, %mul3A_1544 : vector<16xf32>
        %get3A_1546 = arith.constant 23 : i32
        %get3A_1547 = arith.index_cast %select_n3A_84 : i32 to index
        %get3A_1548 = arith.index_cast %get3A_1546 : i32 to index
        %get3A_1549 = arith.index_cast %add3A_1340 : i32 to index
        %get3A_1550 = arith.constant 0 : index
        %get3A_1551 = tpu.vector_load %arg10[%get3A_1547, %get3A_1548, %get3A_1549, %get3A_1550] {strides = array<i32>} : memref<2x26x32x16xf32, #tpu.memory_space<vmem>>, vector<16xf32>,
        %add3A_1552 = arith.addf %add3A_1543, %get3A_1551 : vector<16xf32>
        %mul3A_1553 = arith.mulf %get3A_1551, %get3A_1551 : vector<16xf32>
        %add3A_1554 = arith.addf %add3A_1545, %mul3A_1553 : vector<16xf32>
        %get3A_1555 = arith.constant 24 : i32
        %get3A_1556 = arith.index_cast %select_n3A_84 : i32 to index
        %get3A_1557 = arith.index_cast %get3A_1555 : i32 to index
        %get3A_1558 = arith.index_cast %add3A_1340 : i32 to index
        %get3A_1559 = arith.constant 0 : index
        %get3A_1560 = tpu.vector_load %arg10[%get3A_1556, %get3A_1557, %get3A_1558, %get3A_1559] {strides = array<i32>} : memref<2x26x32x16xf32, #tpu.memory_space<vmem>>, vector<16xf32>,
        %add3A_1561 = arith.addf %add3A_1552, %get3A_1560 : vector<16xf32>
        %mul3A_1562 = arith.mulf %get3A_1560, %get3A_1560 : vector<16xf32>
        %add3A_1563 = arith.addf %add3A_1554, %mul3A_1562 : vector<16xf32>
        %get3A_1564 = arith.constant 25 : i32
        %get3A_1565 = arith.index_cast %select_n3A_84 : i32 to index
        %get3A_1566 = arith.index_cast %get3A_1564 : i32 to index
        %get3A_1567 = arith.index_cast %add3A_1340 : i32 to index
        %get3A_1568 = arith.constant 0 : index
        %get3A_1569 = tpu.vector_load %arg10[%get3A_1565, %get3A_1566, %get3A_1567, %get3A_1568] {strides = array<i32>} : memref<2x26x32x16xf32, #tpu.memory_space<vmem>>, vector<16xf32>,
        %add3A_1570 = arith.addf %add3A_1561, %get3A_1569 : vector<16xf32>
        %mul3A_1571 = arith.mulf %get3A_1569, %get3A_1569 : vector<16xf32>
        %add3A_1572 = arith.addf %add3A_1563, %mul3A_1571 : vector<16xf32>
        %mul3A_1573 = arith.mulf %add3A_1570, %add3A_1570 : vector<16xf32>
        %sub3A_1574 = arith.subf %mul3A_1573, %add3A_1572 : vector<16xf32>
        %reduce_sum3A_1575 = arith.constant true
        %reduce_sum3A_1576 = vector.broadcast %reduce_sum3A_1575 : i1 to vector<16xi1>
        %reduce_sum3A_1577 = tpu.scan <sum>, %sub3A_1574 masked %reduce_sum3A_1576 : vector<16xf32>, vector<16xi1> -> vector<16xf32>
        %reduce_sum3A_1578 = vector.extract %reduce_sum3A_1577[15] : f32 from vector<16xf32>
        %mul3A_1579 = arith.constant 5.000000e-01 : f32
        %mul3A_1580 = arith.mulf %mul3A_1579, %reduce_sum3A_1578 : f32
        %eq3A_1581 = arith.constant 5 : i32
        %eq3A_1582 = vector.broadcast %eq3A_1581 : i32 to vector<16xi32>
        %eq3A_1583 = arith.cmpi eq, %iota3A, %eq3A_1582 : vector<16xi32>
        %broadcast_in_dim3A_1584 = vector.broadcast %mul3A_1580 : f32 to vector<16xf32>
        %select_n3A_1585 = arith.select %eq3A_1583, %broadcast_in_dim3A_1584, %select_n3A_1336 : vector<16xi1>, vector<16xf32>
        %mul3A_1586 = arith.constant 16 : i32
        %mul3A_1587 = arith.muli %scan3A_91, %mul3A_1586 : i32
        %add3A_1588 = arith.constant 6 : i32
        %add3A_1589 = arith.addi %mul3A_1587, %add3A_1588 : i32
        %get3A_1590 = arith.constant 0 : i32
        %get3A_1591 = arith.index_cast %select_n3A_84 : i32 to index
        %get3A_1592 = arith.index_cast %get3A_1590 : i32 to index
        %get3A_1593 = arith.index_cast %add3A_1589 : i32 to index
        %get3A_1594 = arith.constant 0 : index
        %get3A_1595 = tpu.vector_load %arg10[%get3A_1591, %get3A_1592, %get3A_1593, %get3A_1594] {strides = array<i32>} : memref<2x26x32x16xf32, #tpu.memory_space<vmem>>, vector<16xf32>,
        %mul3A_1596 = arith.mulf %get3A_1595, %get3A_1595 : vector<16xf32>
        %get3A_1597 = arith.constant 1 : i32
        %get3A_1598 = arith.index_cast %select_n3A_84 : i32 to index
        %get3A_1599 = arith.index_cast %get3A_1597 : i32 to index
        %get3A_1600 = arith.index_cast %add3A_1589 : i32 to index
        %get3A_1601 = arith.constant 0 : index
        %get3A_1602 = tpu.vector_load %arg10[%get3A_1598, %get3A_1599, %get3A_1600, %get3A_1601] {strides = array<i32>} : memref<2x26x32x16xf32, #tpu.memory_space<vmem>>, vector<16xf32>,
        %add3A_1603 = arith.addf %get3A_1595, %get3A_1602 : vector<16xf32>
        %mul3A_1604 = arith.mulf %get3A_1602, %get3A_1602 : vector<16xf32>
        %add3A_1605 = arith.addf %mul3A_1596, %mul3A_1604 : vector<16xf32>
        %get3A_1606 = arith.constant 2 : i32
        %get3A_1607 = arith.index_cast %select_n3A_84 : i32 to index
        %get3A_1608 = arith.index_cast %get3A_1606 : i32 to index
        %get3A_1609 = arith.index_cast %add3A_1589 : i32 to index
        %get3A_1610 = arith.constant 0 : index
        %get3A_1611 = tpu.vector_load %arg10[%get3A_1607, %get3A_1608, %get3A_1609, %get3A_1610] {strides = array<i32>} : memref<2x26x32x16xf32, #tpu.memory_space<vmem>>, vector<16xf32>,
        %add3A_1612 = arith.addf %add3A_1603, %get3A_1611 : vector<16xf32>
        %mul3A_1613 = arith.mulf %get3A_1611, %get3A_1611 : vector<16xf32>
        %add3A_1614 = arith.addf %add3A_1605, %mul3A_1613 : vector<16xf32>
        %get3A_1615 = arith.constant 3 : i32
        %get3A_1616 = arith.index_cast %select_n3A_84 : i32 to index
        %get3A_1617 = arith.index_cast %get3A_1615 : i32 to index
        %get3A_1618 = arith.index_cast %add3A_1589 : i32 to index
        %get3A_1619 = arith.constant 0 : index
        %get3A_1620 = tpu.vector_load %arg10[%get3A_1616, %get3A_1617, %get3A_1618, %get3A_1619] {strides = array<i32>} : memref<2x26x32x16xf32, #tpu.memory_space<vmem>>, vector<16xf32>,
        %add3A_1621 = arith.addf %add3A_1612, %get3A_1620 : vector<16xf32>
        %mul3A_1622 = arith.mulf %get3A_1620, %get3A_1620 : vector<16xf32>
        %add3A_1623 = arith.addf %add3A_1614, %mul3A_1622 : vector<16xf32>
        %get3A_1624 = arith.constant 4 : i32
        %get3A_1625 = arith.index_cast %select_n3A_84 : i32 to index
        %get3A_1626 = arith.index_cast %get3A_1624 : i32 to index
        %get3A_1627 = arith.index_cast %add3A_1589 : i32 to index
        %get3A_1628 = arith.constant 0 : index
        %get3A_1629 = tpu.vector_load %arg10[%get3A_1625, %get3A_1626, %get3A_1627, %get3A_1628] {strides = array<i32>} : memref<2x26x32x16xf32, #tpu.memory_space<vmem>>, vector<16xf32>,
        %add3A_1630 = arith.addf %add3A_1621, %get3A_1629 : vector<16xf32>
        %mul3A_1631 = arith.mulf %get3A_1629, %get3A_1629 : vector<16xf32>
        %add3A_1632 = arith.addf %add3A_1623, %mul3A_1631 : vector<16xf32>
        %get3A_1633 = arith.constant 5 : i32
        %get3A_1634 = arith.index_cast %select_n3A_84 : i32 to index
        %get3A_1635 = arith.index_cast %get3A_1633 : i32 to index
        %get3A_1636 = arith.index_cast %add3A_1589 : i32 to index
        %get3A_1637 = arith.constant 0 : index
        %get3A_1638 = tpu.vector_load %arg10[%get3A_1634, %get3A_1635, %get3A_1636, %get3A_1637] {strides = array<i32>} : memref<2x26x32x16xf32, #tpu.memory_space<vmem>>, vector<16xf32>,
        %add3A_1639 = arith.addf %add3A_1630, %get3A_1638 : vector<16xf32>
        %mul3A_1640 = arith.mulf %get3A_1638, %get3A_1638 : vector<16xf32>
        %add3A_1641 = arith.addf %add3A_1632, %mul3A_1640 : vector<16xf32>
        %get3A_1642 = arith.constant 6 : i32
        %get3A_1643 = arith.index_cast %select_n3A_84 : i32 to index
        %get3A_1644 = arith.index_cast %get3A_1642 : i32 to index
        %get3A_1645 = arith.index_cast %add3A_1589 : i32 to index
        %get3A_1646 = arith.constant 0 : index
        %get3A_1647 = tpu.vector_load %arg10[%get3A_1643, %get3A_1644, %get3A_1645, %get3A_1646] {strides = array<i32>} : memref<2x26x32x16xf32, #tpu.memory_space<vmem>>, vector<16xf32>,
        %add3A_1648 = arith.addf %add3A_1639, %get3A_1647 : vector<16xf32>
        %mul3A_1649 = arith.mulf %get3A_1647, %get3A_1647 : vector<16xf32>
        %add3A_1650 = arith.addf %add3A_1641, %mul3A_1649 : vector<16xf32>
        %get3A_1651 = arith.constant 7 : i32
        %get3A_1652 = arith.index_cast %select_n3A_84 : i32 to index
        %get3A_1653 = arith.index_cast %get3A_1651 : i32 to index
        %get3A_1654 = arith.index_cast %add3A_1589 : i32 to index
        %get3A_1655 = arith.constant 0 : index
        %get3A_1656 = tpu.vector_load %arg10[%get3A_1652, %get3A_1653, %get3A_1654, %get3A_1655] {strides = array<i32>} : memref<2x26x32x16xf32, #tpu.memory_space<vmem>>, vector<16xf32>,
        %add3A_1657 = arith.addf %add3A_1648, %get3A_1656 : vector<16xf32>
        %mul3A_1658 = arith.mulf %get3A_1656, %get3A_1656 : vector<16xf32>
        %add3A_1659 = arith.addf %add3A_1650, %mul3A_1658 : vector<16xf32>
        %get3A_1660 = arith.constant 8 : i32
        %get3A_1661 = arith.index_cast %select_n3A_84 : i32 to index
        %get3A_1662 = arith.index_cast %get3A_1660 : i32 to index
        %get3A_1663 = arith.index_cast %add3A_1589 : i32 to index
        %get3A_1664 = arith.constant 0 : index
        %get3A_1665 = tpu.vector_load %arg10[%get3A_1661, %get3A_1662, %get3A_1663, %get3A_1664] {strides = array<i32>} : memref<2x26x32x16xf32, #tpu.memory_space<vmem>>, vector<16xf32>,
        %add3A_1666 = arith.addf %add3A_1657, %get3A_1665 : vector<16xf32>
        %mul3A_1667 = arith.mulf %get3A_1665, %get3A_1665 : vector<16xf32>
        %add3A_1668 = arith.addf %add3A_1659, %mul3A_1667 : vector<16xf32>
        %get3A_1669 = arith.constant 9 : i32
        %get3A_1670 = arith.index_cast %select_n3A_84 : i32 to index
        %get3A_1671 = arith.index_cast %get3A_1669 : i32 to index
        %get3A_1672 = arith.index_cast %add3A_1589 : i32 to index
        %get3A_1673 = arith.constant 0 : index
        %get3A_1674 = tpu.vector_load %arg10[%get3A_1670, %get3A_1671, %get3A_1672, %get3A_1673] {strides = array<i32>} : memref<2x26x32x16xf32, #tpu.memory_space<vmem>>, vector<16xf32>,
        %add3A_1675 = arith.addf %add3A_1666, %get3A_1674 : vector<16xf32>
        %mul3A_1676 = arith.mulf %get3A_1674, %get3A_1674 : vector<16xf32>
        %add3A_1677 = arith.addf %add3A_1668, %mul3A_1676 : vector<16xf32>
        %get3A_1678 = arith.constant 10 : i32
        %get3A_1679 = arith.index_cast %select_n3A_84 : i32 to index
        %get3A_1680 = arith.index_cast %get3A_1678 : i32 to index
        %get3A_1681 = arith.index_cast %add3A_1589 : i32 to index
        %get3A_1682 = arith.constant 0 : index
        %get3A_1683 = tpu.vector_load %arg10[%get3A_1679, %get3A_1680, %get3A_1681, %get3A_1682] {strides = array<i32>} : memref<2x26x32x16xf32, #tpu.memory_space<vmem>>, vector<16xf32>,
        %add3A_1684 = arith.addf %add3A_1675, %get3A_1683 : vector<16xf32>
        %mul3A_1685 = arith.mulf %get3A_1683, %get3A_1683 : vector<16xf32>
        %add3A_1686 = arith.addf %add3A_1677, %mul3A_1685 : vector<16xf32>
        %get3A_1687 = arith.constant 11 : i32
        %get3A_1688 = arith.index_cast %select_n3A_84 : i32 to index
        %get3A_1689 = arith.index_cast %get3A_1687 : i32 to index
        %get3A_1690 = arith.index_cast %add3A_1589 : i32 to index
        %get3A_1691 = arith.constant 0 : index
        %get3A_1692 = tpu.vector_load %arg10[%get3A_1688, %get3A_1689, %get3A_1690, %get3A_1691] {strides = array<i32>} : memref<2x26x32x16xf32, #tpu.memory_space<vmem>>, vector<16xf32>,
        %add3A_1693 = arith.addf %add3A_1684, %get3A_1692 : vector<16xf32>
        %mul3A_1694 = arith.mulf %get3A_1692, %get3A_1692 : vector<16xf32>
        %add3A_1695 = arith.addf %add3A_1686, %mul3A_1694 : vector<16xf32>
        %get3A_1696 = arith.constant 12 : i32
        %get3A_1697 = arith.index_cast %select_n3A_84 : i32 to index
        %get3A_1698 = arith.index_cast %get3A_1696 : i32 to index
        %get3A_1699 = arith.index_cast %add3A_1589 : i32 to index
        %get3A_1700 = arith.constant 0 : index
        %get3A_1701 = tpu.vector_load %arg10[%get3A_1697, %get3A_1698, %get3A_1699, %get3A_1700] {strides = array<i32>} : memref<2x26x32x16xf32, #tpu.memory_space<vmem>>, vector<16xf32>,
        %add3A_1702 = arith.addf %add3A_1693, %get3A_1701 : vector<16xf32>
        %mul3A_1703 = arith.mulf %get3A_1701, %get3A_1701 : vector<16xf32>
        %add3A_1704 = arith.addf %add3A_1695, %mul3A_1703 : vector<16xf32>
        %get3A_1705 = arith.constant 13 : i32
        %get3A_1706 = arith.index_cast %select_n3A_84 : i32 to index
        %get3A_1707 = arith.index_cast %get3A_1705 : i32 to index
        %get3A_1708 = arith.index_cast %add3A_1589 : i32 to index
        %get3A_1709 = arith.constant 0 : index
        %get3A_1710 = tpu.vector_load %arg10[%get3A_1706, %get3A_1707, %get3A_1708, %get3A_1709] {strides = array<i32>} : memref<2x26x32x16xf32, #tpu.memory_space<vmem>>, vector<16xf32>,
        %add3A_1711 = arith.addf %add3A_1702, %get3A_1710 : vector<16xf32>
        %mul3A_1712 = arith.mulf %get3A_1710, %get3A_1710 : vector<16xf32>
        %add3A_1713 = arith.addf %add3A_1704, %mul3A_1712 : vector<16xf32>
        %get3A_1714 = arith.constant 14 : i32
        %get3A_1715 = arith.index_cast %select_n3A_84 : i32 to index
        %get3A_1716 = arith.index_cast %get3A_1714 : i32 to index
        %get3A_1717 = arith.index_cast %add3A_1589 : i32 to index
        %get3A_1718 = arith.constant 0 : index
        %get3A_1719 = tpu.vector_load %arg10[%get3A_1715, %get3A_1716, %get3A_1717, %get3A_1718] {strides = array<i32>} : memref<2x26x32x16xf32, #tpu.memory_space<vmem>>, vector<16xf32>,
        %add3A_1720 = arith.addf %add3A_1711, %get3A_1719 : vector<16xf32>
        %mul3A_1721 = arith.mulf %get3A_1719, %get3A_1719 : vector<16xf32>
        %add3A_1722 = arith.addf %add3A_1713, %mul3A_1721 : vector<16xf32>
        %get3A_1723 = arith.constant 15 : i32
        %get3A_1724 = arith.index_cast %select_n3A_84 : i32 to index
        %get3A_1725 = arith.index_cast %get3A_1723 : i32 to index
        %get3A_1726 = arith.index_cast %add3A_1589 : i32 to index
        %get3A_1727 = arith.constant 0 : index
        %get3A_1728 = tpu.vector_load %arg10[%get3A_1724, %get3A_1725, %get3A_1726, %get3A_1727] {strides = array<i32>} : memref<2x26x32x16xf32, #tpu.memory_space<vmem>>, vector<16xf32>,
        %add3A_1729 = arith.addf %add3A_1720, %get3A_1728 : vector<16xf32>
        %mul3A_1730 = arith.mulf %get3A_1728, %get3A_1728 : vector<16xf32>
        %add3A_1731 = arith.addf %add3A_1722, %mul3A_1730 : vector<16xf32>
        %get3A_1732 = arith.constant 16 : i32
        %get3A_1733 = arith.index_cast %select_n3A_84 : i32 to index
        %get3A_1734 = arith.index_cast %get3A_1732 : i32 to index
        %get3A_1735 = arith.index_cast %add3A_1589 : i32 to index
        %get3A_1736 = arith.constant 0 : index
        %get3A_1737 = tpu.vector_load %arg10[%get3A_1733, %get3A_1734, %get3A_1735, %get3A_1736] {strides = array<i32>} : memref<2x26x32x16xf32, #tpu.memory_space<vmem>>, vector<16xf32>,
        %add3A_1738 = arith.addf %add3A_1729, %get3A_1737 : vector<16xf32>
        %mul3A_1739 = arith.mulf %get3A_1737, %get3A_1737 : vector<16xf32>
        %add3A_1740 = arith.addf %add3A_1731, %mul3A_1739 : vector<16xf32>
        %get3A_1741 = arith.constant 17 : i32
        %get3A_1742 = arith.index_cast %select_n3A_84 : i32 to index
        %get3A_1743 = arith.index_cast %get3A_1741 : i32 to index
        %get3A_1744 = arith.index_cast %add3A_1589 : i32 to index
        %get3A_1745 = arith.constant 0 : index
        %get3A_1746 = tpu.vector_load %arg10[%get3A_1742, %get3A_1743, %get3A_1744, %get3A_1745] {strides = array<i32>} : memref<2x26x32x16xf32, #tpu.memory_space<vmem>>, vector<16xf32>,
        %add3A_1747 = arith.addf %add3A_1738, %get3A_1746 : vector<16xf32>
        %mul3A_1748 = arith.mulf %get3A_1746, %get3A_1746 : vector<16xf32>
        %add3A_1749 = arith.addf %add3A_1740, %mul3A_1748 : vector<16xf32>
        %get3A_1750 = arith.constant 18 : i32
        %get3A_1751 = arith.index_cast %select_n3A_84 : i32 to index
        %get3A_1752 = arith.index_cast %get3A_1750 : i32 to index
        %get3A_1753 = arith.index_cast %add3A_1589 : i32 to index
        %get3A_1754 = arith.constant 0 : index
        %get3A_1755 = tpu.vector_load %arg10[%get3A_1751, %get3A_1752, %get3A_1753, %get3A_1754] {strides = array<i32>} : memref<2x26x32x16xf32, #tpu.memory_space<vmem>>, vector<16xf32>,
        %add3A_1756 = arith.addf %add3A_1747, %get3A_1755 : vector<16xf32>
        %mul3A_1757 = arith.mulf %get3A_1755, %get3A_1755 : vector<16xf32>
        %add3A_1758 = arith.addf %add3A_1749, %mul3A_1757 : vector<16xf32>
        %get3A_1759 = arith.constant 19 : i32
        %get3A_1760 = arith.index_cast %select_n3A_84 : i32 to index
        %get3A_1761 = arith.index_cast %get3A_1759 : i32 to index
        %get3A_1762 = arith.index_cast %add3A_1589 : i32 to index
        %get3A_1763 = arith.constant 0 : index
        %get3A_1764 = tpu.vector_load %arg10[%get3A_1760, %get3A_1761, %get3A_1762, %get3A_1763] {strides = array<i32>} : memref<2x26x32x16xf32, #tpu.memory_space<vmem>>, vector<16xf32>,
        %add3A_1765 = arith.addf %add3A_1756, %get3A_1764 : vector<16xf32>
        %mul3A_1766 = arith.mulf %get3A_1764, %get3A_1764 : vector<16xf32>
        %add3A_1767 = arith.addf %add3A_1758, %mul3A_1766 : vector<16xf32>
        %get3A_1768 = arith.constant 20 : i32
        %get3A_1769 = arith.index_cast %select_n3A_84 : i32 to index
        %get3A_1770 = arith.index_cast %get3A_1768 : i32 to index
        %get3A_1771 = arith.index_cast %add3A_1589 : i32 to index
        %get3A_1772 = arith.constant 0 : index
        %get3A_1773 = tpu.vector_load %arg10[%get3A_1769, %get3A_1770, %get3A_1771, %get3A_1772] {strides = array<i32>} : memref<2x26x32x16xf32, #tpu.memory_space<vmem>>, vector<16xf32>,
        %add3A_1774 = arith.addf %add3A_1765, %get3A_1773 : vector<16xf32>
        %mul3A_1775 = arith.mulf %get3A_1773, %get3A_1773 : vector<16xf32>
        %add3A_1776 = arith.addf %add3A_1767, %mul3A_1775 : vector<16xf32>
        %get3A_1777 = arith.constant 21 : i32
        %get3A_1778 = arith.index_cast %select_n3A_84 : i32 to index
        %get3A_1779 = arith.index_cast %get3A_1777 : i32 to index
        %get3A_1780 = arith.index_cast %add3A_1589 : i32 to index
        %get3A_1781 = arith.constant 0 : index
        %get3A_1782 = tpu.vector_load %arg10[%get3A_1778, %get3A_1779, %get3A_1780, %get3A_1781] {strides = array<i32>} : memref<2x26x32x16xf32, #tpu.memory_space<vmem>>, vector<16xf32>,
        %add3A_1783 = arith.addf %add3A_1774, %get3A_1782 : vector<16xf32>
        %mul3A_1784 = arith.mulf %get3A_1782, %get3A_1782 : vector<16xf32>
        %add3A_1785 = arith.addf %add3A_1776, %mul3A_1784 : vector<16xf32>
        %get3A_1786 = arith.constant 22 : i32
        %get3A_1787 = arith.index_cast %select_n3A_84 : i32 to index
        %get3A_1788 = arith.index_cast %get3A_1786 : i32 to index
        %get3A_1789 = arith.index_cast %add3A_1589 : i32 to index
        %get3A_1790 = arith.constant 0 : index
        %get3A_1791 = tpu.vector_load %arg10[%get3A_1787, %get3A_1788, %get3A_1789, %get3A_1790] {strides = array<i32>} : memref<2x26x32x16xf32, #tpu.memory_space<vmem>>, vector<16xf32>,
        %add3A_1792 = arith.addf %add3A_1783, %get3A_1791 : vector<16xf32>
        %mul3A_1793 = arith.mulf %get3A_1791, %get3A_1791 : vector<16xf32>
        %add3A_1794 = arith.addf %add3A_1785, %mul3A_1793 : vector<16xf32>
        %get3A_1795 = arith.constant 23 : i32
        %get3A_1796 = arith.index_cast %select_n3A_84 : i32 to index
        %get3A_1797 = arith.index_cast %get3A_1795 : i32 to index
        %get3A_1798 = arith.index_cast %add3A_1589 : i32 to index
        %get3A_1799 = arith.constant 0 : index
        %get3A_1800 = tpu.vector_load %arg10[%get3A_1796, %get3A_1797, %get3A_1798, %get3A_1799] {strides = array<i32>} : memref<2x26x32x16xf32, #tpu.memory_space<vmem>>, vector<16xf32>,
        %add3A_1801 = arith.addf %add3A_1792, %get3A_1800 : vector<16xf32>
        %mul3A_1802 = arith.mulf %get3A_1800, %get3A_1800 : vector<16xf32>
        %add3A_1803 = arith.addf %add3A_1794, %mul3A_1802 : vector<16xf32>
        %get3A_1804 = arith.constant 24 : i32
        %get3A_1805 = arith.index_cast %select_n3A_84 : i32 to index
        %get3A_1806 = arith.index_cast %get3A_1804 : i32 to index
        %get3A_1807 = arith.index_cast %add3A_1589 : i32 to index
        %get3A_1808 = arith.constant 0 : index
        %get3A_1809 = tpu.vector_load %arg10[%get3A_1805, %get3A_1806, %get3A_1807, %get3A_1808] {strides = array<i32>} : memref<2x26x32x16xf32, #tpu.memory_space<vmem>>, vector<16xf32>,
        %add3A_1810 = arith.addf %add3A_1801, %get3A_1809 : vector<16xf32>
        %mul3A_1811 = arith.mulf %get3A_1809, %get3A_1809 : vector<16xf32>
        %add3A_1812 = arith.addf %add3A_1803, %mul3A_1811 : vector<16xf32>
        %get3A_1813 = arith.constant 25 : i32
        %get3A_1814 = arith.index_cast %select_n3A_84 : i32 to index
        %get3A_1815 = arith.index_cast %get3A_1813 : i32 to index
        %get3A_1816 = arith.index_cast %add3A_1589 : i32 to index
        %get3A_1817 = arith.constant 0 : index
        %get3A_1818 = tpu.vector_load %arg10[%get3A_1814, %get3A_1815, %get3A_1816, %get3A_1817] {strides = array<i32>} : memref<2x26x32x16xf32, #tpu.memory_space<vmem>>, vector<16xf32>,
        %add3A_1819 = arith.addf %add3A_1810, %get3A_1818 : vector<16xf32>
        %mul3A_1820 = arith.mulf %get3A_1818, %get3A_1818 : vector<16xf32>
        %add3A_1821 = arith.addf %add3A_1812, %mul3A_1820 : vector<16xf32>
        %mul3A_1822 = arith.mulf %add3A_1819, %add3A_1819 : vector<16xf32>
        %sub3A_1823 = arith.subf %mul3A_1822, %add3A_1821 : vector<16xf32>
        %reduce_sum3A_1824 = arith.constant true
        %reduce_sum3A_1825 = vector.broadcast %reduce_sum3A_1824 : i1 to vector<16xi1>
        %reduce_sum3A_1826 = tpu.scan <sum>, %sub3A_1823 masked %reduce_sum3A_1825 : vector<16xf32>, vector<16xi1> -> vector<16xf32>
        %reduce_sum3A_1827 = vector.extract %reduce_sum3A_1826[15] : f32 from vector<16xf32>
        %mul3A_1828 = arith.constant 5.000000e-01 : f32
        %mul3A_1829 = arith.mulf %mul3A_1828, %reduce_sum3A_1827 : f32
        %eq3A_1830 = arith.constant 6 : i32
        %eq3A_1831 = vector.broadcast %eq3A_1830 : i32 to vector<16xi32>
        %eq3A_1832 = arith.cmpi eq, %iota3A, %eq3A_1831 : vector<16xi32>
        %broadcast_in_dim3A_1833 = vector.broadcast %mul3A_1829 : f32 to vector<16xf32>
        %select_n3A_1834 = arith.select %eq3A_1832, %broadcast_in_dim3A_1833, %select_n3A_1585 : vector<16xi1>, vector<16xf32>
        %mul3A_1835 = arith.constant 16 : i32
        %mul3A_1836 = arith.muli %scan3A_91, %mul3A_1835 : i32
        %add3A_1837 = arith.constant 7 : i32
        %add3A_1838 = arith.addi %mul3A_1836, %add3A_1837 : i32
        %get3A_1839 = arith.constant 0 : i32
        %get3A_1840 = arith.index_cast %select_n3A_84 : i32 to index
        %get3A_1841 = arith.index_cast %get3A_1839 : i32 to index
        %get3A_1842 = arith.index_cast %add3A_1838 : i32 to index
        %get3A_1843 = arith.constant 0 : index
        %get3A_1844 = tpu.vector_load %arg10[%get3A_1840, %get3A_1841, %get3A_1842, %get3A_1843] {strides = array<i32>} : memref<2x26x32x16xf32, #tpu.memory_space<vmem>>, vector<16xf32>,
        %mul3A_1845 = arith.mulf %get3A_1844, %get3A_1844 : vector<16xf32>
        %get3A_1846 = arith.constant 1 : i32
        %get3A_1847 = arith.index_cast %select_n3A_84 : i32 to index
        %get3A_1848 = arith.index_cast %get3A_1846 : i32 to index
        %get3A_1849 = arith.index_cast %add3A_1838 : i32 to index
        %get3A_1850 = arith.constant 0 : index
        %get3A_1851 = tpu.vector_load %arg10[%get3A_1847, %get3A_1848, %get3A_1849, %get3A_1850] {strides = array<i32>} : memref<2x26x32x16xf32, #tpu.memory_space<vmem>>, vector<16xf32>,
        %add3A_1852 = arith.addf %get3A_1844, %get3A_1851 : vector<16xf32>
        %mul3A_1853 = arith.mulf %get3A_1851, %get3A_1851 : vector<16xf32>
        %add3A_1854 = arith.addf %mul3A_1845, %mul3A_1853 : vector<16xf32>
        %get3A_1855 = arith.constant 2 : i32
        %get3A_1856 = arith.index_cast %select_n3A_84 : i32 to index
        %get3A_1857 = arith.index_cast %get3A_1855 : i32 to index
        %get3A_1858 = arith.index_cast %add3A_1838 : i32 to index
        %get3A_1859 = arith.constant 0 : index
        %get3A_1860 = tpu.vector_load %arg10[%get3A_1856, %get3A_1857, %get3A_1858, %get3A_1859] {strides = array<i32>} : memref<2x26x32x16xf32, #tpu.memory_space<vmem>>, vector<16xf32>,
        %add3A_1861 = arith.addf %add3A_1852, %get3A_1860 : vector<16xf32>
        %mul3A_1862 = arith.mulf %get3A_1860, %get3A_1860 : vector<16xf32>
        %add3A_1863 = arith.addf %add3A_1854, %mul3A_1862 : vector<16xf32>
        %get3A_1864 = arith.constant 3 : i32
        %get3A_1865 = arith.index_cast %select_n3A_84 : i32 to index
        %get3A_1866 = arith.index_cast %get3A_1864 : i32 to index
        %get3A_1867 = arith.index_cast %add3A_1838 : i32 to index
        %get3A_1868 = arith.constant 0 : index
        %get3A_1869 = tpu.vector_load %arg10[%get3A_1865, %get3A_1866, %get3A_1867, %get3A_1868] {strides = array<i32>} : memref<2x26x32x16xf32, #tpu.memory_space<vmem>>, vector<16xf32>,
        %add3A_1870 = arith.addf %add3A_1861, %get3A_1869 : vector<16xf32>
        %mul3A_1871 = arith.mulf %get3A_1869, %get3A_1869 : vector<16xf32>
        %add3A_1872 = arith.addf %add3A_1863, %mul3A_1871 : vector<16xf32>
        %get3A_1873 = arith.constant 4 : i32
        %get3A_1874 = arith.index_cast %select_n3A_84 : i32 to index
        %get3A_1875 = arith.index_cast %get3A_1873 : i32 to index
        %get3A_1876 = arith.index_cast %add3A_1838 : i32 to index
        %get3A_1877 = arith.constant 0 : index
        %get3A_1878 = tpu.vector_load %arg10[%get3A_1874, %get3A_1875, %get3A_1876, %get3A_1877] {strides = array<i32>} : memref<2x26x32x16xf32, #tpu.memory_space<vmem>>, vector<16xf32>,
        %add3A_1879 = arith.addf %add3A_1870, %get3A_1878 : vector<16xf32>
        %mul3A_1880 = arith.mulf %get3A_1878, %get3A_1878 : vector<16xf32>
        %add3A_1881 = arith.addf %add3A_1872, %mul3A_1880 : vector<16xf32>
        %get3A_1882 = arith.constant 5 : i32
        %get3A_1883 = arith.index_cast %select_n3A_84 : i32 to index
        %get3A_1884 = arith.index_cast %get3A_1882 : i32 to index
        %get3A_1885 = arith.index_cast %add3A_1838 : i32 to index
        %get3A_1886 = arith.constant 0 : index
        %get3A_1887 = tpu.vector_load %arg10[%get3A_1883, %get3A_1884, %get3A_1885, %get3A_1886] {strides = array<i32>} : memref<2x26x32x16xf32, #tpu.memory_space<vmem>>, vector<16xf32>,
        %add3A_1888 = arith.addf %add3A_1879, %get3A_1887 : vector<16xf32>
        %mul3A_1889 = arith.mulf %get3A_1887, %get3A_1887 : vector<16xf32>
        %add3A_1890 = arith.addf %add3A_1881, %mul3A_1889 : vector<16xf32>
        %get3A_1891 = arith.constant 6 : i32
        %get3A_1892 = arith.index_cast %select_n3A_84 : i32 to index
        %get3A_1893 = arith.index_cast %get3A_1891 : i32 to index
        %get3A_1894 = arith.index_cast %add3A_1838 : i32 to index
        %get3A_1895 = arith.constant 0 : index
        %get3A_1896 = tpu.vector_load %arg10[%get3A_1892, %get3A_1893, %get3A_1894, %get3A_1895] {strides = array<i32>} : memref<2x26x32x16xf32, #tpu.memory_space<vmem>>, vector<16xf32>,
        %add3A_1897 = arith.addf %add3A_1888, %get3A_1896 : vector<16xf32>
        %mul3A_1898 = arith.mulf %get3A_1896, %get3A_1896 : vector<16xf32>
        %add3A_1899 = arith.addf %add3A_1890, %mul3A_1898 : vector<16xf32>
        %get3A_1900 = arith.constant 7 : i32
        %get3A_1901 = arith.index_cast %select_n3A_84 : i32 to index
        %get3A_1902 = arith.index_cast %get3A_1900 : i32 to index
        %get3A_1903 = arith.index_cast %add3A_1838 : i32 to index
        %get3A_1904 = arith.constant 0 : index
        %get3A_1905 = tpu.vector_load %arg10[%get3A_1901, %get3A_1902, %get3A_1903, %get3A_1904] {strides = array<i32>} : memref<2x26x32x16xf32, #tpu.memory_space<vmem>>, vector<16xf32>,
        %add3A_1906 = arith.addf %add3A_1897, %get3A_1905 : vector<16xf32>
        %mul3A_1907 = arith.mulf %get3A_1905, %get3A_1905 : vector<16xf32>
        %add3A_1908 = arith.addf %add3A_1899, %mul3A_1907 : vector<16xf32>
        %get3A_1909 = arith.constant 8 : i32
        %get3A_1910 = arith.index_cast %select_n3A_84 : i32 to index
        %get3A_1911 = arith.index_cast %get3A_1909 : i32 to index
        %get3A_1912 = arith.index_cast %add3A_1838 : i32 to index
        %get3A_1913 = arith.constant 0 : index
        %get3A_1914 = tpu.vector_load %arg10[%get3A_1910, %get3A_1911, %get3A_1912, %get3A_1913] {strides = array<i32>} : memref<2x26x32x16xf32, #tpu.memory_space<vmem>>, vector<16xf32>,
        %add3A_1915 = arith.addf %add3A_1906, %get3A_1914 : vector<16xf32>
        %mul3A_1916 = arith.mulf %get3A_1914, %get3A_1914 : vector<16xf32>
        %add3A_1917 = arith.addf %add3A_1908, %mul3A_1916 : vector<16xf32>
        %get3A_1918 = arith.constant 9 : i32
        %get3A_1919 = arith.index_cast %select_n3A_84 : i32 to index
        %get3A_1920 = arith.index_cast %get3A_1918 : i32 to index
        %get3A_1921 = arith.index_cast %add3A_1838 : i32 to index
        %get3A_1922 = arith.constant 0 : index
        %get3A_1923 = tpu.vector_load %arg10[%get3A_1919, %get3A_1920, %get3A_1921, %get3A_1922] {strides = array<i32>} : memref<2x26x32x16xf32, #tpu.memory_space<vmem>>, vector<16xf32>,
        %add3A_1924 = arith.addf %add3A_1915, %get3A_1923 : vector<16xf32>
        %mul3A_1925 = arith.mulf %get3A_1923, %get3A_1923 : vector<16xf32>
        %add3A_1926 = arith.addf %add3A_1917, %mul3A_1925 : vector<16xf32>
        %get3A_1927 = arith.constant 10 : i32
        %get3A_1928 = arith.index_cast %select_n3A_84 : i32 to index
        %get3A_1929 = arith.index_cast %get3A_1927 : i32 to index
        %get3A_1930 = arith.index_cast %add3A_1838 : i32 to index
        %get3A_1931 = arith.constant 0 : index
        %get3A_1932 = tpu.vector_load %arg10[%get3A_1928, %get3A_1929, %get3A_1930, %get3A_1931] {strides = array<i32>} : memref<2x26x32x16xf32, #tpu.memory_space<vmem>>, vector<16xf32>,
        %add3A_1933 = arith.addf %add3A_1924, %get3A_1932 : vector<16xf32>
        %mul3A_1934 = arith.mulf %get3A_1932, %get3A_1932 : vector<16xf32>
        %add3A_1935 = arith.addf %add3A_1926, %mul3A_1934 : vector<16xf32>
        %get3A_1936 = arith.constant 11 : i32
        %get3A_1937 = arith.index_cast %select_n3A_84 : i32 to index
        %get3A_1938 = arith.index_cast %get3A_1936 : i32 to index
        %get3A_1939 = arith.index_cast %add3A_1838 : i32 to index
        %get3A_1940 = arith.constant 0 : index
        %get3A_1941 = tpu.vector_load %arg10[%get3A_1937, %get3A_1938, %get3A_1939, %get3A_1940] {strides = array<i32>} : memref<2x26x32x16xf32, #tpu.memory_space<vmem>>, vector<16xf32>,
        %add3A_1942 = arith.addf %add3A_1933, %get3A_1941 : vector<16xf32>
        %mul3A_1943 = arith.mulf %get3A_1941, %get3A_1941 : vector<16xf32>
        %add3A_1944 = arith.addf %add3A_1935, %mul3A_1943 : vector<16xf32>
        %get3A_1945 = arith.constant 12 : i32
        %get3A_1946 = arith.index_cast %select_n3A_84 : i32 to index
        %get3A_1947 = arith.index_cast %get3A_1945 : i32 to index
        %get3A_1948 = arith.index_cast %add3A_1838 : i32 to index
        %get3A_1949 = arith.constant 0 : index
        %get3A_1950 = tpu.vector_load %arg10[%get3A_1946, %get3A_1947, %get3A_1948, %get3A_1949] {strides = array<i32>} : memref<2x26x32x16xf32, #tpu.memory_space<vmem>>, vector<16xf32>,
        %add3A_1951 = arith.addf %add3A_1942, %get3A_1950 : vector<16xf32>
        %mul3A_1952 = arith.mulf %get3A_1950, %get3A_1950 : vector<16xf32>
        %add3A_1953 = arith.addf %add3A_1944, %mul3A_1952 : vector<16xf32>
        %get3A_1954 = arith.constant 13 : i32
        %get3A_1955 = arith.index_cast %select_n3A_84 : i32 to index
        %get3A_1956 = arith.index_cast %get3A_1954 : i32 to index
        %get3A_1957 = arith.index_cast %add3A_1838 : i32 to index
        %get3A_1958 = arith.constant 0 : index
        %get3A_1959 = tpu.vector_load %arg10[%get3A_1955, %get3A_1956, %get3A_1957, %get3A_1958] {strides = array<i32>} : memref<2x26x32x16xf32, #tpu.memory_space<vmem>>, vector<16xf32>,
        %add3A_1960 = arith.addf %add3A_1951, %get3A_1959 : vector<16xf32>
        %mul3A_1961 = arith.mulf %get3A_1959, %get3A_1959 : vector<16xf32>
        %add3A_1962 = arith.addf %add3A_1953, %mul3A_1961 : vector<16xf32>
        %get3A_1963 = arith.constant 14 : i32
        %get3A_1964 = arith.index_cast %select_n3A_84 : i32 to index
        %get3A_1965 = arith.index_cast %get3A_1963 : i32 to index
        %get3A_1966 = arith.index_cast %add3A_1838 : i32 to index
        %get3A_1967 = arith.constant 0 : index
        %get3A_1968 = tpu.vector_load %arg10[%get3A_1964, %get3A_1965, %get3A_1966, %get3A_1967] {strides = array<i32>} : memref<2x26x32x16xf32, #tpu.memory_space<vmem>>, vector<16xf32>,
        %add3A_1969 = arith.addf %add3A_1960, %get3A_1968 : vector<16xf32>
        %mul3A_1970 = arith.mulf %get3A_1968, %get3A_1968 : vector<16xf32>
        %add3A_1971 = arith.addf %add3A_1962, %mul3A_1970 : vector<16xf32>
        %get3A_1972 = arith.constant 15 : i32
        %get3A_1973 = arith.index_cast %select_n3A_84 : i32 to index
        %get3A_1974 = arith.index_cast %get3A_1972 : i32 to index
        %get3A_1975 = arith.index_cast %add3A_1838 : i32 to index
        %get3A_1976 = arith.constant 0 : index
        %get3A_1977 = tpu.vector_load %arg10[%get3A_1973, %get3A_1974, %get3A_1975, %get3A_1976] {strides = array<i32>} : memref<2x26x32x16xf32, #tpu.memory_space<vmem>>, vector<16xf32>,
        %add3A_1978 = arith.addf %add3A_1969, %get3A_1977 : vector<16xf32>
        %mul3A_1979 = arith.mulf %get3A_1977, %get3A_1977 : vector<16xf32>
        %add3A_1980 = arith.addf %add3A_1971, %mul3A_1979 : vector<16xf32>
        %get3A_1981 = arith.constant 16 : i32
        %get3A_1982 = arith.index_cast %select_n3A_84 : i32 to index
        %get3A_1983 = arith.index_cast %get3A_1981 : i32 to index
        %get3A_1984 = arith.index_cast %add3A_1838 : i32 to index
        %get3A_1985 = arith.constant 0 : index
        %get3A_1986 = tpu.vector_load %arg10[%get3A_1982, %get3A_1983, %get3A_1984, %get3A_1985] {strides = array<i32>} : memref<2x26x32x16xf32, #tpu.memory_space<vmem>>, vector<16xf32>,
        %add3A_1987 = arith.addf %add3A_1978, %get3A_1986 : vector<16xf32>
        %mul3A_1988 = arith.mulf %get3A_1986, %get3A_1986 : vector<16xf32>
        %add3A_1989 = arith.addf %add3A_1980, %mul3A_1988 : vector<16xf32>
        %get3A_1990 = arith.constant 17 : i32
        %get3A_1991 = arith.index_cast %select_n3A_84 : i32 to index
        %get3A_1992 = arith.index_cast %get3A_1990 : i32 to index
        %get3A_1993 = arith.index_cast %add3A_1838 : i32 to index
        %get3A_1994 = arith.constant 0 : index
        %get3A_1995 = tpu.vector_load %arg10[%get3A_1991, %get3A_1992, %get3A_1993, %get3A_1994] {strides = array<i32>} : memref<2x26x32x16xf32, #tpu.memory_space<vmem>>, vector<16xf32>,
        %add3A_1996 = arith.addf %add3A_1987, %get3A_1995 : vector<16xf32>
        %mul3A_1997 = arith.mulf %get3A_1995, %get3A_1995 : vector<16xf32>
        %add3A_1998 = arith.addf %add3A_1989, %mul3A_1997 : vector<16xf32>
        %get3A_1999 = arith.constant 18 : i32
        %get3A_2000 = arith.index_cast %select_n3A_84 : i32 to index
        %get3A_2001 = arith.index_cast %get3A_1999 : i32 to index
        %get3A_2002 = arith.index_cast %add3A_1838 : i32 to index
        %get3A_2003 = arith.constant 0 : index
        %get3A_2004 = tpu.vector_load %arg10[%get3A_2000, %get3A_2001, %get3A_2002, %get3A_2003] {strides = array<i32>} : memref<2x26x32x16xf32, #tpu.memory_space<vmem>>, vector<16xf32>,
        %add3A_2005 = arith.addf %add3A_1996, %get3A_2004 : vector<16xf32>
        %mul3A_2006 = arith.mulf %get3A_2004, %get3A_2004 : vector<16xf32>
        %add3A_2007 = arith.addf %add3A_1998, %mul3A_2006 : vector<16xf32>
        %get3A_2008 = arith.constant 19 : i32
        %get3A_2009 = arith.index_cast %select_n3A_84 : i32 to index
        %get3A_2010 = arith.index_cast %get3A_2008 : i32 to index
        %get3A_2011 = arith.index_cast %add3A_1838 : i32 to index
        %get3A_2012 = arith.constant 0 : index
        %get3A_2013 = tpu.vector_load %arg10[%get3A_2009, %get3A_2010, %get3A_2011, %get3A_2012] {strides = array<i32>} : memref<2x26x32x16xf32, #tpu.memory_space<vmem>>, vector<16xf32>,
        %add3A_2014 = arith.addf %add3A_2005, %get3A_2013 : vector<16xf32>
        %mul3A_2015 = arith.mulf %get3A_2013, %get3A_2013 : vector<16xf32>
        %add3A_2016 = arith.addf %add3A_2007, %mul3A_2015 : vector<16xf32>
        %get3A_2017 = arith.constant 20 : i32
        %get3A_2018 = arith.index_cast %select_n3A_84 : i32 to index
        %get3A_2019 = arith.index_cast %get3A_2017 : i32 to index
        %get3A_2020 = arith.index_cast %add3A_1838 : i32 to index
        %get3A_2021 = arith.constant 0 : index
        %get3A_2022 = tpu.vector_load %arg10[%get3A_2018, %get3A_2019, %get3A_2020, %get3A_2021] {strides = array<i32>} : memref<2x26x32x16xf32, #tpu.memory_space<vmem>>, vector<16xf32>,
        %add3A_2023 = arith.addf %add3A_2014, %get3A_2022 : vector<16xf32>
        %mul3A_2024 = arith.mulf %get3A_2022, %get3A_2022 : vector<16xf32>
        %add3A_2025 = arith.addf %add3A_2016, %mul3A_2024 : vector<16xf32>
        %get3A_2026 = arith.constant 21 : i32
        %get3A_2027 = arith.index_cast %select_n3A_84 : i32 to index
        %get3A_2028 = arith.index_cast %get3A_2026 : i32 to index
        %get3A_2029 = arith.index_cast %add3A_1838 : i32 to index
        %get3A_2030 = arith.constant 0 : index
        %get3A_2031 = tpu.vector_load %arg10[%get3A_2027, %get3A_2028, %get3A_2029, %get3A_2030] {strides = array<i32>} : memref<2x26x32x16xf32, #tpu.memory_space<vmem>>, vector<16xf32>,
        %add3A_2032 = arith.addf %add3A_2023, %get3A_2031 : vector<16xf32>
        %mul3A_2033 = arith.mulf %get3A_2031, %get3A_2031 : vector<16xf32>
        %add3A_2034 = arith.addf %add3A_2025, %mul3A_2033 : vector<16xf32>
        %get3A_2035 = arith.constant 22 : i32
        %get3A_2036 = arith.index_cast %select_n3A_84 : i32 to index
        %get3A_2037 = arith.index_cast %get3A_2035 : i32 to index
        %get3A_2038 = arith.index_cast %add3A_1838 : i32 to index
        %get3A_2039 = arith.constant 0 : index
        %get3A_2040 = tpu.vector_load %arg10[%get3A_2036, %get3A_2037, %get3A_2038, %get3A_2039] {strides = array<i32>} : memref<2x26x32x16xf32, #tpu.memory_space<vmem>>, vector<16xf32>,
        %add3A_2041 = arith.addf %add3A_2032, %get3A_2040 : vector<16xf32>
        %mul3A_2042 = arith.mulf %get3A_2040, %get3A_2040 : vector<16xf32>
        %add3A_2043 = arith.addf %add3A_2034, %mul3A_2042 : vector<16xf32>
        %get3A_2044 = arith.constant 23 : i32
        %get3A_2045 = arith.index_cast %select_n3A_84 : i32 to index
        %get3A_2046 = arith.index_cast %get3A_2044 : i32 to index
        %get3A_2047 = arith.index_cast %add3A_1838 : i32 to index
        %get3A_2048 = arith.constant 0 : index
        %get3A_2049 = tpu.vector_load %arg10[%get3A_2045, %get3A_2046, %get3A_2047, %get3A_2048] {strides = array<i32>} : memref<2x26x32x16xf32, #tpu.memory_space<vmem>>, vector<16xf32>,
        %add3A_2050 = arith.addf %add3A_2041, %get3A_2049 : vector<16xf32>
        %mul3A_2051 = arith.mulf %get3A_2049, %get3A_2049 : vector<16xf32>
        %add3A_2052 = arith.addf %add3A_2043, %mul3A_2051 : vector<16xf32>
        %get3A_2053 = arith.constant 24 : i32
        %get3A_2054 = arith.index_cast %select_n3A_84 : i32 to index
        %get3A_2055 = arith.index_cast %get3A_2053 : i32 to index
        %get3A_2056 = arith.index_cast %add3A_1838 : i32 to index
        %get3A_2057 = arith.constant 0 : index
        %get3A_2058 = tpu.vector_load %arg10[%get3A_2054, %get3A_2055, %get3A_2056, %get3A_2057] {strides = array<i32>} : memref<2x26x32x16xf32, #tpu.memory_space<vmem>>, vector<16xf32>,
        %add3A_2059 = arith.addf %add3A_2050, %get3A_2058 : vector<16xf32>
        %mul3A_2060 = arith.mulf %get3A_2058, %get3A_2058 : vector<16xf32>
        %add3A_2061 = arith.addf %add3A_2052, %mul3A_2060 : vector<16xf32>
        %get3A_2062 = arith.constant 25 : i32
        %get3A_2063 = arith.index_cast %select_n3A_84 : i32 to index
        %get3A_2064 = arith.index_cast %get3A_2062 : i32 to index
        %get3A_2065 = arith.index_cast %add3A_1838 : i32 to index
        %get3A_2066 = arith.constant 0 : index
        %get3A_2067 = tpu.vector_load %arg10[%get3A_2063, %get3A_2064, %get3A_2065, %get3A_2066] {strides = array<i32>} : memref<2x26x32x16xf32, #tpu.memory_space<vmem>>, vector<16xf32>,
        %add3A_2068 = arith.addf %add3A_2059, %get3A_2067 : vector<16xf32>
        %mul3A_2069 = arith.mulf %get3A_2067, %get3A_2067 : vector<16xf32>
        %add3A_2070 = arith.addf %add3A_2061, %mul3A_2069 : vector<16xf32>
        %mul3A_2071 = arith.mulf %add3A_2068, %add3A_2068 : vector<16xf32>
        %sub3A_2072 = arith.subf %mul3A_2071, %add3A_2070 : vector<16xf32>
        %reduce_sum3A_2073 = arith.constant true
        %reduce_sum3A_2074 = vector.broadcast %reduce_sum3A_2073 : i1 to vector<16xi1>
        %reduce_sum3A_2075 = tpu.scan <sum>, %sub3A_2072 masked %reduce_sum3A_2074 : vector<16xf32>, vector<16xi1> -> vector<16xf32>
        %reduce_sum3A_2076 = vector.extract %reduce_sum3A_2075[15] : f32 from vector<16xf32>
        %mul3A_2077 = arith.constant 5.000000e-01 : f32
        %mul3A_2078 = arith.mulf %mul3A_2077, %reduce_sum3A_2076 : f32
        %eq3A_2079 = arith.constant 7 : i32
        %eq3A_2080 = vector.broadcast %eq3A_2079 : i32 to vector<16xi32>
        %eq3A_2081 = arith.cmpi eq, %iota3A, %eq3A_2080 : vector<16xi32>
        %broadcast_in_dim3A_2082 = vector.broadcast %mul3A_2078 : f32 to vector<16xf32>
        %select_n3A_2083 = arith.select %eq3A_2081, %broadcast_in_dim3A_2082, %select_n3A_1834 : vector<16xi1>, vector<16xf32>
        %mul3A_2084 = arith.constant 16 : i32
        %mul3A_2085 = arith.muli %scan3A_91, %mul3A_2084 : i32
        %add3A_2086 = arith.constant 8 : i32
        %add3A_2087 = arith.addi %mul3A_2085, %add3A_2086 : i32
        %get3A_2088 = arith.constant 0 : i32
        %get3A_2089 = arith.index_cast %select_n3A_84 : i32 to index
        %get3A_2090 = arith.index_cast %get3A_2088 : i32 to index
        %get3A_2091 = arith.index_cast %add3A_2087 : i32 to index
        %get3A_2092 = arith.constant 0 : index
        %get3A_2093 = tpu.vector_load %arg10[%get3A_2089, %get3A_2090, %get3A_2091, %get3A_2092] {strides = array<i32>} : memref<2x26x32x16xf32, #tpu.memory_space<vmem>>, vector<16xf32>,
        %mul3A_2094 = arith.mulf %get3A_2093, %get3A_2093 : vector<16xf32>
        %get3A_2095 = arith.constant 1 : i32
        %get3A_2096 = arith.index_cast %select_n3A_84 : i32 to index
        %get3A_2097 = arith.index_cast %get3A_2095 : i32 to index
        %get3A_2098 = arith.index_cast %add3A_2087 : i32 to index
        %get3A_2099 = arith.constant 0 : index
        %get3A_2100 = tpu.vector_load %arg10[%get3A_2096, %get3A_2097, %get3A_2098, %get3A_2099] {strides = array<i32>} : memref<2x26x32x16xf32, #tpu.memory_space<vmem>>, vector<16xf32>,
        %add3A_2101 = arith.addf %get3A_2093, %get3A_2100 : vector<16xf32>
        %mul3A_2102 = arith.mulf %get3A_2100, %get3A_2100 : vector<16xf32>
        %add3A_2103 = arith.addf %mul3A_2094, %mul3A_2102 : vector<16xf32>
        %get3A_2104 = arith.constant 2 : i32
        %get3A_2105 = arith.index_cast %select_n3A_84 : i32 to index
        %get3A_2106 = arith.index_cast %get3A_2104 : i32 to index
        %get3A_2107 = arith.index_cast %add3A_2087 : i32 to index
        %get3A_2108 = arith.constant 0 : index
        %get3A_2109 = tpu.vector_load %arg10[%get3A_2105, %get3A_2106, %get3A_2107, %get3A_2108] {strides = array<i32>} : memref<2x26x32x16xf32, #tpu.memory_space<vmem>>, vector<16xf32>,
        %add3A_2110 = arith.addf %add3A_2101, %get3A_2109 : vector<16xf32>
        %mul3A_2111 = arith.mulf %get3A_2109, %get3A_2109 : vector<16xf32>
        %add3A_2112 = arith.addf %add3A_2103, %mul3A_2111 : vector<16xf32>
        %get3A_2113 = arith.constant 3 : i32
        %get3A_2114 = arith.index_cast %select_n3A_84 : i32 to index
        %get3A_2115 = arith.index_cast %get3A_2113 : i32 to index
        %get3A_2116 = arith.index_cast %add3A_2087 : i32 to index
        %get3A_2117 = arith.constant 0 : index
        %get3A_2118 = tpu.vector_load %arg10[%get3A_2114, %get3A_2115, %get3A_2116, %get3A_2117] {strides = array<i32>} : memref<2x26x32x16xf32, #tpu.memory_space<vmem>>, vector<16xf32>,
        %add3A_2119 = arith.addf %add3A_2110, %get3A_2118 : vector<16xf32>
        %mul3A_2120 = arith.mulf %get3A_2118, %get3A_2118 : vector<16xf32>
        %add3A_2121 = arith.addf %add3A_2112, %mul3A_2120 : vector<16xf32>
        %get3A_2122 = arith.constant 4 : i32
        %get3A_2123 = arith.index_cast %select_n3A_84 : i32 to index
        %get3A_2124 = arith.index_cast %get3A_2122 : i32 to index
        %get3A_2125 = arith.index_cast %add3A_2087 : i32 to index
        %get3A_2126 = arith.constant 0 : index
        %get3A_2127 = tpu.vector_load %arg10[%get3A_2123, %get3A_2124, %get3A_2125, %get3A_2126] {strides = array<i32>} : memref<2x26x32x16xf32, #tpu.memory_space<vmem>>, vector<16xf32>,
        %add3A_2128 = arith.addf %add3A_2119, %get3A_2127 : vector<16xf32>
        %mul3A_2129 = arith.mulf %get3A_2127, %get3A_2127 : vector<16xf32>
        %add3A_2130 = arith.addf %add3A_2121, %mul3A_2129 : vector<16xf32>
        %get3A_2131 = arith.constant 5 : i32
        %get3A_2132 = arith.index_cast %select_n3A_84 : i32 to index
        %get3A_2133 = arith.index_cast %get3A_2131 : i32 to index
        %get3A_2134 = arith.index_cast %add3A_2087 : i32 to index
        %get3A_2135 = arith.constant 0 : index
        %get3A_2136 = tpu.vector_load %arg10[%get3A_2132, %get3A_2133, %get3A_2134, %get3A_2135] {strides = array<i32>} : memref<2x26x32x16xf32, #tpu.memory_space<vmem>>, vector<16xf32>,
        %add3A_2137 = arith.addf %add3A_2128, %get3A_2136 : vector<16xf32>
        %mul3A_2138 = arith.mulf %get3A_2136, %get3A_2136 : vector<16xf32>
        %add3A_2139 = arith.addf %add3A_2130, %mul3A_2138 : vector<16xf32>
        %get3A_2140 = arith.constant 6 : i32
        %get3A_2141 = arith.index_cast %select_n3A_84 : i32 to index
        %get3A_2142 = arith.index_cast %get3A_2140 : i32 to index
        %get3A_2143 = arith.index_cast %add3A_2087 : i32 to index
        %get3A_2144 = arith.constant 0 : index
        %get3A_2145 = tpu.vector_load %arg10[%get3A_2141, %get3A_2142, %get3A_2143, %get3A_2144] {strides = array<i32>} : memref<2x26x32x16xf32, #tpu.memory_space<vmem>>, vector<16xf32>,
        %add3A_2146 = arith.addf %add3A_2137, %get3A_2145 : vector<16xf32>
        %mul3A_2147 = arith.mulf %get3A_2145, %get3A_2145 : vector<16xf32>
        %add3A_2148 = arith.addf %add3A_2139, %mul3A_2147 : vector<16xf32>
        %get3A_2149 = arith.constant 7 : i32
        %get3A_2150 = arith.index_cast %select_n3A_84 : i32 to index
        %get3A_2151 = arith.index_cast %get3A_2149 : i32 to index
        %get3A_2152 = arith.index_cast %add3A_2087 : i32 to index
        %get3A_2153 = arith.constant 0 : index
        %get3A_2154 = tpu.vector_load %arg10[%get3A_2150, %get3A_2151, %get3A_2152, %get3A_2153] {strides = array<i32>} : memref<2x26x32x16xf32, #tpu.memory_space<vmem>>, vector<16xf32>,
        %add3A_2155 = arith.addf %add3A_2146, %get3A_2154 : vector<16xf32>
        %mul3A_2156 = arith.mulf %get3A_2154, %get3A_2154 : vector<16xf32>
        %add3A_2157 = arith.addf %add3A_2148, %mul3A_2156 : vector<16xf32>
        %get3A_2158 = arith.constant 8 : i32
        %get3A_2159 = arith.index_cast %select_n3A_84 : i32 to index
        %get3A_2160 = arith.index_cast %get3A_2158 : i32 to index
        %get3A_2161 = arith.index_cast %add3A_2087 : i32 to index
        %get3A_2162 = arith.constant 0 : index
        %get3A_2163 = tpu.vector_load %arg10[%get3A_2159, %get3A_2160, %get3A_2161, %get3A_2162] {strides = array<i32>} : memref<2x26x32x16xf32, #tpu.memory_space<vmem>>, vector<16xf32>,
        %add3A_2164 = arith.addf %add3A_2155, %get3A_2163 : vector<16xf32>
        %mul3A_2165 = arith.mulf %get3A_2163, %get3A_2163 : vector<16xf32>
        %add3A_2166 = arith.addf %add3A_2157, %mul3A_2165 : vector<16xf32>
        %get3A_2167 = arith.constant 9 : i32
        %get3A_2168 = arith.index_cast %select_n3A_84 : i32 to index
        %get3A_2169 = arith.index_cast %get3A_2167 : i32 to index
        %get3A_2170 = arith.index_cast %add3A_2087 : i32 to index
        %get3A_2171 = arith.constant 0 : index
        %get3A_2172 = tpu.vector_load %arg10[%get3A_2168, %get3A_2169, %get3A_2170, %get3A_2171] {strides = array<i32>} : memref<2x26x32x16xf32, #tpu.memory_space<vmem>>, vector<16xf32>,
        %add3A_2173 = arith.addf %add3A_2164, %get3A_2172 : vector<16xf32>
        %mul3A_2174 = arith.mulf %get3A_2172, %get3A_2172 : vector<16xf32>
        %add3A_2175 = arith.addf %add3A_2166, %mul3A_2174 : vector<16xf32>
        %get3A_2176 = arith.constant 10 : i32
        %get3A_2177 = arith.index_cast %select_n3A_84 : i32 to index
        %get3A_2178 = arith.index_cast %get3A_2176 : i32 to index
        %get3A_2179 = arith.index_cast %add3A_2087 : i32 to index
        %get3A_2180 = arith.constant 0 : index
        %get3A_2181 = tpu.vector_load %arg10[%get3A_2177, %get3A_2178, %get3A_2179, %get3A_2180] {strides = array<i32>} : memref<2x26x32x16xf32, #tpu.memory_space<vmem>>, vector<16xf32>,
        %add3A_2182 = arith.addf %add3A_2173, %get3A_2181 : vector<16xf32>
        %mul3A_2183 = arith.mulf %get3A_2181, %get3A_2181 : vector<16xf32>
        %add3A_2184 = arith.addf %add3A_2175, %mul3A_2183 : vector<16xf32>
        %get3A_2185 = arith.constant 11 : i32
        %get3A_2186 = arith.index_cast %select_n3A_84 : i32 to index
        %get3A_2187 = arith.index_cast %get3A_2185 : i32 to index
        %get3A_2188 = arith.index_cast %add3A_2087 : i32 to index
        %get3A_2189 = arith.constant 0 : index
        %get3A_2190 = tpu.vector_load %arg10[%get3A_2186, %get3A_2187, %get3A_2188, %get3A_2189] {strides = array<i32>} : memref<2x26x32x16xf32, #tpu.memory_space<vmem>>, vector<16xf32>,
        %add3A_2191 = arith.addf %add3A_2182, %get3A_2190 : vector<16xf32>
        %mul3A_2192 = arith.mulf %get3A_2190, %get3A_2190 : vector<16xf32>
        %add3A_2193 = arith.addf %add3A_2184, %mul3A_2192 : vector<16xf32>
        %get3A_2194 = arith.constant 12 : i32
        %get3A_2195 = arith.index_cast %select_n3A_84 : i32 to index
        %get3A_2196 = arith.index_cast %get3A_2194 : i32 to index
        %get3A_2197 = arith.index_cast %add3A_2087 : i32 to index
        %get3A_2198 = arith.constant 0 : index
        %get3A_2199 = tpu.vector_load %arg10[%get3A_2195, %get3A_2196, %get3A_2197, %get3A_2198] {strides = array<i32>} : memref<2x26x32x16xf32, #tpu.memory_space<vmem>>, vector<16xf32>,
        %add3A_2200 = arith.addf %add3A_2191, %get3A_2199 : vector<16xf32>
        %mul3A_2201 = arith.mulf %get3A_2199, %get3A_2199 : vector<16xf32>
        %add3A_2202 = arith.addf %add3A_2193, %mul3A_2201 : vector<16xf32>
        %get3A_2203 = arith.constant 13 : i32
        %get3A_2204 = arith.index_cast %select_n3A_84 : i32 to index
        %get3A_2205 = arith.index_cast %get3A_2203 : i32 to index
        %get3A_2206 = arith.index_cast %add3A_2087 : i32 to index
        %get3A_2207 = arith.constant 0 : index
        %get3A_2208 = tpu.vector_load %arg10[%get3A_2204, %get3A_2205, %get3A_2206, %get3A_2207] {strides = array<i32>} : memref<2x26x32x16xf32, #tpu.memory_space<vmem>>, vector<16xf32>,
        %add3A_2209 = arith.addf %add3A_2200, %get3A_2208 : vector<16xf32>
        %mul3A_2210 = arith.mulf %get3A_2208, %get3A_2208 : vector<16xf32>
        %add3A_2211 = arith.addf %add3A_2202, %mul3A_2210 : vector<16xf32>
        %get3A_2212 = arith.constant 14 : i32
        %get3A_2213 = arith.index_cast %select_n3A_84 : i32 to index
        %get3A_2214 = arith.index_cast %get3A_2212 : i32 to index
        %get3A_2215 = arith.index_cast %add3A_2087 : i32 to index
        %get3A_2216 = arith.constant 0 : index
        %get3A_2217 = tpu.vector_load %arg10[%get3A_2213, %get3A_2214, %get3A_2215, %get3A_2216] {strides = array<i32>} : memref<2x26x32x16xf32, #tpu.memory_space<vmem>>, vector<16xf32>,
        %add3A_2218 = arith.addf %add3A_2209, %get3A_2217 : vector<16xf32>
        %mul3A_2219 = arith.mulf %get3A_2217, %get3A_2217 : vector<16xf32>
        %add3A_2220 = arith.addf %add3A_2211, %mul3A_2219 : vector<16xf32>
        %get3A_2221 = arith.constant 15 : i32
        %get3A_2222 = arith.index_cast %select_n3A_84 : i32 to index
        %get3A_2223 = arith.index_cast %get3A_2221 : i32 to index
        %get3A_2224 = arith.index_cast %add3A_2087 : i32 to index
        %get3A_2225 = arith.constant 0 : index
        %get3A_2226 = tpu.vector_load %arg10[%get3A_2222, %get3A_2223, %get3A_2224, %get3A_2225] {strides = array<i32>} : memref<2x26x32x16xf32, #tpu.memory_space<vmem>>, vector<16xf32>,
        %add3A_2227 = arith.addf %add3A_2218, %get3A_2226 : vector<16xf32>
        %mul3A_2228 = arith.mulf %get3A_2226, %get3A_2226 : vector<16xf32>
        %add3A_2229 = arith.addf %add3A_2220, %mul3A_2228 : vector<16xf32>
        %get3A_2230 = arith.constant 16 : i32
        %get3A_2231 = arith.index_cast %select_n3A_84 : i32 to index
        %get3A_2232 = arith.index_cast %get3A_2230 : i32 to index
        %get3A_2233 = arith.index_cast %add3A_2087 : i32 to index
        %get3A_2234 = arith.constant 0 : index
        %get3A_2235 = tpu.vector_load %arg10[%get3A_2231, %get3A_2232, %get3A_2233, %get3A_2234] {strides = array<i32>} : memref<2x26x32x16xf32, #tpu.memory_space<vmem>>, vector<16xf32>,
        %add3A_2236 = arith.addf %add3A_2227, %get3A_2235 : vector<16xf32>
        %mul3A_2237 = arith.mulf %get3A_2235, %get3A_2235 : vector<16xf32>
        %add3A_2238 = arith.addf %add3A_2229, %mul3A_2237 : vector<16xf32>
        %get3A_2239 = arith.constant 17 : i32
        %get3A_2240 = arith.index_cast %select_n3A_84 : i32 to index
        %get3A_2241 = arith.index_cast %get3A_2239 : i32 to index
        %get3A_2242 = arith.index_cast %add3A_2087 : i32 to index
        %get3A_2243 = arith.constant 0 : index
        %get3A_2244 = tpu.vector_load %arg10[%get3A_2240, %get3A_2241, %get3A_2242, %get3A_2243] {strides = array<i32>} : memref<2x26x32x16xf32, #tpu.memory_space<vmem>>, vector<16xf32>,
        %add3A_2245 = arith.addf %add3A_2236, %get3A_2244 : vector<16xf32>
        %mul3A_2246 = arith.mulf %get3A_2244, %get3A_2244 : vector<16xf32>
        %add3A_2247 = arith.addf %add3A_2238, %mul3A_2246 : vector<16xf32>
        %get3A_2248 = arith.constant 18 : i32
        %get3A_2249 = arith.index_cast %select_n3A_84 : i32 to index
        %get3A_2250 = arith.index_cast %get3A_2248 : i32 to index
        %get3A_2251 = arith.index_cast %add3A_2087 : i32 to index
        %get3A_2252 = arith.constant 0 : index
        %get3A_2253 = tpu.vector_load %arg10[%get3A_2249, %get3A_2250, %get3A_2251, %get3A_2252] {strides = array<i32>} : memref<2x26x32x16xf32, #tpu.memory_space<vmem>>, vector<16xf32>,
        %add3A_2254 = arith.addf %add3A_2245, %get3A_2253 : vector<16xf32>
        %mul3A_2255 = arith.mulf %get3A_2253, %get3A_2253 : vector<16xf32>
        %add3A_2256 = arith.addf %add3A_2247, %mul3A_2255 : vector<16xf32>
        %get3A_2257 = arith.constant 19 : i32
        %get3A_2258 = arith.index_cast %select_n3A_84 : i32 to index
        %get3A_2259 = arith.index_cast %get3A_2257 : i32 to index
        %get3A_2260 = arith.index_cast %add3A_2087 : i32 to index
        %get3A_2261 = arith.constant 0 : index
        %get3A_2262 = tpu.vector_load %arg10[%get3A_2258, %get3A_2259, %get3A_2260, %get3A_2261] {strides = array<i32>} : memref<2x26x32x16xf32, #tpu.memory_space<vmem>>, vector<16xf32>,
        %add3A_2263 = arith.addf %add3A_2254, %get3A_2262 : vector<16xf32>
        %mul3A_2264 = arith.mulf %get3A_2262, %get3A_2262 : vector<16xf32>
        %add3A_2265 = arith.addf %add3A_2256, %mul3A_2264 : vector<16xf32>
        %get3A_2266 = arith.constant 20 : i32
        %get3A_2267 = arith.index_cast %select_n3A_84 : i32 to index
        %get3A_2268 = arith.index_cast %get3A_2266 : i32 to index
        %get3A_2269 = arith.index_cast %add3A_2087 : i32 to index
        %get3A_2270 = arith.constant 0 : index
        %get3A_2271 = tpu.vector_load %arg10[%get3A_2267, %get3A_2268, %get3A_2269, %get3A_2270] {strides = array<i32>} : memref<2x26x32x16xf32, #tpu.memory_space<vmem>>, vector<16xf32>,
        %add3A_2272 = arith.addf %add3A_2263, %get3A_2271 : vector<16xf32>
        %mul3A_2273 = arith.mulf %get3A_2271, %get3A_2271 : vector<16xf32>
        %add3A_2274 = arith.addf %add3A_2265, %mul3A_2273 : vector<16xf32>
        %get3A_2275 = arith.constant 21 : i32
        %get3A_2276 = arith.index_cast %select_n3A_84 : i32 to index
        %get3A_2277 = arith.index_cast %get3A_2275 : i32 to index
        %get3A_2278 = arith.index_cast %add3A_2087 : i32 to index
        %get3A_2279 = arith.constant 0 : index
        %get3A_2280 = tpu.vector_load %arg10[%get3A_2276, %get3A_2277, %get3A_2278, %get3A_2279] {strides = array<i32>} : memref<2x26x32x16xf32, #tpu.memory_space<vmem>>, vector<16xf32>,
        %add3A_2281 = arith.addf %add3A_2272, %get3A_2280 : vector<16xf32>
        %mul3A_2282 = arith.mulf %get3A_2280, %get3A_2280 : vector<16xf32>
        %add3A_2283 = arith.addf %add3A_2274, %mul3A_2282 : vector<16xf32>
        %get3A_2284 = arith.constant 22 : i32
        %get3A_2285 = arith.index_cast %select_n3A_84 : i32 to index
        %get3A_2286 = arith.index_cast %get3A_2284 : i32 to index
        %get3A_2287 = arith.index_cast %add3A_2087 : i32 to index
        %get3A_2288 = arith.constant 0 : index
        %get3A_2289 = tpu.vector_load %arg10[%get3A_2285, %get3A_2286, %get3A_2287, %get3A_2288] {strides = array<i32>} : memref<2x26x32x16xf32, #tpu.memory_space<vmem>>, vector<16xf32>,
        %add3A_2290 = arith.addf %add3A_2281, %get3A_2289 : vector<16xf32>
        %mul3A_2291 = arith.mulf %get3A_2289, %get3A_2289 : vector<16xf32>
        %add3A_2292 = arith.addf %add3A_2283, %mul3A_2291 : vector<16xf32>
        %get3A_2293 = arith.constant 23 : i32
        %get3A_2294 = arith.index_cast %select_n3A_84 : i32 to index
        %get3A_2295 = arith.index_cast %get3A_2293 : i32 to index
        %get3A_2296 = arith.index_cast %add3A_2087 : i32 to index
        %get3A_2297 = arith.constant 0 : index
        %get3A_2298 = tpu.vector_load %arg10[%get3A_2294, %get3A_2295, %get3A_2296, %get3A_2297] {strides = array<i32>} : memref<2x26x32x16xf32, #tpu.memory_space<vmem>>, vector<16xf32>,
        %add3A_2299 = arith.addf %add3A_2290, %get3A_2298 : vector<16xf32>
        %mul3A_2300 = arith.mulf %get3A_2298, %get3A_2298 : vector<16xf32>
        %add3A_2301 = arith.addf %add3A_2292, %mul3A_2300 : vector<16xf32>
        %get3A_2302 = arith.constant 24 : i32
        %get3A_2303 = arith.index_cast %select_n3A_84 : i32 to index
        %get3A_2304 = arith.index_cast %get3A_2302 : i32 to index
        %get3A_2305 = arith.index_cast %add3A_2087 : i32 to index
        %get3A_2306 = arith.constant 0 : index
        %get3A_2307 = tpu.vector_load %arg10[%get3A_2303, %get3A_2304, %get3A_2305, %get3A_2306] {strides = array<i32>} : memref<2x26x32x16xf32, #tpu.memory_space<vmem>>, vector<16xf32>,
        %add3A_2308 = arith.addf %add3A_2299, %get3A_2307 : vector<16xf32>
        %mul3A_2309 = arith.mulf %get3A_2307, %get3A_2307 : vector<16xf32>
        %add3A_2310 = arith.addf %add3A_2301, %mul3A_2309 : vector<16xf32>
        %get3A_2311 = arith.constant 25 : i32
        %get3A_2312 = arith.index_cast %select_n3A_84 : i32 to index
        %get3A_2313 = arith.index_cast %get3A_2311 : i32 to index
        %get3A_2314 = arith.index_cast %add3A_2087 : i32 to index
        %get3A_2315 = arith.constant 0 : index
        %get3A_2316 = tpu.vector_load %arg10[%get3A_2312, %get3A_2313, %get3A_2314, %get3A_2315] {strides = array<i32>} : memref<2x26x32x16xf32, #tpu.memory_space<vmem>>, vector<16xf32>,
        %add3A_2317 = arith.addf %add3A_2308, %get3A_2316 : vector<16xf32>
        %mul3A_2318 = arith.mulf %get3A_2316, %get3A_2316 : vector<16xf32>
        %add3A_2319 = arith.addf %add3A_2310, %mul3A_2318 : vector<16xf32>
        %mul3A_2320 = arith.mulf %add3A_2317, %add3A_2317 : vector<16xf32>
        %sub3A_2321 = arith.subf %mul3A_2320, %add3A_2319 : vector<16xf32>
        %reduce_sum3A_2322 = arith.constant true
        %reduce_sum3A_2323 = vector.broadcast %reduce_sum3A_2322 : i1 to vector<16xi1>
        %reduce_sum3A_2324 = tpu.scan <sum>, %sub3A_2321 masked %reduce_sum3A_2323 : vector<16xf32>, vector<16xi1> -> vector<16xf32>
        %reduce_sum3A_2325 = vector.extract %reduce_sum3A_2324[15] : f32 from vector<16xf32>
        %mul3A_2326 = arith.constant 5.000000e-01 : f32
        %mul3A_2327 = arith.mulf %mul3A_2326, %reduce_sum3A_2325 : f32
        %eq3A_2328 = arith.constant 8 : i32
        %eq3A_2329 = vector.broadcast %eq3A_2328 : i32 to vector<16xi32>
        %eq3A_2330 = arith.cmpi eq, %iota3A, %eq3A_2329 : vector<16xi32>
        %broadcast_in_dim3A_2331 = vector.broadcast %mul3A_2327 : f32 to vector<16xf32>
        %select_n3A_2332 = arith.select %eq3A_2330, %broadcast_in_dim3A_2331, %select_n3A_2083 : vector<16xi1>, vector<16xf32>
        %mul3A_2333 = arith.constant 16 : i32
        %mul3A_2334 = arith.muli %scan3A_91, %mul3A_2333 : i32
        %add3A_2335 = arith.constant 9 : i32
        %add3A_2336 = arith.addi %mul3A_2334, %add3A_2335 : i32
        %get3A_2337 = arith.constant 0 : i32
        %get3A_2338 = arith.index_cast %select_n3A_84 : i32 to index
        %get3A_2339 = arith.index_cast %get3A_2337 : i32 to index
        %get3A_2340 = arith.index_cast %add3A_2336 : i32 to index
        %get3A_2341 = arith.constant 0 : index
        %get3A_2342 = tpu.vector_load %arg10[%get3A_2338, %get3A_2339, %get3A_2340, %get3A_2341] {strides = array<i32>} : memref<2x26x32x16xf32, #tpu.memory_space<vmem>>, vector<16xf32>,
        %mul3A_2343 = arith.mulf %get3A_2342, %get3A_2342 : vector<16xf32>
        %get3A_2344 = arith.constant 1 : i32
        %get3A_2345 = arith.index_cast %select_n3A_84 : i32 to index
        %get3A_2346 = arith.index_cast %get3A_2344 : i32 to index
        %get3A_2347 = arith.index_cast %add3A_2336 : i32 to index
        %get3A_2348 = arith.constant 0 : index
        %get3A_2349 = tpu.vector_load %arg10[%get3A_2345, %get3A_2346, %get3A_2347, %get3A_2348] {strides = array<i32>} : memref<2x26x32x16xf32, #tpu.memory_space<vmem>>, vector<16xf32>,
        %add3A_2350 = arith.addf %get3A_2342, %get3A_2349 : vector<16xf32>
        %mul3A_2351 = arith.mulf %get3A_2349, %get3A_2349 : vector<16xf32>
        %add3A_2352 = arith.addf %mul3A_2343, %mul3A_2351 : vector<16xf32>
        %get3A_2353 = arith.constant 2 : i32
        %get3A_2354 = arith.index_cast %select_n3A_84 : i32 to index
        %get3A_2355 = arith.index_cast %get3A_2353 : i32 to index
        %get3A_2356 = arith.index_cast %add3A_2336 : i32 to index
        %get3A_2357 = arith.constant 0 : index
        %get3A_2358 = tpu.vector_load %arg10[%get3A_2354, %get3A_2355, %get3A_2356, %get3A_2357] {strides = array<i32>} : memref<2x26x32x16xf32, #tpu.memory_space<vmem>>, vector<16xf32>,
        %add3A_2359 = arith.addf %add3A_2350, %get3A_2358 : vector<16xf32>
        %mul3A_2360 = arith.mulf %get3A_2358, %get3A_2358 : vector<16xf32>
        %add3A_2361 = arith.addf %add3A_2352, %mul3A_2360 : vector<16xf32>
        %get3A_2362 = arith.constant 3 : i32
        %get3A_2363 = arith.index_cast %select_n3A_84 : i32 to index
        %get3A_2364 = arith.index_cast %get3A_2362 : i32 to index
        %get3A_2365 = arith.index_cast %add3A_2336 : i32 to index
        %get3A_2366 = arith.constant 0 : index
        %get3A_2367 = tpu.vector_load %arg10[%get3A_2363, %get3A_2364, %get3A_2365, %get3A_2366] {strides = array<i32>} : memref<2x26x32x16xf32, #tpu.memory_space<vmem>>, vector<16xf32>,
        %add3A_2368 = arith.addf %add3A_2359, %get3A_2367 : vector<16xf32>
        %mul3A_2369 = arith.mulf %get3A_2367, %get3A_2367 : vector<16xf32>
        %add3A_2370 = arith.addf %add3A_2361, %mul3A_2369 : vector<16xf32>
        %get3A_2371 = arith.constant 4 : i32
        %get3A_2372 = arith.index_cast %select_n3A_84 : i32 to index
        %get3A_2373 = arith.index_cast %get3A_2371 : i32 to index
        %get3A_2374 = arith.index_cast %add3A_2336 : i32 to index
        %get3A_2375 = arith.constant 0 : index
        %get3A_2376 = tpu.vector_load %arg10[%get3A_2372, %get3A_2373, %get3A_2374, %get3A_2375] {strides = array<i32>} : memref<2x26x32x16xf32, #tpu.memory_space<vmem>>, vector<16xf32>,
        %add3A_2377 = arith.addf %add3A_2368, %get3A_2376 : vector<16xf32>
        %mul3A_2378 = arith.mulf %get3A_2376, %get3A_2376 : vector<16xf32>
        %add3A_2379 = arith.addf %add3A_2370, %mul3A_2378 : vector<16xf32>
        %get3A_2380 = arith.constant 5 : i32
        %get3A_2381 = arith.index_cast %select_n3A_84 : i32 to index
        %get3A_2382 = arith.index_cast %get3A_2380 : i32 to index
        %get3A_2383 = arith.index_cast %add3A_2336 : i32 to index
        %get3A_2384 = arith.constant 0 : index
        %get3A_2385 = tpu.vector_load %arg10[%get3A_2381, %get3A_2382, %get3A_2383, %get3A_2384] {strides = array<i32>} : memref<2x26x32x16xf32, #tpu.memory_space<vmem>>, vector<16xf32>,
        %add3A_2386 = arith.addf %add3A_2377, %get3A_2385 : vector<16xf32>
        %mul3A_2387 = arith.mulf %get3A_2385, %get3A_2385 : vector<16xf32>
        %add3A_2388 = arith.addf %add3A_2379, %mul3A_2387 : vector<16xf32>
        %get3A_2389 = arith.constant 6 : i32
        %get3A_2390 = arith.index_cast %select_n3A_84 : i32 to index
        %get3A_2391 = arith.index_cast %get3A_2389 : i32 to index
        %get3A_2392 = arith.index_cast %add3A_2336 : i32 to index
        %get3A_2393 = arith.constant 0 : index
        %get3A_2394 = tpu.vector_load %arg10[%get3A_2390, %get3A_2391, %get3A_2392, %get3A_2393] {strides = array<i32>} : memref<2x26x32x16xf32, #tpu.memory_space<vmem>>, vector<16xf32>,
        %add3A_2395 = arith.addf %add3A_2386, %get3A_2394 : vector<16xf32>
        %mul3A_2396 = arith.mulf %get3A_2394, %get3A_2394 : vector<16xf32>
        %add3A_2397 = arith.addf %add3A_2388, %mul3A_2396 : vector<16xf32>
        %get3A_2398 = arith.constant 7 : i32
        %get3A_2399 = arith.index_cast %select_n3A_84 : i32 to index
        %get3A_2400 = arith.index_cast %get3A_2398 : i32 to index
        %get3A_2401 = arith.index_cast %add3A_2336 : i32 to index
        %get3A_2402 = arith.constant 0 : index
        %get3A_2403 = tpu.vector_load %arg10[%get3A_2399, %get3A_2400, %get3A_2401, %get3A_2402] {strides = array<i32>} : memref<2x26x32x16xf32, #tpu.memory_space<vmem>>, vector<16xf32>,
        %add3A_2404 = arith.addf %add3A_2395, %get3A_2403 : vector<16xf32>
        %mul3A_2405 = arith.mulf %get3A_2403, %get3A_2403 : vector<16xf32>
        %add3A_2406 = arith.addf %add3A_2397, %mul3A_2405 : vector<16xf32>
        %get3A_2407 = arith.constant 8 : i32
        %get3A_2408 = arith.index_cast %select_n3A_84 : i32 to index
        %get3A_2409 = arith.index_cast %get3A_2407 : i32 to index
        %get3A_2410 = arith.index_cast %add3A_2336 : i32 to index
        %get3A_2411 = arith.constant 0 : index
        %get3A_2412 = tpu.vector_load %arg10[%get3A_2408, %get3A_2409, %get3A_2410, %get3A_2411] {strides = array<i32>} : memref<2x26x32x16xf32, #tpu.memory_space<vmem>>, vector<16xf32>,
        %add3A_2413 = arith.addf %add3A_2404, %get3A_2412 : vector<16xf32>
        %mul3A_2414 = arith.mulf %get3A_2412, %get3A_2412 : vector<16xf32>
        %add3A_2415 = arith.addf %add3A_2406, %mul3A_2414 : vector<16xf32>
        %get3A_2416 = arith.constant 9 : i32
        %get3A_2417 = arith.index_cast %select_n3A_84 : i32 to index
        %get3A_2418 = arith.index_cast %get3A_2416 : i32 to index
        %get3A_2419 = arith.index_cast %add3A_2336 : i32 to index
        %get3A_2420 = arith.constant 0 : index
        %get3A_2421 = tpu.vector_load %arg10[%get3A_2417, %get3A_2418, %get3A_2419, %get3A_2420] {strides = array<i32>} : memref<2x26x32x16xf32, #tpu.memory_space<vmem>>, vector<16xf32>,
        %add3A_2422 = arith.addf %add3A_2413, %get3A_2421 : vector<16xf32>
        %mul3A_2423 = arith.mulf %get3A_2421, %get3A_2421 : vector<16xf32>
        %add3A_2424 = arith.addf %add3A_2415, %mul3A_2423 : vector<16xf32>
        %get3A_2425 = arith.constant 10 : i32
        %get3A_2426 = arith.index_cast %select_n3A_84 : i32 to index
        %get3A_2427 = arith.index_cast %get3A_2425 : i32 to index
        %get3A_2428 = arith.index_cast %add3A_2336 : i32 to index
        %get3A_2429 = arith.constant 0 : index
        %get3A_2430 = tpu.vector_load %arg10[%get3A_2426, %get3A_2427, %get3A_2428, %get3A_2429] {strides = array<i32>} : memref<2x26x32x16xf32, #tpu.memory_space<vmem>>, vector<16xf32>,
        %add3A_2431 = arith.addf %add3A_2422, %get3A_2430 : vector<16xf32>
        %mul3A_2432 = arith.mulf %get3A_2430, %get3A_2430 : vector<16xf32>
        %add3A_2433 = arith.addf %add3A_2424, %mul3A_2432 : vector<16xf32>
        %get3A_2434 = arith.constant 11 : i32
        %get3A_2435 = arith.index_cast %select_n3A_84 : i32 to index
        %get3A_2436 = arith.index_cast %get3A_2434 : i32 to index
        %get3A_2437 = arith.index_cast %add3A_2336 : i32 to index
        %get3A_2438 = arith.constant 0 : index
        %get3A_2439 = tpu.vector_load %arg10[%get3A_2435, %get3A_2436, %get3A_2437, %get3A_2438] {strides = array<i32>} : memref<2x26x32x16xf32, #tpu.memory_space<vmem>>, vector<16xf32>,
        %add3A_2440 = arith.addf %add3A_2431, %get3A_2439 : vector<16xf32>
        %mul3A_2441 = arith.mulf %get3A_2439, %get3A_2439 : vector<16xf32>
        %add3A_2442 = arith.addf %add3A_2433, %mul3A_2441 : vector<16xf32>
        %get3A_2443 = arith.constant 12 : i32
        %get3A_2444 = arith.index_cast %select_n3A_84 : i32 to index
        %get3A_2445 = arith.index_cast %get3A_2443 : i32 to index
        %get3A_2446 = arith.index_cast %add3A_2336 : i32 to index
        %get3A_2447 = arith.constant 0 : index
        %get3A_2448 = tpu.vector_load %arg10[%get3A_2444, %get3A_2445, %get3A_2446, %get3A_2447] {strides = array<i32>} : memref<2x26x32x16xf32, #tpu.memory_space<vmem>>, vector<16xf32>,
        %add3A_2449 = arith.addf %add3A_2440, %get3A_2448 : vector<16xf32>
        %mul3A_2450 = arith.mulf %get3A_2448, %get3A_2448 : vector<16xf32>
        %add3A_2451 = arith.addf %add3A_2442, %mul3A_2450 : vector<16xf32>
        %get3A_2452 = arith.constant 13 : i32
        %get3A_2453 = arith.index_cast %select_n3A_84 : i32 to index
        %get3A_2454 = arith.index_cast %get3A_2452 : i32 to index
        %get3A_2455 = arith.index_cast %add3A_2336 : i32 to index
        %get3A_2456 = arith.constant 0 : index
        %get3A_2457 = tpu.vector_load %arg10[%get3A_2453, %get3A_2454, %get3A_2455, %get3A_2456] {strides = array<i32>} : memref<2x26x32x16xf32, #tpu.memory_space<vmem>>, vector<16xf32>,
        %add3A_2458 = arith.addf %add3A_2449, %get3A_2457 : vector<16xf32>
        %mul3A_2459 = arith.mulf %get3A_2457, %get3A_2457 : vector<16xf32>
        %add3A_2460 = arith.addf %add3A_2451, %mul3A_2459 : vector<16xf32>
        %get3A_2461 = arith.constant 14 : i32
        %get3A_2462 = arith.index_cast %select_n3A_84 : i32 to index
        %get3A_2463 = arith.index_cast %get3A_2461 : i32 to index
        %get3A_2464 = arith.index_cast %add3A_2336 : i32 to index
        %get3A_2465 = arith.constant 0 : index
        %get3A_2466 = tpu.vector_load %arg10[%get3A_2462, %get3A_2463, %get3A_2464, %get3A_2465] {strides = array<i32>} : memref<2x26x32x16xf32, #tpu.memory_space<vmem>>, vector<16xf32>,
        %add3A_2467 = arith.addf %add3A_2458, %get3A_2466 : vector<16xf32>
        %mul3A_2468 = arith.mulf %get3A_2466, %get3A_2466 : vector<16xf32>
        %add3A_2469 = arith.addf %add3A_2460, %mul3A_2468 : vector<16xf32>
        %get3A_2470 = arith.constant 15 : i32
        %get3A_2471 = arith.index_cast %select_n3A_84 : i32 to index
        %get3A_2472 = arith.index_cast %get3A_2470 : i32 to index
        %get3A_2473 = arith.index_cast %add3A_2336 : i32 to index
        %get3A_2474 = arith.constant 0 : index
        %get3A_2475 = tpu.vector_load %arg10[%get3A_2471, %get3A_2472, %get3A_2473, %get3A_2474] {strides = array<i32>} : memref<2x26x32x16xf32, #tpu.memory_space<vmem>>, vector<16xf32>,
        %add3A_2476 = arith.addf %add3A_2467, %get3A_2475 : vector<16xf32>
        %mul3A_2477 = arith.mulf %get3A_2475, %get3A_2475 : vector<16xf32>
        %add3A_2478 = arith.addf %add3A_2469, %mul3A_2477 : vector<16xf32>
        %get3A_2479 = arith.constant 16 : i32
        %get3A_2480 = arith.index_cast %select_n3A_84 : i32 to index
        %get3A_2481 = arith.index_cast %get3A_2479 : i32 to index
        %get3A_2482 = arith.index_cast %add3A_2336 : i32 to index
        %get3A_2483 = arith.constant 0 : index
        %get3A_2484 = tpu.vector_load %arg10[%get3A_2480, %get3A_2481, %get3A_2482, %get3A_2483] {strides = array<i32>} : memref<2x26x32x16xf32, #tpu.memory_space<vmem>>, vector<16xf32>,
        %add3A_2485 = arith.addf %add3A_2476, %get3A_2484 : vector<16xf32>
        %mul3A_2486 = arith.mulf %get3A_2484, %get3A_2484 : vector<16xf32>
        %add3A_2487 = arith.addf %add3A_2478, %mul3A_2486 : vector<16xf32>
        %get3A_2488 = arith.constant 17 : i32
        %get3A_2489 = arith.index_cast %select_n3A_84 : i32 to index
        %get3A_2490 = arith.index_cast %get3A_2488 : i32 to index
        %get3A_2491 = arith.index_cast %add3A_2336 : i32 to index
        %get3A_2492 = arith.constant 0 : index
        %get3A_2493 = tpu.vector_load %arg10[%get3A_2489, %get3A_2490, %get3A_2491, %get3A_2492] {strides = array<i32>} : memref<2x26x32x16xf32, #tpu.memory_space<vmem>>, vector<16xf32>,
        %add3A_2494 = arith.addf %add3A_2485, %get3A_2493 : vector<16xf32>
        %mul3A_2495 = arith.mulf %get3A_2493, %get3A_2493 : vector<16xf32>
        %add3A_2496 = arith.addf %add3A_2487, %mul3A_2495 : vector<16xf32>
        %get3A_2497 = arith.constant 18 : i32
        %get3A_2498 = arith.index_cast %select_n3A_84 : i32 to index
        %get3A_2499 = arith.index_cast %get3A_2497 : i32 to index
        %get3A_2500 = arith.index_cast %add3A_2336 : i32 to index
        %get3A_2501 = arith.constant 0 : index
        %get3A_2502 = tpu.vector_load %arg10[%get3A_2498, %get3A_2499, %get3A_2500, %get3A_2501] {strides = array<i32>} : memref<2x26x32x16xf32, #tpu.memory_space<vmem>>, vector<16xf32>,
        %add3A_2503 = arith.addf %add3A_2494, %get3A_2502 : vector<16xf32>
        %mul3A_2504 = arith.mulf %get3A_2502, %get3A_2502 : vector<16xf32>
        %add3A_2505 = arith.addf %add3A_2496, %mul3A_2504 : vector<16xf32>
        %get3A_2506 = arith.constant 19 : i32
        %get3A_2507 = arith.index_cast %select_n3A_84 : i32 to index
        %get3A_2508 = arith.index_cast %get3A_2506 : i32 to index
        %get3A_2509 = arith.index_cast %add3A_2336 : i32 to index
        %get3A_2510 = arith.constant 0 : index
        %get3A_2511 = tpu.vector_load %arg10[%get3A_2507, %get3A_2508, %get3A_2509, %get3A_2510] {strides = array<i32>} : memref<2x26x32x16xf32, #tpu.memory_space<vmem>>, vector<16xf32>,
        %add3A_2512 = arith.addf %add3A_2503, %get3A_2511 : vector<16xf32>
        %mul3A_2513 = arith.mulf %get3A_2511, %get3A_2511 : vector<16xf32>
        %add3A_2514 = arith.addf %add3A_2505, %mul3A_2513 : vector<16xf32>
        %get3A_2515 = arith.constant 20 : i32
        %get3A_2516 = arith.index_cast %select_n3A_84 : i32 to index
        %get3A_2517 = arith.index_cast %get3A_2515 : i32 to index
        %get3A_2518 = arith.index_cast %add3A_2336 : i32 to index
        %get3A_2519 = arith.constant 0 : index
        %get3A_2520 = tpu.vector_load %arg10[%get3A_2516, %get3A_2517, %get3A_2518, %get3A_2519] {strides = array<i32>} : memref<2x26x32x16xf32, #tpu.memory_space<vmem>>, vector<16xf32>,
        %add3A_2521 = arith.addf %add3A_2512, %get3A_2520 : vector<16xf32>
        %mul3A_2522 = arith.mulf %get3A_2520, %get3A_2520 : vector<16xf32>
        %add3A_2523 = arith.addf %add3A_2514, %mul3A_2522 : vector<16xf32>
        %get3A_2524 = arith.constant 21 : i32
        %get3A_2525 = arith.index_cast %select_n3A_84 : i32 to index
        %get3A_2526 = arith.index_cast %get3A_2524 : i32 to index
        %get3A_2527 = arith.index_cast %add3A_2336 : i32 to index
        %get3A_2528 = arith.constant 0 : index
        %get3A_2529 = tpu.vector_load %arg10[%get3A_2525, %get3A_2526, %get3A_2527, %get3A_2528] {strides = array<i32>} : memref<2x26x32x16xf32, #tpu.memory_space<vmem>>, vector<16xf32>,
        %add3A_2530 = arith.addf %add3A_2521, %get3A_2529 : vector<16xf32>
        %mul3A_2531 = arith.mulf %get3A_2529, %get3A_2529 : vector<16xf32>
        %add3A_2532 = arith.addf %add3A_2523, %mul3A_2531 : vector<16xf32>
        %get3A_2533 = arith.constant 22 : i32
        %get3A_2534 = arith.index_cast %select_n3A_84 : i32 to index
        %get3A_2535 = arith.index_cast %get3A_2533 : i32 to index
        %get3A_2536 = arith.index_cast %add3A_2336 : i32 to index
        %get3A_2537 = arith.constant 0 : index
        %get3A_2538 = tpu.vector_load %arg10[%get3A_2534, %get3A_2535, %get3A_2536, %get3A_2537] {strides = array<i32>} : memref<2x26x32x16xf32, #tpu.memory_space<vmem>>, vector<16xf32>,
        %add3A_2539 = arith.addf %add3A_2530, %get3A_2538 : vector<16xf32>
        %mul3A_2540 = arith.mulf %get3A_2538, %get3A_2538 : vector<16xf32>
        %add3A_2541 = arith.addf %add3A_2532, %mul3A_2540 : vector<16xf32>
        %get3A_2542 = arith.constant 23 : i32
        %get3A_2543 = arith.index_cast %select_n3A_84 : i32 to index
        %get3A_2544 = arith.index_cast %get3A_2542 : i32 to index
        %get3A_2545 = arith.index_cast %add3A_2336 : i32 to index
        %get3A_2546 = arith.constant 0 : index
        %get3A_2547 = tpu.vector_load %arg10[%get3A_2543, %get3A_2544, %get3A_2545, %get3A_2546] {strides = array<i32>} : memref<2x26x32x16xf32, #tpu.memory_space<vmem>>, vector<16xf32>,
        %add3A_2548 = arith.addf %add3A_2539, %get3A_2547 : vector<16xf32>
        %mul3A_2549 = arith.mulf %get3A_2547, %get3A_2547 : vector<16xf32>
        %add3A_2550 = arith.addf %add3A_2541, %mul3A_2549 : vector<16xf32>
        %get3A_2551 = arith.constant 24 : i32
        %get3A_2552 = arith.index_cast %select_n3A_84 : i32 to index
        %get3A_2553 = arith.index_cast %get3A_2551 : i32 to index
        %get3A_2554 = arith.index_cast %add3A_2336 : i32 to index
        %get3A_2555 = arith.constant 0 : index
        %get3A_2556 = tpu.vector_load %arg10[%get3A_2552, %get3A_2553, %get3A_2554, %get3A_2555] {strides = array<i32>} : memref<2x26x32x16xf32, #tpu.memory_space<vmem>>, vector<16xf32>,
        %add3A_2557 = arith.addf %add3A_2548, %get3A_2556 : vector<16xf32>
        %mul3A_2558 = arith.mulf %get3A_2556, %get3A_2556 : vector<16xf32>
        %add3A_2559 = arith.addf %add3A_2550, %mul3A_2558 : vector<16xf32>
        %get3A_2560 = arith.constant 25 : i32
        %get3A_2561 = arith.index_cast %select_n3A_84 : i32 to index
        %get3A_2562 = arith.index_cast %get3A_2560 : i32 to index
        %get3A_2563 = arith.index_cast %add3A_2336 : i32 to index
        %get3A_2564 = arith.constant 0 : index
        %get3A_2565 = tpu.vector_load %arg10[%get3A_2561, %get3A_2562, %get3A_2563, %get3A_2564] {strides = array<i32>} : memref<2x26x32x16xf32, #tpu.memory_space<vmem>>, vector<16xf32>,
        %add3A_2566 = arith.addf %add3A_2557, %get3A_2565 : vector<16xf32>
        %mul3A_2567 = arith.mulf %get3A_2565, %get3A_2565 : vector<16xf32>
        %add3A_2568 = arith.addf %add3A_2559, %mul3A_2567 : vector<16xf32>
        %mul3A_2569 = arith.mulf %add3A_2566, %add3A_2566 : vector<16xf32>
        %sub3A_2570 = arith.subf %mul3A_2569, %add3A_2568 : vector<16xf32>
        %reduce_sum3A_2571 = arith.constant true
        %reduce_sum3A_2572 = vector.broadcast %reduce_sum3A_2571 : i1 to vector<16xi1>
        %reduce_sum3A_2573 = tpu.scan <sum>, %sub3A_2570 masked %reduce_sum3A_2572 : vector<16xf32>, vector<16xi1> -> vector<16xf32>
        %reduce_sum3A_2574 = vector.extract %reduce_sum3A_2573[15] : f32 from vector<16xf32>
        %mul3A_2575 = arith.constant 5.000000e-01 : f32
        %mul3A_2576 = arith.mulf %mul3A_2575, %reduce_sum3A_2574 : f32
        %eq3A_2577 = arith.constant 9 : i32
        %eq3A_2578 = vector.broadcast %eq3A_2577 : i32 to vector<16xi32>
        %eq3A_2579 = arith.cmpi eq, %iota3A, %eq3A_2578 : vector<16xi32>
        %broadcast_in_dim3A_2580 = vector.broadcast %mul3A_2576 : f32 to vector<16xf32>
        %select_n3A_2581 = arith.select %eq3A_2579, %broadcast_in_dim3A_2580, %select_n3A_2332 : vector<16xi1>, vector<16xf32>
        %mul3A_2582 = arith.constant 16 : i32
        %mul3A_2583 = arith.muli %scan3A_91, %mul3A_2582 : i32
        %add3A_2584 = arith.constant 10 : i32
        %add3A_2585 = arith.addi %mul3A_2583, %add3A_2584 : i32
        %get3A_2586 = arith.constant 0 : i32
        %get3A_2587 = arith.index_cast %select_n3A_84 : i32 to index
        %get3A_2588 = arith.index_cast %get3A_2586 : i32 to index
        %get3A_2589 = arith.index_cast %add3A_2585 : i32 to index
        %get3A_2590 = arith.constant 0 : index
        %get3A_2591 = tpu.vector_load %arg10[%get3A_2587, %get3A_2588, %get3A_2589, %get3A_2590] {strides = array<i32>} : memref<2x26x32x16xf32, #tpu.memory_space<vmem>>, vector<16xf32>,
        %mul3A_2592 = arith.mulf %get3A_2591, %get3A_2591 : vector<16xf32>
        %get3A_2593 = arith.constant 1 : i32
        %get3A_2594 = arith.index_cast %select_n3A_84 : i32 to index
        %get3A_2595 = arith.index_cast %get3A_2593 : i32 to index
        %get3A_2596 = arith.index_cast %add3A_2585 : i32 to index
        %get3A_2597 = arith.constant 0 : index
        %get3A_2598 = tpu.vector_load %arg10[%get3A_2594, %get3A_2595, %get3A_2596, %get3A_2597] {strides = array<i32>} : memref<2x26x32x16xf32, #tpu.memory_space<vmem>>, vector<16xf32>,
        %add3A_2599 = arith.addf %get3A_2591, %get3A_2598 : vector<16xf32>
        %mul3A_2600 = arith.mulf %get3A_2598, %get3A_2598 : vector<16xf32>
        %add3A_2601 = arith.addf %mul3A_2592, %mul3A_2600 : vector<16xf32>
        %get3A_2602 = arith.constant 2 : i32
        %get3A_2603 = arith.index_cast %select_n3A_84 : i32 to index
        %get3A_2604 = arith.index_cast %get3A_2602 : i32 to index
        %get3A_2605 = arith.index_cast %add3A_2585 : i32 to index
        %get3A_2606 = arith.constant 0 : index
        %get3A_2607 = tpu.vector_load %arg10[%get3A_2603, %get3A_2604, %get3A_2605, %get3A_2606] {strides = array<i32>} : memref<2x26x32x16xf32, #tpu.memory_space<vmem>>, vector<16xf32>,
        %add3A_2608 = arith.addf %add3A_2599, %get3A_2607 : vector<16xf32>
        %mul3A_2609 = arith.mulf %get3A_2607, %get3A_2607 : vector<16xf32>
        %add3A_2610 = arith.addf %add3A_2601, %mul3A_2609 : vector<16xf32>
        %get3A_2611 = arith.constant 3 : i32
        %get3A_2612 = arith.index_cast %select_n3A_84 : i32 to index
        %get3A_2613 = arith.index_cast %get3A_2611 : i32 to index
        %get3A_2614 = arith.index_cast %add3A_2585 : i32 to index
        %get3A_2615 = arith.constant 0 : index
        %get3A_2616 = tpu.vector_load %arg10[%get3A_2612, %get3A_2613, %get3A_2614, %get3A_2615] {strides = array<i32>} : memref<2x26x32x16xf32, #tpu.memory_space<vmem>>, vector<16xf32>,
        %add3A_2617 = arith.addf %add3A_2608, %get3A_2616 : vector<16xf32>
        %mul3A_2618 = arith.mulf %get3A_2616, %get3A_2616 : vector<16xf32>
        %add3A_2619 = arith.addf %add3A_2610, %mul3A_2618 : vector<16xf32>
        %get3A_2620 = arith.constant 4 : i32
        %get3A_2621 = arith.index_cast %select_n3A_84 : i32 to index
        %get3A_2622 = arith.index_cast %get3A_2620 : i32 to index
        %get3A_2623 = arith.index_cast %add3A_2585 : i32 to index
        %get3A_2624 = arith.constant 0 : index
        %get3A_2625 = tpu.vector_load %arg10[%get3A_2621, %get3A_2622, %get3A_2623, %get3A_2624] {strides = array<i32>} : memref<2x26x32x16xf32, #tpu.memory_space<vmem>>, vector<16xf32>,
        %add3A_2626 = arith.addf %add3A_2617, %get3A_2625 : vector<16xf32>
        %mul3A_2627 = arith.mulf %get3A_2625, %get3A_2625 : vector<16xf32>
        %add3A_2628 = arith.addf %add3A_2619, %mul3A_2627 : vector<16xf32>
        %get3A_2629 = arith.constant 5 : i32
        %get3A_2630 = arith.index_cast %select_n3A_84 : i32 to index
        %get3A_2631 = arith.index_cast %get3A_2629 : i32 to index
        %get3A_2632 = arith.index_cast %add3A_2585 : i32 to index
        %get3A_2633 = arith.constant 0 : index
        %get3A_2634 = tpu.vector_load %arg10[%get3A_2630, %get3A_2631, %get3A_2632, %get3A_2633] {strides = array<i32>} : memref<2x26x32x16xf32, #tpu.memory_space<vmem>>, vector<16xf32>,
        %add3A_2635 = arith.addf %add3A_2626, %get3A_2634 : vector<16xf32>
        %mul3A_2636 = arith.mulf %get3A_2634, %get3A_2634 : vector<16xf32>
        %add3A_2637 = arith.addf %add3A_2628, %mul3A_2636 : vector<16xf32>
        %get3A_2638 = arith.constant 6 : i32
        %get3A_2639 = arith.index_cast %select_n3A_84 : i32 to index
        %get3A_2640 = arith.index_cast %get3A_2638 : i32 to index
        %get3A_2641 = arith.index_cast %add3A_2585 : i32 to index
        %get3A_2642 = arith.constant 0 : index
        %get3A_2643 = tpu.vector_load %arg10[%get3A_2639, %get3A_2640, %get3A_2641, %get3A_2642] {strides = array<i32>} : memref<2x26x32x16xf32, #tpu.memory_space<vmem>>, vector<16xf32>,
        %add3A_2644 = arith.addf %add3A_2635, %get3A_2643 : vector<16xf32>
        %mul3A_2645 = arith.mulf %get3A_2643, %get3A_2643 : vector<16xf32>
        %add3A_2646 = arith.addf %add3A_2637, %mul3A_2645 : vector<16xf32>
        %get3A_2647 = arith.constant 7 : i32
        %get3A_2648 = arith.index_cast %select_n3A_84 : i32 to index
        %get3A_2649 = arith.index_cast %get3A_2647 : i32 to index
        %get3A_2650 = arith.index_cast %add3A_2585 : i32 to index
        %get3A_2651 = arith.constant 0 : index
        %get3A_2652 = tpu.vector_load %arg10[%get3A_2648, %get3A_2649, %get3A_2650, %get3A_2651] {strides = array<i32>} : memref<2x26x32x16xf32, #tpu.memory_space<vmem>>, vector<16xf32>,
        %add3A_2653 = arith.addf %add3A_2644, %get3A_2652 : vector<16xf32>
        %mul3A_2654 = arith.mulf %get3A_2652, %get3A_2652 : vector<16xf32>
        %add3A_2655 = arith.addf %add3A_2646, %mul3A_2654 : vector<16xf32>
        %get3A_2656 = arith.constant 8 : i32
        %get3A_2657 = arith.index_cast %select_n3A_84 : i32 to index
        %get3A_2658 = arith.index_cast %get3A_2656 : i32 to index
        %get3A_2659 = arith.index_cast %add3A_2585 : i32 to index
        %get3A_2660 = arith.constant 0 : index
        %get3A_2661 = tpu.vector_load %arg10[%get3A_2657, %get3A_2658, %get3A_2659, %get3A_2660] {strides = array<i32>} : memref<2x26x32x16xf32, #tpu.memory_space<vmem>>, vector<16xf32>,
        %add3A_2662 = arith.addf %add3A_2653, %get3A_2661 : vector<16xf32>
        %mul3A_2663 = arith.mulf %get3A_2661, %get3A_2661 : vector<16xf32>
        %add3A_2664 = arith.addf %add3A_2655, %mul3A_2663 : vector<16xf32>
        %get3A_2665 = arith.constant 9 : i32
        %get3A_2666 = arith.index_cast %select_n3A_84 : i32 to index
        %get3A_2667 = arith.index_cast %get3A_2665 : i32 to index
        %get3A_2668 = arith.index_cast %add3A_2585 : i32 to index
        %get3A_2669 = arith.constant 0 : index
        %get3A_2670 = tpu.vector_load %arg10[%get3A_2666, %get3A_2667, %get3A_2668, %get3A_2669] {strides = array<i32>} : memref<2x26x32x16xf32, #tpu.memory_space<vmem>>, vector<16xf32>,
        %add3A_2671 = arith.addf %add3A_2662, %get3A_2670 : vector<16xf32>
        %mul3A_2672 = arith.mulf %get3A_2670, %get3A_2670 : vector<16xf32>
        %add3A_2673 = arith.addf %add3A_2664, %mul3A_2672 : vector<16xf32>
        %get3A_2674 = arith.constant 10 : i32
        %get3A_2675 = arith.index_cast %select_n3A_84 : i32 to index
        %get3A_2676 = arith.index_cast %get3A_2674 : i32 to index
        %get3A_2677 = arith.index_cast %add3A_2585 : i32 to index
        %get3A_2678 = arith.constant 0 : index
        %get3A_2679 = tpu.vector_load %arg10[%get3A_2675, %get3A_2676, %get3A_2677, %get3A_2678] {strides = array<i32>} : memref<2x26x32x16xf32, #tpu.memory_space<vmem>>, vector<16xf32>,
        %add3A_2680 = arith.addf %add3A_2671, %get3A_2679 : vector<16xf32>
        %mul3A_2681 = arith.mulf %get3A_2679, %get3A_2679 : vector<16xf32>
        %add3A_2682 = arith.addf %add3A_2673, %mul3A_2681 : vector<16xf32>
        %get3A_2683 = arith.constant 11 : i32
        %get3A_2684 = arith.index_cast %select_n3A_84 : i32 to index
        %get3A_2685 = arith.index_cast %get3A_2683 : i32 to index
        %get3A_2686 = arith.index_cast %add3A_2585 : i32 to index
        %get3A_2687 = arith.constant 0 : index
        %get3A_2688 = tpu.vector_load %arg10[%get3A_2684, %get3A_2685, %get3A_2686, %get3A_2687] {strides = array<i32>} : memref<2x26x32x16xf32, #tpu.memory_space<vmem>>, vector<16xf32>,
        %add3A_2689 = arith.addf %add3A_2680, %get3A_2688 : vector<16xf32>
        %mul3A_2690 = arith.mulf %get3A_2688, %get3A_2688 : vector<16xf32>
        %add3A_2691 = arith.addf %add3A_2682, %mul3A_2690 : vector<16xf32>
        %get3A_2692 = arith.constant 12 : i32
        %get3A_2693 = arith.index_cast %select_n3A_84 : i32 to index
        %get3A_2694 = arith.index_cast %get3A_2692 : i32 to index
        %get3A_2695 = arith.index_cast %add3A_2585 : i32 to index
        %get3A_2696 = arith.constant 0 : index
        %get3A_2697 = tpu.vector_load %arg10[%get3A_2693, %get3A_2694, %get3A_2695, %get3A_2696] {strides = array<i32>} : memref<2x26x32x16xf32, #tpu.memory_space<vmem>>, vector<16xf32>,
        %add3A_2698 = arith.addf %add3A_2689, %get3A_2697 : vector<16xf32>
        %mul3A_2699 = arith.mulf %get3A_2697, %get3A_2697 : vector<16xf32>
        %add3A_2700 = arith.addf %add3A_2691, %mul3A_2699 : vector<16xf32>
        %get3A_2701 = arith.constant 13 : i32
        %get3A_2702 = arith.index_cast %select_n3A_84 : i32 to index
        %get3A_2703 = arith.index_cast %get3A_2701 : i32 to index
        %get3A_2704 = arith.index_cast %add3A_2585 : i32 to index
        %get3A_2705 = arith.constant 0 : index
        %get3A_2706 = tpu.vector_load %arg10[%get3A_2702, %get3A_2703, %get3A_2704, %get3A_2705] {strides = array<i32>} : memref<2x26x32x16xf32, #tpu.memory_space<vmem>>, vector<16xf32>,
        %add3A_2707 = arith.addf %add3A_2698, %get3A_2706 : vector<16xf32>
        %mul3A_2708 = arith.mulf %get3A_2706, %get3A_2706 : vector<16xf32>
        %add3A_2709 = arith.addf %add3A_2700, %mul3A_2708 : vector<16xf32>
        %get3A_2710 = arith.constant 14 : i32
        %get3A_2711 = arith.index_cast %select_n3A_84 : i32 to index
        %get3A_2712 = arith.index_cast %get3A_2710 : i32 to index
        %get3A_2713 = arith.index_cast %add3A_2585 : i32 to index
        %get3A_2714 = arith.constant 0 : index
        %get3A_2715 = tpu.vector_load %arg10[%get3A_2711, %get3A_2712, %get3A_2713, %get3A_2714] {strides = array<i32>} : memref<2x26x32x16xf32, #tpu.memory_space<vmem>>, vector<16xf32>,
        %add3A_2716 = arith.addf %add3A_2707, %get3A_2715 : vector<16xf32>
        %mul3A_2717 = arith.mulf %get3A_2715, %get3A_2715 : vector<16xf32>
        %add3A_2718 = arith.addf %add3A_2709, %mul3A_2717 : vector<16xf32>
        %get3A_2719 = arith.constant 15 : i32
        %get3A_2720 = arith.index_cast %select_n3A_84 : i32 to index
        %get3A_2721 = arith.index_cast %get3A_2719 : i32 to index
        %get3A_2722 = arith.index_cast %add3A_2585 : i32 to index
        %get3A_2723 = arith.constant 0 : index
        %get3A_2724 = tpu.vector_load %arg10[%get3A_2720, %get3A_2721, %get3A_2722, %get3A_2723] {strides = array<i32>} : memref<2x26x32x16xf32, #tpu.memory_space<vmem>>, vector<16xf32>,
        %add3A_2725 = arith.addf %add3A_2716, %get3A_2724 : vector<16xf32>
        %mul3A_2726 = arith.mulf %get3A_2724, %get3A_2724 : vector<16xf32>
        %add3A_2727 = arith.addf %add3A_2718, %mul3A_2726 : vector<16xf32>
        %get3A_2728 = arith.constant 16 : i32
        %get3A_2729 = arith.index_cast %select_n3A_84 : i32 to index
        %get3A_2730 = arith.index_cast %get3A_2728 : i32 to index
        %get3A_2731 = arith.index_cast %add3A_2585 : i32 to index
        %get3A_2732 = arith.constant 0 : index
        %get3A_2733 = tpu.vector_load %arg10[%get3A_2729, %get3A_2730, %get3A_2731, %get3A_2732] {strides = array<i32>} : memref<2x26x32x16xf32, #tpu.memory_space<vmem>>, vector<16xf32>,
        %add3A_2734 = arith.addf %add3A_2725, %get3A_2733 : vector<16xf32>
        %mul3A_2735 = arith.mulf %get3A_2733, %get3A_2733 : vector<16xf32>
        %add3A_2736 = arith.addf %add3A_2727, %mul3A_2735 : vector<16xf32>
        %get3A_2737 = arith.constant 17 : i32
        %get3A_2738 = arith.index_cast %select_n3A_84 : i32 to index
        %get3A_2739 = arith.index_cast %get3A_2737 : i32 to index
        %get3A_2740 = arith.index_cast %add3A_2585 : i32 to index
        %get3A_2741 = arith.constant 0 : index
        %get3A_2742 = tpu.vector_load %arg10[%get3A_2738, %get3A_2739, %get3A_2740, %get3A_2741] {strides = array<i32>} : memref<2x26x32x16xf32, #tpu.memory_space<vmem>>, vector<16xf32>,
        %add3A_2743 = arith.addf %add3A_2734, %get3A_2742 : vector<16xf32>
        %mul3A_2744 = arith.mulf %get3A_2742, %get3A_2742 : vector<16xf32>
        %add3A_2745 = arith.addf %add3A_2736, %mul3A_2744 : vector<16xf32>
        %get3A_2746 = arith.constant 18 : i32
        %get3A_2747 = arith.index_cast %select_n3A_84 : i32 to index
        %get3A_2748 = arith.index_cast %get3A_2746 : i32 to index
        %get3A_2749 = arith.index_cast %add3A_2585 : i32 to index
        %get3A_2750 = arith.constant 0 : index
        %get3A_2751 = tpu.vector_load %arg10[%get3A_2747, %get3A_2748, %get3A_2749, %get3A_2750] {strides = array<i32>} : memref<2x26x32x16xf32, #tpu.memory_space<vmem>>, vector<16xf32>,
        %add3A_2752 = arith.addf %add3A_2743, %get3A_2751 : vector<16xf32>
        %mul3A_2753 = arith.mulf %get3A_2751, %get3A_2751 : vector<16xf32>
        %add3A_2754 = arith.addf %add3A_2745, %mul3A_2753 : vector<16xf32>
        %get3A_2755 = arith.constant 19 : i32
        %get3A_2756 = arith.index_cast %select_n3A_84 : i32 to index
        %get3A_2757 = arith.index_cast %get3A_2755 : i32 to index
        %get3A_2758 = arith.index_cast %add3A_2585 : i32 to index
        %get3A_2759 = arith.constant 0 : index
        %get3A_2760 = tpu.vector_load %arg10[%get3A_2756, %get3A_2757, %get3A_2758, %get3A_2759] {strides = array<i32>} : memref<2x26x32x16xf32, #tpu.memory_space<vmem>>, vector<16xf32>,
        %add3A_2761 = arith.addf %add3A_2752, %get3A_2760 : vector<16xf32>
        %mul3A_2762 = arith.mulf %get3A_2760, %get3A_2760 : vector<16xf32>
        %add3A_2763 = arith.addf %add3A_2754, %mul3A_2762 : vector<16xf32>
        %get3A_2764 = arith.constant 20 : i32
        %get3A_2765 = arith.index_cast %select_n3A_84 : i32 to index
        %get3A_2766 = arith.index_cast %get3A_2764 : i32 to index
        %get3A_2767 = arith.index_cast %add3A_2585 : i32 to index
        %get3A_2768 = arith.constant 0 : index
        %get3A_2769 = tpu.vector_load %arg10[%get3A_2765, %get3A_2766, %get3A_2767, %get3A_2768] {strides = array<i32>} : memref<2x26x32x16xf32, #tpu.memory_space<vmem>>, vector<16xf32>,
        %add3A_2770 = arith.addf %add3A_2761, %get3A_2769 : vector<16xf32>
        %mul3A_2771 = arith.mulf %get3A_2769, %get3A_2769 : vector<16xf32>
        %add3A_2772 = arith.addf %add3A_2763, %mul3A_2771 : vector<16xf32>
        %get3A_2773 = arith.constant 21 : i32
        %get3A_2774 = arith.index_cast %select_n3A_84 : i32 to index
        %get3A_2775 = arith.index_cast %get3A_2773 : i32 to index
        %get3A_2776 = arith.index_cast %add3A_2585 : i32 to index
        %get3A_2777 = arith.constant 0 : index
        %get3A_2778 = tpu.vector_load %arg10[%get3A_2774, %get3A_2775, %get3A_2776, %get3A_2777] {strides = array<i32>} : memref<2x26x32x16xf32, #tpu.memory_space<vmem>>, vector<16xf32>,
        %add3A_2779 = arith.addf %add3A_2770, %get3A_2778 : vector<16xf32>
        %mul3A_2780 = arith.mulf %get3A_2778, %get3A_2778 : vector<16xf32>
        %add3A_2781 = arith.addf %add3A_2772, %mul3A_2780 : vector<16xf32>
        %get3A_2782 = arith.constant 22 : i32
        %get3A_2783 = arith.index_cast %select_n3A_84 : i32 to index
        %get3A_2784 = arith.index_cast %get3A_2782 : i32 to index
        %get3A_2785 = arith.index_cast %add3A_2585 : i32 to index
        %get3A_2786 = arith.constant 0 : index
        %get3A_2787 = tpu.vector_load %arg10[%get3A_2783, %get3A_2784, %get3A_2785, %get3A_2786] {strides = array<i32>} : memref<2x26x32x16xf32, #tpu.memory_space<vmem>>, vector<16xf32>,
        %add3A_2788 = arith.addf %add3A_2779, %get3A_2787 : vector<16xf32>
        %mul3A_2789 = arith.mulf %get3A_2787, %get3A_2787 : vector<16xf32>
        %add3A_2790 = arith.addf %add3A_2781, %mul3A_2789 : vector<16xf32>
        %get3A_2791 = arith.constant 23 : i32
        %get3A_2792 = arith.index_cast %select_n3A_84 : i32 to index
        %get3A_2793 = arith.index_cast %get3A_2791 : i32 to index
        %get3A_2794 = arith.index_cast %add3A_2585 : i32 to index
        %get3A_2795 = arith.constant 0 : index
        %get3A_2796 = tpu.vector_load %arg10[%get3A_2792, %get3A_2793, %get3A_2794, %get3A_2795] {strides = array<i32>} : memref<2x26x32x16xf32, #tpu.memory_space<vmem>>, vector<16xf32>,
        %add3A_2797 = arith.addf %add3A_2788, %get3A_2796 : vector<16xf32>
        %mul3A_2798 = arith.mulf %get3A_2796, %get3A_2796 : vector<16xf32>
        %add3A_2799 = arith.addf %add3A_2790, %mul3A_2798 : vector<16xf32>
        %get3A_2800 = arith.constant 24 : i32
        %get3A_2801 = arith.index_cast %select_n3A_84 : i32 to index
        %get3A_2802 = arith.index_cast %get3A_2800 : i32 to index
        %get3A_2803 = arith.index_cast %add3A_2585 : i32 to index
        %get3A_2804 = arith.constant 0 : index
        %get3A_2805 = tpu.vector_load %arg10[%get3A_2801, %get3A_2802, %get3A_2803, %get3A_2804] {strides = array<i32>} : memref<2x26x32x16xf32, #tpu.memory_space<vmem>>, vector<16xf32>,
        %add3A_2806 = arith.addf %add3A_2797, %get3A_2805 : vector<16xf32>
        %mul3A_2807 = arith.mulf %get3A_2805, %get3A_2805 : vector<16xf32>
        %add3A_2808 = arith.addf %add3A_2799, %mul3A_2807 : vector<16xf32>
        %get3A_2809 = arith.constant 25 : i32
        %get3A_2810 = arith.index_cast %select_n3A_84 : i32 to index
        %get3A_2811 = arith.index_cast %get3A_2809 : i32 to index
        %get3A_2812 = arith.index_cast %add3A_2585 : i32 to index
        %get3A_2813 = arith.constant 0 : index
        %get3A_2814 = tpu.vector_load %arg10[%get3A_2810, %get3A_2811, %get3A_2812, %get3A_2813] {strides = array<i32>} : memref<2x26x32x16xf32, #tpu.memory_space<vmem>>, vector<16xf32>,
        %add3A_2815 = arith.addf %add3A_2806, %get3A_2814 : vector<16xf32>
        %mul3A_2816 = arith.mulf %get3A_2814, %get3A_2814 : vector<16xf32>
        %add3A_2817 = arith.addf %add3A_2808, %mul3A_2816 : vector<16xf32>
        %mul3A_2818 = arith.mulf %add3A_2815, %add3A_2815 : vector<16xf32>
        %sub3A_2819 = arith.subf %mul3A_2818, %add3A_2817 : vector<16xf32>
        %reduce_sum3A_2820 = arith.constant true
        %reduce_sum3A_2821 = vector.broadcast %reduce_sum3A_2820 : i1 to vector<16xi1>
        %reduce_sum3A_2822 = tpu.scan <sum>, %sub3A_2819 masked %reduce_sum3A_2821 : vector<16xf32>, vector<16xi1> -> vector<16xf32>
        %reduce_sum3A_2823 = vector.extract %reduce_sum3A_2822[15] : f32 from vector<16xf32>
        %mul3A_2824 = arith.constant 5.000000e-01 : f32
        %mul3A_2825 = arith.mulf %mul3A_2824, %reduce_sum3A_2823 : f32
        %eq3A_2826 = arith.constant 10 : i32
        %eq3A_2827 = vector.broadcast %eq3A_2826 : i32 to vector<16xi32>
        %eq3A_2828 = arith.cmpi eq, %iota3A, %eq3A_2827 : vector<16xi32>
        %broadcast_in_dim3A_2829 = vector.broadcast %mul3A_2825 : f32 to vector<16xf32>
        %select_n3A_2830 = arith.select %eq3A_2828, %broadcast_in_dim3A_2829, %select_n3A_2581 : vector<16xi1>, vector<16xf32>
        %mul3A_2831 = arith.constant 16 : i32
        %mul3A_2832 = arith.muli %scan3A_91, %mul3A_2831 : i32
        %add3A_2833 = arith.constant 11 : i32
        %add3A_2834 = arith.addi %mul3A_2832, %add3A_2833 : i32
        %get3A_2835 = arith.constant 0 : i32
        %get3A_2836 = arith.index_cast %select_n3A_84 : i32 to index
        %get3A_2837 = arith.index_cast %get3A_2835 : i32 to index
        %get3A_2838 = arith.index_cast %add3A_2834 : i32 to index
        %get3A_2839 = arith.constant 0 : index
        %get3A_2840 = tpu.vector_load %arg10[%get3A_2836, %get3A_2837, %get3A_2838, %get3A_2839] {strides = array<i32>} : memref<2x26x32x16xf32, #tpu.memory_space<vmem>>, vector<16xf32>,
        %mul3A_2841 = arith.mulf %get3A_2840, %get3A_2840 : vector<16xf32>
        %get3A_2842 = arith.constant 1 : i32
        %get3A_2843 = arith.index_cast %select_n3A_84 : i32 to index
        %get3A_2844 = arith.index_cast %get3A_2842 : i32 to index
        %get3A_2845 = arith.index_cast %add3A_2834 : i32 to index
        %get3A_2846 = arith.constant 0 : index
        %get3A_2847 = tpu.vector_load %arg10[%get3A_2843, %get3A_2844, %get3A_2845, %get3A_2846] {strides = array<i32>} : memref<2x26x32x16xf32, #tpu.memory_space<vmem>>, vector<16xf32>,
        %add3A_2848 = arith.addf %get3A_2840, %get3A_2847 : vector<16xf32>
        %mul3A_2849 = arith.mulf %get3A_2847, %get3A_2847 : vector<16xf32>
        %add3A_2850 = arith.addf %mul3A_2841, %mul3A_2849 : vector<16xf32>
        %get3A_2851 = arith.constant 2 : i32
        %get3A_2852 = arith.index_cast %select_n3A_84 : i32 to index
        %get3A_2853 = arith.index_cast %get3A_2851 : i32 to index
        %get3A_2854 = arith.index_cast %add3A_2834 : i32 to index
        %get3A_2855 = arith.constant 0 : index
        %get3A_2856 = tpu.vector_load %arg10[%get3A_2852, %get3A_2853, %get3A_2854, %get3A_2855] {strides = array<i32>} : memref<2x26x32x16xf32, #tpu.memory_space<vmem>>, vector<16xf32>,
        %add3A_2857 = arith.addf %add3A_2848, %get3A_2856 : vector<16xf32>
        %mul3A_2858 = arith.mulf %get3A_2856, %get3A_2856 : vector<16xf32>
        %add3A_2859 = arith.addf %add3A_2850, %mul3A_2858 : vector<16xf32>
        %get3A_2860 = arith.constant 3 : i32
        %get3A_2861 = arith.index_cast %select_n3A_84 : i32 to index
        %get3A_2862 = arith.index_cast %get3A_2860 : i32 to index
        %get3A_2863 = arith.index_cast %add3A_2834 : i32 to index
        %get3A_2864 = arith.constant 0 : index
        %get3A_2865 = tpu.vector_load %arg10[%get3A_2861, %get3A_2862, %get3A_2863, %get3A_2864] {strides = array<i32>} : memref<2x26x32x16xf32, #tpu.memory_space<vmem>>, vector<16xf32>,
        %add3A_2866 = arith.addf %add3A_2857, %get3A_2865 : vector<16xf32>
        %mul3A_2867 = arith.mulf %get3A_2865, %get3A_2865 : vector<16xf32>
        %add3A_2868 = arith.addf %add3A_2859, %mul3A_2867 : vector<16xf32>
        %get3A_2869 = arith.constant 4 : i32
        %get3A_2870 = arith.index_cast %select_n3A_84 : i32 to index
        %get3A_2871 = arith.index_cast %get3A_2869 : i32 to index
        %get3A_2872 = arith.index_cast %add3A_2834 : i32 to index
        %get3A_2873 = arith.constant 0 : index
        %get3A_2874 = tpu.vector_load %arg10[%get3A_2870, %get3A_2871, %get3A_2872, %get3A_2873] {strides = array<i32>} : memref<2x26x32x16xf32, #tpu.memory_space<vmem>>, vector<16xf32>,
        %add3A_2875 = arith.addf %add3A_2866, %get3A_2874 : vector<16xf32>
        %mul3A_2876 = arith.mulf %get3A_2874, %get3A_2874 : vector<16xf32>
        %add3A_2877 = arith.addf %add3A_2868, %mul3A_2876 : vector<16xf32>
        %get3A_2878 = arith.constant 5 : i32
        %get3A_2879 = arith.index_cast %select_n3A_84 : i32 to index
        %get3A_2880 = arith.index_cast %get3A_2878 : i32 to index
        %get3A_2881 = arith.index_cast %add3A_2834 : i32 to index
        %get3A_2882 = arith.constant 0 : index
        %get3A_2883 = tpu.vector_load %arg10[%get3A_2879, %get3A_2880, %get3A_2881, %get3A_2882] {strides = array<i32>} : memref<2x26x32x16xf32, #tpu.memory_space<vmem>>, vector<16xf32>,
        %add3A_2884 = arith.addf %add3A_2875, %get3A_2883 : vector<16xf32>
        %mul3A_2885 = arith.mulf %get3A_2883, %get3A_2883 : vector<16xf32>
        %add3A_2886 = arith.addf %add3A_2877, %mul3A_2885 : vector<16xf32>
        %get3A_2887 = arith.constant 6 : i32
        %get3A_2888 = arith.index_cast %select_n3A_84 : i32 to index
        %get3A_2889 = arith.index_cast %get3A_2887 : i32 to index
        %get3A_2890 = arith.index_cast %add3A_2834 : i32 to index
        %get3A_2891 = arith.constant 0 : index
        %get3A_2892 = tpu.vector_load %arg10[%get3A_2888, %get3A_2889, %get3A_2890, %get3A_2891] {strides = array<i32>} : memref<2x26x32x16xf32, #tpu.memory_space<vmem>>, vector<16xf32>,
        %add3A_2893 = arith.addf %add3A_2884, %get3A_2892 : vector<16xf32>
        %mul3A_2894 = arith.mulf %get3A_2892, %get3A_2892 : vector<16xf32>
        %add3A_2895 = arith.addf %add3A_2886, %mul3A_2894 : vector<16xf32>
        %get3A_2896 = arith.constant 7 : i32
        %get3A_2897 = arith.index_cast %select_n3A_84 : i32 to index
        %get3A_2898 = arith.index_cast %get3A_2896 : i32 to index
        %get3A_2899 = arith.index_cast %add3A_2834 : i32 to index
        %get3A_2900 = arith.constant 0 : index
        %get3A_2901 = tpu.vector_load %arg10[%get3A_2897, %get3A_2898, %get3A_2899, %get3A_2900] {strides = array<i32>} : memref<2x26x32x16xf32, #tpu.memory_space<vmem>>, vector<16xf32>,
        %add3A_2902 = arith.addf %add3A_2893, %get3A_2901 : vector<16xf32>
        %mul3A_2903 = arith.mulf %get3A_2901, %get3A_2901 : vector<16xf32>
        %add3A_2904 = arith.addf %add3A_2895, %mul3A_2903 : vector<16xf32>
        %get3A_2905 = arith.constant 8 : i32
        %get3A_2906 = arith.index_cast %select_n3A_84 : i32 to index
        %get3A_2907 = arith.index_cast %get3A_2905 : i32 to index
        %get3A_2908 = arith.index_cast %add3A_2834 : i32 to index
        %get3A_2909 = arith.constant 0 : index
        %get3A_2910 = tpu.vector_load %arg10[%get3A_2906, %get3A_2907, %get3A_2908, %get3A_2909] {strides = array<i32>} : memref<2x26x32x16xf32, #tpu.memory_space<vmem>>, vector<16xf32>,
        %add3A_2911 = arith.addf %add3A_2902, %get3A_2910 : vector<16xf32>
        %mul3A_2912 = arith.mulf %get3A_2910, %get3A_2910 : vector<16xf32>
        %add3A_2913 = arith.addf %add3A_2904, %mul3A_2912 : vector<16xf32>
        %get3A_2914 = arith.constant 9 : i32
        %get3A_2915 = arith.index_cast %select_n3A_84 : i32 to index
        %get3A_2916 = arith.index_cast %get3A_2914 : i32 to index
        %get3A_2917 = arith.index_cast %add3A_2834 : i32 to index
        %get3A_2918 = arith.constant 0 : index
        %get3A_2919 = tpu.vector_load %arg10[%get3A_2915, %get3A_2916, %get3A_2917, %get3A_2918] {strides = array<i32>} : memref<2x26x32x16xf32, #tpu.memory_space<vmem>>, vector<16xf32>,
        %add3A_2920 = arith.addf %add3A_2911, %get3A_2919 : vector<16xf32>
        %mul3A_2921 = arith.mulf %get3A_2919, %get3A_2919 : vector<16xf32>
        %add3A_2922 = arith.addf %add3A_2913, %mul3A_2921 : vector<16xf32>
        %get3A_2923 = arith.constant 10 : i32
        %get3A_2924 = arith.index_cast %select_n3A_84 : i32 to index
        %get3A_2925 = arith.index_cast %get3A_2923 : i32 to index
        %get3A_2926 = arith.index_cast %add3A_2834 : i32 to index
        %get3A_2927 = arith.constant 0 : index
        %get3A_2928 = tpu.vector_load %arg10[%get3A_2924, %get3A_2925, %get3A_2926, %get3A_2927] {strides = array<i32>} : memref<2x26x32x16xf32, #tpu.memory_space<vmem>>, vector<16xf32>,
        %add3A_2929 = arith.addf %add3A_2920, %get3A_2928 : vector<16xf32>
        %mul3A_2930 = arith.mulf %get3A_2928, %get3A_2928 : vector<16xf32>
        %add3A_2931 = arith.addf %add3A_2922, %mul3A_2930 : vector<16xf32>
        %get3A_2932 = arith.constant 11 : i32
        %get3A_2933 = arith.index_cast %select_n3A_84 : i32 to index
        %get3A_2934 = arith.index_cast %get3A_2932 : i32 to index
        %get3A_2935 = arith.index_cast %add3A_2834 : i32 to index
        %get3A_2936 = arith.constant 0 : index
        %get3A_2937 = tpu.vector_load %arg10[%get3A_2933, %get3A_2934, %get3A_2935, %get3A_2936] {strides = array<i32>} : memref<2x26x32x16xf32, #tpu.memory_space<vmem>>, vector<16xf32>,
        %add3A_2938 = arith.addf %add3A_2929, %get3A_2937 : vector<16xf32>
        %mul3A_2939 = arith.mulf %get3A_2937, %get3A_2937 : vector<16xf32>
        %add3A_2940 = arith.addf %add3A_2931, %mul3A_2939 : vector<16xf32>
        %get3A_2941 = arith.constant 12 : i32
        %get3A_2942 = arith.index_cast %select_n3A_84 : i32 to index
        %get3A_2943 = arith.index_cast %get3A_2941 : i32 to index
        %get3A_2944 = arith.index_cast %add3A_2834 : i32 to index
        %get3A_2945 = arith.constant 0 : index
        %get3A_2946 = tpu.vector_load %arg10[%get3A_2942, %get3A_2943, %get3A_2944, %get3A_2945] {strides = array<i32>} : memref<2x26x32x16xf32, #tpu.memory_space<vmem>>, vector<16xf32>,
        %add3A_2947 = arith.addf %add3A_2938, %get3A_2946 : vector<16xf32>
        %mul3A_2948 = arith.mulf %get3A_2946, %get3A_2946 : vector<16xf32>
        %add3A_2949 = arith.addf %add3A_2940, %mul3A_2948 : vector<16xf32>
        %get3A_2950 = arith.constant 13 : i32
        %get3A_2951 = arith.index_cast %select_n3A_84 : i32 to index
        %get3A_2952 = arith.index_cast %get3A_2950 : i32 to index
        %get3A_2953 = arith.index_cast %add3A_2834 : i32 to index
        %get3A_2954 = arith.constant 0 : index
        %get3A_2955 = tpu.vector_load %arg10[%get3A_2951, %get3A_2952, %get3A_2953, %get3A_2954] {strides = array<i32>} : memref<2x26x32x16xf32, #tpu.memory_space<vmem>>, vector<16xf32>,
        %add3A_2956 = arith.addf %add3A_2947, %get3A_2955 : vector<16xf32>
        %mul3A_2957 = arith.mulf %get3A_2955, %get3A_2955 : vector<16xf32>
        %add3A_2958 = arith.addf %add3A_2949, %mul3A_2957 : vector<16xf32>
        %get3A_2959 = arith.constant 14 : i32
        %get3A_2960 = arith.index_cast %select_n3A_84 : i32 to index
        %get3A_2961 = arith.index_cast %get3A_2959 : i32 to index
        %get3A_2962 = arith.index_cast %add3A_2834 : i32 to index
        %get3A_2963 = arith.constant 0 : index
        %get3A_2964 = tpu.vector_load %arg10[%get3A_2960, %get3A_2961, %get3A_2962, %get3A_2963] {strides = array<i32>} : memref<2x26x32x16xf32, #tpu.memory_space<vmem>>, vector<16xf32>,
        %add3A_2965 = arith.addf %add3A_2956, %get3A_2964 : vector<16xf32>
        %mul3A_2966 = arith.mulf %get3A_2964, %get3A_2964 : vector<16xf32>
        %add3A_2967 = arith.addf %add3A_2958, %mul3A_2966 : vector<16xf32>
        %get3A_2968 = arith.constant 15 : i32
        %get3A_2969 = arith.index_cast %select_n3A_84 : i32 to index
        %get3A_2970 = arith.index_cast %get3A_2968 : i32 to index
        %get3A_2971 = arith.index_cast %add3A_2834 : i32 to index
        %get3A_2972 = arith.constant 0 : index
        %get3A_2973 = tpu.vector_load %arg10[%get3A_2969, %get3A_2970, %get3A_2971, %get3A_2972] {strides = array<i32>} : memref<2x26x32x16xf32, #tpu.memory_space<vmem>>, vector<16xf32>,
        %add3A_2974 = arith.addf %add3A_2965, %get3A_2973 : vector<16xf32>
        %mul3A_2975 = arith.mulf %get3A_2973, %get3A_2973 : vector<16xf32>
        %add3A_2976 = arith.addf %add3A_2967, %mul3A_2975 : vector<16xf32>
        %get3A_2977 = arith.constant 16 : i32
        %get3A_2978 = arith.index_cast %select_n3A_84 : i32 to index
        %get3A_2979 = arith.index_cast %get3A_2977 : i32 to index
        %get3A_2980 = arith.index_cast %add3A_2834 : i32 to index
        %get3A_2981 = arith.constant 0 : index
        %get3A_2982 = tpu.vector_load %arg10[%get3A_2978, %get3A_2979, %get3A_2980, %get3A_2981] {strides = array<i32>} : memref<2x26x32x16xf32, #tpu.memory_space<vmem>>, vector<16xf32>,
        %add3A_2983 = arith.addf %add3A_2974, %get3A_2982 : vector<16xf32>
        %mul3A_2984 = arith.mulf %get3A_2982, %get3A_2982 : vector<16xf32>
        %add3A_2985 = arith.addf %add3A_2976, %mul3A_2984 : vector<16xf32>
        %get3A_2986 = arith.constant 17 : i32
        %get3A_2987 = arith.index_cast %select_n3A_84 : i32 to index
        %get3A_2988 = arith.index_cast %get3A_2986 : i32 to index
        %get3A_2989 = arith.index_cast %add3A_2834 : i32 to index
        %get3A_2990 = arith.constant 0 : index
        %get3A_2991 = tpu.vector_load %arg10[%get3A_2987, %get3A_2988, %get3A_2989, %get3A_2990] {strides = array<i32>} : memref<2x26x32x16xf32, #tpu.memory_space<vmem>>, vector<16xf32>,
        %add3A_2992 = arith.addf %add3A_2983, %get3A_2991 : vector<16xf32>
        %mul3A_2993 = arith.mulf %get3A_2991, %get3A_2991 : vector<16xf32>
        %add3A_2994 = arith.addf %add3A_2985, %mul3A_2993 : vector<16xf32>
        %get3A_2995 = arith.constant 18 : i32
        %get3A_2996 = arith.index_cast %select_n3A_84 : i32 to index
        %get3A_2997 = arith.index_cast %get3A_2995 : i32 to index
        %get3A_2998 = arith.index_cast %add3A_2834 : i32 to index
        %get3A_2999 = arith.constant 0 : index
        %get3A_3000 = tpu.vector_load %arg10[%get3A_2996, %get3A_2997, %get3A_2998, %get3A_2999] {strides = array<i32>} : memref<2x26x32x16xf32, #tpu.memory_space<vmem>>, vector<16xf32>,
        %add3A_3001 = arith.addf %add3A_2992, %get3A_3000 : vector<16xf32>
        %mul3A_3002 = arith.mulf %get3A_3000, %get3A_3000 : vector<16xf32>
        %add3A_3003 = arith.addf %add3A_2994, %mul3A_3002 : vector<16xf32>
        %get3A_3004 = arith.constant 19 : i32
        %get3A_3005 = arith.index_cast %select_n3A_84 : i32 to index
        %get3A_3006 = arith.index_cast %get3A_3004 : i32 to index
        %get3A_3007 = arith.index_cast %add3A_2834 : i32 to index
        %get3A_3008 = arith.constant 0 : index
        %get3A_3009 = tpu.vector_load %arg10[%get3A_3005, %get3A_3006, %get3A_3007, %get3A_3008] {strides = array<i32>} : memref<2x26x32x16xf32, #tpu.memory_space<vmem>>, vector<16xf32>,
        %add3A_3010 = arith.addf %add3A_3001, %get3A_3009 : vector<16xf32>
        %mul3A_3011 = arith.mulf %get3A_3009, %get3A_3009 : vector<16xf32>
        %add3A_3012 = arith.addf %add3A_3003, %mul3A_3011 : vector<16xf32>
        %get3A_3013 = arith.constant 20 : i32
        %get3A_3014 = arith.index_cast %select_n3A_84 : i32 to index
        %get3A_3015 = arith.index_cast %get3A_3013 : i32 to index
        %get3A_3016 = arith.index_cast %add3A_2834 : i32 to index
        %get3A_3017 = arith.constant 0 : index
        %get3A_3018 = tpu.vector_load %arg10[%get3A_3014, %get3A_3015, %get3A_3016, %get3A_3017] {strides = array<i32>} : memref<2x26x32x16xf32, #tpu.memory_space<vmem>>, vector<16xf32>,
        %add3A_3019 = arith.addf %add3A_3010, %get3A_3018 : vector<16xf32>
        %mul3A_3020 = arith.mulf %get3A_3018, %get3A_3018 : vector<16xf32>
        %add3A_3021 = arith.addf %add3A_3012, %mul3A_3020 : vector<16xf32>
        %get3A_3022 = arith.constant 21 : i32
        %get3A_3023 = arith.index_cast %select_n3A_84 : i32 to index
        %get3A_3024 = arith.index_cast %get3A_3022 : i32 to index
        %get3A_3025 = arith.index_cast %add3A_2834 : i32 to index
        %get3A_3026 = arith.constant 0 : index
        %get3A_3027 = tpu.vector_load %arg10[%get3A_3023, %get3A_3024, %get3A_3025, %get3A_3026] {strides = array<i32>} : memref<2x26x32x16xf32, #tpu.memory_space<vmem>>, vector<16xf32>,
        %add3A_3028 = arith.addf %add3A_3019, %get3A_3027 : vector<16xf32>
        %mul3A_3029 = arith.mulf %get3A_3027, %get3A_3027 : vector<16xf32>
        %add3A_3030 = arith.addf %add3A_3021, %mul3A_3029 : vector<16xf32>
        %get3A_3031 = arith.constant 22 : i32
        %get3A_3032 = arith.index_cast %select_n3A_84 : i32 to index
        %get3A_3033 = arith.index_cast %get3A_3031 : i32 to index
        %get3A_3034 = arith.index_cast %add3A_2834 : i32 to index
        %get3A_3035 = arith.constant 0 : index
        %get3A_3036 = tpu.vector_load %arg10[%get3A_3032, %get3A_3033, %get3A_3034, %get3A_3035] {strides = array<i32>} : memref<2x26x32x16xf32, #tpu.memory_space<vmem>>, vector<16xf32>,
        %add3A_3037 = arith.addf %add3A_3028, %get3A_3036 : vector<16xf32>
        %mul3A_3038 = arith.mulf %get3A_3036, %get3A_3036 : vector<16xf32>
        %add3A_3039 = arith.addf %add3A_3030, %mul3A_3038 : vector<16xf32>
        %get3A_3040 = arith.constant 23 : i32
        %get3A_3041 = arith.index_cast %select_n3A_84 : i32 to index
        %get3A_3042 = arith.index_cast %get3A_3040 : i32 to index
        %get3A_3043 = arith.index_cast %add3A_2834 : i32 to index
        %get3A_3044 = arith.constant 0 : index
        %get3A_3045 = tpu.vector_load %arg10[%get3A_3041, %get3A_3042, %get3A_3043, %get3A_3044] {strides = array<i32>} : memref<2x26x32x16xf32, #tpu.memory_space<vmem>>, vector<16xf32>,
        %add3A_3046 = arith.addf %add3A_3037, %get3A_3045 : vector<16xf32>
        %mul3A_3047 = arith.mulf %get3A_3045, %get3A_3045 : vector<16xf32>
        %add3A_3048 = arith.addf %add3A_3039, %mul3A_3047 : vector<16xf32>
        %get3A_3049 = arith.constant 24 : i32
        %get3A_3050 = arith.index_cast %select_n3A_84 : i32 to index
        %get3A_3051 = arith.index_cast %get3A_3049 : i32 to index
        %get3A_3052 = arith.index_cast %add3A_2834 : i32 to index
        %get3A_3053 = arith.constant 0 : index
        %get3A_3054 = tpu.vector_load %arg10[%get3A_3050, %get3A_3051, %get3A_3052, %get3A_3053] {strides = array<i32>} : memref<2x26x32x16xf32, #tpu.memory_space<vmem>>, vector<16xf32>,
        %add3A_3055 = arith.addf %add3A_3046, %get3A_3054 : vector<16xf32>
        %mul3A_3056 = arith.mulf %get3A_3054, %get3A_3054 : vector<16xf32>
        %add3A_3057 = arith.addf %add3A_3048, %mul3A_3056 : vector<16xf32>
        %get3A_3058 = arith.constant 25 : i32
        %get3A_3059 = arith.index_cast %select_n3A_84 : i32 to index
        %get3A_3060 = arith.index_cast %get3A_3058 : i32 to index
        %get3A_3061 = arith.index_cast %add3A_2834 : i32 to index
        %get3A_3062 = arith.constant 0 : index
        %get3A_3063 = tpu.vector_load %arg10[%get3A_3059, %get3A_3060, %get3A_3061, %get3A_3062] {strides = array<i32>} : memref<2x26x32x16xf32, #tpu.memory_space<vmem>>, vector<16xf32>,
        %add3A_3064 = arith.addf %add3A_3055, %get3A_3063 : vector<16xf32>
        %mul3A_3065 = arith.mulf %get3A_3063, %get3A_3063 : vector<16xf32>
        %add3A_3066 = arith.addf %add3A_3057, %mul3A_3065 : vector<16xf32>
        %mul3A_3067 = arith.mulf %add3A_3064, %add3A_3064 : vector<16xf32>
        %sub3A_3068 = arith.subf %mul3A_3067, %add3A_3066 : vector<16xf32>
        %reduce_sum3A_3069 = arith.constant true
        %reduce_sum3A_3070 = vector.broadcast %reduce_sum3A_3069 : i1 to vector<16xi1>
        %reduce_sum3A_3071 = tpu.scan <sum>, %sub3A_3068 masked %reduce_sum3A_3070 : vector<16xf32>, vector<16xi1> -> vector<16xf32>
        %reduce_sum3A_3072 = vector.extract %reduce_sum3A_3071[15] : f32 from vector<16xf32>
        %mul3A_3073 = arith.constant 5.000000e-01 : f32
        %mul3A_3074 = arith.mulf %mul3A_3073, %reduce_sum3A_3072 : f32
        %eq3A_3075 = arith.constant 11 : i32
        %eq3A_3076 = vector.broadcast %eq3A_3075 : i32 to vector<16xi32>
        %eq3A_3077 = arith.cmpi eq, %iota3A, %eq3A_3076 : vector<16xi32>
        %broadcast_in_dim3A_3078 = vector.broadcast %mul3A_3074 : f32 to vector<16xf32>
        %select_n3A_3079 = arith.select %eq3A_3077, %broadcast_in_dim3A_3078, %select_n3A_2830 : vector<16xi1>, vector<16xf32>
        %mul3A_3080 = arith.constant 16 : i32
        %mul3A_3081 = arith.muli %scan3A_91, %mul3A_3080 : i32
        %add3A_3082 = arith.constant 12 : i32
        %add3A_3083 = arith.addi %mul3A_3081, %add3A_3082 : i32
        %get3A_3084 = arith.constant 0 : i32
        %get3A_3085 = arith.index_cast %select_n3A_84 : i32 to index
        %get3A_3086 = arith.index_cast %get3A_3084 : i32 to index
        %get3A_3087 = arith.index_cast %add3A_3083 : i32 to index
        %get3A_3088 = arith.constant 0 : index
        %get3A_3089 = tpu.vector_load %arg10[%get3A_3085, %get3A_3086, %get3A_3087, %get3A_3088] {strides = array<i32>} : memref<2x26x32x16xf32, #tpu.memory_space<vmem>>, vector<16xf32>,
        %mul3A_3090 = arith.mulf %get3A_3089, %get3A_3089 : vector<16xf32>
        %get3A_3091 = arith.constant 1 : i32
        %get3A_3092 = arith.index_cast %select_n3A_84 : i32 to index
        %get3A_3093 = arith.index_cast %get3A_3091 : i32 to index
        %get3A_3094 = arith.index_cast %add3A_3083 : i32 to index
        %get3A_3095 = arith.constant 0 : index
        %get3A_3096 = tpu.vector_load %arg10[%get3A_3092, %get3A_3093, %get3A_3094, %get3A_3095] {strides = array<i32>} : memref<2x26x32x16xf32, #tpu.memory_space<vmem>>, vector<16xf32>,
        %add3A_3097 = arith.addf %get3A_3089, %get3A_3096 : vector<16xf32>
        %mul3A_3098 = arith.mulf %get3A_3096, %get3A_3096 : vector<16xf32>
        %add3A_3099 = arith.addf %mul3A_3090, %mul3A_3098 : vector<16xf32>
        %get3A_3100 = arith.constant 2 : i32
        %get3A_3101 = arith.index_cast %select_n3A_84 : i32 to index
        %get3A_3102 = arith.index_cast %get3A_3100 : i32 to index
        %get3A_3103 = arith.index_cast %add3A_3083 : i32 to index
        %get3A_3104 = arith.constant 0 : index
        %get3A_3105 = tpu.vector_load %arg10[%get3A_3101, %get3A_3102, %get3A_3103, %get3A_3104] {strides = array<i32>} : memref<2x26x32x16xf32, #tpu.memory_space<vmem>>, vector<16xf32>,
        %add3A_3106 = arith.addf %add3A_3097, %get3A_3105 : vector<16xf32>
        %mul3A_3107 = arith.mulf %get3A_3105, %get3A_3105 : vector<16xf32>
        %add3A_3108 = arith.addf %add3A_3099, %mul3A_3107 : vector<16xf32>
        %get3A_3109 = arith.constant 3 : i32
        %get3A_3110 = arith.index_cast %select_n3A_84 : i32 to index
        %get3A_3111 = arith.index_cast %get3A_3109 : i32 to index
        %get3A_3112 = arith.index_cast %add3A_3083 : i32 to index
        %get3A_3113 = arith.constant 0 : index
        %get3A_3114 = tpu.vector_load %arg10[%get3A_3110, %get3A_3111, %get3A_3112, %get3A_3113] {strides = array<i32>} : memref<2x26x32x16xf32, #tpu.memory_space<vmem>>, vector<16xf32>,
        %add3A_3115 = arith.addf %add3A_3106, %get3A_3114 : vector<16xf32>
        %mul3A_3116 = arith.mulf %get3A_3114, %get3A_3114 : vector<16xf32>
        %add3A_3117 = arith.addf %add3A_3108, %mul3A_3116 : vector<16xf32>
        %get3A_3118 = arith.constant 4 : i32
        %get3A_3119 = arith.index_cast %select_n3A_84 : i32 to index
        %get3A_3120 = arith.index_cast %get3A_3118 : i32 to index
        %get3A_3121 = arith.index_cast %add3A_3083 : i32 to index
        %get3A_3122 = arith.constant 0 : index
        %get3A_3123 = tpu.vector_load %arg10[%get3A_3119, %get3A_3120, %get3A_3121, %get3A_3122] {strides = array<i32>} : memref<2x26x32x16xf32, #tpu.memory_space<vmem>>, vector<16xf32>,
        %add3A_3124 = arith.addf %add3A_3115, %get3A_3123 : vector<16xf32>
        %mul3A_3125 = arith.mulf %get3A_3123, %get3A_3123 : vector<16xf32>
        %add3A_3126 = arith.addf %add3A_3117, %mul3A_3125 : vector<16xf32>
        %get3A_3127 = arith.constant 5 : i32
        %get3A_3128 = arith.index_cast %select_n3A_84 : i32 to index
        %get3A_3129 = arith.index_cast %get3A_3127 : i32 to index
        %get3A_3130 = arith.index_cast %add3A_3083 : i32 to index
        %get3A_3131 = arith.constant 0 : index
        %get3A_3132 = tpu.vector_load %arg10[%get3A_3128, %get3A_3129, %get3A_3130, %get3A_3131] {strides = array<i32>} : memref<2x26x32x16xf32, #tpu.memory_space<vmem>>, vector<16xf32>,
        %add3A_3133 = arith.addf %add3A_3124, %get3A_3132 : vector<16xf32>
        %mul3A_3134 = arith.mulf %get3A_3132, %get3A_3132 : vector<16xf32>
        %add3A_3135 = arith.addf %add3A_3126, %mul3A_3134 : vector<16xf32>
        %get3A_3136 = arith.constant 6 : i32
        %get3A_3137 = arith.index_cast %select_n3A_84 : i32 to index
        %get3A_3138 = arith.index_cast %get3A_3136 : i32 to index
        %get3A_3139 = arith.index_cast %add3A_3083 : i32 to index
        %get3A_3140 = arith.constant 0 : index
        %get3A_3141 = tpu.vector_load %arg10[%get3A_3137, %get3A_3138, %get3A_3139, %get3A_3140] {strides = array<i32>} : memref<2x26x32x16xf32, #tpu.memory_space<vmem>>, vector<16xf32>,
        %add3A_3142 = arith.addf %add3A_3133, %get3A_3141 : vector<16xf32>
        %mul3A_3143 = arith.mulf %get3A_3141, %get3A_3141 : vector<16xf32>
        %add3A_3144 = arith.addf %add3A_3135, %mul3A_3143 : vector<16xf32>
        %get3A_3145 = arith.constant 7 : i32
        %get3A_3146 = arith.index_cast %select_n3A_84 : i32 to index
        %get3A_3147 = arith.index_cast %get3A_3145 : i32 to index
        %get3A_3148 = arith.index_cast %add3A_3083 : i32 to index
        %get3A_3149 = arith.constant 0 : index
        %get3A_3150 = tpu.vector_load %arg10[%get3A_3146, %get3A_3147, %get3A_3148, %get3A_3149] {strides = array<i32>} : memref<2x26x32x16xf32, #tpu.memory_space<vmem>>, vector<16xf32>,
        %add3A_3151 = arith.addf %add3A_3142, %get3A_3150 : vector<16xf32>
        %mul3A_3152 = arith.mulf %get3A_3150, %get3A_3150 : vector<16xf32>
        %add3A_3153 = arith.addf %add3A_3144, %mul3A_3152 : vector<16xf32>
        %get3A_3154 = arith.constant 8 : i32
        %get3A_3155 = arith.index_cast %select_n3A_84 : i32 to index
        %get3A_3156 = arith.index_cast %get3A_3154 : i32 to index
        %get3A_3157 = arith.index_cast %add3A_3083 : i32 to index
        %get3A_3158 = arith.constant 0 : index
        %get3A_3159 = tpu.vector_load %arg10[%get3A_3155, %get3A_3156, %get3A_3157, %get3A_3158] {strides = array<i32>} : memref<2x26x32x16xf32, #tpu.memory_space<vmem>>, vector<16xf32>,
        %add3A_3160 = arith.addf %add3A_3151, %get3A_3159 : vector<16xf32>
        %mul3A_3161 = arith.mulf %get3A_3159, %get3A_3159 : vector<16xf32>
        %add3A_3162 = arith.addf %add3A_3153, %mul3A_3161 : vector<16xf32>
        %get3A_3163 = arith.constant 9 : i32
        %get3A_3164 = arith.index_cast %select_n3A_84 : i32 to index
        %get3A_3165 = arith.index_cast %get3A_3163 : i32 to index
        %get3A_3166 = arith.index_cast %add3A_3083 : i32 to index
        %get3A_3167 = arith.constant 0 : index
        %get3A_3168 = tpu.vector_load %arg10[%get3A_3164, %get3A_3165, %get3A_3166, %get3A_3167] {strides = array<i32>} : memref<2x26x32x16xf32, #tpu.memory_space<vmem>>, vector<16xf32>,
        %add3A_3169 = arith.addf %add3A_3160, %get3A_3168 : vector<16xf32>
        %mul3A_3170 = arith.mulf %get3A_3168, %get3A_3168 : vector<16xf32>
        %add3A_3171 = arith.addf %add3A_3162, %mul3A_3170 : vector<16xf32>
        %get3A_3172 = arith.constant 10 : i32
        %get3A_3173 = arith.index_cast %select_n3A_84 : i32 to index
        %get3A_3174 = arith.index_cast %get3A_3172 : i32 to index
        %get3A_3175 = arith.index_cast %add3A_3083 : i32 to index
        %get3A_3176 = arith.constant 0 : index
        %get3A_3177 = tpu.vector_load %arg10[%get3A_3173, %get3A_3174, %get3A_3175, %get3A_3176] {strides = array<i32>} : memref<2x26x32x16xf32, #tpu.memory_space<vmem>>, vector<16xf32>,
        %add3A_3178 = arith.addf %add3A_3169, %get3A_3177 : vector<16xf32>
        %mul3A_3179 = arith.mulf %get3A_3177, %get3A_3177 : vector<16xf32>
        %add3A_3180 = arith.addf %add3A_3171, %mul3A_3179 : vector<16xf32>
        %get3A_3181 = arith.constant 11 : i32
        %get3A_3182 = arith.index_cast %select_n3A_84 : i32 to index
        %get3A_3183 = arith.index_cast %get3A_3181 : i32 to index
        %get3A_3184 = arith.index_cast %add3A_3083 : i32 to index
        %get3A_3185 = arith.constant 0 : index
        %get3A_3186 = tpu.vector_load %arg10[%get3A_3182, %get3A_3183, %get3A_3184, %get3A_3185] {strides = array<i32>} : memref<2x26x32x16xf32, #tpu.memory_space<vmem>>, vector<16xf32>,
        %add3A_3187 = arith.addf %add3A_3178, %get3A_3186 : vector<16xf32>
        %mul3A_3188 = arith.mulf %get3A_3186, %get3A_3186 : vector<16xf32>
        %add3A_3189 = arith.addf %add3A_3180, %mul3A_3188 : vector<16xf32>
        %get3A_3190 = arith.constant 12 : i32
        %get3A_3191 = arith.index_cast %select_n3A_84 : i32 to index
        %get3A_3192 = arith.index_cast %get3A_3190 : i32 to index
        %get3A_3193 = arith.index_cast %add3A_3083 : i32 to index
        %get3A_3194 = arith.constant 0 : index
        %get3A_3195 = tpu.vector_load %arg10[%get3A_3191, %get3A_3192, %get3A_3193, %get3A_3194] {strides = array<i32>} : memref<2x26x32x16xf32, #tpu.memory_space<vmem>>, vector<16xf32>,
        %add3A_3196 = arith.addf %add3A_3187, %get3A_3195 : vector<16xf32>
        %mul3A_3197 = arith.mulf %get3A_3195, %get3A_3195 : vector<16xf32>
        %add3A_3198 = arith.addf %add3A_3189, %mul3A_3197 : vector<16xf32>
        %get3A_3199 = arith.constant 13 : i32
        %get3A_3200 = arith.index_cast %select_n3A_84 : i32 to index
        %get3A_3201 = arith.index_cast %get3A_3199 : i32 to index
        %get3A_3202 = arith.index_cast %add3A_3083 : i32 to index
        %get3A_3203 = arith.constant 0 : index
        %get3A_3204 = tpu.vector_load %arg10[%get3A_3200, %get3A_3201, %get3A_3202, %get3A_3203] {strides = array<i32>} : memref<2x26x32x16xf32, #tpu.memory_space<vmem>>, vector<16xf32>,
        %add3A_3205 = arith.addf %add3A_3196, %get3A_3204 : vector<16xf32>
        %mul3A_3206 = arith.mulf %get3A_3204, %get3A_3204 : vector<16xf32>
        %add3A_3207 = arith.addf %add3A_3198, %mul3A_3206 : vector<16xf32>
        %get3A_3208 = arith.constant 14 : i32
        %get3A_3209 = arith.index_cast %select_n3A_84 : i32 to index
        %get3A_3210 = arith.index_cast %get3A_3208 : i32 to index
        %get3A_3211 = arith.index_cast %add3A_3083 : i32 to index
        %get3A_3212 = arith.constant 0 : index
        %get3A_3213 = tpu.vector_load %arg10[%get3A_3209, %get3A_3210, %get3A_3211, %get3A_3212] {strides = array<i32>} : memref<2x26x32x16xf32, #tpu.memory_space<vmem>>, vector<16xf32>,
        %add3A_3214 = arith.addf %add3A_3205, %get3A_3213 : vector<16xf32>
        %mul3A_3215 = arith.mulf %get3A_3213, %get3A_3213 : vector<16xf32>
        %add3A_3216 = arith.addf %add3A_3207, %mul3A_3215 : vector<16xf32>
        %get3A_3217 = arith.constant 15 : i32
        %get3A_3218 = arith.index_cast %select_n3A_84 : i32 to index
        %get3A_3219 = arith.index_cast %get3A_3217 : i32 to index
        %get3A_3220 = arith.index_cast %add3A_3083 : i32 to index
        %get3A_3221 = arith.constant 0 : index
        %get3A_3222 = tpu.vector_load %arg10[%get3A_3218, %get3A_3219, %get3A_3220, %get3A_3221] {strides = array<i32>} : memref<2x26x32x16xf32, #tpu.memory_space<vmem>>, vector<16xf32>,
        %add3A_3223 = arith.addf %add3A_3214, %get3A_3222 : vector<16xf32>
        %mul3A_3224 = arith.mulf %get3A_3222, %get3A_3222 : vector<16xf32>
        %add3A_3225 = arith.addf %add3A_3216, %mul3A_3224 : vector<16xf32>
        %get3A_3226 = arith.constant 16 : i32
        %get3A_3227 = arith.index_cast %select_n3A_84 : i32 to index
        %get3A_3228 = arith.index_cast %get3A_3226 : i32 to index
        %get3A_3229 = arith.index_cast %add3A_3083 : i32 to index
        %get3A_3230 = arith.constant 0 : index
        %get3A_3231 = tpu.vector_load %arg10[%get3A_3227, %get3A_3228, %get3A_3229, %get3A_3230] {strides = array<i32>} : memref<2x26x32x16xf32, #tpu.memory_space<vmem>>, vector<16xf32>,
        %add3A_3232 = arith.addf %add3A_3223, %get3A_3231 : vector<16xf32>
        %mul3A_3233 = arith.mulf %get3A_3231, %get3A_3231 : vector<16xf32>
        %add3A_3234 = arith.addf %add3A_3225, %mul3A_3233 : vector<16xf32>
        %get3A_3235 = arith.constant 17 : i32
        %get3A_3236 = arith.index_cast %select_n3A_84 : i32 to index
        %get3A_3237 = arith.index_cast %get3A_3235 : i32 to index
        %get3A_3238 = arith.index_cast %add3A_3083 : i32 to index
        %get3A_3239 = arith.constant 0 : index
        %get3A_3240 = tpu.vector_load %arg10[%get3A_3236, %get3A_3237, %get3A_3238, %get3A_3239] {strides = array<i32>} : memref<2x26x32x16xf32, #tpu.memory_space<vmem>>, vector<16xf32>,
        %add3A_3241 = arith.addf %add3A_3232, %get3A_3240 : vector<16xf32>
        %mul3A_3242 = arith.mulf %get3A_3240, %get3A_3240 : vector<16xf32>
        %add3A_3243 = arith.addf %add3A_3234, %mul3A_3242 : vector<16xf32>
        %get3A_3244 = arith.constant 18 : i32
        %get3A_3245 = arith.index_cast %select_n3A_84 : i32 to index
        %get3A_3246 = arith.index_cast %get3A_3244 : i32 to index
        %get3A_3247 = arith.index_cast %add3A_3083 : i32 to index
        %get3A_3248 = arith.constant 0 : index
        %get3A_3249 = tpu.vector_load %arg10[%get3A_3245, %get3A_3246, %get3A_3247, %get3A_3248] {strides = array<i32>} : memref<2x26x32x16xf32, #tpu.memory_space<vmem>>, vector<16xf32>,
        %add3A_3250 = arith.addf %add3A_3241, %get3A_3249 : vector<16xf32>
        %mul3A_3251 = arith.mulf %get3A_3249, %get3A_3249 : vector<16xf32>
        %add3A_3252 = arith.addf %add3A_3243, %mul3A_3251 : vector<16xf32>
        %get3A_3253 = arith.constant 19 : i32
        %get3A_3254 = arith.index_cast %select_n3A_84 : i32 to index
        %get3A_3255 = arith.index_cast %get3A_3253 : i32 to index
        %get3A_3256 = arith.index_cast %add3A_3083 : i32 to index
        %get3A_3257 = arith.constant 0 : index
        %get3A_3258 = tpu.vector_load %arg10[%get3A_3254, %get3A_3255, %get3A_3256, %get3A_3257] {strides = array<i32>} : memref<2x26x32x16xf32, #tpu.memory_space<vmem>>, vector<16xf32>,
        %add3A_3259 = arith.addf %add3A_3250, %get3A_3258 : vector<16xf32>
        %mul3A_3260 = arith.mulf %get3A_3258, %get3A_3258 : vector<16xf32>
        %add3A_3261 = arith.addf %add3A_3252, %mul3A_3260 : vector<16xf32>
        %get3A_3262 = arith.constant 20 : i32
        %get3A_3263 = arith.index_cast %select_n3A_84 : i32 to index
        %get3A_3264 = arith.index_cast %get3A_3262 : i32 to index
        %get3A_3265 = arith.index_cast %add3A_3083 : i32 to index
        %get3A_3266 = arith.constant 0 : index
        %get3A_3267 = tpu.vector_load %arg10[%get3A_3263, %get3A_3264, %get3A_3265, %get3A_3266] {strides = array<i32>} : memref<2x26x32x16xf32, #tpu.memory_space<vmem>>, vector<16xf32>,
        %add3A_3268 = arith.addf %add3A_3259, %get3A_3267 : vector<16xf32>
        %mul3A_3269 = arith.mulf %get3A_3267, %get3A_3267 : vector<16xf32>
        %add3A_3270 = arith.addf %add3A_3261, %mul3A_3269 : vector<16xf32>
        %get3A_3271 = arith.constant 21 : i32
        %get3A_3272 = arith.index_cast %select_n3A_84 : i32 to index
        %get3A_3273 = arith.index_cast %get3A_3271 : i32 to index
        %get3A_3274 = arith.index_cast %add3A_3083 : i32 to index
        %get3A_3275 = arith.constant 0 : index
        %get3A_3276 = tpu.vector_load %arg10[%get3A_3272, %get3A_3273, %get3A_3274, %get3A_3275] {strides = array<i32>} : memref<2x26x32x16xf32, #tpu.memory_space<vmem>>, vector<16xf32>,
        %add3A_3277 = arith.addf %add3A_3268, %get3A_3276 : vector<16xf32>
        %mul3A_3278 = arith.mulf %get3A_3276, %get3A_3276 : vector<16xf32>
        %add3A_3279 = arith.addf %add3A_3270, %mul3A_3278 : vector<16xf32>
        %get3A_3280 = arith.constant 22 : i32
        %get3A_3281 = arith.index_cast %select_n3A_84 : i32 to index
        %get3A_3282 = arith.index_cast %get3A_3280 : i32 to index
        %get3A_3283 = arith.index_cast %add3A_3083 : i32 to index
        %get3A_3284 = arith.constant 0 : index
        %get3A_3285 = tpu.vector_load %arg10[%get3A_3281, %get3A_3282, %get3A_3283, %get3A_3284] {strides = array<i32>} : memref<2x26x32x16xf32, #tpu.memory_space<vmem>>, vector<16xf32>,
        %add3A_3286 = arith.addf %add3A_3277, %get3A_3285 : vector<16xf32>
        %mul3A_3287 = arith.mulf %get3A_3285, %get3A_3285 : vector<16xf32>
        %add3A_3288 = arith.addf %add3A_3279, %mul3A_3287 : vector<16xf32>
        %get3A_3289 = arith.constant 23 : i32
        %get3A_3290 = arith.index_cast %select_n3A_84 : i32 to index
        %get3A_3291 = arith.index_cast %get3A_3289 : i32 to index
        %get3A_3292 = arith.index_cast %add3A_3083 : i32 to index
        %get3A_3293 = arith.constant 0 : index
        %get3A_3294 = tpu.vector_load %arg10[%get3A_3290, %get3A_3291, %get3A_3292, %get3A_3293] {strides = array<i32>} : memref<2x26x32x16xf32, #tpu.memory_space<vmem>>, vector<16xf32>,
        %add3A_3295 = arith.addf %add3A_3286, %get3A_3294 : vector<16xf32>
        %mul3A_3296 = arith.mulf %get3A_3294, %get3A_3294 : vector<16xf32>
        %add3A_3297 = arith.addf %add3A_3288, %mul3A_3296 : vector<16xf32>
        %get3A_3298 = arith.constant 24 : i32
        %get3A_3299 = arith.index_cast %select_n3A_84 : i32 to index
        %get3A_3300 = arith.index_cast %get3A_3298 : i32 to index
        %get3A_3301 = arith.index_cast %add3A_3083 : i32 to index
        %get3A_3302 = arith.constant 0 : index
        %get3A_3303 = tpu.vector_load %arg10[%get3A_3299, %get3A_3300, %get3A_3301, %get3A_3302] {strides = array<i32>} : memref<2x26x32x16xf32, #tpu.memory_space<vmem>>, vector<16xf32>,
        %add3A_3304 = arith.addf %add3A_3295, %get3A_3303 : vector<16xf32>
        %mul3A_3305 = arith.mulf %get3A_3303, %get3A_3303 : vector<16xf32>
        %add3A_3306 = arith.addf %add3A_3297, %mul3A_3305 : vector<16xf32>
        %get3A_3307 = arith.constant 25 : i32
        %get3A_3308 = arith.index_cast %select_n3A_84 : i32 to index
        %get3A_3309 = arith.index_cast %get3A_3307 : i32 to index
        %get3A_3310 = arith.index_cast %add3A_3083 : i32 to index
        %get3A_3311 = arith.constant 0 : index
        %get3A_3312 = tpu.vector_load %arg10[%get3A_3308, %get3A_3309, %get3A_3310, %get3A_3311] {strides = array<i32>} : memref<2x26x32x16xf32, #tpu.memory_space<vmem>>, vector<16xf32>,
        %add3A_3313 = arith.addf %add3A_3304, %get3A_3312 : vector<16xf32>
        %mul3A_3314 = arith.mulf %get3A_3312, %get3A_3312 : vector<16xf32>
        %add3A_3315 = arith.addf %add3A_3306, %mul3A_3314 : vector<16xf32>
        %mul3A_3316 = arith.mulf %add3A_3313, %add3A_3313 : vector<16xf32>
        %sub3A_3317 = arith.subf %mul3A_3316, %add3A_3315 : vector<16xf32>
        %reduce_sum3A_3318 = arith.constant true
        %reduce_sum3A_3319 = vector.broadcast %reduce_sum3A_3318 : i1 to vector<16xi1>
        %reduce_sum3A_3320 = tpu.scan <sum>, %sub3A_3317 masked %reduce_sum3A_3319 : vector<16xf32>, vector<16xi1> -> vector<16xf32>
        %reduce_sum3A_3321 = vector.extract %reduce_sum3A_3320[15] : f32 from vector<16xf32>
        %mul3A_3322 = arith.constant 5.000000e-01 : f32
        %mul3A_3323 = arith.mulf %mul3A_3322, %reduce_sum3A_3321 : f32
        %eq3A_3324 = arith.constant 12 : i32
        %eq3A_3325 = vector.broadcast %eq3A_3324 : i32 to vector<16xi32>
        %eq3A_3326 = arith.cmpi eq, %iota3A, %eq3A_3325 : vector<16xi32>
        %broadcast_in_dim3A_3327 = vector.broadcast %mul3A_3323 : f32 to vector<16xf32>
        %select_n3A_3328 = arith.select %eq3A_3326, %broadcast_in_dim3A_3327, %select_n3A_3079 : vector<16xi1>, vector<16xf32>
        %mul3A_3329 = arith.constant 16 : i32
        %mul3A_3330 = arith.muli %scan3A_91, %mul3A_3329 : i32
        %add3A_3331 = arith.constant 13 : i32
        %add3A_3332 = arith.addi %mul3A_3330, %add3A_3331 : i32
        %get3A_3333 = arith.constant 0 : i32
        %get3A_3334 = arith.index_cast %select_n3A_84 : i32 to index
        %get3A_3335 = arith.index_cast %get3A_3333 : i32 to index
        %get3A_3336 = arith.index_cast %add3A_3332 : i32 to index
        %get3A_3337 = arith.constant 0 : index
        %get3A_3338 = tpu.vector_load %arg10[%get3A_3334, %get3A_3335, %get3A_3336, %get3A_3337] {strides = array<i32>} : memref<2x26x32x16xf32, #tpu.memory_space<vmem>>, vector<16xf32>,
        %mul3A_3339 = arith.mulf %get3A_3338, %get3A_3338 : vector<16xf32>
        %get3A_3340 = arith.constant 1 : i32
        %get3A_3341 = arith.index_cast %select_n3A_84 : i32 to index
        %get3A_3342 = arith.index_cast %get3A_3340 : i32 to index
        %get3A_3343 = arith.index_cast %add3A_3332 : i32 to index
        %get3A_3344 = arith.constant 0 : index
        %get3A_3345 = tpu.vector_load %arg10[%get3A_3341, %get3A_3342, %get3A_3343, %get3A_3344] {strides = array<i32>} : memref<2x26x32x16xf32, #tpu.memory_space<vmem>>, vector<16xf32>,
        %add3A_3346 = arith.addf %get3A_3338, %get3A_3345 : vector<16xf32>
        %mul3A_3347 = arith.mulf %get3A_3345, %get3A_3345 : vector<16xf32>
        %add3A_3348 = arith.addf %mul3A_3339, %mul3A_3347 : vector<16xf32>
        %get3A_3349 = arith.constant 2 : i32
        %get3A_3350 = arith.index_cast %select_n3A_84 : i32 to index
        %get3A_3351 = arith.index_cast %get3A_3349 : i32 to index
        %get3A_3352 = arith.index_cast %add3A_3332 : i32 to index
        %get3A_3353 = arith.constant 0 : index
        %get3A_3354 = tpu.vector_load %arg10[%get3A_3350, %get3A_3351, %get3A_3352, %get3A_3353] {strides = array<i32>} : memref<2x26x32x16xf32, #tpu.memory_space<vmem>>, vector<16xf32>,
        %add3A_3355 = arith.addf %add3A_3346, %get3A_3354 : vector<16xf32>
        %mul3A_3356 = arith.mulf %get3A_3354, %get3A_3354 : vector<16xf32>
        %add3A_3357 = arith.addf %add3A_3348, %mul3A_3356 : vector<16xf32>
        %get3A_3358 = arith.constant 3 : i32
        %get3A_3359 = arith.index_cast %select_n3A_84 : i32 to index
        %get3A_3360 = arith.index_cast %get3A_3358 : i32 to index
        %get3A_3361 = arith.index_cast %add3A_3332 : i32 to index
        %get3A_3362 = arith.constant 0 : index
        %get3A_3363 = tpu.vector_load %arg10[%get3A_3359, %get3A_3360, %get3A_3361, %get3A_3362] {strides = array<i32>} : memref<2x26x32x16xf32, #tpu.memory_space<vmem>>, vector<16xf32>,
        %add3A_3364 = arith.addf %add3A_3355, %get3A_3363 : vector<16xf32>
        %mul3A_3365 = arith.mulf %get3A_3363, %get3A_3363 : vector<16xf32>
        %add3A_3366 = arith.addf %add3A_3357, %mul3A_3365 : vector<16xf32>
        %get3A_3367 = arith.constant 4 : i32
        %get3A_3368 = arith.index_cast %select_n3A_84 : i32 to index
        %get3A_3369 = arith.index_cast %get3A_3367 : i32 to index
        %get3A_3370 = arith.index_cast %add3A_3332 : i32 to index
        %get3A_3371 = arith.constant 0 : index
        %get3A_3372 = tpu.vector_load %arg10[%get3A_3368, %get3A_3369, %get3A_3370, %get3A_3371] {strides = array<i32>} : memref<2x26x32x16xf32, #tpu.memory_space<vmem>>, vector<16xf32>,
        %add3A_3373 = arith.addf %add3A_3364, %get3A_3372 : vector<16xf32>
        %mul3A_3374 = arith.mulf %get3A_3372, %get3A_3372 : vector<16xf32>
        %add3A_3375 = arith.addf %add3A_3366, %mul3A_3374 : vector<16xf32>
        %get3A_3376 = arith.constant 5 : i32
        %get3A_3377 = arith.index_cast %select_n3A_84 : i32 to index
        %get3A_3378 = arith.index_cast %get3A_3376 : i32 to index
        %get3A_3379 = arith.index_cast %add3A_3332 : i32 to index
        %get3A_3380 = arith.constant 0 : index
        %get3A_3381 = tpu.vector_load %arg10[%get3A_3377, %get3A_3378, %get3A_3379, %get3A_3380] {strides = array<i32>} : memref<2x26x32x16xf32, #tpu.memory_space<vmem>>, vector<16xf32>,
        %add3A_3382 = arith.addf %add3A_3373, %get3A_3381 : vector<16xf32>
        %mul3A_3383 = arith.mulf %get3A_3381, %get3A_3381 : vector<16xf32>
        %add3A_3384 = arith.addf %add3A_3375, %mul3A_3383 : vector<16xf32>
        %get3A_3385 = arith.constant 6 : i32
        %get3A_3386 = arith.index_cast %select_n3A_84 : i32 to index
        %get3A_3387 = arith.index_cast %get3A_3385 : i32 to index
        %get3A_3388 = arith.index_cast %add3A_3332 : i32 to index
        %get3A_3389 = arith.constant 0 : index
        %get3A_3390 = tpu.vector_load %arg10[%get3A_3386, %get3A_3387, %get3A_3388, %get3A_3389] {strides = array<i32>} : memref<2x26x32x16xf32, #tpu.memory_space<vmem>>, vector<16xf32>,
        %add3A_3391 = arith.addf %add3A_3382, %get3A_3390 : vector<16xf32>
        %mul3A_3392 = arith.mulf %get3A_3390, %get3A_3390 : vector<16xf32>
        %add3A_3393 = arith.addf %add3A_3384, %mul3A_3392 : vector<16xf32>
        %get3A_3394 = arith.constant 7 : i32
        %get3A_3395 = arith.index_cast %select_n3A_84 : i32 to index
        %get3A_3396 = arith.index_cast %get3A_3394 : i32 to index
        %get3A_3397 = arith.index_cast %add3A_3332 : i32 to index
        %get3A_3398 = arith.constant 0 : index
        %get3A_3399 = tpu.vector_load %arg10[%get3A_3395, %get3A_3396, %get3A_3397, %get3A_3398] {strides = array<i32>} : memref<2x26x32x16xf32, #tpu.memory_space<vmem>>, vector<16xf32>,
        %add3A_3400 = arith.addf %add3A_3391, %get3A_3399 : vector<16xf32>
        %mul3A_3401 = arith.mulf %get3A_3399, %get3A_3399 : vector<16xf32>
        %add3A_3402 = arith.addf %add3A_3393, %mul3A_3401 : vector<16xf32>
        %get3A_3403 = arith.constant 8 : i32
        %get3A_3404 = arith.index_cast %select_n3A_84 : i32 to index
        %get3A_3405 = arith.index_cast %get3A_3403 : i32 to index
        %get3A_3406 = arith.index_cast %add3A_3332 : i32 to index
        %get3A_3407 = arith.constant 0 : index
        %get3A_3408 = tpu.vector_load %arg10[%get3A_3404, %get3A_3405, %get3A_3406, %get3A_3407] {strides = array<i32>} : memref<2x26x32x16xf32, #tpu.memory_space<vmem>>, vector<16xf32>,
        %add3A_3409 = arith.addf %add3A_3400, %get3A_3408 : vector<16xf32>
        %mul3A_3410 = arith.mulf %get3A_3408, %get3A_3408 : vector<16xf32>
        %add3A_3411 = arith.addf %add3A_3402, %mul3A_3410 : vector<16xf32>
        %get3A_3412 = arith.constant 9 : i32
        %get3A_3413 = arith.index_cast %select_n3A_84 : i32 to index
        %get3A_3414 = arith.index_cast %get3A_3412 : i32 to index
        %get3A_3415 = arith.index_cast %add3A_3332 : i32 to index
        %get3A_3416 = arith.constant 0 : index
        %get3A_3417 = tpu.vector_load %arg10[%get3A_3413, %get3A_3414, %get3A_3415, %get3A_3416] {strides = array<i32>} : memref<2x26x32x16xf32, #tpu.memory_space<vmem>>, vector<16xf32>,
        %add3A_3418 = arith.addf %add3A_3409, %get3A_3417 : vector<16xf32>
        %mul3A_3419 = arith.mulf %get3A_3417, %get3A_3417 : vector<16xf32>
        %add3A_3420 = arith.addf %add3A_3411, %mul3A_3419 : vector<16xf32>
        %get3A_3421 = arith.constant 10 : i32
        %get3A_3422 = arith.index_cast %select_n3A_84 : i32 to index
        %get3A_3423 = arith.index_cast %get3A_3421 : i32 to index
        %get3A_3424 = arith.index_cast %add3A_3332 : i32 to index
        %get3A_3425 = arith.constant 0 : index
        %get3A_3426 = tpu.vector_load %arg10[%get3A_3422, %get3A_3423, %get3A_3424, %get3A_3425] {strides = array<i32>} : memref<2x26x32x16xf32, #tpu.memory_space<vmem>>, vector<16xf32>,
        %add3A_3427 = arith.addf %add3A_3418, %get3A_3426 : vector<16xf32>
        %mul3A_3428 = arith.mulf %get3A_3426, %get3A_3426 : vector<16xf32>
        %add3A_3429 = arith.addf %add3A_3420, %mul3A_3428 : vector<16xf32>
        %get3A_3430 = arith.constant 11 : i32
        %get3A_3431 = arith.index_cast %select_n3A_84 : i32 to index
        %get3A_3432 = arith.index_cast %get3A_3430 : i32 to index
        %get3A_3433 = arith.index_cast %add3A_3332 : i32 to index
        %get3A_3434 = arith.constant 0 : index
        %get3A_3435 = tpu.vector_load %arg10[%get3A_3431, %get3A_3432, %get3A_3433, %get3A_3434] {strides = array<i32>} : memref<2x26x32x16xf32, #tpu.memory_space<vmem>>, vector<16xf32>,
        %add3A_3436 = arith.addf %add3A_3427, %get3A_3435 : vector<16xf32>
        %mul3A_3437 = arith.mulf %get3A_3435, %get3A_3435 : vector<16xf32>
        %add3A_3438 = arith.addf %add3A_3429, %mul3A_3437 : vector<16xf32>
        %get3A_3439 = arith.constant 12 : i32
        %get3A_3440 = arith.index_cast %select_n3A_84 : i32 to index
        %get3A_3441 = arith.index_cast %get3A_3439 : i32 to index
        %get3A_3442 = arith.index_cast %add3A_3332 : i32 to index
        %get3A_3443 = arith.constant 0 : index
        %get3A_3444 = tpu.vector_load %arg10[%get3A_3440, %get3A_3441, %get3A_3442, %get3A_3443] {strides = array<i32>} : memref<2x26x32x16xf32, #tpu.memory_space<vmem>>, vector<16xf32>,
        %add3A_3445 = arith.addf %add3A_3436, %get3A_3444 : vector<16xf32>
        %mul3A_3446 = arith.mulf %get3A_3444, %get3A_3444 : vector<16xf32>
        %add3A_3447 = arith.addf %add3A_3438, %mul3A_3446 : vector<16xf32>
        %get3A_3448 = arith.constant 13 : i32
        %get3A_3449 = arith.index_cast %select_n3A_84 : i32 to index
        %get3A_3450 = arith.index_cast %get3A_3448 : i32 to index
        %get3A_3451 = arith.index_cast %add3A_3332 : i32 to index
        %get3A_3452 = arith.constant 0 : index
        %get3A_3453 = tpu.vector_load %arg10[%get3A_3449, %get3A_3450, %get3A_3451, %get3A_3452] {strides = array<i32>} : memref<2x26x32x16xf32, #tpu.memory_space<vmem>>, vector<16xf32>,
        %add3A_3454 = arith.addf %add3A_3445, %get3A_3453 : vector<16xf32>
        %mul3A_3455 = arith.mulf %get3A_3453, %get3A_3453 : vector<16xf32>
        %add3A_3456 = arith.addf %add3A_3447, %mul3A_3455 : vector<16xf32>
        %get3A_3457 = arith.constant 14 : i32
        %get3A_3458 = arith.index_cast %select_n3A_84 : i32 to index
        %get3A_3459 = arith.index_cast %get3A_3457 : i32 to index
        %get3A_3460 = arith.index_cast %add3A_3332 : i32 to index
        %get3A_3461 = arith.constant 0 : index
        %get3A_3462 = tpu.vector_load %arg10[%get3A_3458, %get3A_3459, %get3A_3460, %get3A_3461] {strides = array<i32>} : memref<2x26x32x16xf32, #tpu.memory_space<vmem>>, vector<16xf32>,
        %add3A_3463 = arith.addf %add3A_3454, %get3A_3462 : vector<16xf32>
        %mul3A_3464 = arith.mulf %get3A_3462, %get3A_3462 : vector<16xf32>
        %add3A_3465 = arith.addf %add3A_3456, %mul3A_3464 : vector<16xf32>
        %get3A_3466 = arith.constant 15 : i32
        %get3A_3467 = arith.index_cast %select_n3A_84 : i32 to index
        %get3A_3468 = arith.index_cast %get3A_3466 : i32 to index
        %get3A_3469 = arith.index_cast %add3A_3332 : i32 to index
        %get3A_3470 = arith.constant 0 : index
        %get3A_3471 = tpu.vector_load %arg10[%get3A_3467, %get3A_3468, %get3A_3469, %get3A_3470] {strides = array<i32>} : memref<2x26x32x16xf32, #tpu.memory_space<vmem>>, vector<16xf32>,
        %add3A_3472 = arith.addf %add3A_3463, %get3A_3471 : vector<16xf32>
        %mul3A_3473 = arith.mulf %get3A_3471, %get3A_3471 : vector<16xf32>
        %add3A_3474 = arith.addf %add3A_3465, %mul3A_3473 : vector<16xf32>
        %get3A_3475 = arith.constant 16 : i32
        %get3A_3476 = arith.index_cast %select_n3A_84 : i32 to index
        %get3A_3477 = arith.index_cast %get3A_3475 : i32 to index
        %get3A_3478 = arith.index_cast %add3A_3332 : i32 to index
        %get3A_3479 = arith.constant 0 : index
        %get3A_3480 = tpu.vector_load %arg10[%get3A_3476, %get3A_3477, %get3A_3478, %get3A_3479] {strides = array<i32>} : memref<2x26x32x16xf32, #tpu.memory_space<vmem>>, vector<16xf32>,
        %add3A_3481 = arith.addf %add3A_3472, %get3A_3480 : vector<16xf32>
        %mul3A_3482 = arith.mulf %get3A_3480, %get3A_3480 : vector<16xf32>
        %add3A_3483 = arith.addf %add3A_3474, %mul3A_3482 : vector<16xf32>
        %get3A_3484 = arith.constant 17 : i32
        %get3A_3485 = arith.index_cast %select_n3A_84 : i32 to index
        %get3A_3486 = arith.index_cast %get3A_3484 : i32 to index
        %get3A_3487 = arith.index_cast %add3A_3332 : i32 to index
        %get3A_3488 = arith.constant 0 : index
        %get3A_3489 = tpu.vector_load %arg10[%get3A_3485, %get3A_3486, %get3A_3487, %get3A_3488] {strides = array<i32>} : memref<2x26x32x16xf32, #tpu.memory_space<vmem>>, vector<16xf32>,
        %add3A_3490 = arith.addf %add3A_3481, %get3A_3489 : vector<16xf32>
        %mul3A_3491 = arith.mulf %get3A_3489, %get3A_3489 : vector<16xf32>
        %add3A_3492 = arith.addf %add3A_3483, %mul3A_3491 : vector<16xf32>
        %get3A_3493 = arith.constant 18 : i32
        %get3A_3494 = arith.index_cast %select_n3A_84 : i32 to index
        %get3A_3495 = arith.index_cast %get3A_3493 : i32 to index
        %get3A_3496 = arith.index_cast %add3A_3332 : i32 to index
        %get3A_3497 = arith.constant 0 : index
        %get3A_3498 = tpu.vector_load %arg10[%get3A_3494, %get3A_3495, %get3A_3496, %get3A_3497] {strides = array<i32>} : memref<2x26x32x16xf32, #tpu.memory_space<vmem>>, vector<16xf32>,
        %add3A_3499 = arith.addf %add3A_3490, %get3A_3498 : vector<16xf32>
        %mul3A_3500 = arith.mulf %get3A_3498, %get3A_3498 : vector<16xf32>
        %add3A_3501 = arith.addf %add3A_3492, %mul3A_3500 : vector<16xf32>
        %get3A_3502 = arith.constant 19 : i32
        %get3A_3503 = arith.index_cast %select_n3A_84 : i32 to index
        %get3A_3504 = arith.index_cast %get3A_3502 : i32 to index
        %get3A_3505 = arith.index_cast %add3A_3332 : i32 to index
        %get3A_3506 = arith.constant 0 : index
        %get3A_3507 = tpu.vector_load %arg10[%get3A_3503, %get3A_3504, %get3A_3505, %get3A_3506] {strides = array<i32>} : memref<2x26x32x16xf32, #tpu.memory_space<vmem>>, vector<16xf32>,
        %add3A_3508 = arith.addf %add3A_3499, %get3A_3507 : vector<16xf32>
        %mul3A_3509 = arith.mulf %get3A_3507, %get3A_3507 : vector<16xf32>
        %add3A_3510 = arith.addf %add3A_3501, %mul3A_3509 : vector<16xf32>
        %get3A_3511 = arith.constant 20 : i32
        %get3A_3512 = arith.index_cast %select_n3A_84 : i32 to index
        %get3A_3513 = arith.index_cast %get3A_3511 : i32 to index
        %get3A_3514 = arith.index_cast %add3A_3332 : i32 to index
        %get3A_3515 = arith.constant 0 : index
        %get3A_3516 = tpu.vector_load %arg10[%get3A_3512, %get3A_3513, %get3A_3514, %get3A_3515] {strides = array<i32>} : memref<2x26x32x16xf32, #tpu.memory_space<vmem>>, vector<16xf32>,
        %add3A_3517 = arith.addf %add3A_3508, %get3A_3516 : vector<16xf32>
        %mul3A_3518 = arith.mulf %get3A_3516, %get3A_3516 : vector<16xf32>
        %add3A_3519 = arith.addf %add3A_3510, %mul3A_3518 : vector<16xf32>
        %get3A_3520 = arith.constant 21 : i32
        %get3A_3521 = arith.index_cast %select_n3A_84 : i32 to index
        %get3A_3522 = arith.index_cast %get3A_3520 : i32 to index
        %get3A_3523 = arith.index_cast %add3A_3332 : i32 to index
        %get3A_3524 = arith.constant 0 : index
        %get3A_3525 = tpu.vector_load %arg10[%get3A_3521, %get3A_3522, %get3A_3523, %get3A_3524] {strides = array<i32>} : memref<2x26x32x16xf32, #tpu.memory_space<vmem>>, vector<16xf32>,
        %add3A_3526 = arith.addf %add3A_3517, %get3A_3525 : vector<16xf32>
        %mul3A_3527 = arith.mulf %get3A_3525, %get3A_3525 : vector<16xf32>
        %add3A_3528 = arith.addf %add3A_3519, %mul3A_3527 : vector<16xf32>
        %get3A_3529 = arith.constant 22 : i32
        %get3A_3530 = arith.index_cast %select_n3A_84 : i32 to index
        %get3A_3531 = arith.index_cast %get3A_3529 : i32 to index
        %get3A_3532 = arith.index_cast %add3A_3332 : i32 to index
        %get3A_3533 = arith.constant 0 : index
        %get3A_3534 = tpu.vector_load %arg10[%get3A_3530, %get3A_3531, %get3A_3532, %get3A_3533] {strides = array<i32>} : memref<2x26x32x16xf32, #tpu.memory_space<vmem>>, vector<16xf32>,
        %add3A_3535 = arith.addf %add3A_3526, %get3A_3534 : vector<16xf32>
        %mul3A_3536 = arith.mulf %get3A_3534, %get3A_3534 : vector<16xf32>
        %add3A_3537 = arith.addf %add3A_3528, %mul3A_3536 : vector<16xf32>
        %get3A_3538 = arith.constant 23 : i32
        %get3A_3539 = arith.index_cast %select_n3A_84 : i32 to index
        %get3A_3540 = arith.index_cast %get3A_3538 : i32 to index
        %get3A_3541 = arith.index_cast %add3A_3332 : i32 to index
        %get3A_3542 = arith.constant 0 : index
        %get3A_3543 = tpu.vector_load %arg10[%get3A_3539, %get3A_3540, %get3A_3541, %get3A_3542] {strides = array<i32>} : memref<2x26x32x16xf32, #tpu.memory_space<vmem>>, vector<16xf32>,
        %add3A_3544 = arith.addf %add3A_3535, %get3A_3543 : vector<16xf32>
        %mul3A_3545 = arith.mulf %get3A_3543, %get3A_3543 : vector<16xf32>
        %add3A_3546 = arith.addf %add3A_3537, %mul3A_3545 : vector<16xf32>
        %get3A_3547 = arith.constant 24 : i32
        %get3A_3548 = arith.index_cast %select_n3A_84 : i32 to index
        %get3A_3549 = arith.index_cast %get3A_3547 : i32 to index
        %get3A_3550 = arith.index_cast %add3A_3332 : i32 to index
        %get3A_3551 = arith.constant 0 : index
        %get3A_3552 = tpu.vector_load %arg10[%get3A_3548, %get3A_3549, %get3A_3550, %get3A_3551] {strides = array<i32>} : memref<2x26x32x16xf32, #tpu.memory_space<vmem>>, vector<16xf32>,
        %add3A_3553 = arith.addf %add3A_3544, %get3A_3552 : vector<16xf32>
        %mul3A_3554 = arith.mulf %get3A_3552, %get3A_3552 : vector<16xf32>
        %add3A_3555 = arith.addf %add3A_3546, %mul3A_3554 : vector<16xf32>
        %get3A_3556 = arith.constant 25 : i32
        %get3A_3557 = arith.index_cast %select_n3A_84 : i32 to index
        %get3A_3558 = arith.index_cast %get3A_3556 : i32 to index
        %get3A_3559 = arith.index_cast %add3A_3332 : i32 to index
        %get3A_3560 = arith.constant 0 : index
        %get3A_3561 = tpu.vector_load %arg10[%get3A_3557, %get3A_3558, %get3A_3559, %get3A_3560] {strides = array<i32>} : memref<2x26x32x16xf32, #tpu.memory_space<vmem>>, vector<16xf32>,
        %add3A_3562 = arith.addf %add3A_3553, %get3A_3561 : vector<16xf32>
        %mul3A_3563 = arith.mulf %get3A_3561, %get3A_3561 : vector<16xf32>
        %add3A_3564 = arith.addf %add3A_3555, %mul3A_3563 : vector<16xf32>
        %mul3A_3565 = arith.mulf %add3A_3562, %add3A_3562 : vector<16xf32>
        %sub3A_3566 = arith.subf %mul3A_3565, %add3A_3564 : vector<16xf32>
        %reduce_sum3A_3567 = arith.constant true
        %reduce_sum3A_3568 = vector.broadcast %reduce_sum3A_3567 : i1 to vector<16xi1>
        %reduce_sum3A_3569 = tpu.scan <sum>, %sub3A_3566 masked %reduce_sum3A_3568 : vector<16xf32>, vector<16xi1> -> vector<16xf32>
        %reduce_sum3A_3570 = vector.extract %reduce_sum3A_3569[15] : f32 from vector<16xf32>
        %mul3A_3571 = arith.constant 5.000000e-01 : f32
        %mul3A_3572 = arith.mulf %mul3A_3571, %reduce_sum3A_3570 : f32
        %eq3A_3573 = arith.constant 13 : i32
        %eq3A_3574 = vector.broadcast %eq3A_3573 : i32 to vector<16xi32>
        %eq3A_3575 = arith.cmpi eq, %iota3A, %eq3A_3574 : vector<16xi32>
        %broadcast_in_dim3A_3576 = vector.broadcast %mul3A_3572 : f32 to vector<16xf32>
        %select_n3A_3577 = arith.select %eq3A_3575, %broadcast_in_dim3A_3576, %select_n3A_3328 : vector<16xi1>, vector<16xf32>
        %mul3A_3578 = arith.constant 16 : i32
        %mul3A_3579 = arith.muli %scan3A_91, %mul3A_3578 : i32
        %add3A_3580 = arith.constant 14 : i32
        %add3A_3581 = arith.addi %mul3A_3579, %add3A_3580 : i32
        %get3A_3582 = arith.constant 0 : i32
        %get3A_3583 = arith.index_cast %select_n3A_84 : i32 to index
        %get3A_3584 = arith.index_cast %get3A_3582 : i32 to index
        %get3A_3585 = arith.index_cast %add3A_3581 : i32 to index
        %get3A_3586 = arith.constant 0 : index
        %get3A_3587 = tpu.vector_load %arg10[%get3A_3583, %get3A_3584, %get3A_3585, %get3A_3586] {strides = array<i32>} : memref<2x26x32x16xf32, #tpu.memory_space<vmem>>, vector<16xf32>,
        %mul3A_3588 = arith.mulf %get3A_3587, %get3A_3587 : vector<16xf32>
        %get3A_3589 = arith.constant 1 : i32
        %get3A_3590 = arith.index_cast %select_n3A_84 : i32 to index
        %get3A_3591 = arith.index_cast %get3A_3589 : i32 to index
        %get3A_3592 = arith.index_cast %add3A_3581 : i32 to index
        %get3A_3593 = arith.constant 0 : index
        %get3A_3594 = tpu.vector_load %arg10[%get3A_3590, %get3A_3591, %get3A_3592, %get3A_3593] {strides = array<i32>} : memref<2x26x32x16xf32, #tpu.memory_space<vmem>>, vector<16xf32>,
        %add3A_3595 = arith.addf %get3A_3587, %get3A_3594 : vector<16xf32>
        %mul3A_3596 = arith.mulf %get3A_3594, %get3A_3594 : vector<16xf32>
        %add3A_3597 = arith.addf %mul3A_3588, %mul3A_3596 : vector<16xf32>
        %get3A_3598 = arith.constant 2 : i32
        %get3A_3599 = arith.index_cast %select_n3A_84 : i32 to index
        %get3A_3600 = arith.index_cast %get3A_3598 : i32 to index
        %get3A_3601 = arith.index_cast %add3A_3581 : i32 to index
        %get3A_3602 = arith.constant 0 : index
        %get3A_3603 = tpu.vector_load %arg10[%get3A_3599, %get3A_3600, %get3A_3601, %get3A_3602] {strides = array<i32>} : memref<2x26x32x16xf32, #tpu.memory_space<vmem>>, vector<16xf32>,
        %add3A_3604 = arith.addf %add3A_3595, %get3A_3603 : vector<16xf32>
        %mul3A_3605 = arith.mulf %get3A_3603, %get3A_3603 : vector<16xf32>
        %add3A_3606 = arith.addf %add3A_3597, %mul3A_3605 : vector<16xf32>
        %get3A_3607 = arith.constant 3 : i32
        %get3A_3608 = arith.index_cast %select_n3A_84 : i32 to index
        %get3A_3609 = arith.index_cast %get3A_3607 : i32 to index
        %get3A_3610 = arith.index_cast %add3A_3581 : i32 to index
        %get3A_3611 = arith.constant 0 : index
        %get3A_3612 = tpu.vector_load %arg10[%get3A_3608, %get3A_3609, %get3A_3610, %get3A_3611] {strides = array<i32>} : memref<2x26x32x16xf32, #tpu.memory_space<vmem>>, vector<16xf32>,
        %add3A_3613 = arith.addf %add3A_3604, %get3A_3612 : vector<16xf32>
        %mul3A_3614 = arith.mulf %get3A_3612, %get3A_3612 : vector<16xf32>
        %add3A_3615 = arith.addf %add3A_3606, %mul3A_3614 : vector<16xf32>
        %get3A_3616 = arith.constant 4 : i32
        %get3A_3617 = arith.index_cast %select_n3A_84 : i32 to index
        %get3A_3618 = arith.index_cast %get3A_3616 : i32 to index
        %get3A_3619 = arith.index_cast %add3A_3581 : i32 to index
        %get3A_3620 = arith.constant 0 : index
        %get3A_3621 = tpu.vector_load %arg10[%get3A_3617, %get3A_3618, %get3A_3619, %get3A_3620] {strides = array<i32>} : memref<2x26x32x16xf32, #tpu.memory_space<vmem>>, vector<16xf32>,
        %add3A_3622 = arith.addf %add3A_3613, %get3A_3621 : vector<16xf32>
        %mul3A_3623 = arith.mulf %get3A_3621, %get3A_3621 : vector<16xf32>
        %add3A_3624 = arith.addf %add3A_3615, %mul3A_3623 : vector<16xf32>
        %get3A_3625 = arith.constant 5 : i32
        %get3A_3626 = arith.index_cast %select_n3A_84 : i32 to index
        %get3A_3627 = arith.index_cast %get3A_3625 : i32 to index
        %get3A_3628 = arith.index_cast %add3A_3581 : i32 to index
        %get3A_3629 = arith.constant 0 : index
        %get3A_3630 = tpu.vector_load %arg10[%get3A_3626, %get3A_3627, %get3A_3628, %get3A_3629] {strides = array<i32>} : memref<2x26x32x16xf32, #tpu.memory_space<vmem>>, vector<16xf32>,
        %add3A_3631 = arith.addf %add3A_3622, %get3A_3630 : vector<16xf32>
        %mul3A_3632 = arith.mulf %get3A_3630, %get3A_3630 : vector<16xf32>
        %add3A_3633 = arith.addf %add3A_3624, %mul3A_3632 : vector<16xf32>
        %get3A_3634 = arith.constant 6 : i32
        %get3A_3635 = arith.index_cast %select_n3A_84 : i32 to index
        %get3A_3636 = arith.index_cast %get3A_3634 : i32 to index
        %get3A_3637 = arith.index_cast %add3A_3581 : i32 to index
        %get3A_3638 = arith.constant 0 : index
        %get3A_3639 = tpu.vector_load %arg10[%get3A_3635, %get3A_3636, %get3A_3637, %get3A_3638] {strides = array<i32>} : memref<2x26x32x16xf32, #tpu.memory_space<vmem>>, vector<16xf32>,
        %add3A_3640 = arith.addf %add3A_3631, %get3A_3639 : vector<16xf32>
        %mul3A_3641 = arith.mulf %get3A_3639, %get3A_3639 : vector<16xf32>
        %add3A_3642 = arith.addf %add3A_3633, %mul3A_3641 : vector<16xf32>
        %get3A_3643 = arith.constant 7 : i32
        %get3A_3644 = arith.index_cast %select_n3A_84 : i32 to index
        %get3A_3645 = arith.index_cast %get3A_3643 : i32 to index
        %get3A_3646 = arith.index_cast %add3A_3581 : i32 to index
        %get3A_3647 = arith.constant 0 : index
        %get3A_3648 = tpu.vector_load %arg10[%get3A_3644, %get3A_3645, %get3A_3646, %get3A_3647] {strides = array<i32>} : memref<2x26x32x16xf32, #tpu.memory_space<vmem>>, vector<16xf32>,
        %add3A_3649 = arith.addf %add3A_3640, %get3A_3648 : vector<16xf32>
        %mul3A_3650 = arith.mulf %get3A_3648, %get3A_3648 : vector<16xf32>
        %add3A_3651 = arith.addf %add3A_3642, %mul3A_3650 : vector<16xf32>
        %get3A_3652 = arith.constant 8 : i32
        %get3A_3653 = arith.index_cast %select_n3A_84 : i32 to index
        %get3A_3654 = arith.index_cast %get3A_3652 : i32 to index
        %get3A_3655 = arith.index_cast %add3A_3581 : i32 to index
        %get3A_3656 = arith.constant 0 : index
        %get3A_3657 = tpu.vector_load %arg10[%get3A_3653, %get3A_3654, %get3A_3655, %get3A_3656] {strides = array<i32>} : memref<2x26x32x16xf32, #tpu.memory_space<vmem>>, vector<16xf32>,
        %add3A_3658 = arith.addf %add3A_3649, %get3A_3657 : vector<16xf32>
        %mul3A_3659 = arith.mulf %get3A_3657, %get3A_3657 : vector<16xf32>
        %add3A_3660 = arith.addf %add3A_3651, %mul3A_3659 : vector<16xf32>
        %get3A_3661 = arith.constant 9 : i32
        %get3A_3662 = arith.index_cast %select_n3A_84 : i32 to index
        %get3A_3663 = arith.index_cast %get3A_3661 : i32 to index
        %get3A_3664 = arith.index_cast %add3A_3581 : i32 to index
        %get3A_3665 = arith.constant 0 : index
        %get3A_3666 = tpu.vector_load %arg10[%get3A_3662, %get3A_3663, %get3A_3664, %get3A_3665] {strides = array<i32>} : memref<2x26x32x16xf32, #tpu.memory_space<vmem>>, vector<16xf32>,
        %add3A_3667 = arith.addf %add3A_3658, %get3A_3666 : vector<16xf32>
        %mul3A_3668 = arith.mulf %get3A_3666, %get3A_3666 : vector<16xf32>
        %add3A_3669 = arith.addf %add3A_3660, %mul3A_3668 : vector<16xf32>
        %get3A_3670 = arith.constant 10 : i32
        %get3A_3671 = arith.index_cast %select_n3A_84 : i32 to index
        %get3A_3672 = arith.index_cast %get3A_3670 : i32 to index
        %get3A_3673 = arith.index_cast %add3A_3581 : i32 to index
        %get3A_3674 = arith.constant 0 : index
        %get3A_3675 = tpu.vector_load %arg10[%get3A_3671, %get3A_3672, %get3A_3673, %get3A_3674] {strides = array<i32>} : memref<2x26x32x16xf32, #tpu.memory_space<vmem>>, vector<16xf32>,
        %add3A_3676 = arith.addf %add3A_3667, %get3A_3675 : vector<16xf32>
        %mul3A_3677 = arith.mulf %get3A_3675, %get3A_3675 : vector<16xf32>
        %add3A_3678 = arith.addf %add3A_3669, %mul3A_3677 : vector<16xf32>
        %get3A_3679 = arith.constant 11 : i32
        %get3A_3680 = arith.index_cast %select_n3A_84 : i32 to index
        %get3A_3681 = arith.index_cast %get3A_3679 : i32 to index
        %get3A_3682 = arith.index_cast %add3A_3581 : i32 to index
        %get3A_3683 = arith.constant 0 : index
        %get3A_3684 = tpu.vector_load %arg10[%get3A_3680, %get3A_3681, %get3A_3682, %get3A_3683] {strides = array<i32>} : memref<2x26x32x16xf32, #tpu.memory_space<vmem>>, vector<16xf32>,
        %add3A_3685 = arith.addf %add3A_3676, %get3A_3684 : vector<16xf32>
        %mul3A_3686 = arith.mulf %get3A_3684, %get3A_3684 : vector<16xf32>
        %add3A_3687 = arith.addf %add3A_3678, %mul3A_3686 : vector<16xf32>
        %get3A_3688 = arith.constant 12 : i32
        %get3A_3689 = arith.index_cast %select_n3A_84 : i32 to index
        %get3A_3690 = arith.index_cast %get3A_3688 : i32 to index
        %get3A_3691 = arith.index_cast %add3A_3581 : i32 to index
        %get3A_3692 = arith.constant 0 : index
        %get3A_3693 = tpu.vector_load %arg10[%get3A_3689, %get3A_3690, %get3A_3691, %get3A_3692] {strides = array<i32>} : memref<2x26x32x16xf32, #tpu.memory_space<vmem>>, vector<16xf32>,
        %add3A_3694 = arith.addf %add3A_3685, %get3A_3693 : vector<16xf32>
        %mul3A_3695 = arith.mulf %get3A_3693, %get3A_3693 : vector<16xf32>
        %add3A_3696 = arith.addf %add3A_3687, %mul3A_3695 : vector<16xf32>
        %get3A_3697 = arith.constant 13 : i32
        %get3A_3698 = arith.index_cast %select_n3A_84 : i32 to index
        %get3A_3699 = arith.index_cast %get3A_3697 : i32 to index
        %get3A_3700 = arith.index_cast %add3A_3581 : i32 to index
        %get3A_3701 = arith.constant 0 : index
        %get3A_3702 = tpu.vector_load %arg10[%get3A_3698, %get3A_3699, %get3A_3700, %get3A_3701] {strides = array<i32>} : memref<2x26x32x16xf32, #tpu.memory_space<vmem>>, vector<16xf32>,
        %add3A_3703 = arith.addf %add3A_3694, %get3A_3702 : vector<16xf32>
        %mul3A_3704 = arith.mulf %get3A_3702, %get3A_3702 : vector<16xf32>
        %add3A_3705 = arith.addf %add3A_3696, %mul3A_3704 : vector<16xf32>
        %get3A_3706 = arith.constant 14 : i32
        %get3A_3707 = arith.index_cast %select_n3A_84 : i32 to index
        %get3A_3708 = arith.index_cast %get3A_3706 : i32 to index
        %get3A_3709 = arith.index_cast %add3A_3581 : i32 to index
        %get3A_3710 = arith.constant 0 : index
        %get3A_3711 = tpu.vector_load %arg10[%get3A_3707, %get3A_3708, %get3A_3709, %get3A_3710] {strides = array<i32>} : memref<2x26x32x16xf32, #tpu.memory_space<vmem>>, vector<16xf32>,
        %add3A_3712 = arith.addf %add3A_3703, %get3A_3711 : vector<16xf32>
        %mul3A_3713 = arith.mulf %get3A_3711, %get3A_3711 : vector<16xf32>
        %add3A_3714 = arith.addf %add3A_3705, %mul3A_3713 : vector<16xf32>
        %get3A_3715 = arith.constant 15 : i32
        %get3A_3716 = arith.index_cast %select_n3A_84 : i32 to index
        %get3A_3717 = arith.index_cast %get3A_3715 : i32 to index
        %get3A_3718 = arith.index_cast %add3A_3581 : i32 to index
        %get3A_3719 = arith.constant 0 : index
        %get3A_3720 = tpu.vector_load %arg10[%get3A_3716, %get3A_3717, %get3A_3718, %get3A_3719] {strides = array<i32>} : memref<2x26x32x16xf32, #tpu.memory_space<vmem>>, vector<16xf32>,
        %add3A_3721 = arith.addf %add3A_3712, %get3A_3720 : vector<16xf32>
        %mul3A_3722 = arith.mulf %get3A_3720, %get3A_3720 : vector<16xf32>
        %add3A_3723 = arith.addf %add3A_3714, %mul3A_3722 : vector<16xf32>
        %get3A_3724 = arith.constant 16 : i32
        %get3A_3725 = arith.index_cast %select_n3A_84 : i32 to index
        %get3A_3726 = arith.index_cast %get3A_3724 : i32 to index
        %get3A_3727 = arith.index_cast %add3A_3581 : i32 to index
        %get3A_3728 = arith.constant 0 : index
        %get3A_3729 = tpu.vector_load %arg10[%get3A_3725, %get3A_3726, %get3A_3727, %get3A_3728] {strides = array<i32>} : memref<2x26x32x16xf32, #tpu.memory_space<vmem>>, vector<16xf32>,
        %add3A_3730 = arith.addf %add3A_3721, %get3A_3729 : vector<16xf32>
        %mul3A_3731 = arith.mulf %get3A_3729, %get3A_3729 : vector<16xf32>
        %add3A_3732 = arith.addf %add3A_3723, %mul3A_3731 : vector<16xf32>
        %get3A_3733 = arith.constant 17 : i32
        %get3A_3734 = arith.index_cast %select_n3A_84 : i32 to index
        %get3A_3735 = arith.index_cast %get3A_3733 : i32 to index
        %get3A_3736 = arith.index_cast %add3A_3581 : i32 to index
        %get3A_3737 = arith.constant 0 : index
        %get3A_3738 = tpu.vector_load %arg10[%get3A_3734, %get3A_3735, %get3A_3736, %get3A_3737] {strides = array<i32>} : memref<2x26x32x16xf32, #tpu.memory_space<vmem>>, vector<16xf32>,
        %add3A_3739 = arith.addf %add3A_3730, %get3A_3738 : vector<16xf32>
        %mul3A_3740 = arith.mulf %get3A_3738, %get3A_3738 : vector<16xf32>
        %add3A_3741 = arith.addf %add3A_3732, %mul3A_3740 : vector<16xf32>
        %get3A_3742 = arith.constant 18 : i32
        %get3A_3743 = arith.index_cast %select_n3A_84 : i32 to index
        %get3A_3744 = arith.index_cast %get3A_3742 : i32 to index
        %get3A_3745 = arith.index_cast %add3A_3581 : i32 to index
        %get3A_3746 = arith.constant 0 : index
        %get3A_3747 = tpu.vector_load %arg10[%get3A_3743, %get3A_3744, %get3A_3745, %get3A_3746] {strides = array<i32>} : memref<2x26x32x16xf32, #tpu.memory_space<vmem>>, vector<16xf32>,
        %add3A_3748 = arith.addf %add3A_3739, %get3A_3747 : vector<16xf32>
        %mul3A_3749 = arith.mulf %get3A_3747, %get3A_3747 : vector<16xf32>
        %add3A_3750 = arith.addf %add3A_3741, %mul3A_3749 : vector<16xf32>
        %get3A_3751 = arith.constant 19 : i32
        %get3A_3752 = arith.index_cast %select_n3A_84 : i32 to index
        %get3A_3753 = arith.index_cast %get3A_3751 : i32 to index
        %get3A_3754 = arith.index_cast %add3A_3581 : i32 to index
        %get3A_3755 = arith.constant 0 : index
        %get3A_3756 = tpu.vector_load %arg10[%get3A_3752, %get3A_3753, %get3A_3754, %get3A_3755] {strides = array<i32>} : memref<2x26x32x16xf32, #tpu.memory_space<vmem>>, vector<16xf32>,
        %add3A_3757 = arith.addf %add3A_3748, %get3A_3756 : vector<16xf32>
        %mul3A_3758 = arith.mulf %get3A_3756, %get3A_3756 : vector<16xf32>
        %add3A_3759 = arith.addf %add3A_3750, %mul3A_3758 : vector<16xf32>
        %get3A_3760 = arith.constant 20 : i32
        %get3A_3761 = arith.index_cast %select_n3A_84 : i32 to index
        %get3A_3762 = arith.index_cast %get3A_3760 : i32 to index
        %get3A_3763 = arith.index_cast %add3A_3581 : i32 to index
        %get3A_3764 = arith.constant 0 : index
        %get3A_3765 = tpu.vector_load %arg10[%get3A_3761, %get3A_3762, %get3A_3763, %get3A_3764] {strides = array<i32>} : memref<2x26x32x16xf32, #tpu.memory_space<vmem>>, vector<16xf32>,
        %add3A_3766 = arith.addf %add3A_3757, %get3A_3765 : vector<16xf32>
        %mul3A_3767 = arith.mulf %get3A_3765, %get3A_3765 : vector<16xf32>
        %add3A_3768 = arith.addf %add3A_3759, %mul3A_3767 : vector<16xf32>
        %get3A_3769 = arith.constant 21 : i32
        %get3A_3770 = arith.index_cast %select_n3A_84 : i32 to index
        %get3A_3771 = arith.index_cast %get3A_3769 : i32 to index
        %get3A_3772 = arith.index_cast %add3A_3581 : i32 to index
        %get3A_3773 = arith.constant 0 : index
        %get3A_3774 = tpu.vector_load %arg10[%get3A_3770, %get3A_3771, %get3A_3772, %get3A_3773] {strides = array<i32>} : memref<2x26x32x16xf32, #tpu.memory_space<vmem>>, vector<16xf32>,
        %add3A_3775 = arith.addf %add3A_3766, %get3A_3774 : vector<16xf32>
        %mul3A_3776 = arith.mulf %get3A_3774, %get3A_3774 : vector<16xf32>
        %add3A_3777 = arith.addf %add3A_3768, %mul3A_3776 : vector<16xf32>
        %get3A_3778 = arith.constant 22 : i32
        %get3A_3779 = arith.index_cast %select_n3A_84 : i32 to index
        %get3A_3780 = arith.index_cast %get3A_3778 : i32 to index
        %get3A_3781 = arith.index_cast %add3A_3581 : i32 to index
        %get3A_3782 = arith.constant 0 : index
        %get3A_3783 = tpu.vector_load %arg10[%get3A_3779, %get3A_3780, %get3A_3781, %get3A_3782] {strides = array<i32>} : memref<2x26x32x16xf32, #tpu.memory_space<vmem>>, vector<16xf32>,
        %add3A_3784 = arith.addf %add3A_3775, %get3A_3783 : vector<16xf32>
        %mul3A_3785 = arith.mulf %get3A_3783, %get3A_3783 : vector<16xf32>
        %add3A_3786 = arith.addf %add3A_3777, %mul3A_3785 : vector<16xf32>
        %get3A_3787 = arith.constant 23 : i32
        %get3A_3788 = arith.index_cast %select_n3A_84 : i32 to index
        %get3A_3789 = arith.index_cast %get3A_3787 : i32 to index
        %get3A_3790 = arith.index_cast %add3A_3581 : i32 to index
        %get3A_3791 = arith.constant 0 : index
        %get3A_3792 = tpu.vector_load %arg10[%get3A_3788, %get3A_3789, %get3A_3790, %get3A_3791] {strides = array<i32>} : memref<2x26x32x16xf32, #tpu.memory_space<vmem>>, vector<16xf32>,
        %add3A_3793 = arith.addf %add3A_3784, %get3A_3792 : vector<16xf32>
        %mul3A_3794 = arith.mulf %get3A_3792, %get3A_3792 : vector<16xf32>
        %add3A_3795 = arith.addf %add3A_3786, %mul3A_3794 : vector<16xf32>
        %get3A_3796 = arith.constant 24 : i32
        %get3A_3797 = arith.index_cast %select_n3A_84 : i32 to index
        %get3A_3798 = arith.index_cast %get3A_3796 : i32 to index
        %get3A_3799 = arith.index_cast %add3A_3581 : i32 to index
        %get3A_3800 = arith.constant 0 : index
        %get3A_3801 = tpu.vector_load %arg10[%get3A_3797, %get3A_3798, %get3A_3799, %get3A_3800] {strides = array<i32>} : memref<2x26x32x16xf32, #tpu.memory_space<vmem>>, vector<16xf32>,
        %add3A_3802 = arith.addf %add3A_3793, %get3A_3801 : vector<16xf32>
        %mul3A_3803 = arith.mulf %get3A_3801, %get3A_3801 : vector<16xf32>
        %add3A_3804 = arith.addf %add3A_3795, %mul3A_3803 : vector<16xf32>
        %get3A_3805 = arith.constant 25 : i32
        %get3A_3806 = arith.index_cast %select_n3A_84 : i32 to index
        %get3A_3807 = arith.index_cast %get3A_3805 : i32 to index
        %get3A_3808 = arith.index_cast %add3A_3581 : i32 to index
        %get3A_3809 = arith.constant 0 : index
        %get3A_3810 = tpu.vector_load %arg10[%get3A_3806, %get3A_3807, %get3A_3808, %get3A_3809] {strides = array<i32>} : memref<2x26x32x16xf32, #tpu.memory_space<vmem>>, vector<16xf32>,
        %add3A_3811 = arith.addf %add3A_3802, %get3A_3810 : vector<16xf32>
        %mul3A_3812 = arith.mulf %get3A_3810, %get3A_3810 : vector<16xf32>
        %add3A_3813 = arith.addf %add3A_3804, %mul3A_3812 : vector<16xf32>
        %mul3A_3814 = arith.mulf %add3A_3811, %add3A_3811 : vector<16xf32>
        %sub3A_3815 = arith.subf %mul3A_3814, %add3A_3813 : vector<16xf32>
        %reduce_sum3A_3816 = arith.constant true
        %reduce_sum3A_3817 = vector.broadcast %reduce_sum3A_3816 : i1 to vector<16xi1>
        %reduce_sum3A_3818 = tpu.scan <sum>, %sub3A_3815 masked %reduce_sum3A_3817 : vector<16xf32>, vector<16xi1> -> vector<16xf32>
        %reduce_sum3A_3819 = vector.extract %reduce_sum3A_3818[15] : f32 from vector<16xf32>
        %mul3A_3820 = arith.constant 5.000000e-01 : f32
        %mul3A_3821 = arith.mulf %mul3A_3820, %reduce_sum3A_3819 : f32
        %eq3A_3822 = arith.constant 14 : i32
        %eq3A_3823 = vector.broadcast %eq3A_3822 : i32 to vector<16xi32>
        %eq3A_3824 = arith.cmpi eq, %iota3A, %eq3A_3823 : vector<16xi32>
        %broadcast_in_dim3A_3825 = vector.broadcast %mul3A_3821 : f32 to vector<16xf32>
        %select_n3A_3826 = arith.select %eq3A_3824, %broadcast_in_dim3A_3825, %select_n3A_3577 : vector<16xi1>, vector<16xf32>
        %mul3A_3827 = arith.constant 16 : i32
        %mul3A_3828 = arith.muli %scan3A_91, %mul3A_3827 : i32
        %add3A_3829 = arith.constant 15 : i32
        %add3A_3830 = arith.addi %mul3A_3828, %add3A_3829 : i32
        %get3A_3831 = arith.constant 0 : i32
        %get3A_3832 = arith.index_cast %select_n3A_84 : i32 to index
        %get3A_3833 = arith.index_cast %get3A_3831 : i32 to index
        %get3A_3834 = arith.index_cast %add3A_3830 : i32 to index
        %get3A_3835 = arith.constant 0 : index
        %get3A_3836 = tpu.vector_load %arg10[%get3A_3832, %get3A_3833, %get3A_3834, %get3A_3835] {strides = array<i32>} : memref<2x26x32x16xf32, #tpu.memory_space<vmem>>, vector<16xf32>,
        %mul3A_3837 = arith.mulf %get3A_3836, %get3A_3836 : vector<16xf32>
        %get3A_3838 = arith.constant 1 : i32
        %get3A_3839 = arith.index_cast %select_n3A_84 : i32 to index
        %get3A_3840 = arith.index_cast %get3A_3838 : i32 to index
        %get3A_3841 = arith.index_cast %add3A_3830 : i32 to index
        %get3A_3842 = arith.constant 0 : index
        %get3A_3843 = tpu.vector_load %arg10[%get3A_3839, %get3A_3840, %get3A_3841, %get3A_3842] {strides = array<i32>} : memref<2x26x32x16xf32, #tpu.memory_space<vmem>>, vector<16xf32>,
        %add3A_3844 = arith.addf %get3A_3836, %get3A_3843 : vector<16xf32>
        %mul3A_3845 = arith.mulf %get3A_3843, %get3A_3843 : vector<16xf32>
        %add3A_3846 = arith.addf %mul3A_3837, %mul3A_3845 : vector<16xf32>
        %get3A_3847 = arith.constant 2 : i32
        %get3A_3848 = arith.index_cast %select_n3A_84 : i32 to index
        %get3A_3849 = arith.index_cast %get3A_3847 : i32 to index
        %get3A_3850 = arith.index_cast %add3A_3830 : i32 to index
        %get3A_3851 = arith.constant 0 : index
        %get3A_3852 = tpu.vector_load %arg10[%get3A_3848, %get3A_3849, %get3A_3850, %get3A_3851] {strides = array<i32>} : memref<2x26x32x16xf32, #tpu.memory_space<vmem>>, vector<16xf32>,
        %add3A_3853 = arith.addf %add3A_3844, %get3A_3852 : vector<16xf32>
        %mul3A_3854 = arith.mulf %get3A_3852, %get3A_3852 : vector<16xf32>
        %add3A_3855 = arith.addf %add3A_3846, %mul3A_3854 : vector<16xf32>
        %get3A_3856 = arith.constant 3 : i32
        %get3A_3857 = arith.index_cast %select_n3A_84 : i32 to index
        %get3A_3858 = arith.index_cast %get3A_3856 : i32 to index
        %get3A_3859 = arith.index_cast %add3A_3830 : i32 to index
        %get3A_3860 = arith.constant 0 : index
        %get3A_3861 = tpu.vector_load %arg10[%get3A_3857, %get3A_3858, %get3A_3859, %get3A_3860] {strides = array<i32>} : memref<2x26x32x16xf32, #tpu.memory_space<vmem>>, vector<16xf32>,
        %add3A_3862 = arith.addf %add3A_3853, %get3A_3861 : vector<16xf32>
        %mul3A_3863 = arith.mulf %get3A_3861, %get3A_3861 : vector<16xf32>
        %add3A_3864 = arith.addf %add3A_3855, %mul3A_3863 : vector<16xf32>
        %get3A_3865 = arith.constant 4 : i32
        %get3A_3866 = arith.index_cast %select_n3A_84 : i32 to index
        %get3A_3867 = arith.index_cast %get3A_3865 : i32 to index
        %get3A_3868 = arith.index_cast %add3A_3830 : i32 to index
        %get3A_3869 = arith.constant 0 : index
        %get3A_3870 = tpu.vector_load %arg10[%get3A_3866, %get3A_3867, %get3A_3868, %get3A_3869] {strides = array<i32>} : memref<2x26x32x16xf32, #tpu.memory_space<vmem>>, vector<16xf32>,
        %add3A_3871 = arith.addf %add3A_3862, %get3A_3870 : vector<16xf32>
        %mul3A_3872 = arith.mulf %get3A_3870, %get3A_3870 : vector<16xf32>
        %add3A_3873 = arith.addf %add3A_3864, %mul3A_3872 : vector<16xf32>
        %get3A_3874 = arith.constant 5 : i32
        %get3A_3875 = arith.index_cast %select_n3A_84 : i32 to index
        %get3A_3876 = arith.index_cast %get3A_3874 : i32 to index
        %get3A_3877 = arith.index_cast %add3A_3830 : i32 to index
        %get3A_3878 = arith.constant 0 : index
        %get3A_3879 = tpu.vector_load %arg10[%get3A_3875, %get3A_3876, %get3A_3877, %get3A_3878] {strides = array<i32>} : memref<2x26x32x16xf32, #tpu.memory_space<vmem>>, vector<16xf32>,
        %add3A_3880 = arith.addf %add3A_3871, %get3A_3879 : vector<16xf32>
        %mul3A_3881 = arith.mulf %get3A_3879, %get3A_3879 : vector<16xf32>
        %add3A_3882 = arith.addf %add3A_3873, %mul3A_3881 : vector<16xf32>
        %get3A_3883 = arith.constant 6 : i32
        %get3A_3884 = arith.index_cast %select_n3A_84 : i32 to index
        %get3A_3885 = arith.index_cast %get3A_3883 : i32 to index
        %get3A_3886 = arith.index_cast %add3A_3830 : i32 to index
        %get3A_3887 = arith.constant 0 : index
        %get3A_3888 = tpu.vector_load %arg10[%get3A_3884, %get3A_3885, %get3A_3886, %get3A_3887] {strides = array<i32>} : memref<2x26x32x16xf32, #tpu.memory_space<vmem>>, vector<16xf32>,
        %add3A_3889 = arith.addf %add3A_3880, %get3A_3888 : vector<16xf32>
        %mul3A_3890 = arith.mulf %get3A_3888, %get3A_3888 : vector<16xf32>
        %add3A_3891 = arith.addf %add3A_3882, %mul3A_3890 : vector<16xf32>
        %get3A_3892 = arith.constant 7 : i32
        %get3A_3893 = arith.index_cast %select_n3A_84 : i32 to index
        %get3A_3894 = arith.index_cast %get3A_3892 : i32 to index
        %get3A_3895 = arith.index_cast %add3A_3830 : i32 to index
        %get3A_3896 = arith.constant 0 : index
        %get3A_3897 = tpu.vector_load %arg10[%get3A_3893, %get3A_3894, %get3A_3895, %get3A_3896] {strides = array<i32>} : memref<2x26x32x16xf32, #tpu.memory_space<vmem>>, vector<16xf32>,
        %add3A_3898 = arith.addf %add3A_3889, %get3A_3897 : vector<16xf32>
        %mul3A_3899 = arith.mulf %get3A_3897, %get3A_3897 : vector<16xf32>
        %add3A_3900 = arith.addf %add3A_3891, %mul3A_3899 : vector<16xf32>
        %get3A_3901 = arith.constant 8 : i32
        %get3A_3902 = arith.index_cast %select_n3A_84 : i32 to index
        %get3A_3903 = arith.index_cast %get3A_3901 : i32 to index
        %get3A_3904 = arith.index_cast %add3A_3830 : i32 to index
        %get3A_3905 = arith.constant 0 : index
        %get3A_3906 = tpu.vector_load %arg10[%get3A_3902, %get3A_3903, %get3A_3904, %get3A_3905] {strides = array<i32>} : memref<2x26x32x16xf32, #tpu.memory_space<vmem>>, vector<16xf32>,
        %add3A_3907 = arith.addf %add3A_3898, %get3A_3906 : vector<16xf32>
        %mul3A_3908 = arith.mulf %get3A_3906, %get3A_3906 : vector<16xf32>
        %add3A_3909 = arith.addf %add3A_3900, %mul3A_3908 : vector<16xf32>
        %get3A_3910 = arith.constant 9 : i32
        %get3A_3911 = arith.index_cast %select_n3A_84 : i32 to index
        %get3A_3912 = arith.index_cast %get3A_3910 : i32 to index
        %get3A_3913 = arith.index_cast %add3A_3830 : i32 to index
        %get3A_3914 = arith.constant 0 : index
        %get3A_3915 = tpu.vector_load %arg10[%get3A_3911, %get3A_3912, %get3A_3913, %get3A_3914] {strides = array<i32>} : memref<2x26x32x16xf32, #tpu.memory_space<vmem>>, vector<16xf32>,
        %add3A_3916 = arith.addf %add3A_3907, %get3A_3915 : vector<16xf32>
        %mul3A_3917 = arith.mulf %get3A_3915, %get3A_3915 : vector<16xf32>
        %add3A_3918 = arith.addf %add3A_3909, %mul3A_3917 : vector<16xf32>
        %get3A_3919 = arith.constant 10 : i32
        %get3A_3920 = arith.index_cast %select_n3A_84 : i32 to index
        %get3A_3921 = arith.index_cast %get3A_3919 : i32 to index
        %get3A_3922 = arith.index_cast %add3A_3830 : i32 to index
        %get3A_3923 = arith.constant 0 : index
        %get3A_3924 = tpu.vector_load %arg10[%get3A_3920, %get3A_3921, %get3A_3922, %get3A_3923] {strides = array<i32>} : memref<2x26x32x16xf32, #tpu.memory_space<vmem>>, vector<16xf32>,
        %add3A_3925 = arith.addf %add3A_3916, %get3A_3924 : vector<16xf32>
        %mul3A_3926 = arith.mulf %get3A_3924, %get3A_3924 : vector<16xf32>
        %add3A_3927 = arith.addf %add3A_3918, %mul3A_3926 : vector<16xf32>
        %get3A_3928 = arith.constant 11 : i32
        %get3A_3929 = arith.index_cast %select_n3A_84 : i32 to index
        %get3A_3930 = arith.index_cast %get3A_3928 : i32 to index
        %get3A_3931 = arith.index_cast %add3A_3830 : i32 to index
        %get3A_3932 = arith.constant 0 : index
        %get3A_3933 = tpu.vector_load %arg10[%get3A_3929, %get3A_3930, %get3A_3931, %get3A_3932] {strides = array<i32>} : memref<2x26x32x16xf32, #tpu.memory_space<vmem>>, vector<16xf32>,
        %add3A_3934 = arith.addf %add3A_3925, %get3A_3933 : vector<16xf32>
        %mul3A_3935 = arith.mulf %get3A_3933, %get3A_3933 : vector<16xf32>
        %add3A_3936 = arith.addf %add3A_3927, %mul3A_3935 : vector<16xf32>
        %get3A_3937 = arith.constant 12 : i32
        %get3A_3938 = arith.index_cast %select_n3A_84 : i32 to index
        %get3A_3939 = arith.index_cast %get3A_3937 : i32 to index
        %get3A_3940 = arith.index_cast %add3A_3830 : i32 to index
        %get3A_3941 = arith.constant 0 : index
        %get3A_3942 = tpu.vector_load %arg10[%get3A_3938, %get3A_3939, %get3A_3940, %get3A_3941] {strides = array<i32>} : memref<2x26x32x16xf32, #tpu.memory_space<vmem>>, vector<16xf32>,
        %add3A_3943 = arith.addf %add3A_3934, %get3A_3942 : vector<16xf32>
        %mul3A_3944 = arith.mulf %get3A_3942, %get3A_3942 : vector<16xf32>
        %add3A_3945 = arith.addf %add3A_3936, %mul3A_3944 : vector<16xf32>
        %get3A_3946 = arith.constant 13 : i32
        %get3A_3947 = arith.index_cast %select_n3A_84 : i32 to index
        %get3A_3948 = arith.index_cast %get3A_3946 : i32 to index
        %get3A_3949 = arith.index_cast %add3A_3830 : i32 to index
        %get3A_3950 = arith.constant 0 : index
        %get3A_3951 = tpu.vector_load %arg10[%get3A_3947, %get3A_3948, %get3A_3949, %get3A_3950] {strides = array<i32>} : memref<2x26x32x16xf32, #tpu.memory_space<vmem>>, vector<16xf32>,
        %add3A_3952 = arith.addf %add3A_3943, %get3A_3951 : vector<16xf32>
        %mul3A_3953 = arith.mulf %get3A_3951, %get3A_3951 : vector<16xf32>
        %add3A_3954 = arith.addf %add3A_3945, %mul3A_3953 : vector<16xf32>
        %get3A_3955 = arith.constant 14 : i32
        %get3A_3956 = arith.index_cast %select_n3A_84 : i32 to index
        %get3A_3957 = arith.index_cast %get3A_3955 : i32 to index
        %get3A_3958 = arith.index_cast %add3A_3830 : i32 to index
        %get3A_3959 = arith.constant 0 : index
        %get3A_3960 = tpu.vector_load %arg10[%get3A_3956, %get3A_3957, %get3A_3958, %get3A_3959] {strides = array<i32>} : memref<2x26x32x16xf32, #tpu.memory_space<vmem>>, vector<16xf32>,
        %add3A_3961 = arith.addf %add3A_3952, %get3A_3960 : vector<16xf32>
        %mul3A_3962 = arith.mulf %get3A_3960, %get3A_3960 : vector<16xf32>
        %add3A_3963 = arith.addf %add3A_3954, %mul3A_3962 : vector<16xf32>
        %get3A_3964 = arith.constant 15 : i32
        %get3A_3965 = arith.index_cast %select_n3A_84 : i32 to index
        %get3A_3966 = arith.index_cast %get3A_3964 : i32 to index
        %get3A_3967 = arith.index_cast %add3A_3830 : i32 to index
        %get3A_3968 = arith.constant 0 : index
        %get3A_3969 = tpu.vector_load %arg10[%get3A_3965, %get3A_3966, %get3A_3967, %get3A_3968] {strides = array<i32>} : memref<2x26x32x16xf32, #tpu.memory_space<vmem>>, vector<16xf32>,
        %add3A_3970 = arith.addf %add3A_3961, %get3A_3969 : vector<16xf32>
        %mul3A_3971 = arith.mulf %get3A_3969, %get3A_3969 : vector<16xf32>
        %add3A_3972 = arith.addf %add3A_3963, %mul3A_3971 : vector<16xf32>
        %get3A_3973 = arith.constant 16 : i32
        %get3A_3974 = arith.index_cast %select_n3A_84 : i32 to index
        %get3A_3975 = arith.index_cast %get3A_3973 : i32 to index
        %get3A_3976 = arith.index_cast %add3A_3830 : i32 to index
        %get3A_3977 = arith.constant 0 : index
        %get3A_3978 = tpu.vector_load %arg10[%get3A_3974, %get3A_3975, %get3A_3976, %get3A_3977] {strides = array<i32>} : memref<2x26x32x16xf32, #tpu.memory_space<vmem>>, vector<16xf32>,
        %add3A_3979 = arith.addf %add3A_3970, %get3A_3978 : vector<16xf32>
        %mul3A_3980 = arith.mulf %get3A_3978, %get3A_3978 : vector<16xf32>
        %add3A_3981 = arith.addf %add3A_3972, %mul3A_3980 : vector<16xf32>
        %get3A_3982 = arith.constant 17 : i32
        %get3A_3983 = arith.index_cast %select_n3A_84 : i32 to index
        %get3A_3984 = arith.index_cast %get3A_3982 : i32 to index
        %get3A_3985 = arith.index_cast %add3A_3830 : i32 to index
        %get3A_3986 = arith.constant 0 : index
        %get3A_3987 = tpu.vector_load %arg10[%get3A_3983, %get3A_3984, %get3A_3985, %get3A_3986] {strides = array<i32>} : memref<2x26x32x16xf32, #tpu.memory_space<vmem>>, vector<16xf32>,
        %add3A_3988 = arith.addf %add3A_3979, %get3A_3987 : vector<16xf32>
        %mul3A_3989 = arith.mulf %get3A_3987, %get3A_3987 : vector<16xf32>
        %add3A_3990 = arith.addf %add3A_3981, %mul3A_3989 : vector<16xf32>
        %get3A_3991 = arith.constant 18 : i32
        %get3A_3992 = arith.index_cast %select_n3A_84 : i32 to index
        %get3A_3993 = arith.index_cast %get3A_3991 : i32 to index
        %get3A_3994 = arith.index_cast %add3A_3830 : i32 to index
        %get3A_3995 = arith.constant 0 : index
        %get3A_3996 = tpu.vector_load %arg10[%get3A_3992, %get3A_3993, %get3A_3994, %get3A_3995] {strides = array<i32>} : memref<2x26x32x16xf32, #tpu.memory_space<vmem>>, vector<16xf32>,
        %add3A_3997 = arith.addf %add3A_3988, %get3A_3996 : vector<16xf32>
        %mul3A_3998 = arith.mulf %get3A_3996, %get3A_3996 : vector<16xf32>
        %add3A_3999 = arith.addf %add3A_3990, %mul3A_3998 : vector<16xf32>
        %get3A_4000 = arith.constant 19 : i32
        %get3A_4001 = arith.index_cast %select_n3A_84 : i32 to index
        %get3A_4002 = arith.index_cast %get3A_4000 : i32 to index
        %get3A_4003 = arith.index_cast %add3A_3830 : i32 to index
        %get3A_4004 = arith.constant 0 : index
        %get3A_4005 = tpu.vector_load %arg10[%get3A_4001, %get3A_4002, %get3A_4003, %get3A_4004] {strides = array<i32>} : memref<2x26x32x16xf32, #tpu.memory_space<vmem>>, vector<16xf32>,
        %add3A_4006 = arith.addf %add3A_3997, %get3A_4005 : vector<16xf32>
        %mul3A_4007 = arith.mulf %get3A_4005, %get3A_4005 : vector<16xf32>
        %add3A_4008 = arith.addf %add3A_3999, %mul3A_4007 : vector<16xf32>
        %get3A_4009 = arith.constant 20 : i32
        %get3A_4010 = arith.index_cast %select_n3A_84 : i32 to index
        %get3A_4011 = arith.index_cast %get3A_4009 : i32 to index
        %get3A_4012 = arith.index_cast %add3A_3830 : i32 to index
        %get3A_4013 = arith.constant 0 : index
        %get3A_4014 = tpu.vector_load %arg10[%get3A_4010, %get3A_4011, %get3A_4012, %get3A_4013] {strides = array<i32>} : memref<2x26x32x16xf32, #tpu.memory_space<vmem>>, vector<16xf32>,
        %add3A_4015 = arith.addf %add3A_4006, %get3A_4014 : vector<16xf32>
        %mul3A_4016 = arith.mulf %get3A_4014, %get3A_4014 : vector<16xf32>
        %add3A_4017 = arith.addf %add3A_4008, %mul3A_4016 : vector<16xf32>
        %get3A_4018 = arith.constant 21 : i32
        %get3A_4019 = arith.index_cast %select_n3A_84 : i32 to index
        %get3A_4020 = arith.index_cast %get3A_4018 : i32 to index
        %get3A_4021 = arith.index_cast %add3A_3830 : i32 to index
        %get3A_4022 = arith.constant 0 : index
        %get3A_4023 = tpu.vector_load %arg10[%get3A_4019, %get3A_4020, %get3A_4021, %get3A_4022] {strides = array<i32>} : memref<2x26x32x16xf32, #tpu.memory_space<vmem>>, vector<16xf32>,
        %add3A_4024 = arith.addf %add3A_4015, %get3A_4023 : vector<16xf32>
        %mul3A_4025 = arith.mulf %get3A_4023, %get3A_4023 : vector<16xf32>
        %add3A_4026 = arith.addf %add3A_4017, %mul3A_4025 : vector<16xf32>
        %get3A_4027 = arith.constant 22 : i32
        %get3A_4028 = arith.index_cast %select_n3A_84 : i32 to index
        %get3A_4029 = arith.index_cast %get3A_4027 : i32 to index
        %get3A_4030 = arith.index_cast %add3A_3830 : i32 to index
        %get3A_4031 = arith.constant 0 : index
        %get3A_4032 = tpu.vector_load %arg10[%get3A_4028, %get3A_4029, %get3A_4030, %get3A_4031] {strides = array<i32>} : memref<2x26x32x16xf32, #tpu.memory_space<vmem>>, vector<16xf32>,
        %add3A_4033 = arith.addf %add3A_4024, %get3A_4032 : vector<16xf32>
        %mul3A_4034 = arith.mulf %get3A_4032, %get3A_4032 : vector<16xf32>
        %add3A_4035 = arith.addf %add3A_4026, %mul3A_4034 : vector<16xf32>
        %get3A_4036 = arith.constant 23 : i32
        %get3A_4037 = arith.index_cast %select_n3A_84 : i32 to index
        %get3A_4038 = arith.index_cast %get3A_4036 : i32 to index
        %get3A_4039 = arith.index_cast %add3A_3830 : i32 to index
        %get3A_4040 = arith.constant 0 : index
        %get3A_4041 = tpu.vector_load %arg10[%get3A_4037, %get3A_4038, %get3A_4039, %get3A_4040] {strides = array<i32>} : memref<2x26x32x16xf32, #tpu.memory_space<vmem>>, vector<16xf32>,
        %add3A_4042 = arith.addf %add3A_4033, %get3A_4041 : vector<16xf32>
        %mul3A_4043 = arith.mulf %get3A_4041, %get3A_4041 : vector<16xf32>
        %add3A_4044 = arith.addf %add3A_4035, %mul3A_4043 : vector<16xf32>
        %get3A_4045 = arith.constant 24 : i32
        %get3A_4046 = arith.index_cast %select_n3A_84 : i32 to index
        %get3A_4047 = arith.index_cast %get3A_4045 : i32 to index
        %get3A_4048 = arith.index_cast %add3A_3830 : i32 to index
        %get3A_4049 = arith.constant 0 : index
        %get3A_4050 = tpu.vector_load %arg10[%get3A_4046, %get3A_4047, %get3A_4048, %get3A_4049] {strides = array<i32>} : memref<2x26x32x16xf32, #tpu.memory_space<vmem>>, vector<16xf32>,
        %add3A_4051 = arith.addf %add3A_4042, %get3A_4050 : vector<16xf32>
        %mul3A_4052 = arith.mulf %get3A_4050, %get3A_4050 : vector<16xf32>
        %add3A_4053 = arith.addf %add3A_4044, %mul3A_4052 : vector<16xf32>
        %get3A_4054 = arith.constant 25 : i32
        %get3A_4055 = arith.index_cast %select_n3A_84 : i32 to index
        %get3A_4056 = arith.index_cast %get3A_4054 : i32 to index
        %get3A_4057 = arith.index_cast %add3A_3830 : i32 to index
        %get3A_4058 = arith.constant 0 : index
        %get3A_4059 = tpu.vector_load %arg10[%get3A_4055, %get3A_4056, %get3A_4057, %get3A_4058] {strides = array<i32>} : memref<2x26x32x16xf32, #tpu.memory_space<vmem>>, vector<16xf32>,
        %add3A_4060 = arith.addf %add3A_4051, %get3A_4059 : vector<16xf32>
        %mul3A_4061 = arith.mulf %get3A_4059, %get3A_4059 : vector<16xf32>
        %add3A_4062 = arith.addf %add3A_4053, %mul3A_4061 : vector<16xf32>
        %mul3A_4063 = arith.mulf %add3A_4060, %add3A_4060 : vector<16xf32>
        %sub3A_4064 = arith.subf %mul3A_4063, %add3A_4062 : vector<16xf32>
        %reduce_sum3A_4065 = arith.constant true
        %reduce_sum3A_4066 = vector.broadcast %reduce_sum3A_4065 : i1 to vector<16xi1>
        %reduce_sum3A_4067 = tpu.scan <sum>, %sub3A_4064 masked %reduce_sum3A_4066 : vector<16xf32>, vector<16xi1> -> vector<16xf32>
        %reduce_sum3A_4068 = vector.extract %reduce_sum3A_4067[15] : f32 from vector<16xf32>
        %mul3A_4069 = arith.constant 5.000000e-01 : f32
        %mul3A_4070 = arith.mulf %mul3A_4069, %reduce_sum3A_4068 : f32
        %eq3A_4071 = arith.constant 15 : i32
        %eq3A_4072 = vector.broadcast %eq3A_4071 : i32 to vector<16xi32>
        %eq3A_4073 = arith.cmpi eq, %iota3A, %eq3A_4072 : vector<16xi32>
        %broadcast_in_dim3A_4074 = vector.broadcast %mul3A_4070 : f32 to vector<16xf32>
        %select_n3A_4075 = arith.select %eq3A_4073, %broadcast_in_dim3A_4074, %select_n3A_3826 : vector<16xi1>, vector<16xf32>
        %mul3A_4076 = arith.constant 16 : i32
        %mul3A_4077 = arith.muli %scan3A_91, %mul3A_4076 : i32
        %get3A_4078 = arith.constant 0 : i32
        %get3A_4079 = arith.index_cast %select_n3A_84 : i32 to index
        %get3A_4080 = arith.index_cast %get3A_4078 : i32 to index
        %get3A_4081 = arith.index_cast %mul3A_4077 : i32 to index
        %get3A_4082 = tpu.vector_load %arg11[%get3A_4079, %get3A_4080, %get3A_4081] {strides = array<i32>} : memref<2x26x32xf32, #tpu.memory_space<vmem>>, vector<16xf32>,
        %get3A_4083 = arith.constant 1 : i32
        %get3A_4084 = arith.index_cast %select_n3A_84 : i32 to index
        %get3A_4085 = arith.index_cast %get3A_4083 : i32 to index
        %get3A_4086 = arith.index_cast %mul3A_4077 : i32 to index
        %get3A_4087 = tpu.vector_load %arg11[%get3A_4084, %get3A_4085, %get3A_4086] {strides = array<i32>} : memref<2x26x32xf32, #tpu.memory_space<vmem>>, vector<16xf32>,
        %add3A_4088 = arith.addf %get3A_4082, %get3A_4087 : vector<16xf32>
        %get3A_4089 = arith.constant 2 : i32
        %get3A_4090 = arith.index_cast %select_n3A_84 : i32 to index
        %get3A_4091 = arith.index_cast %get3A_4089 : i32 to index
        %get3A_4092 = arith.index_cast %mul3A_4077 : i32 to index
        %get3A_4093 = tpu.vector_load %arg11[%get3A_4090, %get3A_4091, %get3A_4092] {strides = array<i32>} : memref<2x26x32xf32, #tpu.memory_space<vmem>>, vector<16xf32>,
        %add3A_4094 = arith.addf %add3A_4088, %get3A_4093 : vector<16xf32>
        %get3A_4095 = arith.constant 3 : i32
        %get3A_4096 = arith.index_cast %select_n3A_84 : i32 to index
        %get3A_4097 = arith.index_cast %get3A_4095 : i32 to index
        %get3A_4098 = arith.index_cast %mul3A_4077 : i32 to index
        %get3A_4099 = tpu.vector_load %arg11[%get3A_4096, %get3A_4097, %get3A_4098] {strides = array<i32>} : memref<2x26x32xf32, #tpu.memory_space<vmem>>, vector<16xf32>,
        %add3A_4100 = arith.addf %add3A_4094, %get3A_4099 : vector<16xf32>
        %get3A_4101 = arith.constant 4 : i32
        %get3A_4102 = arith.index_cast %select_n3A_84 : i32 to index
        %get3A_4103 = arith.index_cast %get3A_4101 : i32 to index
        %get3A_4104 = arith.index_cast %mul3A_4077 : i32 to index
        %get3A_4105 = tpu.vector_load %arg11[%get3A_4102, %get3A_4103, %get3A_4104] {strides = array<i32>} : memref<2x26x32xf32, #tpu.memory_space<vmem>>, vector<16xf32>,
        %add3A_4106 = arith.addf %add3A_4100, %get3A_4105 : vector<16xf32>
        %get3A_4107 = arith.constant 5 : i32
        %get3A_4108 = arith.index_cast %select_n3A_84 : i32 to index
        %get3A_4109 = arith.index_cast %get3A_4107 : i32 to index
        %get3A_4110 = arith.index_cast %mul3A_4077 : i32 to index
        %get3A_4111 = tpu.vector_load %arg11[%get3A_4108, %get3A_4109, %get3A_4110] {strides = array<i32>} : memref<2x26x32xf32, #tpu.memory_space<vmem>>, vector<16xf32>,
        %add3A_4112 = arith.addf %add3A_4106, %get3A_4111 : vector<16xf32>
        %get3A_4113 = arith.constant 6 : i32
        %get3A_4114 = arith.index_cast %select_n3A_84 : i32 to index
        %get3A_4115 = arith.index_cast %get3A_4113 : i32 to index
        %get3A_4116 = arith.index_cast %mul3A_4077 : i32 to index
        %get3A_4117 = tpu.vector_load %arg11[%get3A_4114, %get3A_4115, %get3A_4116] {strides = array<i32>} : memref<2x26x32xf32, #tpu.memory_space<vmem>>, vector<16xf32>,
        %add3A_4118 = arith.addf %add3A_4112, %get3A_4117 : vector<16xf32>
        %get3A_4119 = arith.constant 7 : i32
        %get3A_4120 = arith.index_cast %select_n3A_84 : i32 to index
        %get3A_4121 = arith.index_cast %get3A_4119 : i32 to index
        %get3A_4122 = arith.index_cast %mul3A_4077 : i32 to index
        %get3A_4123 = tpu.vector_load %arg11[%get3A_4120, %get3A_4121, %get3A_4122] {strides = array<i32>} : memref<2x26x32xf32, #tpu.memory_space<vmem>>, vector<16xf32>,
        %add3A_4124 = arith.addf %add3A_4118, %get3A_4123 : vector<16xf32>
        %get3A_4125 = arith.constant 8 : i32
        %get3A_4126 = arith.index_cast %select_n3A_84 : i32 to index
        %get3A_4127 = arith.index_cast %get3A_4125 : i32 to index
        %get3A_4128 = arith.index_cast %mul3A_4077 : i32 to index
        %get3A_4129 = tpu.vector_load %arg11[%get3A_4126, %get3A_4127, %get3A_4128] {strides = array<i32>} : memref<2x26x32xf32, #tpu.memory_space<vmem>>, vector<16xf32>,
        %add3A_4130 = arith.addf %add3A_4124, %get3A_4129 : vector<16xf32>
        %get3A_4131 = arith.constant 9 : i32
        %get3A_4132 = arith.index_cast %select_n3A_84 : i32 to index
        %get3A_4133 = arith.index_cast %get3A_4131 : i32 to index
        %get3A_4134 = arith.index_cast %mul3A_4077 : i32 to index
        %get3A_4135 = tpu.vector_load %arg11[%get3A_4132, %get3A_4133, %get3A_4134] {strides = array<i32>} : memref<2x26x32xf32, #tpu.memory_space<vmem>>, vector<16xf32>,
        %add3A_4136 = arith.addf %add3A_4130, %get3A_4135 : vector<16xf32>
        %get3A_4137 = arith.constant 10 : i32
        %get3A_4138 = arith.index_cast %select_n3A_84 : i32 to index
        %get3A_4139 = arith.index_cast %get3A_4137 : i32 to index
        %get3A_4140 = arith.index_cast %mul3A_4077 : i32 to index
        %get3A_4141 = tpu.vector_load %arg11[%get3A_4138, %get3A_4139, %get3A_4140] {strides = array<i32>} : memref<2x26x32xf32, #tpu.memory_space<vmem>>, vector<16xf32>,
        %add3A_4142 = arith.addf %add3A_4136, %get3A_4141 : vector<16xf32>
        %get3A_4143 = arith.constant 11 : i32
        %get3A_4144 = arith.index_cast %select_n3A_84 : i32 to index
        %get3A_4145 = arith.index_cast %get3A_4143 : i32 to index
        %get3A_4146 = arith.index_cast %mul3A_4077 : i32 to index
        %get3A_4147 = tpu.vector_load %arg11[%get3A_4144, %get3A_4145, %get3A_4146] {strides = array<i32>} : memref<2x26x32xf32, #tpu.memory_space<vmem>>, vector<16xf32>,
        %add3A_4148 = arith.addf %add3A_4142, %get3A_4147 : vector<16xf32>
        %get3A_4149 = arith.constant 12 : i32
        %get3A_4150 = arith.index_cast %select_n3A_84 : i32 to index
        %get3A_4151 = arith.index_cast %get3A_4149 : i32 to index
        %get3A_4152 = arith.index_cast %mul3A_4077 : i32 to index
        %get3A_4153 = tpu.vector_load %arg11[%get3A_4150, %get3A_4151, %get3A_4152] {strides = array<i32>} : memref<2x26x32xf32, #tpu.memory_space<vmem>>, vector<16xf32>,
        %add3A_4154 = arith.addf %add3A_4148, %get3A_4153 : vector<16xf32>
        %get3A_4155 = arith.constant 13 : i32
        %get3A_4156 = arith.index_cast %select_n3A_84 : i32 to index
        %get3A_4157 = arith.index_cast %get3A_4155 : i32 to index
        %get3A_4158 = arith.index_cast %mul3A_4077 : i32 to index
        %get3A_4159 = tpu.vector_load %arg11[%get3A_4156, %get3A_4157, %get3A_4158] {strides = array<i32>} : memref<2x26x32xf32, #tpu.memory_space<vmem>>, vector<16xf32>,
        %add3A_4160 = arith.addf %add3A_4154, %get3A_4159 : vector<16xf32>
        %get3A_4161 = arith.constant 14 : i32
        %get3A_4162 = arith.index_cast %select_n3A_84 : i32 to index
        %get3A_4163 = arith.index_cast %get3A_4161 : i32 to index
        %get3A_4164 = arith.index_cast %mul3A_4077 : i32 to index
        %get3A_4165 = tpu.vector_load %arg11[%get3A_4162, %get3A_4163, %get3A_4164] {strides = array<i32>} : memref<2x26x32xf32, #tpu.memory_space<vmem>>, vector<16xf32>,
        %add3A_4166 = arith.addf %add3A_4160, %get3A_4165 : vector<16xf32>
        %get3A_4167 = arith.constant 15 : i32
        %get3A_4168 = arith.index_cast %select_n3A_84 : i32 to index
        %get3A_4169 = arith.index_cast %get3A_4167 : i32 to index
        %get3A_4170 = arith.index_cast %mul3A_4077 : i32 to index
        %get3A_4171 = tpu.vector_load %arg11[%get3A_4168, %get3A_4169, %get3A_4170] {strides = array<i32>} : memref<2x26x32xf32, #tpu.memory_space<vmem>>, vector<16xf32>,
        %add3A_4172 = arith.addf %add3A_4166, %get3A_4171 : vector<16xf32>
        %get3A_4173 = arith.constant 16 : i32
        %get3A_4174 = arith.index_cast %select_n3A_84 : i32 to index
        %get3A_4175 = arith.index_cast %get3A_4173 : i32 to index
        %get3A_4176 = arith.index_cast %mul3A_4077 : i32 to index
        %get3A_4177 = tpu.vector_load %arg11[%get3A_4174, %get3A_4175, %get3A_4176] {strides = array<i32>} : memref<2x26x32xf32, #tpu.memory_space<vmem>>, vector<16xf32>,
        %add3A_4178 = arith.addf %add3A_4172, %get3A_4177 : vector<16xf32>
        %get3A_4179 = arith.constant 17 : i32
        %get3A_4180 = arith.index_cast %select_n3A_84 : i32 to index
        %get3A_4181 = arith.index_cast %get3A_4179 : i32 to index
        %get3A_4182 = arith.index_cast %mul3A_4077 : i32 to index
        %get3A_4183 = tpu.vector_load %arg11[%get3A_4180, %get3A_4181, %get3A_4182] {strides = array<i32>} : memref<2x26x32xf32, #tpu.memory_space<vmem>>, vector<16xf32>,
        %add3A_4184 = arith.addf %add3A_4178, %get3A_4183 : vector<16xf32>
        %get3A_4185 = arith.constant 18 : i32
        %get3A_4186 = arith.index_cast %select_n3A_84 : i32 to index
        %get3A_4187 = arith.index_cast %get3A_4185 : i32 to index
        %get3A_4188 = arith.index_cast %mul3A_4077 : i32 to index
        %get3A_4189 = tpu.vector_load %arg11[%get3A_4186, %get3A_4187, %get3A_4188] {strides = array<i32>} : memref<2x26x32xf32, #tpu.memory_space<vmem>>, vector<16xf32>,
        %add3A_4190 = arith.addf %add3A_4184, %get3A_4189 : vector<16xf32>
        %get3A_4191 = arith.constant 19 : i32
        %get3A_4192 = arith.index_cast %select_n3A_84 : i32 to index
        %get3A_4193 = arith.index_cast %get3A_4191 : i32 to index
        %get3A_4194 = arith.index_cast %mul3A_4077 : i32 to index
        %get3A_4195 = tpu.vector_load %arg11[%get3A_4192, %get3A_4193, %get3A_4194] {strides = array<i32>} : memref<2x26x32xf32, #tpu.memory_space<vmem>>, vector<16xf32>,
        %add3A_4196 = arith.addf %add3A_4190, %get3A_4195 : vector<16xf32>
        %get3A_4197 = arith.constant 20 : i32
        %get3A_4198 = arith.index_cast %select_n3A_84 : i32 to index
        %get3A_4199 = arith.index_cast %get3A_4197 : i32 to index
        %get3A_4200 = arith.index_cast %mul3A_4077 : i32 to index
        %get3A_4201 = tpu.vector_load %arg11[%get3A_4198, %get3A_4199, %get3A_4200] {strides = array<i32>} : memref<2x26x32xf32, #tpu.memory_space<vmem>>, vector<16xf32>,
        %add3A_4202 = arith.addf %add3A_4196, %get3A_4201 : vector<16xf32>
        %get3A_4203 = arith.constant 21 : i32
        %get3A_4204 = arith.index_cast %select_n3A_84 : i32 to index
        %get3A_4205 = arith.index_cast %get3A_4203 : i32 to index
        %get3A_4206 = arith.index_cast %mul3A_4077 : i32 to index
        %get3A_4207 = tpu.vector_load %arg11[%get3A_4204, %get3A_4205, %get3A_4206] {strides = array<i32>} : memref<2x26x32xf32, #tpu.memory_space<vmem>>, vector<16xf32>,
        %add3A_4208 = arith.addf %add3A_4202, %get3A_4207 : vector<16xf32>
        %get3A_4209 = arith.constant 22 : i32
        %get3A_4210 = arith.index_cast %select_n3A_84 : i32 to index
        %get3A_4211 = arith.index_cast %get3A_4209 : i32 to index
        %get3A_4212 = arith.index_cast %mul3A_4077 : i32 to index
        %get3A_4213 = tpu.vector_load %arg11[%get3A_4210, %get3A_4211, %get3A_4212] {strides = array<i32>} : memref<2x26x32xf32, #tpu.memory_space<vmem>>, vector<16xf32>,
        %add3A_4214 = arith.addf %add3A_4208, %get3A_4213 : vector<16xf32>
        %get3A_4215 = arith.constant 23 : i32
        %get3A_4216 = arith.index_cast %select_n3A_84 : i32 to index
        %get3A_4217 = arith.index_cast %get3A_4215 : i32 to index
        %get3A_4218 = arith.index_cast %mul3A_4077 : i32 to index
        %get3A_4219 = tpu.vector_load %arg11[%get3A_4216, %get3A_4217, %get3A_4218] {strides = array<i32>} : memref<2x26x32xf32, #tpu.memory_space<vmem>>, vector<16xf32>,
        %add3A_4220 = arith.addf %add3A_4214, %get3A_4219 : vector<16xf32>
        %get3A_4221 = arith.constant 24 : i32
        %get3A_4222 = arith.index_cast %select_n3A_84 : i32 to index
        %get3A_4223 = arith.index_cast %get3A_4221 : i32 to index
        %get3A_4224 = arith.index_cast %mul3A_4077 : i32 to index
        %get3A_4225 = tpu.vector_load %arg11[%get3A_4222, %get3A_4223, %get3A_4224] {strides = array<i32>} : memref<2x26x32xf32, #tpu.memory_space<vmem>>, vector<16xf32>,
        %add3A_4226 = arith.addf %add3A_4220, %get3A_4225 : vector<16xf32>
        %get3A_4227 = arith.constant 25 : i32
        %get3A_4228 = arith.index_cast %select_n3A_84 : i32 to index
        %get3A_4229 = arith.index_cast %get3A_4227 : i32 to index
        %get3A_4230 = arith.index_cast %mul3A_4077 : i32 to index
        %get3A_4231 = tpu.vector_load %arg11[%get3A_4228, %get3A_4229, %get3A_4230] {strides = array<i32>} : memref<2x26x32xf32, #tpu.memory_space<vmem>>, vector<16xf32>,
        %add3A_4232 = arith.addf %add3A_4226, %get3A_4231 : vector<16xf32>
        %add3A_4233 = arith.addf %add3A_4232, %select_n3A_4075 : vector<16xf32>
        %add3A_4234 = arith.addf %add3A_4233, %get3A_39 : vector<16xf32>
        %neg3A = arith.constant 0.000000e+00 : f32
        %neg3A_4235 = vector.broadcast %neg3A : f32 to vector<16xf32>
        %neg3A_4236 = arith.subf %neg3A_4235, %add3A_4234 : vector<16xf32>
        %exp3A = math.exp %neg3A_4236 : vector<16xf32>
        %add3A_4237 = arith.constant 1.000000e+00 : f32
        %add3A_4238 = vector.broadcast %add3A_4237 : f32 to vector<16xf32>
        %add3A_4239 = arith.addf %add3A_4238, %exp3A : vector<16xf32>
        %div3A_4240 = arith.constant 1.000000e+00 : f32
        %div3A_4241 = vector.broadcast %div3A_4240 : f32 to vector<16xf32>
        %div3A_4242 = arith.divf %div3A_4241, %add3A_4239 : vector<16xf32>
        %mul3A_4243 = arith.constant 32 : i32
        %mul3A_4244 = arith.muli %scan3A_57, %mul3A_4243 : i32
        %mul3A_4245 = arith.constant 16 : i32
        %mul3A_4246 = arith.muli %scan3A_91, %mul3A_4245 : i32
        %add3A_4247 = arith.addi %mul3A_4244, %mul3A_4246 : i32
        %swap3A = arith.index_cast %add3A_4247 : i32 to index
        %swap3A_4248 = tpu.vector_load %arg12[%swap3A] {strides = array<i32>} : memref<512xf32, #tpu.memory_space<vmem>>, vector<16xf32>,
        tpu.vector_store %arg12[%swap3A], %div3A_4242 {strides = array<i32>} : memref<512xf32, #tpu.memory_space<vmem>>, vector<16xf32>,
      }
      %scan3A_90 = arith.constant 2 : i32
    }
    %scan3A_56 = arith.constant 16 : i32
    "tpu.region"() ({
      %run_scoped3A = tpu.sem_alloc : memref<!tpu.dma_semaphore, #tpu.memory_space<semaphore_mem>>
      %dma_start3A = tpu.memref_slice %arg6[%mul3A_2] : memref<16384xf32, #tpu.memory_space<hbm>> -> memref<512xf32, #tpu.memory_space<hbm>>
      %dma_start3A_57 = tpu.memref_slice %arg6[%mul3A_2] : memref<16384xf32, #tpu.memory_space<hbm>> -> memref<512xf32, #tpu.memory_space<hbm>>
      tpu.enqueue_dma source(%arg12 : memref<512xf32, #tpu.memory_space<vmem>>) target(%dma_start3A_57 : memref<512xf32, #tpu.memory_space<hbm>>) target_semaphore(%run_scoped3A : memref<!tpu.dma_semaphore, #tpu.memory_space<semaphore_mem>>)
      %dma_wait3A = tpu.memref_slice %arg6[%mul3A_2] : memref<16384xf32, #tpu.memory_space<hbm>> -> memref<512xf32, #tpu.memory_space<hbm>>
      %dma_wait3A_58 = tpu.memref_slice %arg6[%mul3A_2] : memref<16384xf32, #tpu.memory_space<hbm>> -> memref<512xf32, #tpu.memory_space<hbm>>
      tpu.wait_dma2 semaphore(%run_scoped3A : memref<!tpu.dma_semaphore, #tpu.memory_space<semaphore_mem>>) src(%arg12 : memref<512xf32, #tpu.memory_space<vmem>>) dst(%dma_wait3A_58 : memref<512xf32, #tpu.memory_space<hbm>>)
      tpu.yield
    }) : () -> ()
    return
  }
}

module attributes {stable_mosaic.version = 14 : i64} {
  func.func @_relayout_body(%arg0: i32, %arg1: memref<16x4096xf32, #tpu.memory_space<vmem>>, %arg2: memref<16x4096xf32, #tpu.memory_space<vmem>>, %arg3: memref<16x4096xf32, #tpu.memory_space<vmem>>, %arg4: memref<16x4096xf32, #tpu.memory_space<vmem>>, %arg5: memref<16x4096xf32, #tpu.memory_space<vmem>>, %arg6: memref<16x4096xf32, #tpu.memory_space<vmem>>, %arg7: memref<16x4096xf32, #tpu.memory_space<vmem>>, %arg8: memref<16x4096xf32, #tpu.memory_space<vmem>>, %arg9: memref<1x32768xf32, #tpu.memory_space<vmem>>, %arg10: memref<128x26xi32, #tpu.memory_space<vmem>>, %arg11: memref<128x26xi32, #tpu.memory_space<vmem>>, %arg12: memref<128x26xi32, #tpu.memory_space<vmem>>, %arg13: memref<128x26xi32, #tpu.memory_space<vmem>>, %arg14: memref<4096x128xf32, #tpu.memory_space<vmem>>, %arg15: memref<32768xf32, #tpu.memory_space<vmem>>, %arg16: memref<128x128xi32, #tpu.memory_space<vmem>>) attributes {dimension_semantics = [#tpu.dimension_semantics<arbitrary>], iteration_bounds = array<i64: 32>, scalar_prefetch = 0 : i64, scratch_operands = 0 : i64, tpu.core_type = #tpu.core_type<tc>, window_params = [{transform_indices = @transform_0, window_bounds = array<i64: 16, 4096>}, {transform_indices = @transform_1, window_bounds = array<i64: 16, 4096>}, {transform_indices = @transform_2, window_bounds = array<i64: 16, 4096>}, {transform_indices = @transform_3, window_bounds = array<i64: 16, 4096>}, {transform_indices = @transform_4, window_bounds = array<i64: 16, 4096>}, {transform_indices = @transform_5, window_bounds = array<i64: 16, 4096>}, {transform_indices = @transform_6, window_bounds = array<i64: 16, 4096>}, {transform_indices = @transform_7, window_bounds = array<i64: 16, 4096>}, {transform_indices = @transform_8, window_bounds = array<i64: 1, 32768>}, {transform_indices = @transform_9, window_bounds = array<i64: 128, 26>}, {transform_indices = @transform_10, window_bounds = array<i64: 128, 26>}, {transform_indices = @transform_11, window_bounds = array<i64: 128, 26>}, {transform_indices = @transform_12, window_bounds = array<i64: 128, 26>}, {transform_indices = @transform_13, window_bounds = array<i64: 4096, 128>}, {transform_indices = @transform_14, window_bounds = array<i64: 32768>}, {transform_indices = @transform_15, window_bounds = array<i64: 128, 128>}]} {
    %get3A = arith.constant 0 : index
    %get3A_0 = arith.constant 0 : index
    %get3A_1 = vector.load %arg1[%get3A, %get3A_0] : memref<16x4096xf32, #tpu.memory_space<vmem>>, vector<16x4096xf32>
    %get3A_2 = arith.constant 0 : index
    %get3A_3 = arith.constant 0 : index
    %get3A_4 = vector.load %arg2[%get3A_2, %get3A_3] : memref<16x4096xf32, #tpu.memory_space<vmem>>, vector<16x4096xf32>
    %get3A_5 = arith.constant 0 : index
    %get3A_6 = arith.constant 0 : index
    %get3A_7 = vector.load %arg3[%get3A_5, %get3A_6] : memref<16x4096xf32, #tpu.memory_space<vmem>>, vector<16x4096xf32>
    %get3A_8 = arith.constant 0 : index
    %get3A_9 = arith.constant 0 : index
    %get3A_10 = vector.load %arg4[%get3A_8, %get3A_9] : memref<16x4096xf32, #tpu.memory_space<vmem>>, vector<16x4096xf32>
    %get3A_11 = arith.constant 0 : index
    %get3A_12 = arith.constant 0 : index
    %get3A_13 = vector.load %arg5[%get3A_11, %get3A_12] : memref<16x4096xf32, #tpu.memory_space<vmem>>, vector<16x4096xf32>
    %get3A_14 = arith.constant 0 : index
    %get3A_15 = arith.constant 0 : index
    %get3A_16 = vector.load %arg6[%get3A_14, %get3A_15] : memref<16x4096xf32, #tpu.memory_space<vmem>>, vector<16x4096xf32>
    %get3A_17 = arith.constant 0 : index
    %get3A_18 = arith.constant 0 : index
    %get3A_19 = vector.load %arg7[%get3A_17, %get3A_18] : memref<16x4096xf32, #tpu.memory_space<vmem>>, vector<16x4096xf32>
    %get3A_20 = arith.constant 0 : index
    %get3A_21 = arith.constant 0 : index
    %get3A_22 = vector.load %arg8[%get3A_20, %get3A_21] : memref<16x4096xf32, #tpu.memory_space<vmem>>, vector<16x4096xf32>
    %concatenate3A = tpu.concatenate %get3A_1, %get3A_4, %get3A_7, %get3A_10, %get3A_13, %get3A_16, %get3A_19, %get3A_22 in 0 : vector<16x4096xf32>, vector<16x4096xf32>, vector<16x4096xf32>, vector<16x4096xf32>, vector<16x4096xf32>, vector<16x4096xf32>, vector<16x4096xf32>, vector<16x4096xf32> -> vector<128x4096xf32>
    %transpose3A = tpu.transpose %concatenate3A, [1, 0] : vector<128x4096xf32> -> vector<4096x128xf32>
    %swap3A = arith.constant 0 : index
    %swap3A_23 = arith.constant 0 : index
    %swap3A_24 = vector.load %arg14[%swap3A, %swap3A_23] : memref<4096x128xf32, #tpu.memory_space<vmem>>, vector<4096x128xf32>
    tpu.vector_store %arg14[%swap3A, %swap3A_23], %transpose3A {strides = array<i32>} : memref<4096x128xf32, #tpu.memory_space<vmem>>, vector<4096x128xf32>,
    %get3A_25 = arith.constant 0 : index
    %get3A_26 = arith.constant 0 : index
    %get3A_27 = vector.load %arg9[%get3A_25, %get3A_26] : memref<1x32768xf32, #tpu.memory_space<vmem>>, vector<1x32768xf32>
    %get3A_28 = vector.shape_cast %get3A_27 : vector<1x32768xf32> to vector<32768xf32>
    %swap3A_29 = arith.constant 0 : index
    %swap3A_30 = vector.load %arg15[%swap3A_29] : memref<32768xf32, #tpu.memory_space<vmem>>, vector<32768xf32>
    tpu.vector_store %arg15[%swap3A_29], %get3A_28 {strides = array<i32>} : memref<32768xf32, #tpu.memory_space<vmem>>, vector<32768xf32>,
    %broadcast_in_dim3A = arith.constant 0 : i32
    %broadcast_in_dim3A_31 = vector.broadcast %broadcast_in_dim3A : i32 to vector<128x6xi32>
    %get3A_32 = arith.constant 0 : index
    %get3A_33 = arith.constant 0 : index
    %get3A_34 = vector.load %arg10[%get3A_32, %get3A_33] : memref<128x26xi32, #tpu.memory_space<vmem>>, vector<128x26xi32>
    %get3A_35 = arith.constant 0 : index
    %get3A_36 = arith.constant 0 : index
    %get3A_37 = vector.load %arg11[%get3A_35, %get3A_36] : memref<128x26xi32, #tpu.memory_space<vmem>>, vector<128x26xi32>
    %get3A_38 = arith.constant 0 : index
    %get3A_39 = arith.constant 0 : index
    %get3A_40 = vector.load %arg12[%get3A_38, %get3A_39] : memref<128x26xi32, #tpu.memory_space<vmem>>, vector<128x26xi32>
    %get3A_41 = arith.constant 0 : index
    %get3A_42 = arith.constant 0 : index
    %get3A_43 = vector.load %arg13[%get3A_41, %get3A_42] : memref<128x26xi32, #tpu.memory_space<vmem>>, vector<128x26xi32>
    %concatenate3A_44 = tpu.concatenate %get3A_34, %broadcast_in_dim3A_31, %get3A_37, %broadcast_in_dim3A_31, %get3A_40, %broadcast_in_dim3A_31, %get3A_43, %broadcast_in_dim3A_31 in 1 : vector<128x26xi32>, vector<128x6xi32>, vector<128x26xi32>, vector<128x6xi32>, vector<128x26xi32>, vector<128x6xi32>, vector<128x26xi32>, vector<128x6xi32> -> vector<128x128xi32>
    %swap3A_45 = arith.constant 0 : index
    %swap3A_46 = arith.constant 0 : index
    %swap3A_47 = vector.load %arg16[%swap3A_45, %swap3A_46] : memref<128x128xi32, #tpu.memory_space<vmem>>, vector<128x128xi32>
    tpu.vector_store %arg16[%swap3A_45, %swap3A_46], %concatenate3A_44 {strides = array<i32>} : memref<128x128xi32, #tpu.memory_space<vmem>>, vector<128x128xi32>,
    return
  }
  func.func @transform_0(%arg0: i32) -> (i32, i32) {
    %add3A = arith.constant 0 : i32
    %add3A_0 = arith.addi %arg0, %add3A : i32
    %min3A = arith.constant 244 : i32
    %min3A_1 = arith.minsi %add3A_0, %min3A : i32
    %c0_i32 = arith.constant 0 : i32
    %c0_i32_2 = arith.constant 0 : i32
    return %c0_i32, %min3A_1 : i32, i32
  }
  func.func @transform_1(%arg0: i32) -> (i32, i32) {
    %add3A = arith.constant 32 : i32
    %add3A_0 = arith.addi %arg0, %add3A : i32
    %min3A = arith.constant 244 : i32
    %min3A_1 = arith.minsi %add3A_0, %min3A : i32
    %c0_i32 = arith.constant 0 : i32
    %c0_i32_2 = arith.constant 0 : i32
    return %c0_i32, %min3A_1 : i32, i32
  }
  func.func @transform_2(%arg0: i32) -> (i32, i32) {
    %add3A = arith.constant 64 : i32
    %add3A_0 = arith.addi %arg0, %add3A : i32
    %min3A = arith.constant 244 : i32
    %min3A_1 = arith.minsi %add3A_0, %min3A : i32
    %c0_i32 = arith.constant 0 : i32
    %c0_i32_2 = arith.constant 0 : i32
    return %c0_i32, %min3A_1 : i32, i32
  }
  func.func @transform_3(%arg0: i32) -> (i32, i32) {
    %add3A = arith.constant 96 : i32
    %add3A_0 = arith.addi %arg0, %add3A : i32
    %min3A = arith.constant 244 : i32
    %min3A_1 = arith.minsi %add3A_0, %min3A : i32
    %c0_i32 = arith.constant 0 : i32
    %c0_i32_2 = arith.constant 0 : i32
    return %c0_i32, %min3A_1 : i32, i32
  }
  func.func @transform_4(%arg0: i32) -> (i32, i32) {
    %add3A = arith.constant 128 : i32
    %add3A_0 = arith.addi %arg0, %add3A : i32
    %min3A = arith.constant 244 : i32
    %min3A_1 = arith.minsi %add3A_0, %min3A : i32
    %c0_i32 = arith.constant 0 : i32
    %c0_i32_2 = arith.constant 0 : i32
    return %c0_i32, %min3A_1 : i32, i32
  }
  func.func @transform_5(%arg0: i32) -> (i32, i32) {
    %add3A = arith.constant 160 : i32
    %add3A_0 = arith.addi %arg0, %add3A : i32
    %min3A = arith.constant 244 : i32
    %min3A_1 = arith.minsi %add3A_0, %min3A : i32
    %c0_i32 = arith.constant 0 : i32
    %c0_i32_2 = arith.constant 0 : i32
    return %c0_i32, %min3A_1 : i32, i32
  }
  func.func @transform_6(%arg0: i32) -> (i32, i32) {
    %add3A = arith.constant 192 : i32
    %add3A_0 = arith.addi %arg0, %add3A : i32
    %min3A = arith.constant 244 : i32
    %min3A_1 = arith.minsi %add3A_0, %min3A : i32
    %c0_i32 = arith.constant 0 : i32
    %c0_i32_2 = arith.constant 0 : i32
    return %c0_i32, %min3A_1 : i32, i32
  }
  func.func @transform_7(%arg0: i32) -> (i32, i32) {
    %add3A = arith.constant 224 : i32
    %add3A_0 = arith.addi %arg0, %add3A : i32
    %min3A = arith.constant 244 : i32
    %min3A_1 = arith.minsi %add3A_0, %min3A : i32
    %c0_i32 = arith.constant 0 : i32
    %c0_i32_2 = arith.constant 0 : i32
    return %c0_i32, %min3A_1 : i32, i32
  }
  func.func @transform_8(%arg0: i32) -> (i32, i32) {
    %min3A = arith.constant 30 : i32
    %min3A_0 = arith.minsi %arg0, %min3A : i32
    %c0_i32 = arith.constant 0 : i32
    %c0_i32_1 = arith.constant 0 : i32
    return %c0_i32, %min3A_0 : i32, i32
  }
  func.func @transform_9(%arg0: i32) -> (i32, i32) {
    %add3A = arith.constant 0 : i32
    %add3A_0 = arith.addi %arg0, %add3A : i32
    %c0_i32 = arith.constant 0 : i32
    %c0_i32_1 = arith.constant 0 : i32
    return %add3A_0, %c0_i32 : i32, i32
  }
  func.func @transform_10(%arg0: i32) -> (i32, i32) {
    %add3A = arith.constant 32 : i32
    %add3A_0 = arith.addi %arg0, %add3A : i32
    %c0_i32 = arith.constant 0 : i32
    %c0_i32_1 = arith.constant 0 : i32
    return %add3A_0, %c0_i32 : i32, i32
  }
  func.func @transform_11(%arg0: i32) -> (i32, i32) {
    %add3A = arith.constant 64 : i32
    %add3A_0 = arith.addi %arg0, %add3A : i32
    %c0_i32 = arith.constant 0 : i32
    %c0_i32_1 = arith.constant 0 : i32
    return %add3A_0, %c0_i32 : i32, i32
  }
  func.func @transform_12(%arg0: i32) -> (i32, i32) {
    %add3A = arith.constant 96 : i32
    %add3A_0 = arith.addi %arg0, %add3A : i32
    %c0_i32 = arith.constant 0 : i32
    %c0_i32_1 = arith.constant 0 : i32
    return %add3A_0, %c0_i32 : i32, i32
  }
  func.func @transform_13(%arg0: i32) -> (i32, i32) {
    %c0_i32 = arith.constant 0 : i32
    %c0_i32_0 = arith.constant 0 : i32
    return %arg0, %c0_i32 : i32, i32
  }
  func.func @transform_14(%arg0: i32) -> i32 {
    %c0_i32 = arith.constant 0 : i32
    return %arg0 : i32
  }
  func.func @transform_15(%arg0: i32) -> (i32, i32) {
    %c0_i32 = arith.constant 0 : i32
    %c0_i32_0 = arith.constant 0 : i32
    return %arg0, %c0_i32 : i32, i32
  }
}

</mosaic_0001>

<sc_bundles>
// kernel: kernel.4.cloned.1.call-start
scs
__scs_entry_jumppad:
0x0: {  	(pc) =	sbr.rel $0x88, $3  }
0x1: {  	(tag) =	ssettag $0x0;
	lr =	simm.s32 $0x1  }
0x2: {  	[smem:$0x3F9D] =	sst lr;
	_ =	strace $0xD0000000  }
0x3: {  	_ = 	snop  }
0x4: {  	_ = 	snop  }
0x5: {  	_ = 	snop  }
0x6: {  	_ = 	snop  }
0x7: {  	_ = 	snop  }
__scs_overlays_trampoline_lowered:
0x8: {  	[smem:$0x3FAC] =	sst s0  }
0x9: {  	[smem:$0x3FAD] =	sst s1  }
0xa: {  	[smem:$0x3FAE] =	sst s2  }
0xb: {  	[smem:$0x3FAF] =	sst s3  }
0xc: {  	[smem:$0x3FB0] =	sst s4  }
0xd: {  	[smem:$0x3FB1] =	sst s5  }
0xe: {  	[smem:$0x3FB2] =	sst s6  }
0xf: {  	[smem:$0x3FB3] =	sst s7  }
0x10: {  	[smem:$0x3FB4] =	sst s8  }
0x11: {  	[smem:$0x3FB5] =	sst s9;
	s0 =	simm.s32 @!p0 $0x0  }
0x12: {  	s1 =	sld [smem:$0x3F9B];
	s0 =	simm.s32 @p0 $0x1  }
0x13: {  	[smem:$0x3FB6] =	sst s0;
	s0 =	simm.s32 @!p1 $0x0  }
0x14: {  	s2 =	sld [smem:$0x3F9A];
	s0 =	simm.s32 @p1 $0x1  }
0x15: {  	[smem:$0x3FB7] =	sst s0;
	s0 =	simm.s32 @!p2 $0x0  }
0x16: {  	s3 =	sld [smem:$0x3FDB];
	s0 =	simm.s32 @p2 $0x1  }
0x17: {  	s4 =	simm.s32 $0x1BF5;
	[smem:$0x3FB9] =	sst s0  }
0x18: {  	s0 =	sld [smem:$0x3F9C];
	_ =	swait.ge [sflag:s4], $0x0  }
0x19: {  	s7 =	sld [smem:$0x3F9D]  }
0x1a: {  	s8 =	sadd.s32 $0xFFFFE003, lr  }
0x1b: {  	s9 =	sadd.s32 $0xFFFFFEF7, lr;
	s5 =	simm.s32 $0xFFFFFFFF;
	p2 =	slt.u32 s8, $0xFFFFF086  }
0x1c: {  	p1 =	slt.u32 s9, $0xF7A;
	s5 =	simm.s32 @!p2 $0x0  }
0x1d: {  	s5 =	simm.s32 @p1 $0x1;
	p0 =	seq.s32 s7, s2  }
0x1e: {  	s7 =	smul.u32 @!p0 $0xF7A, s2;
	p2 =	seq.s32 @!p0 s5, $0x0  }
0x1f: {  	s9 =	smul.u32 $0xF7A, s1;
	s8 =	simm.s32 @!p0 $0x1BF5;
	p2 =	por !p2, p0  }
0x20: {  	[sflag:s8] =	ssyncset.s32 @!p0 $0xFFFFF086;
	s6 =	sadd.s32 @!p0 s3, s7;
	s7 =	simm.s32 @!p0 $0x108  }
0x21: {  	s3 =	sadd.s32 s3, s9;
	s6 =	sadd.s32 @!p0 $0x88, s6;
	s7 =	simm.s32 @p2 $0x1082  }
0x22: {  	[simem:s7], [sflag:s8] =	dma.local @!p0 [hbm:s6], $0xF7A  }
0x23: {  	s9 =	sor.u32 $0xD0000000, s2;
	s6 =	simm.s32 $0x108;
	_ =	swait.ge @!p0 [sflag:s8], $0x0  }
0x24: {  	s3 =	sadd.s32 $0x88, s3;
	s6 =	simm.s32 @!p1 $0x1082;
	[sflag:s4] =	ssyncset.s32 $0xFFFFF086  }
0x25: {  	[simem:s6], [sflag:s4] =	dma.local [hbm:s3], $0xF7A  }
0x26: {  	[smem:$0x3F9D] =	sst s1;
	(tag) =	ssettag s2;
	_ =	strace s9  }
0x27: {  	s1 =	sld [smem:$0x3FAD]  }
0x28: {  	s2 =	sld [smem:$0x3FAE]  }
0x29: {  	s4 =	sld [smem:$0x3FB0]  }
0x2a: {  	p0 =	seq.s32 s5, $0x0;
	s5 =	sld [smem:$0x3FB1]  }
0x2b: {  	s6 =	sld [smem:$0x3FB2]  }
0x2c: {  	s7 =	sld [smem:$0x3FB3]  }
0x2d: {  	s3 =	simm.s32 $0x108;
	s8 =	sld [smem:$0x3FB4]  }
0x2e: {  	s3 =	simm.s32 @!p0 $0x1082;
	s9 =	sld [smem:$0x3FB5]  }
0x2f: {  	lr =	sadd.s32 s0, s3;
	s0 =	sld [smem:$0x3FAC]  }
0x30: {  	s3 =	sld [smem:$0x3FAF]  }
0x31: {  	[smem:$0x3FB8] =	sst s10  }
0x32: {  	s10 =	sld [smem:$0x3FB6];
	_ =	sdelay $0x3  }
0x33: {  	p0 =	seq.s32 s10, $0x1;
	s10 =	sld [smem:$0x3FB8];
	_ =	sdelay $0x3  }
0x34: {  	[smem:$0x3FB8] =	sst s10  }
0x35: {  	s10 =	sld [smem:$0x3FB7];
	_ =	sdelay $0x3  }
0x36: {  	p1 =	seq.s32 s10, $0x1;
	s10 =	sld [smem:$0x3FB8];
	_ =	sdelay $0x3  }
0x37: {  	[smem:$0x3FB8] =	sst s10  }
0x38: {  	s10 =	sld [smem:$0x3FB9]  }
0x39: {  	_ = 	snop;
	(pc) =	sbr.ind lr, $3  }
0x3a: {  	_ = 	snop  }
0x3b: {  	_ = 	snop  }
0x3c: {  	p2 =	seq.s32 s10, $0x1;
	s10 =	sld [smem:$0x3FB8]  }
0x3d: {  	_ =	shalt  }
0x3e: {  	_ =	shalt  }
0x3f: {  	_ =	shalt  }
0x40: {  	_ =	shalt  }
0x41: {  	_ =	shalt  }
0x42: {  	_ =	shalt  }
0x43: {  	_ =	shalt  }
0x44: {  	_ =	shalt  }
0x45: {  	_ =	shalt  }
0x46: {  	_ =	shalt  }
0x47: {  	_ =	shalt  }
0x48: {  	_ =	shalt  }
0x49: {  	_ =	shalt  }
0x4a: {  	_ =	shalt  }
0x4b: {  	_ =	shalt  }
0x4c: {  	_ =	shalt  }
0x4d: {  	_ =	shalt  }
0x4e: {  	_ =	shalt  }
0x4f: {  	_ =	shalt  }
0x50: {  	_ =	shalt  }
0x51: {  	_ =	shalt  }
0x52: {  	_ =	shalt  }
0x53: {  	_ =	shalt  }
0x54: {  	_ =	shalt  }
0x55: {  	_ =	shalt  }
0x56: {  	_ =	shalt  }
0x57: {  	_ =	shalt  }
0x58: {  	_ =	shalt  }
0x59: {  	_ =	shalt  }
0x5a: {  	_ =	shalt  }
0x5b: {  	_ =	shalt  }
0x5c: {  	_ =	shalt  }
0x5d: {  	_ =	shalt  }
0x5e: {  	_ =	shalt  }
0x5f: {  	_ =	shalt  }
0x60: {  	_ =	shalt  }
0x61: {  	_ =	shalt  }
0x62: {  	_ =	shalt  }
0x63: {  	_ =	shalt  }
0x64: {  	_ =	shalt  }
0x65: {  	_ =	shalt  }
0x66: {  	_ =	shalt  }
0x67: {  	_ =	shalt  }
0x68: {  	_ =	shalt  }
0x69: {  	_ =	shalt  }
0x6a: {  	_ =	shalt  }
0x6b: {  	_ =	shalt  }
0x6c: {  	_ =	shalt  }
0x6d: {  	_ =	shalt  }
0x6e: {  	_ =	shalt  }
0x6f: {  	_ =	shalt  }
0x70: {  	_ =	shalt  }
0x71: {  	_ =	shalt  }
0x72: {  	_ =	shalt  }
0x73: {  	_ =	shalt  }
0x74: {  	_ =	shalt  }
0x75: {  	_ =	shalt  }
0x76: {  	_ =	shalt  }
0x77: {  	_ =	shalt  }
0x78: {  	_ =	shalt  }
0x79: {  	_ =	shalt  }
0x7a: {  	_ =	shalt  }
0x7b: {  	_ =	shalt  }
0x7c: {  	_ =	shalt  }
0x7d: {  	_ =	shalt  }
0x7e: {  	_ =	shalt  }
0x7f: {  	_ =	shalt  }
0x80: {  	_ =	shalt  }
0x81: {  	_ =	shalt  }
0x82: {  	_ =	shalt  }
0x83: {  	_ =	shalt  }
0x84: {  	_ =	shalt  }
0x85: {  	_ =	shalt  }
0x86: {  	_ =	shalt  }
0x87: {  	_ =	shalt  }
.Lfunc_end0:
.L_simem_size_0:
called_computation_lowered:
.L_overlay_start_0:
0x88: {  	s2 =	sld [smem:$0x3FD9]  }
0x89: {  	s3 =	sld [smem:$0x3FFE];
	_ =	sdelay $0x1  }
0x8a: {  	s1 =	srdreg.scid  }
0x8b: {  	s0 =	sand.u32 $0x1, s1  }
0x8c: {  	s17 =	sshll.u32 s0, $0xA;
	s2 =	sadd.s32 s3, s2  }
0x8d: {  	s2 =	sadd.s32 s2, s17  }
0x8e: {  	[smem:$0x3FC4] =	sst s2  }
0x8f: {  	_ = 	snop  }
0x90: {  	s2 =	sld [smem:$0x3FD0];
	(tm) =	ssettm $0x1  }
0x91: {  	s18 =	sld [smem:$0x3FFB];
	_ =	sdelay $0x3  }
0x92: {  	_ =	strace s18  }
0x93: {  	s3 =	sld [smem:$0x3FFC];
	_ =	sdelay $0x3  }
0x94: {  	_ =	strace s3  }
0x95: {  	s3 =	sld [smem:$0x3FFD];
	_ =	sdelay $0x3  }
0x96: {  	_ =	strace s3  }
0x97: {  	_ =	strace $0x8FFFFFFF  }
0x98: {  	s19 =	sld [smem:$0x3FDB];
	_ =	sdelay $0x1  }
0x99: {  	s4 =	simm.s32 $_scs_section_size  }
0x9a: {  	s5 =	simm.s32 $_size__tile_overlayer_lowered;
	s6 =	simm.s32 $_tile_overlayer_lowered  }
0x9b: {  	s22 =	simm.s32 $0x1BFF;
	s21 =	sshll.u32 s6, $0x1;
	s3 =	sadd.s32 s4, s19  }
0x9c: {  	s7 =	simm.s32 $0x0;
	s20 =	sshll.u32 s5, $0x1;
	s5 =	sadd.s32 s21, s3  }
0x9d: {  	[timem:s7], [sflag:s22] =	dma.local [hbm:s5], s20  }
0x9e: {  	_ =	swait.ge [sflag:s22], s20  }
0x9f: {  	s4 =	ssub.s32 $0x0, s20;
	[sflag:s22] =	ssyncset.done $0x0  }
0xa0: {  	[sflag:s22] =	ssyncadd.s32 s4;
	_ =	sdelay $0x1  }
0xa1: {  	s23 =	simm.s32 $0x1B8B  }
0xa2: {  	_ =	swait.ge [sflag:s23], $0x1  }
0xa3: {  	[sflag:s23] =	ssyncset.done $0x0  }
0xa4: {  	s25 =	simm.s32 $0x1B8E;
	s24 =	sld [smem:$0x3FFE];
	[sflag:s23] =	ssyncadd.s32 $0xFFFFFFFF  }
0xa5: {  	s26 =	simm.s32 $execute0_lowered;
	[smem:$0x3FD2] =	sst s25  }
0xa6: {  	s5 =	sshll.u32 s26, $0x1;
	_ =	strace $0x80000046;
	[dreg:$0x1] =	wrdreg $0xFFFFFFFF  }
0xa7: {  	s28 =	simm.s32 $_size_execute0_lowered;
	s3 =	sadd.s32 s3, s5;
	[dreg:$0x0] =	wrdreg $0x0  }
0xa8: {  	s5 =	sshll.u32 s28, $0x1;
	[dreg:$0x2] =	wrdreg s3  }
0xa9: {  	[dreg:$0x3] =	wrdreg s5  }
0xaa: {  	[dreg:$0x4] =	wrdreg $0xC0  }
0xab: {  	_ =	task [dreg:s7], $0x5FFFF  }
0xac: {  	[dreg:$0x1] =	wrdreg $0xFFFFFFFF  }
0xad: {  	[dreg:$0x0] =	wrdreg $0x60  }
0xae: {  	[dreg:$0x2] =	wrdreg s24  }
0xaf: {  	[dreg:$0x3] =	wrdreg s2  }
0xb0: {  	[dreg:$0x4] =	wrdreg $0xBD900  }
0xb1: {  	[dreg:$0x5] =	wrdreg $0x9  }
0xb2: {  	_ =	task.clear_ibuf [dreg:s7], $0x6FFFF;
	_ =	strace $0x90000046  }
0xb3: {  	s29 =	simm.s32 $0x9;
	_ =	strace $0x80000048  }
0xb4: {  	_ =	swait.ge [sflag:s29], $0x1  }
0xb5: {  	[sflag:s29] =	ssyncadd.s32 $0xFFFFFFFF  }
0xb6: {  	_ =	strace $0x90000048  }
0xb7: {  	_ =	sfence  }
0xb8: {  	s30 =	sld [smem:$0x0];
	_ =	sdelay $0x2  }
0xb9: {  	s31 =	sshll.u32 s1, $0xD;
	s1 =	sshrl.u32 s1, $0x2  }
0xba: {  	s3 =	sand.u32 $0x4000, s31;
	s1 =	sadd.s32 s1, s30  }
0xbb: {  	s0 =	sor.u32 s3, s0;
	s1 =	sshll.u32 s1, $0x11  }
0xbc: {  	s0 =	sor.u32 s1, s0  }
0xbd: {  	s0 =	sadd.s32 $0x8F2B, s0  }
0xbe: {  	[sflag:s0] =	ssyncadd.remote.s32 $0x1  }
0xbf: {  	_ =	sfence.sel $0xFFFF  }
0xc0: {  	[dreg:$0x0] =	wrdreg $0xFFFFFFFF;
	(pc) =	sbr.abs _section_cstart, $3  }
0xc1: {  	[dreg:$0x1] =	wrdreg $0xFFFFFFFF  }
0xc2: {  	_ =	task.clear_ibuf [dreg:s7], $0x2FFFF;
	_ =	strace $0x9FFFFFFF  }
0xc3: {  	(tm) =	ssettm $0x7FFFFFFF  }
tec
execute0_lowered:
.L_overlay_start_1:
0x0: {  	(tag) =	ssettag $0x1  }
0x1: {  	s5 =	rddreg [dreg:$0x0]  }
0x2: {  	s8 =	rddreg [dreg:$0x1]  }
0x3: {  	s1 =	rddreg [dreg:$0x2];
	s3 =	simm.s32 $0x0  }
0x4: {  	s0 =	stileid.u32;
	s4 =	srdreg.scid;
	s16 =	simm.s32 $0x1  }
0x5: {  	s17 =	simm.s32 $0x2;
	s19 =	simm.s32 $0x0;
	[smem:$0x7FF] =	sst s3  }
0x6: {  	s6 =	sand.u32 $0xC, s0;
	s4 =	sand.u32 $0x1, s4;
	s7 =	sshll.u32 s0, $0x1  }
0x7: {  	s9 =	sshll.u32 s0, $0xD;
	s2 =	sadd.s32 $0x230C00, s5;
	s30 =	sshll.u32 s0, $0x10  }
0x8: {  	s14 =	sshll.u32 s0, $0x6;
	_ =	strace $0x80000047;
	s6 =	sadd.s32 s6, s5  }
0x9: {  	s7 =	sor.u32 s4, s7;
	s9 =	sadd.s32 s9, s5;
	s10 =	ssub.s32 $0x2, s4  }
0xa: {  	v0 =	vlaneseq.u32;
	vm0 =	vcmask $0x300;
	vm1 =	vcmask $0x704;
	s4 =	sadd.s32 $0xC00, s5;
	[dreg:$0x4] =	wrdreg s2;
	s15 =	sadd.s32 s30, s1  }
0xb: {  	vm2 =	vcmask $0xB08;
	vm3 =	vcmask $0xF0C;
	vm4 =	vcmask $0x1310;
	s14 =	sor.u32 $0x1C03, s14;
	s11 =	sshll.u32 s7, $0xD;
	s12 =	sshrl.u32 s10, $0x1  }
0xc: {  	vm5 =	vcmask $0x1714;
	vm6 =	vcmask $0x1B18;
	v0 =	vmul.u32 $0x20, v0;
	s31 =	sshll.u32 s7, $0x6;
	s7 =	sadd.s32 $0x200C00, s9;
	s11 =	sand.u32 $0xE000, s11  }
0xd: {  	vm7 =	vcmask $0x1F1C;
	vm8 =	vcmask $0x2320;
	vm9 =	vcmask $0x2724;
	s15 =	sshrl.u32 s15, $0x3;
	s10 =	ssub.s32 s10, s12;
	s6 =	sadd.s32 s11, s6  }
0xe: {  	vm10 =	vcmask $0x2B28;
	vm11 =	vcmask $0x2F2C;
	v1 =	vor.u32 $0x200, v0;
	[tilespmem:$0x1FFE0] =	vst v0;
	s8 =	sadd.s32 s8, s31;
	s12 =	simm.s32 $0x3;
	s29 =	sadd.s32 $0x220C00, s6  }
0xf: {  	vm12 =	vcmask $0x3330;
	vm13 =	vcmask $0x3734;
	vm14 =	vcmask $0x3B38;
	[tilespmem:$0x1FFF0] =	vst v1;
	s9 =	smax.u32 s10, $0x1;
	s10 =	simm.s32 $0x20;
	[dreg:$0x5] =	wrdreg s29  }
.LBB2_1:
0x10: {  	s0 =	rddreg [dreg:$0x5];
	s2 =	simm.s32 $0x80  }
0x11: {  	[tilespmem:s3], [sflag:$0x3] =	stream.strided.gather [hbm4b:s0+s10], $0x4000, s2, s10, $0x38;
	[tilespmem:$0x1BD90] =	vst v63  }
0x12: {  	_ =	swait.ge [sflag:s12], $0x4000  }
0x13: {  	[sflag:s12] =	ssyncset.done $0x0  }
0x14: {  	s31 =	simm.s32 $0xBD80;
	s30 =	rddreg [dreg:$0x4];
	[sflag:s12] =	ssyncadd.s32 $0xFFFFC000  }
0x15: {  	v2 =	vmov s3;
	[tilespmem:s31], [sflag:$0x3] =	stream.linear.gather [hbm4b:s30+s3], $0x10, $0x38;
	[tilespmem:$0x1BD90] =	vst v63  }
0x16: {  	v2 =	vand.u32 $0x1F, v2;
	_ =	swait.ge [sflag:s12], $0x10  }
0x17: {  	v2 =	vbroadcast v2, $0x0;
	[sflag:s12] =	ssyncset.done $0x0  }
0x18: {  	[sflag:s12] =	ssyncadd.s32 $0xFFFFFFF0  }
0x19: {  	v3 =	vor.u32 v0, v2;
	[spmem:s15], [sflag:s14] =	dma.local [hbm:s7], $0x2000  }
0x1a: {  	_ =	swait.ge [sflag:s12], $0x2000  }
0x1b: {  	[sflag:s12] =	ssyncset.done $0x0  }
0x1c: {  	[sflag:s12] =	ssyncadd.s32 $0xFFFFE000  }
0x1d: {  	[bflag:$0x0] =	sbarrier.arrive $0xFFFF  }
0x1e: {  	v3 =	vld.idx.msk [tilespmem:v3+s3+$0x0], $0xffff;
	_ =	sdelay $0x4  }
0x1f: {  	v4 =	vor.u32 v1, v2;
	v3 =	vadd.s32 s3, v3  }
0x20: {  	v5 =	vshll.u32 v3, $0x3  }
0x21: {  	s20 =	simm.s32 $0x4690;
	v6 =	vshra.s32 v3, $0x11;
	v5 =	vand.u32 $0xFFFF8, v5  }
0x22: {  	s23 =	simm.s32 $0x4010;
	v37 =	vld [tilespmem:$0xBD80];
	[tilespmem:s20+$0xFFFFFFF0] =	vst v3;
	v3 =	vor.u32 v6, v5  }
0x23: {  	[tilespmem:s23+$0xFFFFFFF0] =	vst v3  }
0x24: {  	v3 =	vld.idx.msk [tilespmem:v4+s3+$0x0], $0xffff;
	_ =	sdelay $0x1  }
0x25: {  	s21 =	simm.s32 $0x1  }
0x26: {  	v4 =	vmov s21  }
0x27: {  	v4 =	vand.u32 $0x1F, v4  }
0x28: {  	v5 =	vadd.s32 s3, v3;
	v3 =	vbroadcast v4, $0x0  }
0x29: {  	v4 =	vshll.u32 v5, $0x3  }
0x2a: {  	v6 =	vand.u32 $0xFFFF8, v4;
	v4 =	vor.u32 v0, v3  }
0x2b: {  	s26 =	simm.s32 $0x2;
	v7 =	vshra.s32 v5, $0x11  }
0x2c: {  	s22 =	simm.s32 $0x4030;
	s24 =	simm.s32 $0x963D;
	s25 =	simm.s32 $0x0;
	[tilespmem:s20+$0x0] =	vst v5;
	v5 =	vor.u32 v7, v6  }
.LBB2_2:
0x2d: {  	s21 =	simm.s32 $0x0;
	s20 =	sadd.s32 $0x20, s20  }
0x2e: {  	[tilespmem:s23+$0x0] =	vst v5;
	s28 =	smov.u32 s26;
	s29 =	sadd.s32 $0x1, s26;
	s23 =	smov.u32 s22  }
0x2f: {  	p0 =	sne.s32 s26, $0x19;
	v4 =	vld.idx.msk [tilespmem:v4+s25+$0x0], $0xffff;
	_ =	sdelay $0x5  }
0x30: {  	v3 =	vor.u32 v1, v3;
	v4 =	vadd.s32 s24, v4  }
0x31: {  	v5 =	vshll.u32 v4, $0x3  }
0x32: {  	v6 =	vshra.s32 v4, $0x11;
	v5 =	vand.u32 $0xFFFF8, v5  }
0x33: {  	[tilespmem:s20+$0xFFFFFFF0] =	vst v4;
	v4 =	vor.u32 v6, v5  }
0x34: {  	[tilespmem:s22+$0xFFFFFFF0] =	vst v4  }
0x35: {  	v5 =	vld.idx.msk [tilespmem:v3+s25+$0x0], $0xffff;
	s25 =	smov.u32 s21;
	_ =	sdelay $0x1  }
0x36: {  	v3 =	vmov s28  }
0x37: {  	v3 =	vand.u32 $0x1F, v3  }
0x38: {  	v3 =	vbroadcast v3, $0x0  }
.Ltmp0:
0x39: {  	(pc) =	sbr.rel @p0 .LBB2_2-.Ltmp0, $4  }
0x3a: {  	v4 =	vor.u32 v0, v3;
	v5 =	vadd.s32 s24, v5  }
0x3b: {  	v6 =	vshll.u32 v5, $0x3;
	[tilespmem:s20+$0x0] =	vst v5  }
0x3c: {  	v6 =	vand.u32 $0xFFFF8, v6;
	v5 =	vshra.s32 v5, $0x11  }
0x3d: {  	s26 =	smov.u32 s29;
	s22 =	sadd.s32 $0x20, s22;
	s24 =	sadd.s32 $0x963D, s24;
	v5 =	vor.u32 v5, v6  }
0x3e: {  	_ =	sdelay $0x2  }
0x3f: {  	[tilespmem:s23+$0x0] =	vst v5  }
0x40: {  	v4 =	vld.idx.msk [tilespmem:v4+s25+$0x0], $0xffff;
	_ =	sdelay $0x4  }
0x41: {  	v3 =	vor.u32 v1, v3;
	v4 =	vadd.s32 s24, v4  }
0x42: {  	v60 =	vshll.u32 v4, $0x3  }
0x43: {  	s20 =	sadd.s32 $0x20, s20;
	v6 =	vshra.s32 v4, $0x11;
	v5 =	vand.u32 $0xFFFF8, v60  }
0x44: {  	[tilespmem:s20+$0xFFFFFFF0] =	vst v4;
	v61 =	vor.u32 v6, v5  }
0x45: {  	[tilespmem:s22+$0xFFFFFFF0] =	vst v61  }
0x46: {  	v3 =	vld.idx.msk [tilespmem:v3+s25+$0x0], $0xffff;
	_ =	sdelay $0x4  }
0x47: {  	v3 =	vadd.s32 s24, v3  }
0x48: {  	v62 =	vshll.u32 v3, $0x3  }
0x49: {  	p0 =	por $0x0, $0x0;
	v63 =	vshra.s32 v3, $0x11;
	v4 =	vand.u32 $0xFFFF8, v62  }
.Ltmp1:
0x4a: {  	[tilespmem:s20+$0x0] =	vst v3;
	v3 =	vor.u32 v63, v4;
	(pc) =	sbr.rel @p0 .LBB2_5-.Ltmp1, $4  }
0x4b: {  	s29 =	simm.s32 $0x4000;
	s20 =	simm.s32 $0x4D00;
	[tilespmem:s22+$0x0] =	vst v3  }
0x4c: {  	[tilespmem:s20], [sflag:$0x1] =	stream.indirect.gather [hbm4b:s4+s10], $0x10, s29, s10, $0xb8;
	[tilespmem:$0x1BD90] =	vst v63  }
0x4d: {  	s30 =	simm.s32 $0xB500;
	s31 =	simm.s32 $0x4680;
	s22 =	simm.s32 $0x80  }
0x4e: {  	[tilespmem:s30], [sflag:$0x2] =	stream.indirect.gather [spmem:s1], $0x1, s31, s10, $0xb8;
	[tilespmem:$0x1BD90] =	vst v63  }
.LBB2_4:
0x4f: {  	p0 =	seq.s32 s22, $0xC80  }
.Ltmp2:
0x50: {  	s23 =	sshra.s32 s22, $0x2;
	s22 =	sadd.s32 $0x80, s22;
	(pc) =	sbr.rel @!p0 .LBB2_4-.Ltmp2, $4  }
0x51: {  	s20 =	sadd.s32 $0x200, s20;
	s24 =	sadd.s32 $0x4000, s23  }
0x52: {  	[tilespmem:s20], [sflag:$0x1] =	stream.indirect.gather [hbm4b:s4+s10], $0x10, s24, s10, $0xb8;
	[tilespmem:$0x1BD90] =	vst v63  }
0x53: {  	s24 =	sadd.s32 $0xB500, s23;
	s23 =	sadd.s32 $0x4680, s23  }
0x54: {  	[tilespmem:s24], [sflag:$0x2] =	stream.indirect.gather [spmem:s1], $0x1, s23, s10, $0xb8;
	[tilespmem:$0x1BD90] =	vst v63  }
.LBB2_5:
0x55: {  	p0 =	por $0x1, $0x1  }
.LBB2_7:
0x56: {  	p1 =	seq.s32 s21, $0xF  }
.Ltmp3:
0x57: {  	_ = 	snop;
	(pc) =	sbr.rel @p1 .LBB2_12-.Ltmp3, $2  }
0x58: {  	_ =	sdelay $0x2  }
0x59: {  	s20 =	sadd.s32 $0x1, s21  }
0x5a: {  	s23 =	sshll.u32 s20, $0x5  }
0x5b: {  	s22 =	simm.s32 $0x0;
	v3 =	vmov s23  }
0x5c: {  	v4 =	vmov s22;
	v3 =	vshll.u32 v3, $0x5  }
0x5d: {  	v5 =	vand.u32 $0x18, v4;
	v3 =	vor.u32 v0, v3  }
0x5e: {  	v6 =	vand.u32 $0x7, v4;
	v4 =	vor.u32 v3, v5  }
0x5f: {  	v4 =	vor.u32 v6, v4;
	_ =	sdelay $0x4  }
0x60: {  	s23 =	sor.u32 $0x10, s23;
	v7 =	vld.idx.msk [tilespmem:v4+s22+$0x0], $0xffff  }
0x61: {  	v4 =	vmov s23  }
0x62: {  	s23 =	simm.s32 $0x1;
	v4 =	vshll.u32 v4, $0x5  }
0x63: {  	s23 =	simm.s32 @!p0 $0x0;
	v4 =	vor.u32 v0, v4  }
0x64: {  	s24 =	smul.u32 $0xD00, s23;
	v5 =	vor.u32 v4, v5  }
0x65: {  	v5 =	vor.u32 v6, v5;
	v6 =	vadd.s32 s22, v7  }
0x66: {  	s25 =	sshrl.u32 s24, $0x2;
	v7 =	vshll.u32 v6, $0x3  }
0x67: {  	s29 =	sadd.s32 $0x4690, s25;
	v8 =	vshra.s32 v6, $0x11;
	v7 =	vand.u32 $0xFFFF8, v7  }
0x68: {  	s28 =	sor.u32 $0x4010, s25;
	[tilespmem:s29+$0xFFFFFFF0] =	vst v6;
	v6 =	vor.u32 v8, v7  }
0x69: {  	[tilespmem:s28+$0xFFFFFFF0] =	vst v6  }
0x6a: {  	v5 =	vld.idx.msk [tilespmem:v5+s22+$0x0], $0xffff;
	_ =	sdelay $0x1  }
0x6b: {  	s18 =	simm.s32 $0x1  }
0x6c: {  	v6 =	vmov s18  }
0x6d: {  	v7 =	vand.u32 $0x18, v6  }
0x6e: {  	s26 =	smul.u32 $0xD000, s23;
	v8 =	vadd.s32 s22, v5;
	v5 =	vand.u32 $0x7, v6;
	v6 =	vor.u32 v3, v7  }
0x6f: {  	s31 =	simm.s32 $0x2;
	s30 =	simm.s32 $0x0;
	v9 =	vshll.u32 v8, $0x3;
	v6 =	vor.u32 v5, v6  }
0x70: {  	s26 =	sshrl.u32 s26, $0x2;
	s23 =	sadd.s32 $0x4680, s25;
	s24 =	sadd.s32 $0xB500, s25;
	v7 =	vor.u32 v4, v7;
	v10 =	vshra.s32 v8, $0x11;
	v9 =	vand.u32 $0xFFFF8, v9  }
0x71: {  	s25 =	sor.u32 $0x4000, s25;
	s26 =	sadd.s32 $0x4D00, s26;
	v5 =	vor.u32 v5, v7;
	[tilespmem:s29+$0x0] =	vst v8;
	s29 =	sadd.s32 $0x20, s29;
	v7 =	vor.u32 v10, v9  }
.LBB2_9:
0x72: {  	s30 =	sadd.s32 $0x963D, s30  }
0x73: {  	[tilespmem:s28+$0x0] =	vst v7;
	s28 =	sadd.s32 $0x20, s28;
	s0 =	smov.u32 s31;
	s2 =	sadd.s32 $0x1, s31  }
0x74: {  	p1 =	sne.s32 s31, $0x19;
	v6 =	vld.idx.msk [tilespmem:v6+s22+$0x0], $0xffff;
	_ =	sdelay $0x5  }
0x75: {  	v6 =	vadd.s32 s30, v6  }
0x76: {  	v7 =	vshll.u32 v6, $0x3  }
0x77: {  	v8 =	vshra.s32 v6, $0x11;
	v7 =	vand.u32 $0xFFFF8, v7  }
0x78: {  	[tilespmem:s29+$0xFFFFFFF0] =	vst v6;
	v6 =	vor.u32 v8, v7  }
0x79: {  	[tilespmem:s28+$0xFFFFFFF0] =	vst v6  }
0x7a: {  	v7 =	vld.idx.msk [tilespmem:v5+s22+$0x0], $0xffff;
	_ =	sdelay $0x2  }
0x7b: {  	v5 =	vmov s0  }
0x7c: {  	v6 =	vand.u32 $0x18, v5  }
.Ltmp4:
0x7d: {  	v5 =	vand.u32 $0x7, v5;
	v8 =	vor.u32 v3, v6;
	v9 =	vor.u32 v4, v6;
	(pc) =	sbr.rel @p1 .LBB2_9-.Ltmp4, $4  }
0x7e: {  	v6 =	vor.u32 v5, v8;
	v5 =	vor.u32 v5, v9;
	v7 =	vadd.s32 s30, v7  }
0x7f: {  	v8 =	vshll.u32 v7, $0x3;
	[tilespmem:s29+$0x0] =	vst v7  }
0x80: {  	v8 =	vand.u32 $0xFFFF8, v8;
	v7 =	vshra.s32 v7, $0x11  }
0x81: {  	s31 =	smov.u32 s2;
	s29 =	sadd.s32 $0x20, s29;
	v7 =	vor.u32 v7, v8  }
0x82: {  	_ =	sdelay $0x2  }
0x83: {  	[tilespmem:s28+$0x0] =	vst v7  }
0x84: {  	v3 =	vld.idx.msk [tilespmem:v6+s22+$0x0], $0xffff;
	_ =	sdelay $0x3  }
0x85: {  	s0 =	sadd.s32 $0x963D, s30  }
0x86: {  	v3 =	vadd.s32 s0, v3  }
0x87: {  	v4 =	vshll.u32 v3, $0x3  }
0x88: {  	v59 =	vshra.s32 v3, $0x11;
	v4 =	vand.u32 $0xFFFF8, v4  }
0x89: {  	s2 =	sadd.s32 $0x20, s28;
	[tilespmem:s29+$0xFFFFFFF0] =	vst v3;
	v60 =	vor.u32 v59, v4  }
0x8a: {  	[tilespmem:s2+$0xFFFFFFF0] =	vst v60  }
0x8b: {  	v3 =	vld.idx.msk [tilespmem:v5+s22+$0x0], $0xffff;
	_ =	sdelay $0x4  }
0x8c: {  	v3 =	vadd.s32 s0, v3  }
0x8d: {  	v61 =	vshll.u32 v3, $0x3  }
0x8e: {  	v62 =	vshra.s32 v3, $0x11;
	v4 =	vand.u32 $0xFFFF8, v61  }
0x8f: {  	[tilespmem:s29+$0x0] =	vst v3;
	v63 =	vor.u32 v62, v4  }
0x90: {  	s29 =	sadd.s32 $0x0, s25;
	[tilespmem:s2+$0x0] =	vst v63  }
0x91: {  	[tilespmem:s26], [sflag:$0x1] =	stream.indirect.gather [hbm4b:s4+s10], $0x10, s29, s10, $0xb8;
	[tilespmem:$0x1BD90] =	vst v63  }
0x92: {  	s30 =	sadd.s32 $0x0, s24;
	s31 =	sadd.s32 $0x0, s23;
	s22 =	simm.s32 $0x80  }
0x93: {  	[tilespmem:s30], [sflag:$0x2] =	stream.indirect.gather [spmem:s1], $0x1, s31, s10, $0xb8;
	[tilespmem:$0x1BD90] =	vst v63  }
.LBB2_11:
0x94: {  	p1 =	sne.s32 s22, $0xC80  }
.Ltmp5:
0x95: {  	s0 =	sshra.s32 s22, $0x2;
	s22 =	sadd.s32 $0x80, s22;
	(pc) =	sbr.rel @p1 .LBB2_11-.Ltmp5, $4  }
0x96: {  	s26 =	sadd.s32 $0x200, s26;
	s2 =	sadd.s32 s0, s25  }
0x97: {  	[tilespmem:s26], [sflag:$0x1] =	stream.indirect.gather [hbm4b:s4+s10], $0x10, s2, s10, $0xb8;
	[tilespmem:$0x1BD90] =	vst v63  }
0x98: {  	s2 =	sadd.s32 s0, s24;
	s0 =	sadd.s32 s0, s23  }
0x99: {  	[tilespmem:s2], [sflag:$0x2] =	stream.indirect.gather [spmem:s1], $0x1, s0, s10, $0xb8;
	[tilespmem:$0x1BD90] =	vst v63  }
.LBB2_12:
0x9a: {  	_ =	swait.ge [sflag:s16], $0x200  }
0x9b: {  	[sflag:s16] =	ssyncset.done $0x0  }
0x9c: {  	[sflag:s16] =	ssyncadd.s32 $0xFFFFFE00  }
0x9d: {  	_ =	swait.ge [sflag:s17], $0x20  }
0x9e: {  	s22 =	simm.s32 $0x19;
	[sflag:s17] =	ssyncset.done $0x0  }
.LBB2_13:
0x9f: {  	p1 =	sne.s32 s22, $0x1;
	s22 =	sadd.s32 $0xFFFFFFFF, s22;
	[sflag:s17] =	ssyncadd.s32 $0xFFFFFFE0  }
.Ltmp6:
0xa0: {  	_ =	swait.ge [sflag:s16], $0x200;
	(pc) =	sbr.rel @p1 .LBB2_13-.Ltmp6, $4  }
0xa1: {  	[sflag:s16] =	ssyncset.done $0x0  }
0xa2: {  	[sflag:s16] =	ssyncadd.s32 $0xFFFFFE00  }
0xa3: {  	_ =	swait.ge [sflag:s17], $0x20  }
0xa4: {  	[sflag:s17] =	ssyncset.done $0x0  }
0xa5: {  	s0 =	sand.u32 $0x1, s21  }
0xa6: {  	s2 =	smul.u32 $0xD000, s0  }
0xa7: {  	s0 =	smul.u32 $0xD00, s0  }
0xa8: {  	s2 =	sshrl.u32 s2, $0x2  }
0xa9: {  	s0 =	sshrl.u32 s0, $0x2;
	s22 =	sadd.s32 $0x4D00, s2  }
0xaa: {  	s23 =	sadd.s32 $0x4F00, s2;
	s24 =	sadd.s32 $0x5100, s2;
	s25 =	sadd.s32 $0x5300, s2  }
0xab: {  	s26 =	sadd.s32 $0x5500, s2;
	s28 =	sadd.s32 $0x5700, s2;
	s29 =	sadd.s32 $0x5900, s2;
	v3 =	vmov s22;
	v4 =	vmov s23  }
0xac: {  	s6 =	sadd.s32 $0x5B00, s2;
	s11 =	sadd.s32 $0x5D00, s2;
	s13 =	sadd.s32 $0x5F00, s2;
	v5 =	vmov s24;
	v6 =	vmov s25;
	v7 =	vmov s26  }
0xad: {  	s18 =	sadd.s32 $0x6100, s2;
	s30 =	sadd.s32 $0x6300, s2;
	s31 =	sadd.s32 $0x6500, s2;
	v8 =	vmov s28;
	v9 =	vmov s29;
	v10 =	vmov s6  }
0xae: {  	s5 =	sadd.s32 $0x6700, s2;
	s6 =	sadd.s32 $0x6900, s2;
	v11 =	vmov s11;
	s11 =	sadd.s32 $0x6B00, s2;
	v12 =	vmov s13;
	v13 =	vmov s18  }
0xaf: {  	s13 =	sadd.s32 $0x6D00, s2;
	s18 =	sadd.s32 $0x6F00, s2;
	v14 =	vmov s30;
	v15 =	vmov s31;
	s30 =	sadd.s32 $0x7100, s2;
	v16 =	vmov s5  }
0xb0: {  	s31 =	sadd.s32 $0x7300, s2;
	s5 =	sadd.s32 $0x7500, s2;
	s23 =	sadd.s32 $0xB500, s0;
	v17 =	vmov s6;
	v18 =	vmov s11;
	v19 =	vmov s13  }
0xb1: {  	s28 =	sadd.s32 $0xB520, s0;
	s29 =	sadd.s32 $0xB540, s0;
	s26 =	sadd.s32 $0xB640, s0;
	v20 =	vmov s18;
	v21 =	vmov s30;
	v22 =	vmov s31  }
0xb2: {  	s6 =	sadd.s32 $0x7700, s2;
	s11 =	sadd.s32 $0x7900, s2;
	s13 =	sadd.s32 $0x7B00, s2;
	v23 =	vmov s5;
	v0 =	vmov s23;
	v39 =	vmov s26  }
0xb3: {  	s18 =	sadd.s32 $0x7D00, s2;
	s2 =	sadd.s32 $0x7F00, s2;
	s30 =	sadd.s32 $0xB560, s0;
	v24 =	vmov s6;
	v25 =	vmov s11;
	v26 =	vmov s13  }
0xb4: {  	s31 =	sadd.s32 $0xB580, s0;
	s23 =	sadd.s32 $0xB780, s0;
	s26 =	sadd.s32 $0xB7A0, s0;
	v27 =	vmov s18;
	v28 =	vmov s2;
	[tilespmem:$0x1FF50] =	vst v0;
	v0 =	vmov s28  }
0xb5: {  	s5 =	sadd.s32 $0xB5A0, s0;
	s18 =	sadd.s32 $0xB620, s0;
	s28 =	sadd.s32 $0xB660, s0;
	v49 =	vmov s23;
	v50 =	vmov s26;
	[tilespmem:$0x1FF60] =	vst v0;
	v0 =	vmov s29  }
0xb6: {  	s6 =	sadd.s32 $0xB5C0, s0;
	s29 =	sadd.s32 $0xB680, s0;
	v38 =	vmov s18;
	v40 =	vmov s28;
	s18 =	sadd.s32 $0xB760, s0;
	[tilespmem:$0x1FF70] =	vst v0;
	v0 =	vmov s30  }
0xb7: {  	s28 =	sshll.u32 s21, $0x5;
	s30 =	sadd.s32 $0xB6A0, s0;
	v41 =	vmov s29;
	v48 =	vmov s18;
	s29 =	sadd.s32 $0xB7C0, s0;
	[tilespmem:$0x1FF80] =	vst v0;
	v0 =	vmov s31  }
0xb8: {  	s21 =	sand.u32 $0x3FFFFFE0, s28;
	s31 =	sadd.s32 $0xB6C0, s0;
	v42 =	vmov s30;
	s30 =	sadd.s32 $0xB7E0, s0;
	v51 =	vmov s29;
	[tilespmem:$0x1FF90] =	vst v0;
	v0 =	vmov s5  }
0xb9: {  	s11 =	sadd.s32 $0xB5E0, s0;
	s21 =	sadd.s32 $0xBB80, s21;
	s5 =	sadd.s32 $0xB6E0, s0;
	v43 =	vmov s31;
	v52 =	vmov s30;
	[tilespmem:$0x1FFA0] =	vst v0;
	v0 =	vmov s6  }
0xba: {  	s13 =	sadd.s32 $0xB600, s0;
	s31 =	sor.u32 $0xB800, s0;
	v55 =	vmov s21;
	s6 =	sadd.s32 $0xB700, s0;
	v44 =	vmov s5;
	[tilespmem:$0x1FFB0] =	vst v0;
	v0 =	vmov s11  }
0xbb: {  	v53 =	vmov s31;
	s11 =	sadd.s32 $0xB720, s0;
	v45 =	vmov s6;
	[tilespmem:$0x1FFC0] =	vst v0;
	v0 =	vmov s13;
	s13 =	sadd.s32 $0xB740, s0;
	s0 =	sor.u32 $0xB820, s0  }
0xbc: {  	[sflag:s17] =	ssyncadd.s32 $0xFFFFFFE0;
	p1 =	por $0x1, $0x1;
	s21 =	simm.s32 $0x0;
	v46 =	vmov s11;
	[tilespmem:$0x1FFD0] =	vst v0;
	v47 =	vmov s13;
	v54 =	vmov s0  }
.LBB2_15:
0xbd: {  	s22 =	sshll.u32 s21, $0x8  }
0xbe: {  	v56 =	vld.idx.msk [tilespmem:v3+s22+$0x0 ss:$0x1], $0xffff  }
0xbf: {  	v57 =	vld.idx.msk [tilespmem:v4+s22+$0x0 ss:$0x1], $0xffff;
	_ =	sdelay $0x1  }
0xc0: {  	v58 =	vld.idx.msk [tilespmem:v5+s22+$0x0 ss:$0x1], $0xffff;
	_ =	sdelay $0x1  }
0xc1: {  	v59 =	vld.idx.msk [tilespmem:v6+s22+$0x0 ss:$0x1], $0xffff  }
0xc2: {  	v60 =	vmul.f32 v56, v56;
	v56 =	vadd.f32 v57, v56;
	v57 =	vmul.f32 v57, v57  }
0xc3: {  	v61 =	vld.idx.msk [tilespmem:v7+s22+$0x0 ss:$0x1], $0xffff  }
0xc4: {  	v57 =	vadd.f32 v57, v60;
	v56 =	vadd.f32 v58, v56;
	v58 =	vmul.f32 v58, v58  }
0xc5: {  	v32 =	vld.idx.msk [tilespmem:v8+s22+$0x0 ss:$0x1], $0xffff  }
0xc6: {  	v62 =	vld.idx.msk [tilespmem:v9+s22+$0x0 ss:$0x1], $0xffff;
	v33 =	vmul.f32 v59, v59;
	v57 =	vadd.f32 v58, v57;
	v56 =	vadd.f32 v59, v56  }
0xc7: {  	v34 =	vld.idx.msk [tilespmem:v10+s22+$0x0 ss:$0x1], $0xffff  }
0xc8: {  	v63 =	vld.idx.msk [tilespmem:v11+s22+$0x0 ss:$0x1], $0xffff;
	s24 =	sor.u32 $0x10, s22;
	v35 =	vmul.f32 v61, v61;
	v57 =	vadd.f32 v33, v57;
	v56 =	vadd.f32 v61, v56  }
0xc9: {  	v0 =	vld.idx.msk [tilespmem:v3+s24+$0x0 ss:$0x1], $0xffff  }
0xca: {  	v36 =	vmul.f32 v32, v32;
	v33 =	vld.idx.msk [tilespmem:v4+s24+$0x0 ss:$0x1], $0xffff;
	v57 =	vadd.f32 v35, v57;
	v56 =	vadd.f32 v32, v56  }
0xcb: {  	v1 =	vld.idx.msk [tilespmem:v13+s22+$0x0 ss:$0x1], $0xffff  }
0xcc: {  	v32 =	vmul.f32 v62, v62;
	v35 =	vld.idx.msk [tilespmem:v5+s24+$0x0 ss:$0x1], $0xffff;
	v57 =	vadd.f32 v36, v57;
	v56 =	vadd.f32 v62, v56  }
0xcd: {  	v61 =	vld.idx.msk [tilespmem:v12+s22+$0x0 ss:$0x1], $0xffff  }
0xce: {  	v57 =	vadd.f32 v32, v57;
	v56 =	vadd.f32 v34, v56;
	v34 =	vmul.f32 v34, v34;
	v32 =	vld.idx.msk [tilespmem:v6+s24+$0x0 ss:$0x1], $0xffff  }
0xcf: {  	v29 =	vld.idx.msk [tilespmem:v15+s22+$0x0 ss:$0x1], $0xffff;
	v2 =	vmul.f32 v0, v0;
	v0 =	vadd.f32 v33, v0;
	v62 =	vmul.f32 v33, v33  }
0xd0: {  	v36 =	vmul.f32 v63, v63;
	v57 =	vadd.f32 v34, v57;
	v56 =	vadd.f32 v63, v56;
	v34 =	vld.idx.msk [tilespmem:v7+s24+$0x0 ss:$0x1], $0xffff  }
0xd1: {  	v60 =	vld.idx.msk [tilespmem:v14+s22+$0x0 ss:$0x1], $0xffff;
	v2 =	vadd.f32 v62, v2;
	v0 =	vadd.f32 v35, v0;
	v59 =	vmul.f32 v35, v35  }
0xd2: {  	v58 =	vld.idx.msk [tilespmem:v8+s24+$0x0 ss:$0x1], $0xffff;
	v33 =	vmul.f32 v61, v61;
	v57 =	vadd.f32 v36, v57;
	v56 =	vadd.f32 v61, v56  }
0xd3: {  	v62 =	vld.idx.msk [tilespmem:v16+s22+$0x0 ss:$0x1], $0xffff;
	v2 =	vadd.f32 v59, v2;
	v0 =	vadd.f32 v32, v0;
	v35 =	vmul.f32 v32, v32  }
0xd4: {  	v32 =	vld.idx.msk [tilespmem:v9+s24+$0x0 ss:$0x1], $0xffff;
	v57 =	vadd.f32 v33, v57;
	v56 =	vadd.f32 v1, v56;
	v1 =	vmul.f32 v1, v1  }
0xd5: {  	v2 =	vadd.f32 v35, v2;
	v0 =	vadd.f32 v34, v0;
	v34 =	vmul.f32 v34, v34  }
0xd6: {  	v36 =	vmul.f32 v60, v60;
	v1 =	vadd.f32 v1, v57;
	v56 =	vadd.f32 v60, v56;
	v57 =	vld.idx.msk [tilespmem:v10+s24+$0x0 ss:$0x1], $0xffff  }
0xd7: {  	v33 =	vld.idx.msk [tilespmem:v17+s22+$0x0 ss:$0x1], $0xffff;
	v2 =	vadd.f32 v34, v2;
	v0 =	vadd.f32 v58, v0;
	v58 =	vmul.f32 v58, v58  }
0xd8: {  	v1 =	vadd.f32 v36, v1;
	v56 =	vadd.f32 v29, v56;
	v29 =	vmul.f32 v29, v29;
	v36 =	vld.idx.msk [tilespmem:v11+s24+$0x0 ss:$0x1], $0xffff  }
0xd9: {  	v61 =	vld.idx.msk [tilespmem:v18+s22+$0x0 ss:$0x1], $0xffff;
	v2 =	vadd.f32 v58, v2;
	v0 =	vadd.f32 v32, v0;
	v32 =	vmul.f32 v32, v32  }
0xda: {  	v35 =	vmul.f32 v62, v62;
	v34 =	vld.idx.msk [tilespmem:v12+s24+$0x0 ss:$0x1], $0xffff;
	v1 =	vadd.f32 v29, v1;
	v29 =	vadd.f32 v62, v56  }
0xdb: {  	v62 =	vld.idx.msk [tilespmem:v19+s22+$0x0 ss:$0x1], $0xffff;
	v2 =	vadd.f32 v32, v2;
	v0 =	vadd.f32 v57, v0;
	v57 =	vmul.f32 v57, v57  }
0xdc: {  	v58 =	vld.idx.msk [tilespmem:v13+s24+$0x0 ss:$0x1], $0xffff;
	v1 =	vadd.f32 v35, v1;
	v29 =	vadd.f32 v33, v29;
	v33 =	vmul.f32 v33, v33  }
0xdd: {  	v63 =	vld.idx.msk [tilespmem:v20+s22+$0x0 ss:$0x1], $0xffff;
	v2 =	vadd.f32 v57, v2;
	v0 =	vadd.f32 v36, v0;
	v36 =	vmul.f32 v36, v36  }
0xde: {  	v35 =	vmul.f32 v61, v61;
	v1 =	vadd.f32 v33, v1;
	v29 =	vadd.f32 v61, v29;
	v33 =	vld.idx.msk [tilespmem:v14+s24+$0x0 ss:$0x1], $0xffff  }
0xdf: {  	v61 =	vld.idx.msk [tilespmem:v21+s22+$0x0 ss:$0x1], $0xffff;
	v2 =	vadd.f32 v36, v2;
	v0 =	vadd.f32 v34, v0;
	v34 =	vmul.f32 v34, v34  }
0xe0: {  	v60 =	vld.idx.msk [tilespmem:v15+s24+$0x0 ss:$0x1], $0xffff;
	v32 =	vmul.f32 v62, v62;
	v1 =	vadd.f32 v35, v1;
	v29 =	vadd.f32 v62, v29  }
0xe1: {  	v36 =	vmul.f32 v58, v58;
	v62 =	vld.idx.msk [tilespmem:v22+s22+$0x0 ss:$0x1], $0xffff;
	v2 =	vadd.f32 v34, v2;
	v0 =	vadd.f32 v58, v0  }
0xe2: {  	v35 =	vmul.f32 v63, v63;
	v58 =	vld.idx.msk [tilespmem:v16+s24+$0x0 ss:$0x1], $0xffff;
	v1 =	vadd.f32 v32, v1;
	v29 =	vadd.f32 v63, v29  }
0xe3: {  	v63 =	vld.idx.msk [tilespmem:v23+s22+$0x0 ss:$0x1], $0xffff;
	v2 =	vadd.f32 v36, v2;
	v0 =	vadd.f32 v33, v0;
	v33 =	vmul.f32 v33, v33  }
0xe4: {  	v32 =	vmul.f32 v61, v61;
	v1 =	vadd.f32 v35, v1;
	v29 =	vadd.f32 v61, v29;
	v35 =	vld.idx.msk [tilespmem:v17+s24+$0x0 ss:$0x1], $0xffff  }
0xe5: {  	v36 =	vmul.f32 v60, v60;
	v61 =	vld.idx.msk [tilespmem:v24+s22+$0x0 ss:$0x1], $0xffff;
	v2 =	vadd.f32 v33, v2;
	v0 =	vadd.f32 v60, v0  }
0xe6: {  	v34 =	vmul.f32 v62, v62;
	v60 =	vld.idx.msk [tilespmem:v18+s24+$0x0 ss:$0x1], $0xffff;
	v1 =	vadd.f32 v32, v1;
	v29 =	vadd.f32 v62, v29  }
0xe7: {  	v62 =	vld.idx.msk [tilespmem:v25+s22+$0x0 ss:$0x1], $0xffff;
	v33 =	vmul.f32 v58, v58;
	v2 =	vadd.f32 v36, v2;
	v0 =	vadd.f32 v58, v0  }
0xe8: {  	v32 =	vmul.f32 v63, v63;
	v58 =	vld.idx.msk [tilespmem:v19+s24+$0x0 ss:$0x1], $0xffff;
	v1 =	vadd.f32 v34, v1;
	v29 =	vadd.f32 v63, v29  }
0xe9: {  	v63 =	vld.idx.msk [tilespmem:v26+s22+$0x0 ss:$0x1], $0xffff;
	v2 =	vadd.f32 v33, v2;
	v0 =	vadd.f32 v35, v0;
	v35 =	vmul.f32 v35, v35  }
0xea: {  	v34 =	vmul.f32 v61, v61;
	v1 =	vadd.f32 v32, v1;
	v29 =	vadd.f32 v61, v29;
	v32 =	vld.idx.msk [tilespmem:v20+s24+$0x0 ss:$0x1], $0xffff  }
0xeb: {  	v61 =	vld.idx.msk [tilespmem:v27+s22+$0x0 ss:$0x1], $0xffff;
	v33 =	vmul.f32 v60, v60;
	v2 =	vadd.f32 v35, v2;
	v0 =	vadd.f32 v60, v0  }
0xec: {  	v36 =	vmul.f32 v62, v62;
	v60 =	vld.idx.msk [tilespmem:v21+s24+$0x0 ss:$0x1], $0xffff;
	v1 =	vadd.f32 v34, v1;
	v29 =	vadd.f32 v62, v29  }
0xed: {  	v62 =	vld.idx.msk [tilespmem:v28+s22+$0x0 ss:$0x1], $0xffff;
	v35 =	vmul.f32 v58, v58;
	v2 =	vadd.f32 v33, v2;
	v0 =	vadd.f32 v58, v0  }
0xee: {  	s23 =	sor.u32 $0x20, s22;
	v34 =	vmul.f32 v63, v63;
	v58 =	vld.idx.msk [tilespmem:v22+s24+$0x0 ss:$0x1], $0xffff;
	v1 =	vadd.f32 v36, v1;
	v29 =	vadd.f32 v63, v29  }
0xef: {  	v59 =	vld.idx.msk [tilespmem:v4+s23+$0x0 ss:$0x1], $0xffff;
	v2 =	vadd.f32 v35, v2;
	v0 =	vadd.f32 v32, v0;
	v32 =	vmul.f32 v32, v32  }
0xf0: {  	v36 =	vmul.f32 v61, v61;
	v1 =	vadd.f32 v34, v1;
	v29 =	vadd.f32 v61, v29;
	v61 =	vld.idx.msk [tilespmem:v3+s23+$0x0 ss:$0x1], $0xffff  }
0xf1: {  	v34 =	vld.idx.msk [tilespmem:v23+s24+$0x0 ss:$0x1], $0xffff;
	v35 =	vmul.f32 v60, v60;
	v2 =	vadd.f32 v32, v2;
	v0 =	vadd.f32 v60, v0  }
0xf2: {  	v33 =	vmul.f32 v62, v62;
	v60 =	vld.idx.msk [tilespmem:v5+s23+$0x0 ss:$0x1], $0xffff;
	v1 =	vadd.f32 v36, v1;
	v29 =	vadd.f32 v62, v29  }
0xf3: {  	v56 =	vld.idx.msk [tilespmem:v24+s24+$0x0 ss:$0x1], $0xffff;
	v36 =	vmul.f32 v58, v58;
	v2 =	vadd.f32 v35, v2  }
0xf4: {  	v0 =	vadd.f32 v58, v0;
	v58 =	vld.idx.msk [tilespmem:v6+s23+$0x0 ss:$0x1], $0xffff;
	v1 =	vadd.f32 v33, v1;
	v29 =	vmul.f32 v29, v29  }
0xf5: {  	v33 =	vld.idx.msk [tilespmem:v25+s24+$0x0 ss:$0x1], $0xffff;
	v30 =	vmul.f32 v61, v61;
	v61 =	vadd.f32 v59, v61;
	v59 =	vmul.f32 v59, v59  }
0xf6: {  	v35 =	vld.idx.msk [tilespmem:v7+s23+$0x0 ss:$0x1], $0xffff;
	v2 =	vadd.f32 v36, v2;
	v0 =	vadd.f32 v34, v0;
	v34 =	vmul.f32 v34, v34  }
0xf7: {  	v31 =	vld.idx.msk [tilespmem:v26+s24+$0x0 ss:$0x1], $0xffff;
	v30 =	vadd.f32 v59, v30;
	v36 =	vadd.f32 v60, v61;
	v60 =	vmul.f32 v60, v60  }
0xf8: {  	v57 =	vld.idx.msk [tilespmem:v8+s23+$0x0 ss:$0x1], $0xffff;
	v2 =	vadd.f32 v34, v2;
	v0 =	vadd.f32 v56, v0;
	v56 =	vmul.f32 v56, v56  }
0xf9: {  	v61 =	vld.idx.msk [tilespmem:v27+s24+$0x0 ss:$0x1], $0xffff;
	v30 =	vadd.f32 v60, v30;
	v59 =	vadd.f32 v58, v36;
	v58 =	vmul.f32 v58, v58  }
0xfa: {  	v2 =	vadd.f32 v56, v2;
	v0 =	vadd.f32 v33, v0;
	v33 =	vmul.f32 v33, v33;
	v60 =	vld.idx.msk [tilespmem:v9+s23+$0x0 ss:$0x1], $0xffff  }
0xfb: {  	v63 =	vld.idx.msk [tilespmem:v28+s24+$0x0 ss:$0x1], $0xffff;
	v30 =	vadd.f32 v58, v30;
	v34 =	vadd.f32 v35, v59;
	v35 =	vmul.f32 v35, v35  }
0xfc: {  	v36 =	vld.idx.msk [tilespmem:v10+s23+$0x0 ss:$0x1], $0xffff;
	v2 =	vadd.f32 v33, v2;
	v0 =	vadd.f32 v31, v0;
	v31 =	vmul.f32 v31, v31  }
0xfd: {  	v30 =	vadd.f32 v35, v30;
	v58 =	vadd.f32 v57, v34;
	v57 =	vmul.f32 v57, v57  }
0xfe: {  	v59 =	vld.idx.msk [tilespmem:v11+s23+$0x0 ss:$0x1], $0xffff;
	v2 =	vadd.f32 v31, v2;
	v0 =	vadd.f32 v61, v0;
	v31 =	vmul.f32 v61, v61  }
0xff: {  	s26 =	sor.u32 $0x30, s22;
	v35 =	vld.idx.msk [tilespmem:v12+s23+$0x0 ss:$0x1], $0xffff;
	v34 =	vmul.f32 v60, v60;
	v30 =	vadd.f32 v57, v30;
	v33 =	vadd.f32 v60, v58  }
0x100: {  	v61 =	vld.idx.msk [tilespmem:v3+s26+$0x0 ss:$0x1], $0xffff;
	v2 =	vadd.f32 v31, v2;
	v0 =	vadd.f32 v63, v0;
	v31 =	vmul.f32 v63, v63  }
0x101: {  	v56 =	vmul.f32 v36, v36;
	v30 =	vadd.f32 v34, v30;
	v57 =	vadd.f32 v36, v33;
	v36 =	vld.idx.msk [tilespmem:v4+s26+$0x0 ss:$0x1], $0xffff  }
0x102: {  	v1 =	vsub.f32 v29, v1;
	v29 =	vld.idx.msk [tilespmem:v13+s23+$0x0 ss:$0x1], $0xffff;
	v2 =	vadd.f32 v31, v2;
	v0 =	vmul.f32 v0, v0  }
0x103: {  	v32 =	vmul.f32 v59, v59;
	v33 =	vld.idx.msk [tilespmem:v5+s26+$0x0 ss:$0x1], $0xffff;
	v30 =	vadd.f32 v56, v30;
	v31 =	vadd.f32 v59, v57  }
0x104: {  	(xrf2) =	vadd.scan.msk.f32 $0xffff, v1;
	v1 =	vld.idx.msk [tilespmem:v14+s23+$0x0 ss:$0x1], $0xffff;
	v0 =	vsub.f32 v0, v2  }
0x105: {  	v56 =	vld.idx.msk [tilespmem:v6+s26+$0x0 ss:$0x1], $0xffff;
	v2 =	vadd.f32 v32, v30;
	v30 =	vadd.f32 v35, v31;
	v31 =	vmul.f32 v35, v35  }
0x106: {  	v34 =	vmul.f32 v61, v61;
	(xrf2) =	vadd.scan.msk.f32 $0xffff, v0;
	v0 =	vld.idx.msk [tilespmem:v15+s23+$0x0 ss:$0x1], $0xffff;
	v35 =	vmul.f32 v36, v36  }
0x107: {  	v2 =	vadd.f32 v31, v2;
	v30 =	vadd.f32 v29, v30;
	v29 =	vmul.f32 v29, v29;
	v31 =	vld.idx.msk [tilespmem:v7+s26+$0x0 ss:$0x1], $0xffff  }
0x108: {  	v62 =	vld.idx.msk [tilespmem:v16+s23+$0x0 ss:$0x1], $0xffff;
	v58 =	vadd.f32 v36, v61;
	v36 =	vmul.f32 v33, v33;
	v59 =	vadd.f32 v35, v34  }
0x109: {  	v2 =	vadd.f32 v29, v2;
	v29 =	vadd.f32 v1, v30;
	v1 =	vmul.f32 v1, v1;
	v30 =	vld.idx.msk [tilespmem:v8+s26+$0x0 ss:$0x1], $0xffff  }
0x10a: {  	v61 =	vld.idx.msk [tilespmem:v17+s23+$0x0 ss:$0x1], $0xffff;
	v57 =	vadd.f32 v33, v58;
	v33 =	vmul.f32 v56, v56;
	v32 =	vadd.f32 v36, v59  }
0x10b: {  	v1 =	vadd.f32 v1, v2;
	v2 =	vadd.f32 v0, v29;
	v0 =	vmul.f32 v0, v0;
	v29 =	vld.idx.msk [tilespmem:v9+s26+$0x0 ss:$0x1], $0xffff  }
0x10c: {  	v60 =	vld.idx.msk [tilespmem:v18+s23+$0x0 ss:$0x1], $0xffff;
	v56 =	vadd.f32 v56, v57;
	v34 =	vadd.f32 v33, v32;
	v35 =	vmul.f32 v31, v31  }
0x10d: {  	v59 =	vld.idx.msk [tilespmem:v10+s26+$0x0 ss:$0x1], $0xffff;
	v0 =	vadd.f32 v0, v1;
	v1 =	vadd.f32 v62, v2;
	v2 =	vmul.f32 v62, v62  }
0x10e: {  	v31 =	vadd.f32 v31, v56;
	v62 =	vld.idx.msk [tilespmem:v19+s23+$0x0 ss:$0x1], $0xffff;
	v36 =	vadd.f32 v35, v34;
	v33 =	vmul.f32 v30, v30  }
0x10f: {  	v58 =	vld.idx.msk [tilespmem:v11+s26+$0x0 ss:$0x1], $0xffff;
	v0 =	vadd.f32 v2, v0;
	v1 =	vadd.f32 v61, v1;
	v2 =	vmul.f32 v61, v61  }
0x110: {  	v34 =	vld.idx.msk [tilespmem:v20+s23+$0x0 ss:$0x1], $0xffff;
	v30 =	vadd.f32 v30, v31;
	v31 =	vadd.f32 v33, v36;
	v35 =	vmul.f32 v29, v29  }
0x111: {  	v57 =	vld.idx.msk [tilespmem:v12+s26+$0x0 ss:$0x1], $0xffff;
	v0 =	vadd.f32 v2, v0;
	v1 =	vadd.f32 v60, v1;
	v2 =	vmul.f32 v60, v60  }
0x112: {  	v36 =	vld.idx.msk [tilespmem:v21+s23+$0x0 ss:$0x1], $0xffff;
	v29 =	vadd.f32 v29, v30;
	v30 =	vadd.f32 v35, v31;
	v31 =	vmul.f32 v59, v59  }
0x113: {  	v56 =	vld.idx.msk [tilespmem:v13+s26+$0x0 ss:$0x1], $0xffff;
	v0 =	vadd.f32 v2, v0;
	v1 =	vadd.f32 v62, v1;
	v2 =	vmul.f32 v62, v62  }
0x114: {  	v33 =	vld.idx.msk [tilespmem:v22+s23+$0x0 ss:$0x1], $0xffff;
	v29 =	vadd.f32 v59, v29;
	v30 =	vadd.f32 v31, v30;
	v31 =	vmul.f32 v58, v58  }
0x115: {  	v59 =	vld.idx.msk [tilespmem:v14+s26+$0x0 ss:$0x1], $0xffff;
	v0 =	vadd.f32 v2, v0;
	v1 =	vadd.f32 v34, v1;
	v2 =	vmul.f32 v34, v34  }
0x116: {  	v29 =	vadd.f32 v58, v29;
	v34 =	vld.idx.msk [tilespmem:v23+s23+$0x0 ss:$0x1], $0xffff;
	v30 =	vadd.f32 v31, v30;
	v31 =	vmul.f32 v57, v57  }
0x117: {  	v58 =	vld.idx.msk [tilespmem:v15+s26+$0x0 ss:$0x1], $0xffff;
	v0 =	vadd.f32 v2, v0;
	v1 =	vadd.f32 v36, v1;
	v2 =	vmul.f32 v36, v36  }
0x118: {  	v35 =	vld.idx.msk [tilespmem:v24+s23+$0x0 ss:$0x1], $0xffff;
	v29 =	vadd.f32 v57, v29;
	v30 =	vadd.f32 v31, v30;
	v31 =	vmul.f32 v56, v56  }
0x119: {  	v57 =	vld.idx.msk [tilespmem:v16+s26+$0x0 ss:$0x1], $0xffff;
	v0 =	vadd.f32 v2, v0;
	v1 =	vadd.f32 v33, v1;
	v2 =	vmul.f32 v33, v33  }
0x11a: {  	v36 =	vld.idx.msk [tilespmem:v25+s23+$0x0 ss:$0x1], $0xffff;
	v29 =	vadd.f32 v56, v29;
	v30 =	vadd.f32 v31, v30;
	v31 =	vmul.f32 v59, v59  }
0x11b: {  	v56 =	vld.idx.msk [tilespmem:v17+s26+$0x0 ss:$0x1], $0xffff;
	v0 =	vadd.f32 v2, v0;
	v1 =	vadd.f32 v34, v1;
	v2 =	vmul.f32 v34, v34  }
0x11c: {  	v33 =	vld.idx.msk [tilespmem:v26+s23+$0x0 ss:$0x1], $0xffff;
	v29 =	vadd.f32 v59, v29;
	v30 =	vadd.f32 v31, v30;
	v31 =	vmul.f32 v58, v58  }
0x11d: {  	v59 =	vld.idx.msk [tilespmem:v18+s26+$0x0 ss:$0x1], $0xffff;
	v0 =	vadd.f32 v2, v0;
	v1 =	vadd.f32 v35, v1;
	v2 =	vmul.f32 v35, v35  }
0x11e: {  	v34 =	vld.idx.msk [tilespmem:v27+s23+$0x0 ss:$0x1], $0xffff;
	v29 =	vadd.f32 v58, v29;
	v30 =	vadd.f32 v31, v30;
	v31 =	vmul.f32 v57, v57  }
0x11f: {  	v35 =	vld.idx.msk [tilespmem:v19+s26+$0x0 ss:$0x1], $0xffff;
	v0 =	vadd.f32 v2, v0;
	v1 =	vadd.f32 v36, v1;
	v2 =	vmul.f32 v36, v36  }
0x120: {  	v29 =	vadd.f32 v57, v29;
	v36 =	vld.idx.msk [tilespmem:v28+s23+$0x0 ss:$0x1], $0xffff;
	v30 =	vadd.f32 v31, v30;
	v31 =	vmul.f32 v56, v56  }
0x121: {  	v0 =	vadd.f32 v2, v0;
	v1 =	vadd.f32 v33, v1;
	v2 =	vmul.f32 v33, v33;
	v33 =	vld.idx.msk [tilespmem:v20+s26+$0x0 ss:$0x1], $0xffff  }
0x122: {  	v29 =	vadd.f32 v56, v29;
	v30 =	vadd.f32 v31, v30;
	v31 =	vmul.f32 v59, v59  }
0x123: {  	s28 =	sor.u32 $0x40, s22;
	v56 =	vld.idx.msk [tilespmem:v21+s26+$0x0 ss:$0x1], $0xffff;
	v0 =	vadd.f32 v2, v0;
	v1 =	vadd.f32 v34, v1;
	v2 =	vmul.f32 v34, v34  }
0x124: {  	v60 =	vld.idx.msk [tilespmem:v3+s28+$0x0 ss:$0x1], $0xffff;
	v29 =	vadd.f32 v59, v29;
	v30 =	vadd.f32 v31, v30;
	v31 =	vmul.f32 v35, v35  }
0x125: {  	v59 =	vld.idx.msk [tilespmem:v22+s26+$0x0 ss:$0x1], $0xffff;
	v0 =	vadd.f32 v2, v0;
	v1 =	vadd.f32 v36, v1;
	v2 =	vmul.f32 v36, v36  }
0x126: {  	v29 =	vadd.f32 v35, v29;
	v35 =	vld.idx.msk [tilespmem:v4+s28+$0x0 ss:$0x1], $0xffff;
	v30 =	vadd.f32 v31, v30;
	v31 =	vmul.f32 v33, v33  }
0x127: {  	v0 =	vadd.f32 v2, v0;
	v1 =	vmul.f32 v1, v1;
	v2 =	vld.idx.msk [tilespmem:v23+s26+$0x0 ss:$0x1], $0xffff  }
0x128: {  	v34, _, _ =	vpop (xrf2);
	v29 =	vadd.f32 v33, v29;
	v33 =	vld.idx.msk [tilespmem:v5+s28+$0x0 ss:$0x1], $0xffff;
	v30 =	vadd.f32 v31, v30;
	v31 =	vmul.f32 v56, v56  }
0x129: {  	(v2sf) =	vpush v34, $0xF;
	v34 =	vmul.f32 v60, v60;
	v57 =	vsub.f32 v1, v0;
	v0 =	vld.idx.msk [tilespmem:v24+s26+$0x0 ss:$0x1], $0xffff  }
0x12a: {  	v36, _, _ =	vpop (xrf2);
	v1 =	vadd.f32 v56, v29;
	v29 =	vadd.f32 v31, v30;
	v30 =	vmul.f32 v59, v59;
	v31 =	vld.idx.msk [tilespmem:v6+s28+$0x0 ss:$0x1], $0xffff  }
0x12b: {  	(v2sf) =	vpush v36, $0xF;
	v56 =	vld.idx.msk [tilespmem:v25+s26+$0x0 ss:$0x1], $0xffff;
	v60 =	vadd.f32 v35, v60;
	v58 =	vmul.f32 v35, v35  }
0x12c: {  	v35 =	vld.idx.msk [tilespmem:v7+s28+$0x0 ss:$0x1], $0xffff;
	v1 =	vadd.f32 v59, v1;
	v29 =	vadd.f32 v30, v29;
	v30 =	vmul.f32 v2, v2  }
0x12d: {  	v63 =	vld.idx.msk [tilespmem:v26+s26+$0x0 ss:$0x1], $0xffff;
	v58 =	vadd.f32 v58, v34;
	v60 =	vadd.f32 v33, v60;
	v36 =	vmul.f32 v33, v33  }
0x12e: {  	v1 =	vadd.f32 v2, v1;
	v2 =	vadd.f32 v30, v29;
	v29 =	vmul.f32 v0, v0;
	v30 =	vld.idx.msk [tilespmem:v8+s28+$0x0 ss:$0x1], $0xffff  }
0x12f: {  	v33 =	vld.idx.msk [tilespmem:v27+s26+$0x0 ss:$0x1], $0xffff;
	v58 =	vadd.f32 v36, v58;
	v60 =	vadd.f32 v31, v60;
	v31 =	vmul.f32 v31, v31  }
0x130: {  	v0 =	vadd.f32 v0, v1;
	v1 =	vadd.f32 v29, v2;
	v2 =	vmul.f32 v56, v56;
	v29 =	vld.idx.msk [tilespmem:v9+s28+$0x0 ss:$0x1], $0xffff  }
0x131: {  	v61 =	vld.idx.msk [tilespmem:v28+s26+$0x0 ss:$0x1], $0xffff;
	v59 =	vmul.f32 v35, v35;
	v31 =	vadd.f32 v31, v58;
	v34 =	vadd.f32 v35, v60  }
0x132: {  	s29 =	sor.u32 $0x50, s22;
	v0 =	vadd.f32 v56, v0;
	v35 =	vld.idx.msk [tilespmem:v10+s28+$0x0 ss:$0x1], $0xffff;
	v1 =	vadd.f32 v2, v1;
	v2 =	vmul.f32 v63, v63  }
0x133: {  	v60 =	vld.idx.msk [tilespmem:v3+s29+$0x0 ss:$0x1], $0xffff;
	v31 =	vadd.f32 v59, v31;
	v58 =	vadd.f32 v30, v34;
	v30 =	vmul.f32 v30, v30  }
0x134: {  	v59 =	vld.idx.msk [tilespmem:v11+s28+$0x0 ss:$0x1], $0xffff;
	v0 =	vadd.f32 v63, v0;
	v1 =	vadd.f32 v2, v1;
	v2 =	vmul.f32 v33, v33  }
0x135: {  	v63 =	vld.idx.msk [tilespmem:v4+s29+$0x0 ss:$0x1], $0xffff;
	v30 =	vadd.f32 v30, v31;
	v31 =	vadd.f32 v29, v58;
	v29 =	vmul.f32 v29, v29  }
0x136: {  	v36 =	vld.idx.msk [tilespmem:v12+s28+$0x0 ss:$0x1], $0xffff;
	v0 =	vadd.f32 v33, v0;
	v1 =	vadd.f32 v2, v1;
	v2 =	vmul.f32 v61, v61  }
0x137: {  	v32 =	vld.idx.msk [tilespmem:v5+s29+$0x0 ss:$0x1], $0xffff;
	v29 =	vadd.f32 v29, v30;
	v30 =	vadd.f32 v35, v31;
	v31 =	vmul.f32 v35, v35  }
0x138: {  	v58 =	vadd.f32 v61, v0;
	v0 =	vld.idx.msk [tilespmem:v13+s28+$0x0 ss:$0x1], $0xffff;
	v56 =	vadd.f32 v2, v1  }
0x139: {  	v1 =	vadd.f32 v31, v29;
	v2 =	vadd.f32 v59, v30;
	v29 =	vmul.f32 v59, v59;
	v30 =	vld.idx.msk [tilespmem:v6+s29+$0x0 ss:$0x1], $0xffff  }
0x13a: {  	v34 =	vmul.f32 v60, v60;
	v60 =	vadd.f32 v63, v60;
	v35 =	vmul.f32 v63, v63;
	v31 =	vld.idx.msk [tilespmem:v14+s28+$0x0 ss:$0x1], $0xffff  }
0x13b: {  	v62 =	vld.idx.msk [tilespmem:v7+s29+$0x0 ss:$0x1], $0xffff;
	v1 =	vadd.f32 v29, v1;
	v2 =	vadd.f32 v36, v2;
	v29 =	vmul.f32 v36, v36  }
0x13c: {  	v59 =	vadd.f32 v35, v34;
	v60 =	vadd.f32 v32, v60;
	v32 =	vmul.f32 v32, v32;
	v36 =	vld.idx.msk [tilespmem:v15+s28+$0x0 ss:$0x1], $0xffff  }
0x13d: {  	v1 =	vadd.f32 v29, v1;
	v2 =	vadd.f32 v0, v2;
	v0 =	vmul.f32 v0, v0;
	v29 =	vld.idx.msk [tilespmem:v8+s29+$0x0 ss:$0x1], $0xffff  }
0x13e: {  	v61 =	vld.idx.msk [tilespmem:v16+s28+$0x0 ss:$0x1], $0xffff;
	v32 =	vadd.f32 v32, v59;
	v34 =	vadd.f32 v30, v60;
	v30 =	vmul.f32 v30, v30  }
0x13f: {  	v0 =	vadd.f32 v0, v1;
	v1 =	vadd.f32 v31, v2;
	v2 =	vmul.f32 v31, v31;
	v31 =	vld.idx.msk [tilespmem:v9+s29+$0x0 ss:$0x1], $0xffff  }
0x140: {  	v35 =	vmul.f32 v62, v62;
	v60 =	vld.idx.msk [tilespmem:v17+s28+$0x0 ss:$0x1], $0xffff;
	v30 =	vadd.f32 v30, v32;
	v32 =	vadd.f32 v62, v34  }
0x141: {  	v62 =	vld.idx.msk [tilespmem:v10+s29+$0x0 ss:$0x1], $0xffff;
	v0 =	vadd.f32 v2, v0;
	v1 =	vadd.f32 v36, v1;
	v2 =	vmul.f32 v36, v36  }
0x142: {  	v36 =	vld.idx.msk [tilespmem:v18+s28+$0x0 ss:$0x1], $0xffff;
	v30 =	vadd.f32 v35, v30;
	v32 =	vadd.f32 v29, v32;
	v29 =	vmul.f32 v29, v29  }
0x143: {  	v59 =	vld.idx.msk [tilespmem:v11+s29+$0x0 ss:$0x1], $0xffff;
	v0 =	vadd.f32 v2, v0;
	v1 =	vadd.f32 v61, v1;
	v2 =	vmul.f32 v61, v61  }
0x144: {  	v61 =	vld.idx.msk [tilespmem:v19+s28+$0x0 ss:$0x1], $0xffff;
	v29 =	vadd.f32 v29, v30;
	v30 =	vadd.f32 v31, v32;
	v31 =	vmul.f32 v31, v31  }
0x145: {  	v32 =	vld.idx.msk [tilespmem:v12+s29+$0x0 ss:$0x1], $0xffff;
	v0 =	vadd.f32 v2, v0;
	v1 =	vadd.f32 v60, v1;
	v2 =	vmul.f32 v60, v60  }
0x146: {  	v35 =	vld.idx.msk [tilespmem:v20+s28+$0x0 ss:$0x1], $0xffff;
	v29 =	vadd.f32 v31, v29;
	v30 =	vadd.f32 v62, v30;
	v31 =	vmul.f32 v62, v62  }
0x147: {  	v62 =	vld.idx.msk [tilespmem:v13+s29+$0x0 ss:$0x1], $0xffff;
	v0 =	vadd.f32 v2, v0;
	v1 =	vadd.f32 v36, v1;
	v2 =	vmul.f32 v36, v36  }
0x148: {  	v36 =	vld.idx.msk [tilespmem:v21+s28+$0x0 ss:$0x1], $0xffff;
	v29 =	vadd.f32 v31, v29;
	v30 =	vadd.f32 v59, v30;
	v31 =	vmul.f32 v59, v59  }
0x149: {  	v59 =	vld.idx.msk [tilespmem:v14+s29+$0x0 ss:$0x1], $0xffff;
	v0 =	vadd.f32 v2, v0;
	v1 =	vadd.f32 v61, v1;
	v2 =	vmul.f32 v61, v61  }
0x14a: {  	v61 =	vld.idx.msk [tilespmem:v22+s28+$0x0 ss:$0x1], $0xffff;
	v29 =	vadd.f32 v31, v29;
	v30 =	vadd.f32 v32, v30;
	v31 =	vmul.f32 v32, v32  }
0x14b: {  	v32 =	vld.idx.msk [tilespmem:v15+s29+$0x0 ss:$0x1], $0xffff;
	v0 =	vadd.f32 v2, v0;
	v1 =	vadd.f32 v35, v1;
	v2 =	vmul.f32 v35, v35  }
0x14c: {  	v35 =	vld.idx.msk [tilespmem:v23+s28+$0x0 ss:$0x1], $0xffff;
	v29 =	vadd.f32 v31, v29;
	v30 =	vadd.f32 v62, v30;
	v31 =	vmul.f32 v62, v62  }
0x14d: {  	v62 =	vld.idx.msk [tilespmem:v16+s29+$0x0 ss:$0x1], $0xffff;
	v0 =	vadd.f32 v2, v0;
	v1 =	vadd.f32 v36, v1;
	v2 =	vmul.f32 v36, v36  }
0x14e: {  	v36 =	vld.idx.msk [tilespmem:v24+s28+$0x0 ss:$0x1], $0xffff;
	v29 =	vadd.f32 v31, v29;
	v30 =	vadd.f32 v59, v30;
	v31 =	vmul.f32 v59, v59  }
0x14f: {  	v59 =	vld.idx.msk [tilespmem:v17+s29+$0x0 ss:$0x1], $0xffff;
	v0 =	vadd.f32 v2, v0;
	v1 =	vadd.f32 v61, v1;
	v2 =	vmul.f32 v61, v61  }
0x150: {  	v61 =	vld.idx.msk [tilespmem:v25+s28+$0x0 ss:$0x1], $0xffff;
	v29 =	vadd.f32 v31, v29;
	v30 =	vadd.f32 v32, v30;
	v31 =	vmul.f32 v32, v32  }
0x151: {  	v32 =	vld.idx.msk [tilespmem:v18+s29+$0x0 ss:$0x1], $0xffff;
	v0 =	vadd.f32 v2, v0;
	v1 =	vadd.f32 v35, v1;
	v2 =	vmul.f32 v35, v35  }
0x152: {  	v35 =	vld.idx.msk [tilespmem:v26+s28+$0x0 ss:$0x1], $0xffff;
	v29 =	vadd.f32 v31, v29;
	v30 =	vadd.f32 v62, v30;
	v31 =	vmul.f32 v62, v62  }
0x153: {  	v62 =	vld.idx.msk [tilespmem:v19+s29+$0x0 ss:$0x1], $0xffff;
	v0 =	vadd.f32 v2, v0;
	v1 =	vadd.f32 v36, v1;
	v2 =	vmul.f32 v36, v36  }
0x154: {  	v36 =	vld.idx.msk [tilespmem:v27+s28+$0x0 ss:$0x1], $0xffff;
	v29 =	vadd.f32 v31, v29;
	v30 =	vadd.f32 v59, v30;
	v31 =	vmul.f32 v59, v59  }
0x155: {  	v59 =	vld.idx.msk [tilespmem:v20+s29+$0x0 ss:$0x1], $0xffff;
	v0 =	vadd.f32 v2, v0;
	v1 =	vadd.f32 v61, v1;
	v2 =	vmul.f32 v61, v61  }
0x156: {  	v61 =	vld.idx.msk [tilespmem:v28+s28+$0x0 ss:$0x1], $0xffff;
	v29 =	vadd.f32 v31, v29;
	v30 =	vadd.f32 v32, v30;
	v31 =	vmul.f32 v32, v32  }
0x157: {  	v32 =	vld.idx.msk [tilespmem:v21+s29+$0x0 ss:$0x1], $0xffff;
	v0 =	vadd.f32 v2, v0;
	v1 =	vadd.f32 v35, v1;
	v2 =	vmul.f32 v35, v35  }
0x158: {  	v29 =	vadd.f32 v31, v29;
	v30 =	vadd.f32 v62, v30;
	v31 =	vmul.f32 v62, v62  }
0x159: {  	v60 =	vld.idx.msk [tilespmem:v22+s29+$0x0 ss:$0x1], $0xffff;
	v0 =	vadd.f32 v2, v0;
	v1 =	vadd.f32 v36, v1;
	v2 =	vmul.f32 v36, v36  }
0x15a: {  	s30 =	sor.u32 $0x60, s22;
	v36 =	vld.idx.msk [tilespmem:v23+s29+$0x0 ss:$0x1], $0xffff;
	v29 =	vadd.f32 v31, v29;
	v30 =	vadd.f32 v59, v30;
	v31 =	vmul.f32 v59, v59  }
0x15b: {  	v0 =	vadd.f32 v2, v0;
	v1 =	vadd.f32 v61, v1;
	v2 =	vmul.f32 v61, v61;
	v61 =	vld.idx.msk [tilespmem:v3+s30+$0x0 ss:$0x1], $0xffff  }
0x15c: {  	v29 =	vadd.f32 v31, v29;
	v30 =	vadd.f32 v32, v30;
	v31 =	vmul.f32 v32, v32;
	v32 =	vld.idx.msk [tilespmem:v4+s30+$0x0 ss:$0x1], $0xffff  }
0x15d: {  	v58 =	vmul.f32 v58, v58;
	v59 =	vld.idx.msk [tilespmem:v24+s29+$0x0 ss:$0x1], $0xffff;
	v0 =	vadd.f32 v2, v0;
	v1 =	vmul.f32 v1, v1  }
0x15e: {  	v29 =	vadd.f32 v31, v29;
	v30 =	vadd.f32 v60, v30;
	v31 =	vmul.f32 v60, v60;
	v60 =	vld.idx.msk [tilespmem:v5+s30+$0x0 ss:$0x1], $0xffff  }
0x15f: {  	v58 =	vsub.f32 v58, v56;
	v2 =	vld.idx.msk [tilespmem:v25+s29+$0x0 ss:$0x1], $0xffff;
	v56 =	vsub.f32 v1, v0  }
0x160: {  	v1 =	vadd.f32 v31, v29;
	v29 =	vadd.f32 v36, v30;
	v30 =	vmul.f32 v36, v36;
	v31 =	vld.idx.msk [tilespmem:v6+s30+$0x0 ss:$0x1], $0xffff  }
0x161: {  	v0 =	vld.idx.msk [tilespmem:v26+s29+$0x0 ss:$0x1], $0xffff;
	v36 =	vmul.f32 v61, v61;
	v61 =	vadd.f32 v32, v61;
	v32 =	vmul.f32 v32, v32  }
0x162: {  	s31 =	sor.u32 $0x70, s22;
	v1 =	vadd.f32 v30, v1;
	v29 =	vadd.f32 v59, v29;
	v30 =	vmul.f32 v59, v59;
	v59 =	vld.idx.msk [tilespmem:v7+s30+$0x0 ss:$0x1], $0xffff  }
0x163: {  	v63 =	vld.idx.msk [tilespmem:v4+s31+$0x0 ss:$0x1], $0xffff;
	v32 =	vadd.f32 v32, v36;
	v61 =	vadd.f32 v60, v61;
	v60 =	vmul.f32 v60, v60  }
0x164: {  	v62 =	vld.idx.msk [tilespmem:v27+s29+$0x0 ss:$0x1], $0xffff;
	v1 =	vadd.f32 v30, v1;
	v29 =	vadd.f32 v2, v29;
	v2 =	vmul.f32 v2, v2  }
0x165: {  	v30 =	vld.idx.msk [tilespmem:v8+s30+$0x0 ss:$0x1], $0xffff;
	v32 =	vadd.f32 v60, v32;
	v35 =	vadd.f32 v31, v61;
	v31 =	vmul.f32 v31, v31  }
0x166: {  	v33 =	vld.idx.msk [tilespmem:v28+s29+$0x0 ss:$0x1], $0xffff;
	v1 =	vadd.f32 v2, v1;
	v2 =	vadd.f32 v0, v29;
	v0 =	vmul.f32 v0, v0  }
0x167: {  	v61 =	vld.idx.msk [tilespmem:v9+s30+$0x0 ss:$0x1], $0xffff;
	v31 =	vadd.f32 v31, v32;
	v36 =	vadd.f32 v59, v35;
	v59 =	vmul.f32 v59, v59  }
0x168: {  	v29 =	vld.idx.msk [tilespmem:v3+s31+$0x0 ss:$0x1], $0xffff;
	v0 =	vadd.f32 v0, v1  }
0x169: {  	v1 =	vadd.f32 v62, v2;
	v2 =	vmul.f32 v62, v62;
	v62 =	vld.idx.msk [tilespmem:v10+s30+$0x0 ss:$0x1], $0xffff;
	v31 =	vadd.f32 v59, v31  }
0x16a: {  	v34 =	vld.idx.msk [tilespmem:v5+s31+$0x0 ss:$0x1], $0xffff;
	v32 =	vadd.f32 v30, v36;
	v30 =	vmul.f32 v30, v30;
	v36 =	vmul.f32 v63, v63  }
0x16b: {  	v0 =	vadd.f32 v2, v0;
	v60 =	vadd.f32 v33, v1;
	v1 =	vmul.f32 v33, v33;
	v2 =	vld.idx.msk [tilespmem:v11+s30+$0x0 ss:$0x1], $0xffff  }
0x16c: {  	v33 =	vld.idx.msk [tilespmem:v6+s31+$0x0 ss:$0x1], $0xffff;
	v30 =	vadd.f32 v30, v31;
	v31 =	vadd.f32 v61, v32;
	v32 =	vmul.f32 v61, v61  }
0x16d: {  	v59 =	vadd.f32 v1, v0;
	v0 =	vld.idx.msk [tilespmem:v12+s30+$0x0 ss:$0x1], $0xffff;
	v1 =	vmul.f32 v29, v29;
	v29 =	vadd.f32 v63, v29  }
0x16e: {  	v30 =	vadd.f32 v32, v30;
	v31 =	vadd.f32 v62, v31;
	v32 =	vmul.f32 v62, v62;
	v62 =	vld.idx.msk [tilespmem:v7+s31+$0x0 ss:$0x1], $0xffff  }
0x16f: {  	v35 =	vld.idx.msk [tilespmem:v13+s30+$0x0 ss:$0x1], $0xffff;
	v1 =	vadd.f32 v36, v1;
	v36 =	vmul.f32 v34, v34;
	v29 =	vadd.f32 v34, v29  }
0x170: {  	v30 =	vadd.f32 v32, v30;
	v31 =	vadd.f32 v2, v31;
	v2 =	vmul.f32 v2, v2;
	v32 =	vld.idx.msk [tilespmem:v8+s31+$0x0 ss:$0x1], $0xffff  }
0x171: {  	v63 =	vld.idx.msk [tilespmem:v14+s30+$0x0 ss:$0x1], $0xffff;
	v1 =	vadd.f32 v36, v1;
	v36 =	vmul.f32 v33, v33;
	v29 =	vadd.f32 v33, v29  }
0x172: {  	v2 =	vadd.f32 v2, v30;
	v30 =	vadd.f32 v0, v31;
	v0 =	vmul.f32 v0, v0;
	v31 =	vld.idx.msk [tilespmem:v9+s31+$0x0 ss:$0x1], $0xffff  }
0x173: {  	v61 =	vld.idx.msk [tilespmem:v15+s30+$0x0 ss:$0x1], $0xffff;
	v1 =	vadd.f32 v36, v1;
	v36 =	vmul.f32 v62, v62;
	v29 =	vadd.f32 v62, v29  }
0x174: {  	v34 =	vld.idx.msk [tilespmem:v10+s31+$0x0 ss:$0x1], $0xffff;
	v0 =	vadd.f32 v0, v2;
	v2 =	vadd.f32 v35, v30;
	v30 =	vmul.f32 v35, v35  }
0x175: {  	v35 =	vld.idx.msk [tilespmem:v16+s30+$0x0 ss:$0x1], $0xffff;
	v1 =	vadd.f32 v36, v1;
	v36 =	vmul.f32 v32, v32;
	v29 =	vadd.f32 v32, v29  }
0x176: {  	v62 =	vld.idx.msk [tilespmem:v11+s31+$0x0 ss:$0x1], $0xffff;
	v0 =	vadd.f32 v30, v0;
	v2 =	vadd.f32 v63, v2;
	v30 =	vmul.f32 v63, v63  }
0x177: {  	v63 =	vld.idx.msk [tilespmem:v17+s30+$0x0 ss:$0x1], $0xffff;
	v1 =	vadd.f32 v36, v1;
	v32 =	vmul.f32 v31, v31;
	v29 =	vadd.f32 v31, v29  }
0x178: {  	v33 =	vld.idx.msk [tilespmem:v12+s31+$0x0 ss:$0x1], $0xffff;
	v0 =	vadd.f32 v30, v0;
	v2 =	vadd.f32 v61, v2;
	v30 =	vmul.f32 v61, v61  }
0x179: {  	v36 =	vld.idx.msk [tilespmem:v18+s30+$0x0 ss:$0x1], $0xffff;
	v31 =	vmul.f32 v34, v34;
	v1 =	vadd.f32 v32, v1;
	v29 =	vadd.f32 v34, v29  }
0x17a: {  	v32 =	vld.idx.msk [tilespmem:v13+s31+$0x0 ss:$0x1], $0xffff;
	v0 =	vadd.f32 v30, v0;
	v2 =	vadd.f32 v35, v2;
	v30 =	vmul.f32 v35, v35  }
0x17b: {  	v35 =	vld.idx.msk [tilespmem:v19+s30+$0x0 ss:$0x1], $0xffff;
	v1 =	vadd.f32 v31, v1;
	v31 =	vmul.f32 v62, v62;
	v29 =	vadd.f32 v62, v29  }
0x17c: {  	v34 =	vld.idx.msk [tilespmem:v14+s31+$0x0 ss:$0x1], $0xffff;
	v0 =	vadd.f32 v30, v0;
	v2 =	vadd.f32 v63, v2;
	v30 =	vmul.f32 v63, v63  }
0x17d: {  	v63 =	vld.idx.msk [tilespmem:v20+s30+$0x0 ss:$0x1], $0xffff;
	v1 =	vadd.f32 v31, v1;
	v31 =	vmul.f32 v33, v33;
	v29 =	vadd.f32 v33, v29  }
0x17e: {  	v61 =	vld.idx.msk [tilespmem:v15+s31+$0x0 ss:$0x1], $0xffff;
	v0 =	vadd.f32 v30, v0;
	v2 =	vadd.f32 v36, v2;
	v30 =	vmul.f32 v36, v36  }
0x17f: {  	v36 =	vld.idx.msk [tilespmem:v21+s30+$0x0 ss:$0x1], $0xffff;
	v1 =	vadd.f32 v31, v1;
	v31 =	vmul.f32 v32, v32;
	v29 =	vadd.f32 v32, v29  }
0x180: {  	v33 =	vld.idx.msk [tilespmem:v16+s31+$0x0 ss:$0x1], $0xffff;
	v0 =	vadd.f32 v30, v0;
	v2 =	vadd.f32 v35, v2;
	v30 =	vmul.f32 v35, v35  }
0x181: {  	v35 =	vld.idx.msk [tilespmem:v22+s30+$0x0 ss:$0x1], $0xffff;
	v1 =	vadd.f32 v31, v1;
	v31 =	vmul.f32 v34, v34;
	v29 =	vadd.f32 v34, v29  }
0x182: {  	v32 =	vld.idx.msk [tilespmem:v17+s31+$0x0 ss:$0x1], $0xffff;
	v0 =	vadd.f32 v30, v0;
	v2 =	vadd.f32 v63, v2;
	v30 =	vmul.f32 v63, v63  }
0x183: {  	v63 =	vld.idx.msk [tilespmem:v23+s30+$0x0 ss:$0x1], $0xffff;
	v1 =	vadd.f32 v31, v1;
	v31 =	vmul.f32 v61, v61;
	v29 =	vadd.f32 v61, v29  }
0x184: {  	v34 =	vld.idx.msk [tilespmem:v18+s31+$0x0 ss:$0x1], $0xffff;
	v0 =	vadd.f32 v30, v0;
	v2 =	vadd.f32 v36, v2;
	v30 =	vmul.f32 v36, v36  }
0x185: {  	v36 =	vld.idx.msk [tilespmem:v24+s30+$0x0 ss:$0x1], $0xffff;
	v1 =	vadd.f32 v31, v1;
	v31 =	vmul.f32 v33, v33;
	v29 =	vadd.f32 v33, v29  }
0x186: {  	v0 =	vadd.f32 v30, v0;
	v2 =	vadd.f32 v35, v2;
	v30 =	vmul.f32 v35, v35;
	v35 =	vld.idx.msk [tilespmem:v19+s31+$0x0 ss:$0x1], $0xffff  }
0x187: {  	v61 =	vld.idx.msk [tilespmem:v25+s30+$0x0 ss:$0x1], $0xffff;
	v1 =	vadd.f32 v31, v1;
	v31 =	vmul.f32 v32, v32;
	v29 =	vadd.f32 v32, v29  }
0x188: {  	v33 =	vld.idx.msk [tilespmem:v20+s31+$0x0 ss:$0x1], $0xffff;
	v0 =	vadd.f32 v30, v0;
	v2 =	vadd.f32 v63, v2;
	v30 =	vmul.f32 v63, v63  }
0x189: {  	v63 =	vld.idx.msk [tilespmem:v26+s30+$0x0 ss:$0x1], $0xffff;
	v1 =	vadd.f32 v31, v1;
	v31 =	vmul.f32 v34, v34;
	v29 =	vadd.f32 v34, v29  }
0x18a: {  	v32 =	vld.idx.msk [tilespmem:v21+s31+$0x0 ss:$0x1], $0xffff;
	v0 =	vadd.f32 v30, v0;
	v2 =	vadd.f32 v36, v2;
	v30 =	vmul.f32 v36, v36  }
0x18b: {  	v36 =	vld.idx.msk [tilespmem:v27+s30+$0x0 ss:$0x1], $0xffff;
	v1 =	vadd.f32 v31, v1;
	v31 =	vmul.f32 v35, v35;
	v29 =	vadd.f32 v35, v29  }
0x18c: {  	v34 =	vld.idx.msk [tilespmem:v22+s31+$0x0 ss:$0x1], $0xffff;
	v0 =	vadd.f32 v30, v0;
	v2 =	vadd.f32 v61, v2;
	v30 =	vmul.f32 v61, v61  }
0x18d: {  	v61 =	vld.idx.msk [tilespmem:v28+s30+$0x0 ss:$0x1], $0xffff;
	v1 =	vadd.f32 v31, v1;
	v31 =	vmul.f32 v33, v33;
	v29 =	vadd.f32 v33, v29  }
0x18e: {  	v35 =	vld.idx.msk [tilespmem:v23+s31+$0x0 ss:$0x1], $0xffff;
	v0 =	vadd.f32 v30, v0;
	v2 =	vadd.f32 v63, v2;
	v30 =	vmul.f32 v63, v63  }
0x18f: {  	v1 =	vadd.f32 v31, v1;
	v31 =	vmul.f32 v32, v32;
	v29 =	vadd.f32 v32, v29  }
0x190: {  	v0 =	vadd.f32 v30, v0;
	v2 =	vadd.f32 v36, v2;
	v30 =	vmul.f32 v36, v36;
	v36 =	vld.idx.msk [tilespmem:v24+s31+$0x0 ss:$0x1], $0xffff  }
0x191: {  	s0 =	sor.u32 $0x80, s22;
	v32 =	vld.idx.msk [tilespmem:v25+s31+$0x0 ss:$0x1], $0xffff;
	v1 =	vadd.f32 v31, v1;
	v31 =	vmul.f32 v34, v34;
	v29 =	vadd.f32 v34, v29  }
0x192: {  	v34 =	vld.idx.msk [tilespmem:v4+s0+$0x0 ss:$0x1], $0xffff;
	v0 =	vadd.f32 v30, v0;
	v2 =	vadd.f32 v61, v2;
	v30 =	vmul.f32 v61, v61  }
0x193: {  	v61 =	vld.idx.msk [tilespmem:v3+s0+$0x0 ss:$0x1], $0xffff;
	v1 =	vadd.f32 v31, v1;
	v31 =	vmul.f32 v35, v35  }
0x194: {  	v60 =	vmul.f32 v60, v60;
	v0 =	vadd.f32 v30, v0;
	v2 =	vmul.f32 v2, v2;
	v30 =	vld.idx.msk [tilespmem:v26+s31+$0x0 ss:$0x1], $0xffff  }
0x195: {  	v29 =	vadd.f32 v35, v29;
	v35 =	vld.idx.msk [tilespmem:v5+s0+$0x0 ss:$0x1], $0xffff;
	v1 =	vadd.f32 v31, v1;
	v31 =	vmul.f32 v36, v36  }
0x196: {  	(xrf2) =	vadd.scan.msk.f32 $0xffff, v57;
	v59 =	vsub.f32 v60, v59;
	v57 =	vsub.f32 v2, v0;
	v0 =	vld.idx.msk [tilespmem:v27+s31+$0x0 ss:$0x1], $0xffff  }
0x197: {  	v2 =	vadd.f32 v36, v29;
	v29 =	vmul.f32 v32, v32;
	v1 =	vadd.f32 v31, v1;
	v31 =	vld.idx.msk [tilespmem:v6+s0+$0x0 ss:$0x1], $0xffff  }
0x198: {  	v33 =	vld.idx.msk [tilespmem:v28+s31+$0x0 ss:$0x1], $0xffff;
	v36 =	vmul.f32 v61, v61;
	v61 =	vadd.f32 v34, v61;
	v34 =	vmul.f32 v34, v34  }
0x199: {  	s2 =	sor.u32 $0x90, s22;
	v2 =	vadd.f32 v32, v2;
	v32 =	vld.idx.msk [tilespmem:v7+s0+$0x0 ss:$0x1], $0xffff;
	v1 =	vadd.f32 v29, v1;
	v29 =	vmul.f32 v30, v30  }
0x19a: {  	v62 =	vld.idx.msk [tilespmem:v4+s2+$0x0 ss:$0x1], $0xffff;
	v34 =	vadd.f32 v34, v36;
	v36 =	vadd.f32 v35, v61;
	v35 =	vmul.f32 v35, v35  }
0x19b: {  	v61 =	vld.idx.msk [tilespmem:v8+s0+$0x0 ss:$0x1], $0xffff;
	v2 =	vadd.f32 v30, v2;
	v1 =	vadd.f32 v29, v1;
	v29 =	vmul.f32 v0, v0  }
0x19c: {  	v30 =	vld.idx.msk [tilespmem:v3+s2+$0x0 ss:$0x1], $0xffff;
	v34 =	vadd.f32 v35, v34;
	v36 =	vadd.f32 v31, v36;
	v31 =	vmul.f32 v31, v31  }
0x19d: {  	v0 =	vadd.f32 v0, v2;
	v2 =	vmul.f32 v33, v33;
	v1 =	vadd.f32 v29, v1;
	v29 =	vld.idx.msk [tilespmem:v9+s0+$0x0 ss:$0x1], $0xffff  }
0x19e: {  	v35 =	vld.idx.msk [tilespmem:v5+s2+$0x0 ss:$0x1], $0xffff;
	v31 =	vadd.f32 v31, v34;
	v36 =	vadd.f32 v32, v36;
	v32 =	vmul.f32 v32, v32  }
0x19f: {  	(xrf2) =	vadd.scan.msk.f32 $0xffff, v58;
	v60 =	vadd.f32 v33, v0;
	v0 =	vld.idx.msk [tilespmem:v10+s0+$0x0 ss:$0x1], $0xffff;
	v58 =	vadd.f32 v2, v1  }
0x1a0: {  	v1 =	vadd.f32 v32, v31;
	v2 =	vadd.f32 v61, v36;
	v31 =	vmul.f32 v61, v61;
	v32 =	vld.idx.msk [tilespmem:v6+s2+$0x0 ss:$0x1], $0xffff  }
0x1a1: {  	v33 =	vld.idx.msk [tilespmem:v11+s0+$0x0 ss:$0x1], $0xffff;
	v34 =	vmul.f32 v30, v30;
	v30 =	vadd.f32 v62, v30;
	v36 =	vmul.f32 v62, v62  }
0x1a2: {  	v1 =	vadd.f32 v31, v1;
	v2 =	vadd.f32 v29, v2;
	v29 =	vmul.f32 v29, v29;
	v31 =	vld.idx.msk [tilespmem:v7+s2+$0x0 ss:$0x1], $0xffff  }
0x1a3: {  	v62 =	vld.idx.msk [tilespmem:v12+s0+$0x0 ss:$0x1], $0xffff;
	v30 =	vadd.f32 v35, v30;
	v35 =	vmul.f32 v35, v35;
	v34 =	vadd.f32 v36, v34  }
0x1a4: {  	v1 =	vadd.f32 v29, v1;
	v2 =	vadd.f32 v0, v2;
	v0 =	vmul.f32 v0, v0;
	v29 =	vld.idx.msk [tilespmem:v8+s2+$0x0 ss:$0x1], $0xffff  }
0x1a5: {  	v36 =	vld.idx.msk [tilespmem:v13+s0+$0x0 ss:$0x1], $0xffff;
	v34 =	vadd.f32 v35, v34;
	v30 =	vadd.f32 v32, v30;
	v32 =	vmul.f32 v32, v32  }
0x1a6: {  	v0 =	vadd.f32 v0, v1;
	v1 =	vadd.f32 v33, v2;
	v2 =	vmul.f32 v33, v33;
	v33 =	vld.idx.msk [tilespmem:v9+s2+$0x0 ss:$0x1], $0xffff  }
0x1a7: {  	v35 =	vld.idx.msk [tilespmem:v14+s0+$0x0 ss:$0x1], $0xffff;
	v32 =	vadd.f32 v32, v34;
	v30 =	vadd.f32 v31, v30;
	v31 =	vmul.f32 v31, v31  }
0x1a8: {  	v34 =	vld.idx.msk [tilespmem:v10+s2+$0x0 ss:$0x1], $0xffff;
	v0 =	vadd.f32 v2, v0;
	v1 =	vadd.f32 v62, v1;
	v2 =	vmul.f32 v62, v62  }
0x1a9: {  	v62 =	vld.idx.msk [tilespmem:v15+s0+$0x0 ss:$0x1], $0xffff;
	v31 =	vadd.f32 v31, v32;
	v30 =	vadd.f32 v29, v30;
	v29 =	vmul.f32 v29, v29  }
0x1aa: {  	v32 =	vld.idx.msk [tilespmem:v11+s2+$0x0 ss:$0x1], $0xffff;
	v0 =	vadd.f32 v2, v0;
	v1 =	vadd.f32 v36, v1;
	v2 =	vmul.f32 v36, v36  }
0x1ab: {  	v36 =	vld.idx.msk [tilespmem:v16+s0+$0x0 ss:$0x1], $0xffff;
	v29 =	vadd.f32 v29, v31;
	v30 =	vadd.f32 v33, v30;
	v31 =	vmul.f32 v33, v33  }
0x1ac: {  	v33 =	vld.idx.msk [tilespmem:v12+s2+$0x0 ss:$0x1], $0xffff;
	v0 =	vadd.f32 v2, v0;
	v1 =	vadd.f32 v35, v1;
	v2 =	vmul.f32 v35, v35  }
0x1ad: {  	v35 =	vld.idx.msk [tilespmem:v17+s0+$0x0 ss:$0x1], $0xffff;
	v29 =	vadd.f32 v31, v29;
	v30 =	vadd.f32 v34, v30;
	v31 =	vmul.f32 v34, v34  }
0x1ae: {  	v34 =	vld.idx.msk [tilespmem:v13+s2+$0x0 ss:$0x1], $0xffff;
	v0 =	vadd.f32 v2, v0;
	v1 =	vadd.f32 v62, v1;
	v2 =	vmul.f32 v62, v62  }
0x1af: {  	v62 =	vld.idx.msk [tilespmem:v18+s0+$0x0 ss:$0x1], $0xffff;
	v29 =	vadd.f32 v31, v29;
	v30 =	vadd.f32 v32, v30;
	v31 =	vmul.f32 v32, v32  }
0x1b0: {  	v32 =	vld.idx.msk [tilespmem:v14+s2+$0x0 ss:$0x1], $0xffff;
	v0 =	vadd.f32 v2, v0;
	v1 =	vadd.f32 v36, v1;
	v2 =	vmul.f32 v36, v36  }
0x1b1: {  	v36 =	vld.idx.msk [tilespmem:v19+s0+$0x0 ss:$0x1], $0xffff;
	v29 =	vadd.f32 v31, v29;
	v30 =	vadd.f32 v33, v30;
	v31 =	vmul.f32 v33, v33  }
0x1b2: {  	v33 =	vld.idx.msk [tilespmem:v15+s2+$0x0 ss:$0x1], $0xffff;
	v0 =	vadd.f32 v2, v0;
	v1 =	vadd.f32 v35, v1;
	v2 =	vmul.f32 v35, v35  }
0x1b3: {  	v35 =	vld.idx.msk [tilespmem:v20+s0+$0x0 ss:$0x1], $0xffff;
	v29 =	vadd.f32 v31, v29;
	v30 =	vadd.f32 v34, v30;
	v31 =	vmul.f32 v34, v34  }
0x1b4: {  	v34 =	vld.idx.msk [tilespmem:v16+s2+$0x0 ss:$0x1], $0xffff;
	v0 =	vadd.f32 v2, v0;
	v1 =	vadd.f32 v62, v1;
	v2 =	vmul.f32 v62, v62  }
0x1b5: {  	v62 =	vld.idx.msk [tilespmem:v21+s0+$0x0 ss:$0x1], $0xffff;
	v29 =	vadd.f32 v31, v29;
	v30 =	vadd.f32 v32, v30;
	v31 =	vmul.f32 v32, v32  }
0x1b6: {  	v32 =	vld.idx.msk [tilespmem:v17+s2+$0x0 ss:$0x1], $0xffff;
	v0 =	vadd.f32 v2, v0;
	v1 =	vadd.f32 v36, v1;
	v2 =	vmul.f32 v36, v36  }
0x1b7: {  	v36 =	vld.idx.msk [tilespmem:v22+s0+$0x0 ss:$0x1], $0xffff;
	v29 =	vadd.f32 v31, v29;
	v30 =	vadd.f32 v33, v30;
	v31 =	vmul.f32 v33, v33  }
0x1b8: {  	v33 =	vld.idx.msk [tilespmem:v18+s2+$0x0 ss:$0x1], $0xffff;
	v0 =	vadd.f32 v2, v0;
	v1 =	vadd.f32 v35, v1;
	v2 =	vmul.f32 v35, v35  }
0x1b9: {  	v35 =	vld.idx.msk [tilespmem:v23+s0+$0x0 ss:$0x1], $0xffff;
	v29 =	vadd.f32 v31, v29;
	v30 =	vadd.f32 v34, v30;
	v31 =	vmul.f32 v34, v34  }
0x1ba: {  	v34 =	vld.idx.msk [tilespmem:v19+s2+$0x0 ss:$0x1], $0xffff;
	v0 =	vadd.f32 v2, v0;
	v1 =	vadd.f32 v62, v1;
	v2 =	vmul.f32 v62, v62  }
0x1bb: {  	v62 =	vld.idx.msk [tilespmem:v24+s0+$0x0 ss:$0x1], $0xffff;
	v29 =	vadd.f32 v31, v29;
	v30 =	vadd.f32 v32, v30;
	v31 =	vmul.f32 v32, v32  }
0x1bc: {  	v32 =	vld.idx.msk [tilespmem:v20+s2+$0x0 ss:$0x1], $0xffff;
	v0 =	vadd.f32 v2, v0;
	v1 =	vadd.f32 v36, v1;
	v2 =	vmul.f32 v36, v36  }
0x1bd: {  	v36 =	vld.idx.msk [tilespmem:v25+s0+$0x0 ss:$0x1], $0xffff;
	v29 =	vadd.f32 v31, v29;
	v30 =	vadd.f32 v33, v30;
	v31 =	vmul.f32 v33, v33  }
0x1be: {  	v33 =	vld.idx.msk [tilespmem:v21+s2+$0x0 ss:$0x1], $0xffff;
	v0 =	vadd.f32 v2, v0;
	v1 =	vadd.f32 v35, v1;
	v2 =	vmul.f32 v35, v35  }
0x1bf: {  	v35 =	vld.idx.msk [tilespmem:v26+s0+$0x0 ss:$0x1], $0xffff;
	v29 =	vadd.f32 v31, v29;
	v30 =	vadd.f32 v34, v30;
	v31 =	vmul.f32 v34, v34  }
0x1c0: {  	v34 =	vld.idx.msk [tilespmem:v22+s2+$0x0 ss:$0x1], $0xffff;
	v0 =	vadd.f32 v2, v0;
	v1 =	vadd.f32 v62, v1;
	v2 =	vmul.f32 v62, v62  }
0x1c1: {  	v62 =	vld.idx.msk [tilespmem:v27+s0+$0x0 ss:$0x1], $0xffff;
	v29 =	vadd.f32 v31, v29;
	v30 =	vadd.f32 v32, v30;
	v31 =	vmul.f32 v32, v32  }
0x1c2: {  	v32 =	vld.idx.msk [tilespmem:v23+s2+$0x0 ss:$0x1], $0xffff;
	v0 =	vadd.f32 v2, v0;
	v1 =	vadd.f32 v36, v1;
	v2 =	vmul.f32 v36, v36  }
0x1c3: {  	v36 =	vld.idx.msk [tilespmem:v28+s0+$0x0 ss:$0x1], $0xffff;
	v29 =	vadd.f32 v31, v29;
	v30 =	vadd.f32 v33, v30;
	v31 =	vmul.f32 v33, v33  }
0x1c4: {  	v33 =	vld.idx.msk [tilespmem:v24+s2+$0x0 ss:$0x1], $0xffff;
	v0 =	vadd.f32 v2, v0;
	v1 =	vadd.f32 v35, v1;
	v2 =	vmul.f32 v35, v35  }
0x1c5: {  	v29 =	vadd.f32 v31, v29;
	v30 =	vadd.f32 v34, v30;
	v31 =	vmul.f32 v34, v34  }
0x1c6: {  	v34 =	vld.idx.msk [tilespmem:v25+s2+$0x0 ss:$0x1], $0xffff;
	v0 =	vadd.f32 v2, v0;
	v1 =	vadd.f32 v62, v1;
	v2 =	vmul.f32 v62, v62  }
0x1c7: {  	s5 =	sor.u32 $0xA0, s22;
	v35 =	vld.idx.msk [tilespmem:v26+s2+$0x0 ss:$0x1], $0xffff;
	v29 =	vadd.f32 v31, v29;
	v30 =	vadd.f32 v32, v30;
	v31 =	vmul.f32 v32, v32  }
0x1c8: {  	v0 =	vadd.f32 v2, v0;
	v1 =	vadd.f32 v36, v1;
	v2 =	vmul.f32 v36, v36;
	v36 =	vld.idx.msk [tilespmem:v3+s5+$0x0 ss:$0x1], $0xffff  }
0x1c9: {  	v29 =	vadd.f32 v31, v29;
	v30 =	vadd.f32 v33, v30;
	v31 =	vmul.f32 v33, v33;
	v33 =	vld.idx.msk [tilespmem:v4+s5+$0x0 ss:$0x1], $0xffff  }
0x1ca: {  	v60 =	vmul.f32 v60, v60;
	v32 =	vld.idx.msk [tilespmem:v27+s2+$0x0 ss:$0x1], $0xffff;
	v0 =	vadd.f32 v2, v0;
	v1 =	vmul.f32 v1, v1  }
0x1cb: {  	v29 =	vadd.f32 v31, v29;
	v30 =	vadd.f32 v34, v30;
	v31 =	vmul.f32 v34, v34;
	v34 =	vld.idx.msk [tilespmem:v5+s5+$0x0 ss:$0x1], $0xffff  }
0x1cc: {  	s6 =	sor.u32 $0xB0, s22;
	(xrf2) =	vadd.scan.msk.f32 $0xffff, v56;
	v58 =	vsub.f32 v60, v58;
	v2 =	vld.idx.msk [tilespmem:v28+s2+$0x0 ss:$0x1], $0xffff;
	v56 =	vsub.f32 v1, v0  }
0x1cd: {  	v61 =	vld.idx.msk [tilespmem:v4+s6+$0x0 ss:$0x1], $0xffff;
	v1 =	vadd.f32 v31, v29;
	v29 =	vadd.f32 v35, v30;
	v30 =	vmul.f32 v35, v35  }
0x1ce: {  	v0 =	vld.idx.msk [tilespmem:v6+s5+$0x0 ss:$0x1], $0xffff;
	v35 =	vmul.f32 v36, v36;
	v36 =	vadd.f32 v33, v36;
	v33 =	vmul.f32 v33, v33  }
0x1cf: {  	v31 =	vld.idx.msk [tilespmem:v3+s6+$0x0 ss:$0x1], $0xffff;
	v1 =	vadd.f32 v30, v1;
	v29 =	vadd.f32 v32, v29;
	v30 =	vmul.f32 v32, v32  }
0x1d0: {  	v32 =	vld.idx.msk [tilespmem:v7+s5+$0x0 ss:$0x1], $0xffff;
	v33 =	vadd.f32 v33, v35;
	v35 =	vadd.f32 v34, v36;
	v34 =	vmul.f32 v34, v34  }
0x1d1: {  	v36 =	vld.idx.msk [tilespmem:v5+s6+$0x0 ss:$0x1], $0xffff;
	v1 =	vadd.f32 v30, v1;
	v60 =	vadd.f32 v2, v29;
	v2 =	vmul.f32 v2, v2  }
0x1d2: {  	(xrf2) =	vadd.scan.msk.f32 $0xffff, v59;
	v29 =	vld.idx.msk [tilespmem:v8+s5+$0x0 ss:$0x1], $0xffff;
	v30 =	vadd.f32 v34, v33  }
0x1d3: {  	v63 =	vadd.f32 v0, v35;
	v0 =	vmul.f32 v0, v0;
	v34 =	vld.idx.msk [tilespmem:v6+s6+$0x0 ss:$0x1], $0xffff;
	v59 =	vadd.f32 v2, v1  }
0x1d4: {  	v1 =	vld.idx.msk [tilespmem:v9+s5+$0x0 ss:$0x1], $0xffff;
	v2 =	vadd.f32 v61, v31;
	v31 =	vmul.f32 v31, v31;
	v61 =	vmul.f32 v61, v61  }
0x1d5: {  	v33 =	vld.idx.msk [tilespmem:v7+s6+$0x0 ss:$0x1], $0xffff;
	v0 =	vadd.f32 v0, v30;
	v30 =	vadd.f32 v32, v63;
	v32 =	vmul.f32 v32, v32  }
0x1d6: {  	v35 =	vld.idx.msk [tilespmem:v10+s5+$0x0 ss:$0x1], $0xffff;
	v2 =	vadd.f32 v36, v2;
	v31 =	vadd.f32 v61, v31;
	v36 =	vmul.f32 v36, v36  }
0x1d7: {  	v0 =	vadd.f32 v32, v0;
	v30 =	vadd.f32 v29, v30;
	v29 =	vmul.f32 v29, v29;
	v32 =	vld.idx.msk [tilespmem:v8+s6+$0x0 ss:$0x1], $0xffff  }
0x1d8: {  	v63 =	vld.idx.msk [tilespmem:v11+s5+$0x0 ss:$0x1], $0xffff;
	v2 =	vadd.f32 v34, v2;
	v31 =	vadd.f32 v36, v31;
	v34 =	vmul.f32 v34, v34  }
0x1d9: {  	v0 =	vadd.f32 v29, v0;
	v29 =	vadd.f32 v1, v30;
	v1 =	vmul.f32 v1, v1;
	v30 =	vld.idx.msk [tilespmem:v9+s6+$0x0 ss:$0x1], $0xffff  }
0x1da: {  	v62 =	vld.idx.msk [tilespmem:v12+s5+$0x0 ss:$0x1], $0xffff;
	v2 =	vadd.f32 v33, v2;
	v31 =	vadd.f32 v34, v31;
	v33 =	vmul.f32 v33, v33  }
0x1db: {  	v0 =	vadd.f32 v1, v0;
	v1 =	vadd.f32 v35, v29;
	v29 =	vmul.f32 v35, v35;
	v35 =	vld.idx.msk [tilespmem:v10+s6+$0x0 ss:$0x1], $0xffff  }
0x1dc: {  	v36 =	vld.idx.msk [tilespmem:v13+s5+$0x0 ss:$0x1], $0xffff;
	v2 =	vadd.f32 v32, v2;
	v31 =	vadd.f32 v33, v31;
	v32 =	vmul.f32 v32, v32  }
0x1dd: {  	v34 =	vld.idx.msk [tilespmem:v11+s6+$0x0 ss:$0x1], $0xffff;
	v0 =	vadd.f32 v29, v0;
	v1 =	vadd.f32 v63, v1;
	v29 =	vmul.f32 v63, v63  }
0x1de: {  	v63 =	vld.idx.msk [tilespmem:v14+s5+$0x0 ss:$0x1], $0xffff;
	v2 =	vadd.f32 v30, v2;
	v31 =	vadd.f32 v32, v31;
	v30 =	vmul.f32 v30, v30  }
0x1df: {  	v33 =	vld.idx.msk [tilespmem:v12+s6+$0x0 ss:$0x1], $0xffff;
	v0 =	vadd.f32 v29, v0;
	v1 =	vadd.f32 v62, v1;
	v29 =	vmul.f32 v62, v62  }
0x1e0: {  	v62 =	vld.idx.msk [tilespmem:v15+s5+$0x0 ss:$0x1], $0xffff;
	v2 =	vadd.f32 v35, v2;
	v30 =	vadd.f32 v30, v31;
	v31 =	vmul.f32 v35, v35  }
0x1e1: {  	v32 =	vld.idx.msk [tilespmem:v13+s6+$0x0 ss:$0x1], $0xffff;
	v0 =	vadd.f32 v29, v0;
	v1 =	vadd.f32 v36, v1;
	v29 =	vmul.f32 v36, v36  }
0x1e2: {  	v36 =	vld.idx.msk [tilespmem:v16+s5+$0x0 ss:$0x1], $0xffff;
	v2 =	vadd.f32 v34, v2;
	v30 =	vadd.f32 v31, v30;
	v31 =	vmul.f32 v34, v34  }
0x1e3: {  	v35 =	vld.idx.msk [tilespmem:v14+s6+$0x0 ss:$0x1], $0xffff;
	v0 =	vadd.f32 v29, v0;
	v1 =	vadd.f32 v63, v1;
	v29 =	vmul.f32 v63, v63  }
0x1e4: {  	v63 =	vld.idx.msk [tilespmem:v17+s5+$0x0 ss:$0x1], $0xffff;
	v2 =	vadd.f32 v33, v2;
	v30 =	vadd.f32 v31, v30;
	v31 =	vmul.f32 v33, v33  }
0x1e5: {  	v34 =	vld.idx.msk [tilespmem:v15+s6+$0x0 ss:$0x1], $0xffff;
	v0 =	vadd.f32 v29, v0;
	v1 =	vadd.f32 v62, v1;
	v29 =	vmul.f32 v62, v62  }
0x1e6: {  	v62 =	vld.idx.msk [tilespmem:v18+s5+$0x0 ss:$0x1], $0xffff;
	v2 =	vadd.f32 v32, v2;
	v30 =	vadd.f32 v31, v30;
	v31 =	vmul.f32 v32, v32  }
0x1e7: {  	v33 =	vld.idx.msk [tilespmem:v16+s6+$0x0 ss:$0x1], $0xffff;
	v0 =	vadd.f32 v29, v0;
	v1 =	vadd.f32 v36, v1;
	v29 =	vmul.f32 v36, v36  }
0x1e8: {  	v36 =	vld.idx.msk [tilespmem:v19+s5+$0x0 ss:$0x1], $0xffff;
	v2 =	vadd.f32 v35, v2;
	v30 =	vadd.f32 v31, v30;
	v31 =	vmul.f32 v35, v35  }
0x1e9: {  	v32 =	vld.idx.msk [tilespmem:v17+s6+$0x0 ss:$0x1], $0xffff;
	v0 =	vadd.f32 v29, v0;
	v1 =	vadd.f32 v63, v1;
	v29 =	vmul.f32 v63, v63  }
0x1ea: {  	v63 =	vld.idx.msk [tilespmem:v20+s5+$0x0 ss:$0x1], $0xffff;
	v2 =	vadd.f32 v34, v2;
	v30 =	vadd.f32 v31, v30;
	v31 =	vmul.f32 v34, v34  }
0x1eb: {  	v35 =	vld.idx.msk [tilespmem:v18+s6+$0x0 ss:$0x1], $0xffff;
	v0 =	vadd.f32 v29, v0;
	v1 =	vadd.f32 v62, v1;
	v29 =	vmul.f32 v62, v62  }
0x1ec: {  	v62 =	vld.idx.msk [tilespmem:v21+s5+$0x0 ss:$0x1], $0xffff;
	v2 =	vadd.f32 v33, v2;
	v30 =	vadd.f32 v31, v30;
	v31 =	vmul.f32 v33, v33  }
0x1ed: {  	v34 =	vld.idx.msk [tilespmem:v19+s6+$0x0 ss:$0x1], $0xffff;
	v0 =	vadd.f32 v29, v0;
	v1 =	vadd.f32 v36, v1;
	v29 =	vmul.f32 v36, v36  }
0x1ee: {  	v36 =	vld.idx.msk [tilespmem:v22+s5+$0x0 ss:$0x1], $0xffff;
	v2 =	vadd.f32 v32, v2;
	v30 =	vadd.f32 v31, v30;
	v31 =	vmul.f32 v32, v32  }
0x1ef: {  	v33 =	vld.idx.msk [tilespmem:v20+s6+$0x0 ss:$0x1], $0xffff;
	v0 =	vadd.f32 v29, v0;
	v1 =	vadd.f32 v63, v1;
	v29 =	vmul.f32 v63, v63  }
0x1f0: {  	v63 =	vld.idx.msk [tilespmem:v23+s5+$0x0 ss:$0x1], $0xffff;
	v2 =	vadd.f32 v35, v2;
	v30 =	vadd.f32 v31, v30;
	v31 =	vmul.f32 v35, v35  }
0x1f1: {  	v32 =	vld.idx.msk [tilespmem:v21+s6+$0x0 ss:$0x1], $0xffff;
	v0 =	vadd.f32 v29, v0;
	v1 =	vadd.f32 v62, v1;
	v29 =	vmul.f32 v62, v62  }
0x1f2: {  	v62 =	vld.idx.msk [tilespmem:v24+s5+$0x0 ss:$0x1], $0xffff;
	v2 =	vadd.f32 v34, v2;
	v30 =	vadd.f32 v31, v30;
	v31 =	vmul.f32 v34, v34  }
0x1f3: {  	v35 =	vld.idx.msk [tilespmem:v22+s6+$0x0 ss:$0x1], $0xffff;
	v0 =	vadd.f32 v29, v0;
	v1 =	vadd.f32 v36, v1;
	v29 =	vmul.f32 v36, v36  }
0x1f4: {  	v36 =	vld.idx.msk [tilespmem:v25+s5+$0x0 ss:$0x1], $0xffff;
	v2 =	vadd.f32 v33, v2;
	v30 =	vadd.f32 v31, v30;
	v31 =	vmul.f32 v33, v33  }
0x1f5: {  	v34 =	vld.idx.msk [tilespmem:v23+s6+$0x0 ss:$0x1], $0xffff;
	v0 =	vadd.f32 v29, v0;
	v1 =	vadd.f32 v63, v1;
	v29 =	vmul.f32 v63, v63  }
0x1f6: {  	v63 =	vld.idx.msk [tilespmem:v26+s5+$0x0 ss:$0x1], $0xffff;
	v2 =	vadd.f32 v32, v2;
	v30 =	vadd.f32 v31, v30;
	v31 =	vmul.f32 v32, v32  }
0x1f7: {  	v33 =	vld.idx.msk [tilespmem:v24+s6+$0x0 ss:$0x1], $0xffff;
	v0 =	vadd.f32 v29, v0;
	v1 =	vadd.f32 v62, v1;
	v29 =	vmul.f32 v62, v62  }
0x1f8: {  	v62 =	vld.idx.msk [tilespmem:v27+s5+$0x0 ss:$0x1], $0xffff;
	v2 =	vadd.f32 v35, v2;
	v30 =	vadd.f32 v31, v30;
	v31 =	vmul.f32 v35, v35  }
0x1f9: {  	v32 =	vld.idx.msk [tilespmem:v25+s6+$0x0 ss:$0x1], $0xffff;
	v0 =	vadd.f32 v29, v0;
	v1 =	vadd.f32 v36, v1;
	v29 =	vmul.f32 v36, v36  }
0x1fa: {  	v36 =	vld.idx.msk [tilespmem:v28+s5+$0x0 ss:$0x1], $0xffff;
	v2 =	vadd.f32 v34, v2;
	v30 =	vadd.f32 v31, v30;
	v31 =	vmul.f32 v34, v34  }
0x1fb: {  	v35 =	vld.idx.msk [tilespmem:v26+s6+$0x0 ss:$0x1], $0xffff;
	v0 =	vadd.f32 v29, v0;
	v1 =	vadd.f32 v63, v1;
	v29 =	vmul.f32 v63, v63  }
0x1fc: {  	v2 =	vadd.f32 v33, v2;
	v30 =	vadd.f32 v31, v30;
	v31 =	vmul.f32 v33, v33  }
0x1fd: {  	v34 =	vld.idx.msk [tilespmem:v27+s6+$0x0 ss:$0x1], $0xffff;
	v0 =	vadd.f32 v29, v0;
	v1 =	vadd.f32 v62, v1;
	v29 =	vmul.f32 v62, v62  }
0x1fe: {  	s11 =	sor.u32 $0xC0, s22;
	v33 =	vld.idx.msk [tilespmem:v28+s6+$0x0 ss:$0x1], $0xffff;
	v2 =	vadd.f32 v32, v2;
	v30 =	vadd.f32 v31, v30;
	v31 =	vmul.f32 v32, v32  }
0x1ff: {  	v32 =	vld.idx.msk [tilespmem:v4+s11+$0x0 ss:$0x1], $0xffff;
	v0 =	vadd.f32 v29, v0;
	v1 =	vadd.f32 v36, v1;
	v29 =	vmul.f32 v36, v36  }
0x200: {  	v36 =	vld.idx.msk [tilespmem:v3+s11+$0x0 ss:$0x1], $0xffff;
	v2 =	vadd.f32 v35, v2  }
0x201: {  	s13 =	sor.u32 $0xD0, s22;
	v0 =	vadd.f32 v29, v0;
	v1 =	vmul.f32 v1, v1  }
0x202: {  	v30 =	vadd.f32 v31, v30;
	v31 =	vmul.f32 v35, v35;
	v35 =	vld.idx.msk [tilespmem:v3+s13+$0x0 ss:$0x1], $0xffff;
	v2 =	vadd.f32 v34, v2  }
0x203: {  	(xrf2) =	vadd.scan.msk.f32 $0xffff, v57;
	v63 =	vmul.f32 v60, v60;
	v29 =	vld.idx.msk [tilespmem:v5+s11+$0x0 ss:$0x1], $0xffff;
	v57 =	vsub.f32 v1, v0  }
0x204: {  	v0 =	vld.idx.msk [tilespmem:v4+s13+$0x0 ss:$0x1], $0xffff;
	v1 =	vadd.f32 v31, v30;
	v30 =	vmul.f32 v34, v34;
	v2 =	vadd.f32 v33, v2  }
0x205: {  	v31 =	vld.idx.msk [tilespmem:v6+s11+$0x0 ss:$0x1], $0xffff;
	v34 =	vmul.f32 v36, v36;
	v36 =	vadd.f32 v32, v36;
	v32 =	vmul.f32 v32, v32  }
0x206: {  	(xrf2) =	vadd.scan.msk.f32 $0xffff, v58;
	v61 =	vld.idx.msk [tilespmem:v5+s13+$0x0 ss:$0x1], $0xffff;
	v1 =	vadd.f32 v30, v1;
	v30 =	vmul.f32 v33, v33  }
0x207: {  	v58 =	vsub.f32 v63, v59;
	v59 =	vmul.f32 v2, v2;
	v2 =	vld.idx.msk [tilespmem:v7+s11+$0x0 ss:$0x1], $0xffff;
	v32 =	vadd.f32 v32, v34  }
0x208: {  	v33 =	vadd.f32 v29, v36;
	v29 =	vmul.f32 v29, v29;
	v34 =	vld.idx.msk [tilespmem:v6+s13+$0x0 ss:$0x1], $0xffff;
	v60 =	vadd.f32 v30, v1  }
0x209: {  	v1 =	vld.idx.msk [tilespmem:v8+s11+$0x0 ss:$0x1], $0xffff;
	v30 =	vmul.f32 v35, v35;
	v36 =	vmul.f32 v0, v0;
	v0 =	vadd.f32 v0, v35  }
0x20a: {  	v29 =	vadd.f32 v29, v32;
	v32 =	vadd.f32 v31, v33;
	v31 =	vmul.f32 v31, v31;
	v33 =	vld.idx.msk [tilespmem:v7+s13+$0x0 ss:$0x1], $0xffff  }
0x20b: {  	v63 =	vld.idx.msk [tilespmem:v9+s11+$0x0 ss:$0x1], $0xffff;
	v30 =	vadd.f32 v36, v30;
	v36 =	vmul.f32 v61, v61;
	v0 =	vadd.f32 v61, v0  }
0x20c: {  	v29 =	vadd.f32 v31, v29;
	v31 =	vadd.f32 v2, v32;
	v2 =	vmul.f32 v2, v2;
	v32 =	vld.idx.msk [tilespmem:v8+s13+$0x0 ss:$0x1], $0xffff  }
0x20d: {  	v62 =	vld.idx.msk [tilespmem:v10+s11+$0x0 ss:$0x1], $0xffff;
	v30 =	vadd.f32 v36, v30;
	v36 =	vmul.f32 v34, v34;
	v0 =	vadd.f32 v34, v0  }
0x20e: {  	v2 =	vadd.f32 v2, v29;
	v29 =	vadd.f32 v1, v31;
	v1 =	vmul.f32 v1, v1;
	v31 =	vld.idx.msk [tilespmem:v9+s13+$0x0 ss:$0x1], $0xffff  }
0x20f: {  	v61 =	vld.idx.msk [tilespmem:v11+s11+$0x0 ss:$0x1], $0xffff;
	v30 =	vadd.f32 v36, v30;
	v36 =	vmul.f32 v33, v33;
	v0 =	vadd.f32 v33, v0  }
0x210: {  	v35 =	vld.idx.msk [tilespmem:v10+s13+$0x0 ss:$0x1], $0xffff;
	v1 =	vadd.f32 v1, v2;
	v2 =	vadd.f32 v63, v29;
	v29 =	vmul.f32 v63, v63  }
0x211: {  	v63 =	vld.idx.msk [tilespmem:v12+s11+$0x0 ss:$0x1], $0xffff;
	v30 =	vadd.f32 v36, v30;
	v36 =	vmul.f32 v32, v32  }
0x212: {  	v34 =	vld.idx.msk [tilespmem:v11+s13+$0x0 ss:$0x1], $0xffff;
	v0 =	vadd.f32 v32, v0;
	v1 =	vadd.f32 v29, v1;
	v29 =	vmul.f32 v62, v62  }
0x213: {  	v2 =	vadd.f32 v62, v2;
	v62 =	vld.idx.msk [tilespmem:v13+s11+$0x0 ss:$0x1], $0xffff;
	v30 =	vadd.f32 v36, v30;
	v32 =	vmul.f32 v31, v31  }
0x214: {  	v33 =	vld.idx.msk [tilespmem:v12+s13+$0x0 ss:$0x1], $0xffff;
	v0 =	vadd.f32 v31, v0;
	v1 =	vadd.f32 v29, v1;
	v29 =	vmul.f32 v61, v61  }
0x215: {  	v36 =	vld.idx.msk [tilespmem:v14+s11+$0x0 ss:$0x1], $0xffff;
	v31 =	vmul.f32 v35, v35;
	v2 =	vadd.f32 v61, v2;
	v30 =	vadd.f32 v32, v30  }
0x216: {  	v32 =	vld.idx.msk [tilespmem:v13+s13+$0x0 ss:$0x1], $0xffff;
	v0 =	vadd.f32 v35, v0;
	v1 =	vadd.f32 v29, v1;
	v29 =	vmul.f32 v63, v63  }
0x217: {  	v2 =	vadd.f32 v63, v2;
	v63 =	vld.idx.msk [tilespmem:v15+s11+$0x0 ss:$0x1], $0xffff;
	v30 =	vadd.f32 v31, v30;
	v31 =	vmul.f32 v34, v34  }
0x218: {  	v35 =	vld.idx.msk [tilespmem:v14+s13+$0x0 ss:$0x1], $0xffff;
	v0 =	vadd.f32 v34, v0;
	v1 =	vadd.f32 v29, v1;
	v29 =	vmul.f32 v62, v62  }
0x219: {  	v2 =	vadd.f32 v62, v2;
	v62 =	vld.idx.msk [tilespmem:v16+s11+$0x0 ss:$0x1], $0xffff;
	v30 =	vadd.f32 v31, v30;
	v31 =	vmul.f32 v33, v33  }
0x21a: {  	v34 =	vld.idx.msk [tilespmem:v15+s13+$0x0 ss:$0x1], $0xffff;
	v0 =	vadd.f32 v33, v0;
	v1 =	vadd.f32 v29, v1;
	v29 =	vmul.f32 v36, v36  }
0x21b: {  	v2 =	vadd.f32 v36, v2;
	v36 =	vld.idx.msk [tilespmem:v17+s11+$0x0 ss:$0x1], $0xffff;
	v30 =	vadd.f32 v31, v30;
	v31 =	vmul.f32 v32, v32  }
0x21c: {  	v33 =	vld.idx.msk [tilespmem:v16+s13+$0x0 ss:$0x1], $0xffff;
	v0 =	vadd.f32 v32, v0;
	v1 =	vadd.f32 v29, v1;
	v29 =	vmul.f32 v63, v63  }
0x21d: {  	v2 =	vadd.f32 v63, v2;
	v63 =	vld.idx.msk [tilespmem:v18+s11+$0x0 ss:$0x1], $0xffff;
	v30 =	vadd.f32 v31, v30;
	v31 =	vmul.f32 v35, v35  }
0x21e: {  	v32 =	vld.idx.msk [tilespmem:v17+s13+$0x0 ss:$0x1], $0xffff;
	v0 =	vadd.f32 v35, v0;
	v1 =	vadd.f32 v29, v1;
	v29 =	vmul.f32 v62, v62  }
0x21f: {  	v2 =	vadd.f32 v62, v2;
	v62 =	vld.idx.msk [tilespmem:v19+s11+$0x0 ss:$0x1], $0xffff;
	v30 =	vadd.f32 v31, v30;
	v31 =	vmul.f32 v34, v34  }
0x220: {  	v35 =	vld.idx.msk [tilespmem:v18+s13+$0x0 ss:$0x1], $0xffff;
	v0 =	vadd.f32 v34, v0;
	v1 =	vadd.f32 v29, v1;
	v29 =	vmul.f32 v36, v36  }
0x221: {  	v2 =	vadd.f32 v36, v2;
	v36 =	vld.idx.msk [tilespmem:v20+s11+$0x0 ss:$0x1], $0xffff;
	v30 =	vadd.f32 v31, v30;
	v31 =	vmul.f32 v33, v33  }
0x222: {  	v34 =	vld.idx.msk [tilespmem:v19+s13+$0x0 ss:$0x1], $0xffff;
	v0 =	vadd.f32 v33, v0;
	v1 =	vadd.f32 v29, v1;
	v29 =	vmul.f32 v63, v63  }
0x223: {  	v2 =	vadd.f32 v63, v2;
	v63 =	vld.idx.msk [tilespmem:v21+s11+$0x0 ss:$0x1], $0xffff;
	v30 =	vadd.f32 v31, v30;
	v31 =	vmul.f32 v32, v32  }
0x224: {  	v33 =	vld.idx.msk [tilespmem:v20+s13+$0x0 ss:$0x1], $0xffff;
	v0 =	vadd.f32 v32, v0;
	v1 =	vadd.f32 v29, v1;
	v29 =	vmul.f32 v62, v62  }
0x225: {  	v2 =	vadd.f32 v62, v2;
	v62 =	vld.idx.msk [tilespmem:v22+s11+$0x0 ss:$0x1], $0xffff;
	v30 =	vadd.f32 v31, v30;
	v31 =	vmul.f32 v35, v35  }
0x226: {  	v32 =	vld.idx.msk [tilespmem:v21+s13+$0x0 ss:$0x1], $0xffff;
	v0 =	vadd.f32 v35, v0;
	v1 =	vadd.f32 v29, v1;
	v29 =	vmul.f32 v36, v36  }
0x227: {  	v2 =	vadd.f32 v36, v2;
	v36 =	vld.idx.msk [tilespmem:v23+s11+$0x0 ss:$0x1], $0xffff;
	v30 =	vadd.f32 v31, v30;
	v31 =	vmul.f32 v34, v34  }
0x228: {  	v35 =	vld.idx.msk [tilespmem:v22+s13+$0x0 ss:$0x1], $0xffff;
	v0 =	vadd.f32 v34, v0;
	v1 =	vadd.f32 v29, v1;
	v29 =	vmul.f32 v63, v63  }
0x229: {  	v2 =	vadd.f32 v63, v2;
	v63 =	vld.idx.msk [tilespmem:v24+s11+$0x0 ss:$0x1], $0xffff;
	v30 =	vadd.f32 v31, v30;
	v31 =	vmul.f32 v33, v33  }
0x22a: {  	v34 =	vld.idx.msk [tilespmem:v23+s13+$0x0 ss:$0x1], $0xffff;
	v0 =	vadd.f32 v33, v0;
	v1 =	vadd.f32 v29, v1;
	v29 =	vmul.f32 v62, v62  }
0x22b: {  	v2 =	vadd.f32 v62, v2;
	v62 =	vld.idx.msk [tilespmem:v25+s11+$0x0 ss:$0x1], $0xffff;
	v30 =	vadd.f32 v31, v30;
	v31 =	vmul.f32 v32, v32  }
0x22c: {  	v33 =	vld.idx.msk [tilespmem:v24+s13+$0x0 ss:$0x1], $0xffff;
	v0 =	vadd.f32 v32, v0;
	v1 =	vadd.f32 v29, v1;
	v29 =	vmul.f32 v36, v36  }
0x22d: {  	v2 =	vadd.f32 v36, v2;
	v36 =	vld.idx.msk [tilespmem:v26+s11+$0x0 ss:$0x1], $0xffff;
	v30 =	vadd.f32 v31, v30;
	v31 =	vmul.f32 v35, v35  }
0x22e: {  	v32 =	vld.idx.msk [tilespmem:v25+s13+$0x0 ss:$0x1], $0xffff;
	v0 =	vadd.f32 v35, v0;
	v1 =	vadd.f32 v29, v1;
	v29 =	vmul.f32 v63, v63  }
0x22f: {  	v2 =	vadd.f32 v63, v2;
	v63 =	vld.idx.msk [tilespmem:v27+s11+$0x0 ss:$0x1], $0xffff;
	v30 =	vadd.f32 v31, v30;
	v31 =	vmul.f32 v34, v34  }
0x230: {  	v35 =	vld.idx.msk [tilespmem:v26+s13+$0x0 ss:$0x1], $0xffff;
	v0 =	vadd.f32 v34, v0;
	v1 =	vadd.f32 v29, v1;
	v29 =	vmul.f32 v62, v62  }
0x231: {  	v2 =	vadd.f32 v62, v2;
	v62 =	vld.idx.msk [tilespmem:v28+s11+$0x0 ss:$0x1], $0xffff;
	v30 =	vadd.f32 v31, v30;
	v31 =	vmul.f32 v33, v33  }
0x232: {  	v0 =	vadd.f32 v33, v0;
	v1 =	vadd.f32 v29, v1;
	v29 =	vmul.f32 v36, v36  }
0x233: {  	v2 =	vadd.f32 v36, v2;
	v36 =	vld.idx.msk [tilespmem:v27+s13+$0x0 ss:$0x1], $0xffff;
	v30 =	vadd.f32 v31, v30;
	v31 =	vmul.f32 v32, v32  }
0x234: {  	s18 =	sor.u32 $0xE0, s22;
	v33 =	vld.idx.msk [tilespmem:v28+s13+$0x0 ss:$0x1], $0xffff;
	v0 =	vadd.f32 v32, v0;
	v1 =	vadd.f32 v29, v1;
	v29 =	vmul.f32 v63, v63  }
0x235: {  	v32 =	vld.idx.msk [tilespmem:v4+s18+$0x0 ss:$0x1], $0xffff;
	v2 =	vadd.f32 v63, v2;
	v30 =	vadd.f32 v31, v30  }
0x236: {  	s22 =	sor.u32 $0xF0, s22;
	v63 =	vld.idx.msk [tilespmem:v3+s18+$0x0 ss:$0x1], $0xffff;
	v31 =	vmul.f32 v35, v35;
	v1 =	vadd.f32 v29, v1;
	v29 =	vmul.f32 v62, v62  }
0x237: {  	v0 =	vadd.f32 v35, v0;
	v35 =	vld.idx.msk [tilespmem:v3+s22+$0x0 ss:$0x1], $0xffff;
	v2 =	vadd.f32 v62, v2  }
0x238: {  	v30 =	vadd.f32 v31, v30;
	v31 =	vmul.f32 v36, v36;
	v1 =	vadd.f32 v29, v1;
	v29 =	vld.idx.msk [tilespmem:v4+s22+$0x0 ss:$0x1], $0xffff  }
0x239: {  	(xrf2) =	vadd.scan.msk.f32 $0xffff, v56;
	v62 =	vld.idx.msk [tilespmem:v5+s18+$0x0 ss:$0x1], $0xffff;
	v0 =	vadd.f32 v36, v0;
	v2 =	vmul.f32 v2, v2  }
0x23a: {  	v60 =	vsub.f32 v59, v60;
	v36 =	vld.idx.msk [tilespmem:v5+s22+$0x0 ss:$0x1], $0xffff;
	v30 =	vadd.f32 v31, v30;
	v31 =	vmul.f32 v33, v33  }
0x23b: {  	v34 =	vld.idx.msk [tilespmem:v6+s18+$0x0 ss:$0x1], $0xffff;
	v61 =	vadd.f32 v33, v0;
	v59 =	vsub.f32 v2, v1;
	v1 =	vmul.f32 v63, v63  }
0x23c: {  	v2 =	vmul.f32 v32, v32;
	v56 =	vadd.f32 v31, v30;
	v30 =	vadd.f32 v32, v63;
	v31 =	vld.idx.msk [tilespmem:v6+s22+$0x0 ss:$0x1], $0xffff  }
0x23d: {  	v0 =	vld.idx.msk [tilespmem:v7+s18+$0x0 ss:$0x1], $0xffff;
	v33 =	vmul.f32 v35, v35;
	v35 =	vadd.f32 v29, v35;
	v29 =	vmul.f32 v29, v29  }
0x23e: {  	v1 =	vadd.f32 v2, v1;
	v2 =	vmul.f32 v62, v62;
	v30 =	vadd.f32 v62, v30;
	v62 =	vld.idx.msk [tilespmem:v7+s22+$0x0 ss:$0x1], $0xffff  }
0x23f: {  	v32 =	vld.idx.msk [tilespmem:v8+s18+$0x0 ss:$0x1], $0xffff;
	v29 =	vadd.f32 v29, v33;
	v35 =	vadd.f32 v36, v35;
	v36 =	vmul.f32 v36, v36  }
0x240: {  	v1 =	vadd.f32 v2, v1;
	v2 =	vmul.f32 v34, v34;
	v30 =	vadd.f32 v34, v30;
	v34 =	vld.idx.msk [tilespmem:v8+s22+$0x0 ss:$0x1], $0xffff  }
0x241: {  	v33 =	vld.idx.msk [tilespmem:v9+s18+$0x0 ss:$0x1], $0xffff;
	v29 =	vadd.f32 v36, v29;
	v35 =	vadd.f32 v31, v35;
	v31 =	vmul.f32 v31, v31  }
0x242: {  	v1 =	vadd.f32 v2, v1;
	v2 =	vmul.f32 v0, v0;
	v0 =	vadd.f32 v0, v30;
	v30 =	vld.idx.msk [tilespmem:v9+s22+$0x0 ss:$0x1], $0xffff  }
0x243: {  	v36 =	vld.idx.msk [tilespmem:v10+s18+$0x0 ss:$0x1], $0xffff;
	v29 =	vadd.f32 v31, v29;
	v35 =	vadd.f32 v62, v35;
	v62 =	vmul.f32 v62, v62  }
0x244: {  	v1 =	vadd.f32 v2, v1;
	v2 =	vmul.f32 v32, v32;
	v0 =	vadd.f32 v32, v0;
	v32 =	vld.idx.msk [tilespmem:v10+s22+$0x0 ss:$0x1], $0xffff  }
0x245: {  	v31 =	vld.idx.msk [tilespmem:v11+s18+$0x0 ss:$0x1], $0xffff;
	v29 =	vadd.f32 v62, v29;
	v35 =	vadd.f32 v34, v35;
	v34 =	vmul.f32 v34, v34  }
0x246: {  	v63 =	vld.idx.msk [tilespmem:v11+s22+$0x0 ss:$0x1], $0xffff;
	v1 =	vadd.f32 v2, v1;
	v2 =	vmul.f32 v33, v33;
	v0 =	vadd.f32 v33, v0  }
0x247: {  	v62 =	vld.idx.msk [tilespmem:v12+s18+$0x0 ss:$0x1], $0xffff;
	v29 =	vadd.f32 v34, v29;
	v35 =	vadd.f32 v30, v35;
	v30 =	vmul.f32 v30, v30  }
0x248: {  	v1 =	vadd.f32 v2, v1;
	v2 =	vmul.f32 v36, v36;
	v0 =	vadd.f32 v36, v0;
	v36 =	vld.idx.msk [tilespmem:v12+s22+$0x0 ss:$0x1], $0xffff  }
0x249: {  	v34 =	vld.idx.msk [tilespmem:v13+s18+$0x0 ss:$0x1], $0xffff;
	v29 =	vadd.f32 v30, v29;
	v35 =	vadd.f32 v32, v35;
	v32 =	vmul.f32 v32, v32  }
0x24a: {  	v1 =	vadd.f32 v2, v1;
	v2 =	vmul.f32 v31, v31;
	v0 =	vadd.f32 v31, v0;
	v31 =	vld.idx.msk [tilespmem:v13+s22+$0x0 ss:$0x1], $0xffff  }
0x24b: {  	v33 =	vmul.f32 v63, v63;
	v30 =	vld.idx.msk [tilespmem:v14+s18+$0x0 ss:$0x1], $0xffff;
	v29 =	vadd.f32 v32, v29;
	v35 =	vadd.f32 v63, v35  }
0x24c: {  	v1 =	vadd.f32 v2, v1;
	v2 =	vmul.f32 v62, v62;
	v0 =	vadd.f32 v62, v0;
	v62 =	vld.idx.msk [tilespmem:v14+s22+$0x0 ss:$0x1], $0xffff  }
0x24d: {  	v32 =	vld.idx.msk [tilespmem:v15+s18+$0x0 ss:$0x1], $0xffff;
	v29 =	vadd.f32 v33, v29;
	v35 =	vadd.f32 v36, v35;
	v36 =	vmul.f32 v36, v36  }
0x24e: {  	v1 =	vadd.f32 v2, v1;
	v2 =	vmul.f32 v34, v34;
	v0 =	vadd.f32 v34, v0;
	v34 =	vld.idx.msk [tilespmem:v15+s22+$0x0 ss:$0x1], $0xffff  }
0x24f: {  	v33 =	vld.idx.msk [tilespmem:v16+s18+$0x0 ss:$0x1], $0xffff;
	v29 =	vadd.f32 v36, v29;
	v35 =	vadd.f32 v31, v35;
	v31 =	vmul.f32 v31, v31  }
0x250: {  	v1 =	vadd.f32 v2, v1;
	v2 =	vmul.f32 v30, v30;
	v0 =	vadd.f32 v30, v0;
	v30 =	vld.idx.msk [tilespmem:v16+s22+$0x0 ss:$0x1], $0xffff  }
0x251: {  	v36 =	vld.idx.msk [tilespmem:v17+s18+$0x0 ss:$0x1], $0xffff;
	v29 =	vadd.f32 v31, v29;
	v35 =	vadd.f32 v62, v35;
	v62 =	vmul.f32 v62, v62  }
0x252: {  	v1 =	vadd.f32 v2, v1;
	v2 =	vmul.f32 v32, v32;
	v0 =	vadd.f32 v32, v0;
	v32 =	vld.idx.msk [tilespmem:v17+s22+$0x0 ss:$0x1], $0xffff  }
0x253: {  	v31 =	vld.idx.msk [tilespmem:v18+s18+$0x0 ss:$0x1], $0xffff;
	v29 =	vadd.f32 v62, v29;
	v35 =	vadd.f32 v34, v35;
	v34 =	vmul.f32 v34, v34  }
0x254: {  	v63 =	vld.idx.msk [tilespmem:v18+s22+$0x0 ss:$0x1], $0xffff;
	v1 =	vadd.f32 v2, v1;
	v2 =	vmul.f32 v33, v33;
	v0 =	vadd.f32 v33, v0  }
0x255: {  	v62 =	vld.idx.msk [tilespmem:v19+s18+$0x0 ss:$0x1], $0xffff;
	v29 =	vadd.f32 v34, v29;
	v35 =	vadd.f32 v30, v35;
	v30 =	vmul.f32 v30, v30  }
0x256: {  	v1 =	vadd.f32 v2, v1;
	v2 =	vmul.f32 v36, v36;
	v0 =	vadd.f32 v36, v0;
	v36 =	vld.idx.msk [tilespmem:v19+s22+$0x0 ss:$0x1], $0xffff  }
0x257: {  	v34 =	vld.idx.msk [tilespmem:v20+s18+$0x0 ss:$0x1], $0xffff;
	v29 =	vadd.f32 v30, v29;
	v35 =	vadd.f32 v32, v35;
	v32 =	vmul.f32 v32, v32  }
0x258: {  	v1 =	vadd.f32 v2, v1;
	v2 =	vmul.f32 v31, v31;
	v0 =	vadd.f32 v31, v0;
	v31 =	vld.idx.msk [tilespmem:v20+s22+$0x0 ss:$0x1], $0xffff  }
0x259: {  	v33 =	vmul.f32 v63, v63;
	v30 =	vld.idx.msk [tilespmem:v21+s18+$0x0 ss:$0x1], $0xffff;
	v29 =	vadd.f32 v32, v29;
	v35 =	vadd.f32 v63, v35  }
0x25a: {  	v1 =	vadd.f32 v2, v1;
	v2 =	vmul.f32 v62, v62;
	v0 =	vadd.f32 v62, v0;
	v62 =	vld.idx.msk [tilespmem:v21+s22+$0x0 ss:$0x1], $0xffff  }
0x25b: {  	v32 =	vld.idx.msk [tilespmem:v22+s18+$0x0 ss:$0x1], $0xffff;
	v29 =	vadd.f32 v33, v29;
	v35 =	vadd.f32 v36, v35;
	v36 =	vmul.f32 v36, v36  }
0x25c: {  	v1 =	vadd.f32 v2, v1;
	v2 =	vmul.f32 v34, v34;
	v0 =	vadd.f32 v34, v0;
	v34 =	vld.idx.msk [tilespmem:v22+s22+$0x0 ss:$0x1], $0xffff  }
0x25d: {  	v29 =	vadd.f32 v36, v29;
	v35 =	vadd.f32 v31, v35;
	v31 =	vmul.f32 v31, v31  }
0x25e: {  	v1 =	vadd.f32 v2, v1;
	v2 =	vmul.f32 v30, v30;
	v0 =	vadd.f32 v30, v0;
	v30 =	vld.idx.msk [tilespmem:v23+s22+$0x0 ss:$0x1], $0xffff  }
0x25f: {  	v29 =	vadd.f32 v31, v29;
	v35 =	vadd.f32 v62, v35;
	v62 =	vmul.f32 v62, v62  }
0x260: {  	v1 =	vadd.f32 v2, v1;
	v2 =	vmul.f32 v32, v32;
	v0 =	vadd.f32 v32, v0;
	v32 =	vld.idx.msk [tilespmem:v24+s22+$0x0 ss:$0x1], $0xffff  }
0x261: {  	v33 =	vld.idx.msk [tilespmem:v23+s18+$0x0 ss:$0x1], $0xffff;
	v29 =	vadd.f32 v62, v29;
	v35 =	vadd.f32 v34, v35;
	v34 =	vmul.f32 v34, v34  }
0x262: {  	v63 =	vld.idx.msk [tilespmem:v25+s22+$0x0 ss:$0x1], $0xffff  }
0x263: {  	v36 =	vld.idx.msk [tilespmem:v24+s18+$0x0 ss:$0x1], $0xffff;
	v29 =	vadd.f32 v34, v29;
	v35 =	vadd.f32 v30, v35;
	v30 =	vmul.f32 v30, v30;
	_ =	sdelay $0x1  }
0x264: {  	v31 =	vld.idx.msk [tilespmem:v25+s18+$0x0 ss:$0x1], $0xffff;
	v29 =	vadd.f32 v30, v29;
	v35 =	vadd.f32 v32, v35;
	v32 =	vmul.f32 v32, v32  }
0x265: {  	v1 =	vadd.f32 v2, v1;
	v2 =	vmul.f32 v33, v33;
	v62 =	vld.idx.msk [tilespmem:v26+s18+$0x0 ss:$0x1], $0xffff;
	v0 =	vadd.f32 v33, v0  }
0x266: {  	v33 =	vmul.f32 v63, v63;
	v29 =	vadd.f32 v32, v29;
	v32 =	vadd.f32 v63, v35;
	v63 =	vld [tilespmem:$0x1FF60]  }
0x267: {  	v1 =	vadd.f32 v2, v1;
	v2 =	vmul.f32 v36, v36  }
0x268: {  	v34 =	vld.idx.msk [tilespmem:v27+s18+$0x0 ss:$0x1], $0xffff;
	v0 =	vadd.f32 v36, v0  }
0x269: {  	v36 =	vld.idx.msk [tilespmem:v26+s22+$0x0 ss:$0x1], $0xffff;
	v1 =	vadd.f32 v2, v1;
	v2 =	vmul.f32 v31, v31  }
0x26a: {  	v0 =	vadd.f32 v31, v0  }
0x26b: {  	v31 =	vld.idx.msk [tilespmem:v27+s22+$0x0 ss:$0x1], $0xffff;
	v1 =	vadd.f32 v2, v1;
	v2 =	vmul.f32 v62, v62  }
0x26c: {  	v0 =	vadd.f32 v62, v0;
	v62 =	vld [tilespmem:$0x1FF50]  }
0x26d: {  	s21 =	sshll.u32 s21, $0x4;
	v35 =	vld.idx.msk [tilespmem:v28+s22+$0x0 ss:$0x1], $0xffff;
	v1 =	vadd.f32 v2, v1;
	v2 =	vmul.f32 v34, v34  }
0x26e: {  	v29 =	vadd.f32 v33, v29;
	v32 =	vadd.f32 v36, v32;
	v33 =	vmul.f32 v36, v36;
	v36 =	vld.idx.msk [tilespmem:v63+s21+$0x0 ss:$0x1], $0xffff  }
0x26f: {  	v1 =	vadd.f32 v2, v1;
	v63 =	vld [tilespmem:$0x1FF70]  }
0x270: {  	v2 =	vadd.f32 v33, v29;
	v29 =	vadd.f32 v31, v32;
	v31 =	vmul.f32 v31, v31  }
0x271: {  	(xrf2) =	vadd.scan.msk.f32 $0xffff, v58;
	v58 =	vmul.f32 v61, v61  }
0x272: {  	v61 =	vld [tilespmem:$0x1FF80];
	v2 =	vadd.f32 v31, v2;
	v29 =	vadd.f32 v35, v29;
	v31 =	vmul.f32 v35, v35  }
0x273: {  	v30 =	vld.idx.msk [tilespmem:v28+s18+$0x0 ss:$0x1], $0xffff  }
0x274: {  	v62 =	vld.idx.msk [tilespmem:v62+s21+$0x0 ss:$0x1], $0xffff;
	v2 =	vadd.f32 v31, v2;
	v29 =	vmul.f32 v29, v29  }
0x275: {  	v31 =	vld [tilespmem:$0x1FF90]  }
0x276: {  	v0 =	vadd.f32 v34, v0;
	v2 =	vsub.f32 v29, v2;
	v29 =	vld [tilespmem:$0x1FFA0]  }
0x277: {  	v32 =	vld.idx.msk [tilespmem:v63+s21+$0x0 ss:$0x1], $0xffff  }
0x278: {  	v0 =	vadd.f32 v30, v0;
	v30 =	vmul.f32 v30, v30;
	_ =	sdelay $0x1  }
0x279: {  	v1 =	vadd.f32 v30, v1;
	v0 =	vmul.f32 v0, v0;
	v30 =	vadd.f32 v36, v62  }
0x27a: {  	(xrf2) =	vadd.scan.msk.f32 $0xffff, v57;
	v34 =	vld.idx.msk [tilespmem:v61+s21+$0x0 ss:$0x1], $0xffff;
	v33 =	vsub.f32 v58, v56  }
0x27b: {  	(xrf2) =	vadd.scan.msk.f32 $0xffff, v60;
	v0 =	vsub.f32 v0, v1;
	v1 =	vadd.f32 v32, v30  }
0x27c: {  	v31 =	vld.idx.msk [tilespmem:v31+s21+$0x0 ss:$0x1], $0xffff;
	v63, _, _ =	vpop (xrf2);
	(xrf2) =	vadd.scan.msk.f32 $0xffff, v59  }
0x27d: {  	(v2sf) =	vpush v63, $0xF;
	v30, _, _ =	vpop (xrf2);
	(xrf2) =	vadd.scan.msk.f32 $0xffff, v33  }
0x27e: {  	v29 =	vld.idx.msk [tilespmem:v29+s21+$0x0 ss:$0x1], $0xffff;
	(v2sf) =	vpush v30, $0xF;
	v30, _, _ =	vpop (xrf2);
	(xrf2) =	vadd.scan.msk.f32 $0xffff, v0  }
0x27f: {  	v0 =	vadd.f32 v34, v1;
	(v2sf) =	vpush v30, $0xF;
	v1, _, _ =	vpop (xrf2);
	(xrf2) =	vadd.scan.msk.f32 $0xffff, v2;
	v2 =	vld [tilespmem:$0x1FFB0]  }
0x280: {  	v30, _, _ =	vpop (xrf2);
	(v2sf) =	vpush v1, $0xF  }
0x281: {  	v0 =	vadd.f32 v31, v0;
	(v2sf) =	vpush v30, $0xF;
	v30 =	vld [tilespmem:$0x1FFC0];
	_ =	sdelay $0x1  }
0x282: {  	v0 =	vadd.f32 v29, v0;
	v29 =	vld [tilespmem:$0x1FFD0];
	_ =	sdelay $0x3  }
0x283: {  	v2 =	vld.idx.msk [tilespmem:v2+s21+$0x0 ss:$0x1], $0xffff;
	_ =	sdelay $0x1  }
0x284: {  	v1, _, _ =	vpop (xrf2);
	v30 =	vld.idx.msk [tilespmem:v30+s21+$0x0 ss:$0x1], $0xffff  }
0x285: {  	v31, _, _ =	vpop (xrf2);
	(v2sf) =	vpush v1, $0xF  }
0x286: {  	v1, _, _ =	vpop (xrf2);
	(v2sf) =	vpush v31, $0xF;
	v29 =	vld.idx.msk [tilespmem:v29+s21+$0x0 ss:$0x1], $0xffff  }
0x287: {  	v31, _, _ =	vpop (xrf2);
	(v2sf) =	vpush v1, $0xF;
	v0 =	vadd.f32 v2, v0  }
0x288: {  	v1, _, _ =	vpop (xrf2);
	(v2sf) =	vpush v31, $0xF;
	v2 =	vld.idx.msk [tilespmem:v38+s21+$0x0 ss:$0x1], $0xffff  }
0x289: {  	v31, _, _ =	vpop (xrf2);
	(v2sf) =	vpush v1, $0xF;
	v0 =	vadd.f32 v30, v0  }
0x28a: {  	v1, _, _ =	vpop (xrf2);
	(v2sf) =	vpush v31, $0xF;
	v30 =	vld.idx.msk [tilespmem:v39+s21+$0x0 ss:$0x1], $0xffff  }
0x28b: {  	v31, _, _ =	vpop (xrf2);
	(v2sf) =	vpush v1, $0xF;
	v0 =	vadd.f32 v29, v0  }
0x28c: {  	(v2sf) =	vpush v31, $0xF;
	v1, _, _ =	vpop (xrf2);
	v29 =	vld.idx.msk [tilespmem:v40+s21+$0x0 ss:$0x1], $0xffff  }
0x28d: {  	s0 =	spop (v2sf);
	(v2sf) =	vpush v1, $0xF;
	v0 =	vadd.f32 v2, v0  }
0x28e: {  	s2 =	spop (v2sf);
	v1 =	vld.idx.msk [tilespmem:v41+s21+$0x0 ss:$0x1], $0xffff  }
0x28f: {  	s22 =	spop (v2sf);
	v0 =	vadd.f32 v30, v0  }
0x290: {  	s23 =	spop (v2sf);
	v2 =	vld.idx.msk [tilespmem:v42+s21+$0x0 ss:$0x1], $0xffff  }
0x291: {  	s24 =	spop (v2sf);
	v0 =	vadd.f32 v29, v0  }
0x292: {  	s25 =	spop (v2sf);
	v29 =	vld.idx.msk [tilespmem:v43+s21+$0x0 ss:$0x1], $0xffff  }
0x293: {  	s26 =	spop (v2sf);
	v0 =	vadd.f32 v1, v0  }
0x294: {  	s28 =	spop (v2sf);
	v1 =	vld.idx.msk [tilespmem:v44+s21+$0x0 ss:$0x1], $0xffff  }
0x295: {  	s29 =	spop (v2sf);
	v0 =	vadd.f32 v2, v0  }
0x296: {  	s30 =	spop (v2sf);
	v2 =	vld.idx.msk [tilespmem:v45+s21+$0x0 ss:$0x1], $0xffff  }
0x297: {  	s31 =	spop (v2sf);
	v0 =	vadd.f32 v29, v0  }
0x298: {  	s11 =	spop (v2sf);
	v29 =	vld.idx.msk [tilespmem:v46+s21+$0x0 ss:$0x1], $0xffff  }
0x299: {  	s13 =	spop (v2sf);
	v0 =	vadd.f32 v1, v0  }
0x29a: {  	s18 =	spop (v2sf);
	v1 =	vld.idx.msk [tilespmem:v47+s21+$0x0 ss:$0x1], $0xffff  }
0x29b: {  	s5 =	spop (v2sf);
	v0 =	vadd.f32 v2, v0  }
0x29c: {  	s6 =	spop (v2sf);
	v2 =	vld.idx.msk [tilespmem:v48+s21+$0x0 ss:$0x1], $0xffff  }
0x29d: {  	s6 =	smul.f32 $5.000000000e-01, s6;
	v0 =	vadd.f32 v29, v0  }
0x29e: {  	s0 =	smul.f32 $5.000000000e-01, s0;
	v29 =	vld.idx.msk [tilespmem:v49+s21+$0x0 ss:$0x1], $0xffff  }
0x29f: {  	s2 =	smul.f32 $5.000000000e-01, s2;
	v30 =	vmov s6;
	v0 =	vadd.f32 v1, v0  }
0x2a0: {  	s22 =	smul.f32 $5.000000000e-01, s22;
	v1 =	vsel vm0, s0, v30;
	v30 =	vld.idx.msk [tilespmem:v50+s21+$0x0 ss:$0x1], $0xffff  }
0x2a1: {  	s23 =	smul.f32 $5.000000000e-01, s23;
	v1 =	vsel vm1, s2, v1;
	v0 =	vadd.f32 v2, v0  }
0x2a2: {  	s24 =	smul.f32 $5.000000000e-01, s24;
	v1 =	vsel vm2, s22, v1;
	v2 =	vld.idx.msk [tilespmem:v51+s21+$0x0 ss:$0x1], $0xffff  }
0x2a3: {  	s22 =	smul.f32 $5.000000000e-01, s25;
	v1 =	vsel vm3, s23, v1;
	v0 =	vadd.f32 v29, v0  }
0x2a4: {  	s23 =	smul.f32 $5.000000000e-01, s26;
	v1 =	vsel vm4, s24, v1;
	v29 =	vld.idx.msk [tilespmem:v52+s21+$0x0 ss:$0x1], $0xffff  }
0x2a5: {  	s24 =	smul.f32 $5.000000000e-01, s28;
	v1 =	vsel vm5, s22, v1;
	v0 =	vadd.f32 v30, v0  }
0x2a6: {  	s25 =	smul.f32 $5.000000000e-01, s29;
	v1 =	vsel vm6, s23, v1;
	v30 =	vld.idx.msk [tilespmem:v53+s21+$0x0 ss:$0x1], $0xffff  }
0x2a7: {  	s26 =	smul.f32 $5.000000000e-01, s30;
	v1 =	vsel vm7, s24, v1;
	v0 =	vadd.f32 v2, v0  }
0x2a8: {  	s28 =	smul.f32 $5.000000000e-01, s31;
	v1 =	vsel vm8, s25, v1;
	v2 =	vld.idx.msk [tilespmem:v54+s21+$0x0 ss:$0x1], $0xffff  }
0x2a9: {  	s29 =	smul.f32 $5.000000000e-01, s11;
	v1 =	vsel vm9, s26, v1;
	v0 =	vadd.f32 v29, v0  }
0x2aa: {  	s30 =	smul.f32 $5.000000000e-01, s13;
	v1 =	vsel vm10, s28, v1  }
0x2ab: {  	s31 =	smul.f32 $5.000000000e-01, s18;
	v1 =	vsel vm11, s29, v1;
	v0 =	vadd.f32 v30, v0  }
0x2ac: {  	s5 =	smul.f32 $5.000000000e-01, s5;
	v1 =	vsel vm12, s30, v1  }
0x2ad: {  	v1 =	vsel vm13, s31, v1;
	v0 =	vadd.f32 v2, v0  }
0x2ae: {  	v1 =	vsel vm14, s5, v1  }
0x2af: {  	v0 =	vadd.f32 v0, v1;
	_ =	sdelay $0x1  }
0x2b0: {  	v0 =	vadd.f32 v0, v37;
	_ =	sdelay $0x1  }
0x2b1: {  	v0 =	vsub.f32 $0.0e+00, v0;
	_ =	sdelay $0x1  }
0x2b2: {  	v0 =	vmul.f32 $1.442695020e+00, v0;
	_ =	sdelay $0x1  }
0x2b3: {  	(erf) = vpow2.f32 v0;
	_ =	sdelay $0x8  }
0x2b4: {  	v0 =	vpop (erf)  }
0x2b5: {  	v0 =	vadd.f32 $1.000000000e+00, v0;
	_ =	sdelay $0x1  }
0x2b6: {  	(erf) = vrcp.f32 v0;
	_ =	sdelay $0x4  }
0x2b7: {  	p2 =	por p1, p1  }
.Ltmp7:
0x2b8: {  	_ = 	snop;
	(pc) =	sbr.rel @p2 .LBB2_15-.Ltmp7, $3  }
0x2b9: {  	_ =	sdelay $0x1  }
0x2ba: {  	v0 =	vpop (erf)  }
0x2bb: {  	p1 =	por $0x0, $0x0;
	[tilespmem:v55+s21+$0x0 ss:$0x1] =	vst.idx.msk $0xffff, v0;
	s21 =	simm.s32 $0x1  }
0x2bc: {  	p1 =	seq.s32 s20, $0x10  }
.Ltmp8:
0x2bd: {  	_ = 	snop;
	(pc) =	sbr.rel @!p1 .LBB2_7-.Ltmp8, $3  }
0x2be: {  	_ =	sdelay $0x1  }
0x2bf: {  	v0 =	vld [tilespmem:$0x1FFE0]  }
0x2c0: {  	p0 =	por !p0, !p0;
	s21 =	smov.u32 s20;
	v1 =	vld [tilespmem:$0x1FFF0]  }
0x2c1: {  	s19 =	sadd.s32 $0x1, s19  }
0x2c2: {  	p0 =	sne.s32 s19, s9  }
.Ltmp9:
0x2c3: {  	s0 =	simm.s32 $0xBB80;
	(pc) =	sbr.rel @p0 .LBB2_1-.Ltmp9, $4  }
0x2c4: {  	[hbm4b:s8+s3] =	stream.linear.scatter [tilespmem:s0], [sflag:$0x3], $0x200, $0x38;
	[tilespmem:$0x1BD90] =	vst v63  }
0x2c5: {  	_ =	swait.ge [sflag:s12], $0x200  }
0x2c6: {  	[sflag:s12] =	ssyncset.done $0x0  }
0x2c7: {  	[sflag:s12] =	ssyncadd.s32 $0xFFFFFE00  }
0x2c8: {  	_ =	sfence.sel $0x180000  }
0x2c9: {  	[bflag:$0x0] =	sbarrier.arrive $0xFFFF  }
0x2ca: {  	_ =	strace $0x90000047  }
0x2cb: {  	s0 =	stileid.u32;
	[bflag:$0x2] =	sbarrier.arrive $0xFFFF  }
0x2cc: {  	p0 =	sne.s32 s0, $0x0;
	s0 =	rddreg [dreg:$0x3]  }
0x2cd: {  	s0 =	sadd.s32 @!p0 $0x100000, s0  }
0x2ce: {  	[sflag:s0] =	ssyncadd.tile.s32 @!p0 $0x1;
	_ =	shalt  }
.Lfunc_end2:
_tile_overlayer_lowered:
.L_overlay_start_2:
0x2cf: {  	(tag) =	ssettag $0x2  }
0x2d0: {  	s0 =	rddreg [dreg:$0x0];
	s2 =	stileid.u32  }
0x2d1: {  	s1 =	rddreg [dreg:$0x1];
	p0 =	sne.s32 s2, $0x0  }
0x2d2: {  	s3 =	rddreg [dreg:$0x2];
	[bflag:$0x3] =	sbarrier.arrive $0xFFFF;
	s2 =	simm.s32 @!p0 $0x1C03  }
0x2d3: {  	[timem:s3], [sflag:s2] =	dma.local @!p0 [hbm:s0], s1  }
0x2d4: {  	s0 =	simm.s32 @!p0 $0x3  }
0x2d5: {  	_ =	swait.ge @!p0 [sflag:s0], s1  }
0x2d6: {  	s1 =	ssub.s32 @!p0 $0x0, s1;
	[sflag:s0] =	ssyncset.done @!p0 $0x0  }
0x2d7: {  	[sflag:s0] =	ssyncadd.s32 @!p0 s1  }
0x2d8: {  	[bflag:$0x3] =	sbarrier.arrive $0xFFFF  }
0x2d9: {  	_ =	shalt  }

</sc_bundles>
